<compile_context>
chip_gen: v7x
topology: tpu7x:2x2x1
jax: 0.10.2.dev20260603
libtpu: 0.0.44.dev20260713+nightly
codegen_flags: <defaults>
</compile_context>

<pallas_src>
import functools

import jax
import jax.numpy as jnp
from jax import lax
from jax.experimental import pallas as pl
from jax.experimental.pallas import tpu as pltpu
from jax.experimental.pallas import tpu_sc as plsc

_NC = 2
_NS = 16
_NW = _NC * _NS
_CH = 128


def _sc_gather(k2, v2, flat_idx, d):
    R = flat_idx.shape[0]
    rpw = R // _NW
    n_chunks = rpw // _CH

    mesh = plsc.VectorSubcoreMesh(
        core_axis_name="c", subcore_axis_name="s",
        num_cores=_NC, num_subcores=_NS)

    @functools.partial(
        pl.kernel,
        mesh=mesh,
        out_type=(
            jax.ShapeDtypeStruct((R, d), jnp.float32),
            jax.ShapeDtypeStruct((R, d), jnp.float32),
        ),
        scratch_types=[
            pltpu.VMEM((rpw,), jnp.int32),
            pltpu.VMEM((2, _CH, d), jnp.float32),
            pltpu.VMEM((2, _CH, d), jnp.float32),
            pltpu.SemaphoreType.DMA,
            pltpu.SemaphoreType.DMA,
            pltpu.SemaphoreType.DMA,
            pltpu.SemaphoreType.DMA,
        ],
    )
    def gather_kernel(k_hbm, v_hbm, idx_hbm, ko_hbm, vo_hbm,
                      idx_v, kbuf, vbuf, ksem0, ksem1, vsem0, vsem1):
        wid = lax.axis_index("s") * _NC + lax.axis_index("c")
        base = wid * rpw
        pltpu.sync_copy(idx_hbm.at[pl.ds(base, rpw)], idx_v)
        ksems = (ksem0, ksem1)
        vsems = (vsem0, vsem1)

        def start(c):
            p = c % 2
            ix = idx_v.at[pl.ds(c * _CH, _CH)]
            ck = pltpu.async_copy(k_hbm.at[ix], kbuf.at[p], ksems[p])
            cv = pltpu.async_copy(v_hbm.at[ix], vbuf.at[p], vsems[p])
            return ck, cv

        inflight = [start(0), start(1)]
        for c in range(n_chunks):
            p = c % 2
            ck, cv = inflight[p]
            ck.wait()
            cv.wait()
            pltpu.sync_copy(kbuf.at[p], ko_hbm.at[pl.ds(base + c * _CH, _CH)])
            pltpu.sync_copy(vbuf.at[p], vo_hbm.at[pl.ds(base + c * _CH, _CH)])
            if c + 2 < n_chunks:
                inflight[p] = start(c + 2)

    return gather_kernel(k2, v2, flat_idx)


def _attn_body(q_ref, k_ref, v_ref, o_ref, *, bg, sm_scale):
    ss = []
    for i in range(bg):
        qi = (q_ref[i] * sm_scale).astype(jnp.bfloat16)
        ki = k_ref[i].astype(jnp.bfloat16)
        ss.append(jax.lax.dot_general(
            qi, ki, (((1,), (1,)), ((), ())),
            preferred_element_type=jnp.float32))
    aa = []
    for s in ss:
        m = jnp.max(s, axis=1, keepdims=True)
        e = jnp.exp(s - m)
        l = jnp.sum(e, axis=1, keepdims=True)
        aa.append((e / l).astype(jnp.bfloat16))
    for i in range(bg):
        vi = v_ref[i].astype(jnp.bfloat16)
        o_ref[i] = jax.lax.dot_general(
            aa[i], vi, (((1,), (0,)), ((), ())),
            preferred_element_type=jnp.float32)


def _tc_attn(q_r, k_sel, v_sel, sm_scale):
    NG, G, d = q_r.shape
    L = k_sel.shape[1]
    BG = 64
    grid = (NG // BG,)
    return pl.pallas_call(
        functools.partial(_attn_body, bg=BG, sm_scale=sm_scale),
        grid=grid,
        in_specs=[
            pl.BlockSpec((BG, G, d), lambda i: (i, 0, 0)),
            pl.BlockSpec((BG, L, d), lambda i: (i, 0, 0)),
            pl.BlockSpec((BG, L, d), lambda i: (i, 0, 0)),
        ],
        out_specs=pl.BlockSpec((BG, G, d), lambda i: (i, 0, 0)),
        out_shape=jax.ShapeDtypeStruct((NG, G, d), jnp.float32),
    )(q_r, k_sel, v_sel)


def kernel(q, k, v, sparse_indices):
    B, S1, N1, d = q.shape
    _, S2, N2, _ = k.shape
    L = sparse_indices.shape[-1]
    G = N1 // N2
    R = B * S1 * N2 * L
    sm_scale = float(d) ** -0.5

    b_ix = jnp.arange(B, dtype=jnp.int32).reshape(B, 1, 1, 1)
    h_ix = jnp.arange(N2, dtype=jnp.int32).reshape(1, 1, N2, 1)
    flat = ((b_ix * S2 + sparse_indices.astype(jnp.int32)) * N2 + h_ix)
    flat = flat.reshape(R)

    k2 = k.reshape(B * S2 * N2, d)
    v2 = v.reshape(B * S2 * N2, d)

    q_r = q.reshape(B * S1 * N2, G, d)

    k_sel, v_sel = _sc_gather(k2, v2, flat, d)
    out = _tc_attn(q_r, k_sel.reshape(-1, L, d), v_sel.reshape(-1, L, d),
                   sm_scale)
    return out.reshape(B, S1, N1, d).astype(jnp.float16)

# --- scband reference (transcript-rebuilt; emitter-appended) ---
"""Pipeline reference for scband-model-48309792145737 (READ-ONLY COPY).

The authoritative reference and input builder live on the scoring server;
editing this copy changes nothing except your own understanding.
"""

import jax, jax.numpy as jnp
import numpy as np


def setup_inputs(seed: int = 0) -> dict:
    key = jax.random.key(seed)
    k1, k2, k3, k4 = jax.random.split(key, 4)
    B, S1, N1, d = 8, 8, 32, 128
    S2, N2, L = 8192, 8, 128
    q = jax.random.normal(k1, (B, S1, N1, d), dtype=jnp.float32)
    k = jax.random.normal(k2, (B, S2, N2, d), dtype=jnp.float32)
    v = jax.random.normal(k3, (B, S2, N2, d), dtype=jnp.float32)
    sparse_indices = jax.random.randint(k4, (B, S1, N2, L), 0, S2, dtype=jnp.int32)
    return {"q": q, "k": k, "v": v, "sparse_indices": sparse_indices}


def reference(q, k, v, sparse_indices):
    B, S1, N1, d = q.shape
    _, S2, N2, _ = k.shape
    L = sparse_indices.shape[-1]
    G = N1 // N2
    sm_scale = float(d) ** -0.5
    idx = sparse_indices.astype(jnp.int32)
    # [B, N2, S2, d] layouts for per-kv-head gathering
    k_t = jnp.transpose(k, (0, 2, 1, 3))
    v_t = jnp.transpose(v, (0, 2, 1, 3))
    # [B, N2, S1*L] token indices per kv head
    idx_t = jnp.transpose(idx, (0, 2, 1, 3)).reshape(B, N2, S1 * L)
    k_sel = jnp.take_along_axis(k_t, idx_t[..., None], axis=2).reshape(B, N2, S1, L, d)
    v_sel = jnp.take_along_axis(v_t, idx_t[..., None], axis=2).reshape(B, N2, S1, L, d)
    # group query heads by kv head: [B, N2, S1, G, d]
    q_g = jnp.transpose(q.reshape(B, S1, N2, G, d), (0, 2, 1, 3, 4)).astype(jnp.float32)
    scores = jnp.einsum('bnsgd,bnsld->bnsgl', q_g, k_sel.astype(jnp.float32)) * sm_scale
    attn = jax.nn.softmax(scores, axis=-1)
    out = jnp.einsum('bnsgl,bnsld->bnsgd', attn, v_sel.astype(jnp.float32))
    out = jnp.transpose(out, (0, 2, 1, 3, 4)).reshape(B, S1, N1, d)
    return out.astype(jnp.float16)

if __name__ == "__main__":
    import jax
    _d = setup_inputs()
    print(jax.jit(kernel)(*tuple(_d.values())))

</pallas_src>

<mosaic_0001>
#map = affine_map<(d0, d1) -> (0, 0)>
#map1 = affine_map<(d0, d1) -> (0)>
module attributes {stable_mosaic.version = 14 : i64} {
  func.func @gather_kernel(%arg0: i32, %arg1: i32, %arg2: memref<524288x128xf32, #tpu.memory_space<hbm>>, %arg3: memref<524288x128xf32, #tpu.memory_space<hbm>>, %arg4: memref<65536xi32, #tpu.memory_space<hbm>>, %arg5: memref<65536x128xf32, #tpu.memory_space<hbm>>, %arg6: memref<65536x128xf32, #tpu.memory_space<hbm>>, %arg7: memref<2048xi32, #tpu.memory_space<vmem>>, %arg8: memref<2x128x128xf32, #tpu.memory_space<vmem>>, %arg9: memref<2x128x128xf32, #tpu.memory_space<vmem>>, %arg10: memref<!tpu.dma_semaphore, #tpu.memory_space<semaphore_mem>>, %arg11: memref<!tpu.dma_semaphore, #tpu.memory_space<semaphore_mem>>, %arg12: memref<!tpu.dma_semaphore, #tpu.memory_space<semaphore_mem>>, %arg13: memref<!tpu.dma_semaphore, #tpu.memory_space<semaphore_mem>>) attributes {dimension_semantics = [#tpu.dimension_semantics<core_parallel>, #tpu.dimension_semantics<subcore_parallel>], iteration_bounds = array<i64: 2, 16>, scalar_prefetch = 0 : i64, scratch_operands = 7 : i64, tpu.core_type = #tpu.core_type<sc_vector_subcore>, window_params = [{transform_indices = #map}, {transform_indices = #map}, {transform_indices = #map1}, {transform_indices = #map}, {transform_indices = #map}]} {
    %mul3A = arith.constant 2 : i32
    %mul3A_0 = arith.muli %arg1, %mul3A : i32
    %add3A = arith.addi %mul3A_0, %arg0 : i32
    %mul3A_1 = arith.constant 2048 : i32
    %mul3A_2 = arith.muli %add3A, %mul3A_1 : i32
    "tpu.region"() ({
      %run_scoped3A_736 = tpu.sem_alloc : memref<!tpu.dma_semaphore, #tpu.memory_space<semaphore_mem>>
      %dma_start3A_737 = tpu.memref_slice %arg4[%mul3A_2] : memref<65536xi32, #tpu.memory_space<hbm>> -> memref<2048xi32, #tpu.memory_space<hbm>>
      %dma_start3A_738 = tpu.memref_slice %arg4[%mul3A_2] : memref<65536xi32, #tpu.memory_space<hbm>> -> memref<2048xi32, #tpu.memory_space<hbm>>
      tpu.enqueue_dma source(%dma_start3A_738 : memref<2048xi32, #tpu.memory_space<hbm>>) target(%arg7 : memref<2048xi32, #tpu.memory_space<vmem>>) target_semaphore(%run_scoped3A_736 : memref<!tpu.dma_semaphore, #tpu.memory_space<semaphore_mem>>)
      %dma_wait3A_739 = tpu.memref_slice %arg4[%mul3A_2] : memref<65536xi32, #tpu.memory_space<hbm>> -> memref<2048xi32, #tpu.memory_space<hbm>>
      %dma_wait3A_740 = tpu.memref_slice %arg4[%mul3A_2] : memref<65536xi32, #tpu.memory_space<hbm>> -> memref<2048xi32, #tpu.memory_space<hbm>>
      tpu.wait_dma2 semaphore(%run_scoped3A_736 : memref<!tpu.dma_semaphore, #tpu.memory_space<semaphore_mem>>) src(%dma_wait3A_740 : memref<2048xi32, #tpu.memory_space<hbm>>) dst(%arg7 : memref<2048xi32, #tpu.memory_space<vmem>>)
      tpu.yield
    }) : () -> ()
    %dma_start3A = arith.constant 0 : i32
    %dma_start3A_3 = arith.constant 0 : i32
    %dma_start3A_4 = arith.constant 0 : i32
    %dma_start3A_5 = tpu.memref_slice %arg8[%dma_start3A, %dma_start3A_3, %dma_start3A_4] : memref<2x128x128xf32, #tpu.memory_space<vmem>> -> memref<1x128x128xf32, #tpu.memory_space<vmem>>
    %dma_start3A_6 = tpu.memref_squeeze %dma_start3A_5 : memref<1x128x128xf32, #tpu.memory_space<vmem>> -> memref<128x128xf32, #tpu.memory_space<vmem>>
    %dma_start3A_7 = arith.constant 0 : i32
    %dma_start3A_8 = tpu.memref_slice %arg7[%dma_start3A_7] : memref<2048xi32, #tpu.memory_space<vmem>> -> memref<128xi32, #tpu.memory_space<vmem>>
    %dma_start3A_9 = arith.constant 0 : i32
    %dma_start3A_10 = arith.constant 0 : i32
    %dma_start3A_11 = tpu.memref_slice %arg2[%dma_start3A_9, %dma_start3A_10] : memref<524288x128xf32, #tpu.memory_space<hbm>> -> memref<524288x128xf32, #tpu.memory_space<hbm>>
    tpu.enqueue_indirect_dma source(%dma_start3A_11 : memref<524288x128xf32, #tpu.memory_space<hbm>>) target(%dma_start3A_6 : memref<128x128xf32, #tpu.memory_space<vmem>>) offsets(%dma_start3A_8 : memref<128xi32, #tpu.memory_space<vmem>>) semaphore(%arg10 : memref<!tpu.dma_semaphore, #tpu.memory_space<semaphore_mem>>)
    %dma_start3A_12 = arith.constant 0 : i32
    %dma_start3A_13 = arith.constant 0 : i32
    %dma_start3A_14 = arith.constant 0 : i32
    %dma_start3A_15 = tpu.memref_slice %arg9[%dma_start3A_12, %dma_start3A_13, %dma_start3A_14] : memref<2x128x128xf32, #tpu.memory_space<vmem>> -> memref<1x128x128xf32, #tpu.memory_space<vmem>>
    %dma_start3A_16 = tpu.memref_squeeze %dma_start3A_15 : memref<1x128x128xf32, #tpu.memory_space<vmem>> -> memref<128x128xf32, #tpu.memory_space<vmem>>
    %dma_start3A_17 = arith.constant 0 : i32
    %dma_start3A_18 = tpu.memref_slice %arg7[%dma_start3A_17] : memref<2048xi32, #tpu.memory_space<vmem>> -> memref<128xi32, #tpu.memory_space<vmem>>
    %dma_start3A_19 = arith.constant 0 : i32
    %dma_start3A_20 = arith.constant 0 : i32
    %dma_start3A_21 = tpu.memref_slice %arg3[%dma_start3A_19, %dma_start3A_20] : memref<524288x128xf32, #tpu.memory_space<hbm>> -> memref<524288x128xf32, #tpu.memory_space<hbm>>
    tpu.enqueue_indirect_dma source(%dma_start3A_21 : memref<524288x128xf32, #tpu.memory_space<hbm>>) target(%dma_start3A_16 : memref<128x128xf32, #tpu.memory_space<vmem>>) offsets(%dma_start3A_18 : memref<128xi32, #tpu.memory_space<vmem>>) semaphore(%arg12 : memref<!tpu.dma_semaphore, #tpu.memory_space<semaphore_mem>>)
    %dma_start3A_22 = arith.constant 1 : i32
    %dma_start3A_23 = arith.constant 0 : i32
    %dma_start3A_24 = arith.constant 0 : i32
    %dma_start3A_25 = tpu.memref_slice %arg8[%dma_start3A_22, %dma_start3A_23, %dma_start3A_24] : memref<2x128x128xf32, #tpu.memory_space<vmem>> -> memref<1x128x128xf32, #tpu.memory_space<vmem>>
    %dma_start3A_26 = tpu.memref_squeeze %dma_start3A_25 : memref<1x128x128xf32, #tpu.memory_space<vmem>> -> memref<128x128xf32, #tpu.memory_space<vmem>>
    %dma_start3A_27 = arith.constant 128 : i32
    %dma_start3A_28 = tpu.memref_slice %arg7[%dma_start3A_27] : memref<2048xi32, #tpu.memory_space<vmem>> -> memref<128xi32, #tpu.memory_space<vmem>>
    %dma_start3A_29 = arith.constant 0 : i32
    %dma_start3A_30 = arith.constant 0 : i32
    %dma_start3A_31 = tpu.memref_slice %arg2[%dma_start3A_29, %dma_start3A_30] : memref<524288x128xf32, #tpu.memory_space<hbm>> -> memref<524288x128xf32, #tpu.memory_space<hbm>>
    tpu.enqueue_indirect_dma source(%dma_start3A_31 : memref<524288x128xf32, #tpu.memory_space<hbm>>) target(%dma_start3A_26 : memref<128x128xf32, #tpu.memory_space<vmem>>) offsets(%dma_start3A_28 : memref<128xi32, #tpu.memory_space<vmem>>) semaphore(%arg11 : memref<!tpu.dma_semaphore, #tpu.memory_space<semaphore_mem>>)
    %dma_start3A_32 = arith.constant 1 : i32
    %dma_start3A_33 = arith.constant 0 : i32
    %dma_start3A_34 = arith.constant 0 : i32
    %dma_start3A_35 = tpu.memref_slice %arg9[%dma_start3A_32, %dma_start3A_33, %dma_start3A_34] : memref<2x128x128xf32, #tpu.memory_space<vmem>> -> memref<1x128x128xf32, #tpu.memory_space<vmem>>
    %dma_start3A_36 = tpu.memref_squeeze %dma_start3A_35 : memref<1x128x128xf32, #tpu.memory_space<vmem>> -> memref<128x128xf32, #tpu.memory_space<vmem>>
    %dma_start3A_37 = arith.constant 128 : i32
    %dma_start3A_38 = tpu.memref_slice %arg7[%dma_start3A_37] : memref<2048xi32, #tpu.memory_space<vmem>> -> memref<128xi32, #tpu.memory_space<vmem>>
    %dma_start3A_39 = arith.constant 0 : i32
    %dma_start3A_40 = arith.constant 0 : i32
    %dma_start3A_41 = tpu.memref_slice %arg3[%dma_start3A_39, %dma_start3A_40] : memref<524288x128xf32, #tpu.memory_space<hbm>> -> memref<524288x128xf32, #tpu.memory_space<hbm>>
    tpu.enqueue_indirect_dma source(%dma_start3A_41 : memref<524288x128xf32, #tpu.memory_space<hbm>>) target(%dma_start3A_36 : memref<128x128xf32, #tpu.memory_space<vmem>>) offsets(%dma_start3A_38 : memref<128xi32, #tpu.memory_space<vmem>>) semaphore(%arg13 : memref<!tpu.dma_semaphore, #tpu.memory_space<semaphore_mem>>)
    %dma_wait3A = arith.constant 0 : i32
    %dma_wait3A_42 = arith.constant 0 : i32
    %dma_wait3A_43 = arith.constant 0 : i32
    %dma_wait3A_44 = tpu.memref_slice %arg8[%dma_wait3A, %dma_wait3A_42, %dma_wait3A_43] : memref<2x128x128xf32, #tpu.memory_space<vmem>> -> memref<1x128x128xf32, #tpu.memory_space<vmem>>
    %dma_wait3A_45 = tpu.memref_squeeze %dma_wait3A_44 : memref<1x128x128xf32, #tpu.memory_space<vmem>> -> memref<128x128xf32, #tpu.memory_space<vmem>>
    %dma_wait3A_46 = arith.constant 0 : i32
    %dma_wait3A_47 = tpu.memref_slice %arg7[%dma_wait3A_46] : memref<2048xi32, #tpu.memory_space<vmem>> -> memref<128xi32, #tpu.memory_space<vmem>>
    %dma_wait3A_48 = arith.constant 0 : i32
    %dma_wait3A_49 = arith.constant 0 : i32
    %dma_wait3A_50 = tpu.memref_slice %arg2[%dma_wait3A_48, %dma_wait3A_49] : memref<524288x128xf32, #tpu.memory_space<hbm>> -> memref<524288x128xf32, #tpu.memory_space<hbm>>
    tpu.wait_indirect_dma semaphore(%arg10 : memref<!tpu.dma_semaphore, #tpu.memory_space<semaphore_mem>>) src(%dma_wait3A_50 : memref<524288x128xf32, #tpu.memory_space<hbm>>) dst(%dma_wait3A_45 : memref<128x128xf32, #tpu.memory_space<vmem>>)
    %dma_wait3A_51 = arith.constant 0 : i32
    %dma_wait3A_52 = arith.constant 0 : i32
    %dma_wait3A_53 = arith.constant 0 : i32
    %dma_wait3A_54 = tpu.memref_slice %arg9[%dma_wait3A_51, %dma_wait3A_52, %dma_wait3A_53] : memref<2x128x128xf32, #tpu.memory_space<vmem>> -> memref<1x128x128xf32, #tpu.memory_space<vmem>>
    %dma_wait3A_55 = tpu.memref_squeeze %dma_wait3A_54 : memref<1x128x128xf32, #tpu.memory_space<vmem>> -> memref<128x128xf32, #tpu.memory_space<vmem>>
    %dma_wait3A_56 = arith.constant 0 : i32
    %dma_wait3A_57 = tpu.memref_slice %arg7[%dma_wait3A_56] : memref<2048xi32, #tpu.memory_space<vmem>> -> memref<128xi32, #tpu.memory_space<vmem>>
    %dma_wait3A_58 = arith.constant 0 : i32
    %dma_wait3A_59 = arith.constant 0 : i32
    %dma_wait3A_60 = tpu.memref_slice %arg3[%dma_wait3A_58, %dma_wait3A_59] : memref<524288x128xf32, #tpu.memory_space<hbm>> -> memref<524288x128xf32, #tpu.memory_space<hbm>>
    tpu.wait_indirect_dma semaphore(%arg12 : memref<!tpu.dma_semaphore, #tpu.memory_space<semaphore_mem>>) src(%dma_wait3A_60 : memref<524288x128xf32, #tpu.memory_space<hbm>>) dst(%dma_wait3A_55 : memref<128x128xf32, #tpu.memory_space<vmem>>)
    %add3A_61 = arith.constant 0 : i32
    %add3A_62 = arith.addi %mul3A_2, %add3A_61 : i32
    %run_scoped3A = arith.constant 0 : i32
    "tpu.region"() ({
      %run_scoped3A_736 = tpu.sem_alloc : memref<!tpu.dma_semaphore, #tpu.memory_space<semaphore_mem>>
      %dma_start3A_737 = arith.constant 0 : i32
      %dma_start3A_738 = arith.constant 0 : i32
      %dma_start3A_739 = tpu.memref_slice %arg8[%run_scoped3A, %dma_start3A_737, %dma_start3A_738] : memref<2x128x128xf32, #tpu.memory_space<vmem>> -> memref<1x128x128xf32, #tpu.memory_space<vmem>>
      %dma_start3A_740 = tpu.memref_squeeze %dma_start3A_739 : memref<1x128x128xf32, #tpu.memory_space<vmem>> -> memref<128x128xf32, #tpu.memory_space<vmem>>
      %dma_start3A_741 = arith.constant 0 : i32
      %dma_start3A_742 = tpu.memref_slice %arg5[%add3A_62, %dma_start3A_741] : memref<65536x128xf32, #tpu.memory_space<hbm>> -> memref<128x128xf32, #tpu.memory_space<hbm>>
      %dma_start3A_743 = arith.constant 0 : i32
      %dma_start3A_744 = tpu.memref_slice %arg5[%add3A_62, %dma_start3A_743] : memref<65536x128xf32, #tpu.memory_space<hbm>> -> memref<128x128xf32, #tpu.memory_space<hbm>>
      %dma_start3A_745 = arith.constant 0 : i32
      %dma_start3A_746 = arith.constant 0 : i32
      %dma_start3A_747 = tpu.memref_slice %arg8[%run_scoped3A, %dma_start3A_745, %dma_start3A_746] : memref<2x128x128xf32, #tpu.memory_space<vmem>> -> memref<1x128x128xf32, #tpu.memory_space<vmem>>
      %dma_start3A_748 = tpu.memref_squeeze %dma_start3A_747 : memref<1x128x128xf32, #tpu.memory_space<vmem>> -> memref<128x128xf32, #tpu.memory_space<vmem>>
      tpu.enqueue_dma source(%dma_start3A_748 : memref<128x128xf32, #tpu.memory_space<vmem>>) target(%dma_start3A_744 : memref<128x128xf32, #tpu.memory_space<hbm>>) target_semaphore(%run_scoped3A_736 : memref<!tpu.dma_semaphore, #tpu.memory_space<semaphore_mem>>)
      %dma_wait3A_749 = arith.constant 0 : i32
      %dma_wait3A_750 = arith.constant 0 : i32
      %dma_wait3A_751 = tpu.memref_slice %arg8[%run_scoped3A, %dma_wait3A_749, %dma_wait3A_750] : memref<2x128x128xf32, #tpu.memory_space<vmem>> -> memref<1x128x128xf32, #tpu.memory_space<vmem>>
      %dma_wait3A_752 = tpu.memref_squeeze %dma_wait3A_751 : memref<1x128x128xf32, #tpu.memory_space<vmem>> -> memref<128x128xf32, #tpu.memory_space<vmem>>
      %dma_wait3A_753 = arith.constant 0 : i32
      %dma_wait3A_754 = tpu.memref_slice %arg5[%add3A_62, %dma_wait3A_753] : memref<65536x128xf32, #tpu.memory_space<hbm>> -> memref<128x128xf32, #tpu.memory_space<hbm>>
      %dma_wait3A_755 = arith.constant 0 : i32
      %dma_wait3A_756 = tpu.memref_slice %arg5[%add3A_62, %dma_wait3A_755] : memref<65536x128xf32, #tpu.memory_space<hbm>> -> memref<128x128xf32, #tpu.memory_space<hbm>>
      %dma_wait3A_757 = arith.constant 0 : i32
      %dma_wait3A_758 = arith.constant 0 : i32
      %dma_wait3A_759 = tpu.memref_slice %arg8[%run_scoped3A, %dma_wait3A_757, %dma_wait3A_758] : memref<2x128x128xf32, #tpu.memory_space<vmem>> -> memref<1x128x128xf32, #tpu.memory_space<vmem>>
      %dma_wait3A_760 = tpu.memref_squeeze %dma_wait3A_759 : memref<1x128x128xf32, #tpu.memory_space<vmem>> -> memref<128x128xf32, #tpu.memory_space<vmem>>
      tpu.wait_dma2 semaphore(%run_scoped3A_736 : memref<!tpu.dma_semaphore, #tpu.memory_space<semaphore_mem>>) src(%dma_wait3A_760 : memref<128x128xf32, #tpu.memory_space<vmem>>) dst(%dma_wait3A_756 : memref<128x128xf32, #tpu.memory_space<hbm>>)
      tpu.yield
    }) : () -> ()
    %add3A_63 = arith.constant 0 : i32
    %add3A_64 = arith.addi %mul3A_2, %add3A_63 : i32
    %run_scoped3A_65 = arith.constant 0 : i32
    "tpu.region"() ({
      %run_scoped3A_736 = tpu.sem_alloc : memref<!tpu.dma_semaphore, #tpu.memory_space<semaphore_mem>>
      %dma_start3A_737 = arith.constant 0 : i32
      %dma_start3A_738 = arith.constant 0 : i32
      %dma_start3A_739 = tpu.memref_slice %arg9[%run_scoped3A_65, %dma_start3A_737, %dma_start3A_738] : memref<2x128x128xf32, #tpu.memory_space<vmem>> -> memref<1x128x128xf32, #tpu.memory_space<vmem>>
      %dma_start3A_740 = tpu.memref_squeeze %dma_start3A_739 : memref<1x128x128xf32, #tpu.memory_space<vmem>> -> memref<128x128xf32, #tpu.memory_space<vmem>>
      %dma_start3A_741 = arith.constant 0 : i32
      %dma_start3A_742 = tpu.memref_slice %arg6[%add3A_64, %dma_start3A_741] : memref<65536x128xf32, #tpu.memory_space<hbm>> -> memref<128x128xf32, #tpu.memory_space<hbm>>
      %dma_start3A_743 = arith.constant 0 : i32
      %dma_start3A_744 = tpu.memref_slice %arg6[%add3A_64, %dma_start3A_743] : memref<65536x128xf32, #tpu.memory_space<hbm>> -> memref<128x128xf32, #tpu.memory_space<hbm>>
      %dma_start3A_745 = arith.constant 0 : i32
      %dma_start3A_746 = arith.constant 0 : i32
      %dma_start3A_747 = tpu.memref_slice %arg9[%run_scoped3A_65, %dma_start3A_745, %dma_start3A_746] : memref<2x128x128xf32, #tpu.memory_space<vmem>> -> memref<1x128x128xf32, #tpu.memory_space<vmem>>
      %dma_start3A_748 = tpu.memref_squeeze %dma_start3A_747 : memref<1x128x128xf32, #tpu.memory_space<vmem>> -> memref<128x128xf32, #tpu.memory_space<vmem>>
      tpu.enqueue_dma source(%dma_start3A_748 : memref<128x128xf32, #tpu.memory_space<vmem>>) target(%dma_start3A_744 : memref<128x128xf32, #tpu.memory_space<hbm>>) target_semaphore(%run_scoped3A_736 : memref<!tpu.dma_semaphore, #tpu.memory_space<semaphore_mem>>)
      %dma_wait3A_749 = arith.constant 0 : i32
      %dma_wait3A_750 = arith.constant 0 : i32
      %dma_wait3A_751 = tpu.memref_slice %arg9[%run_scoped3A_65, %dma_wait3A_749, %dma_wait3A_750] : memref<2x128x128xf32, #tpu.memory_space<vmem>> -> memref<1x128x128xf32, #tpu.memory_space<vmem>>
      %dma_wait3A_752 = tpu.memref_squeeze %dma_wait3A_751 : memref<1x128x128xf32, #tpu.memory_space<vmem>> -> memref<128x128xf32, #tpu.memory_space<vmem>>
      %dma_wait3A_753 = arith.constant 0 : i32
      %dma_wait3A_754 = tpu.memref_slice %arg6[%add3A_64, %dma_wait3A_753] : memref<65536x128xf32, #tpu.memory_space<hbm>> -> memref<128x128xf32, #tpu.memory_space<hbm>>
      %dma_wait3A_755 = arith.constant 0 : i32
      %dma_wait3A_756 = tpu.memref_slice %arg6[%add3A_64, %dma_wait3A_755] : memref<65536x128xf32, #tpu.memory_space<hbm>> -> memref<128x128xf32, #tpu.memory_space<hbm>>
      %dma_wait3A_757 = arith.constant 0 : i32
      %dma_wait3A_758 = arith.constant 0 : i32
      %dma_wait3A_759 = tpu.memref_slice %arg9[%run_scoped3A_65, %dma_wait3A_757, %dma_wait3A_758] : memref<2x128x128xf32, #tpu.memory_space<vmem>> -> memref<1x128x128xf32, #tpu.memory_space<vmem>>
      %dma_wait3A_760 = tpu.memref_squeeze %dma_wait3A_759 : memref<1x128x128xf32, #tpu.memory_space<vmem>> -> memref<128x128xf32, #tpu.memory_space<vmem>>
      tpu.wait_dma2 semaphore(%run_scoped3A_736 : memref<!tpu.dma_semaphore, #tpu.memory_space<semaphore_mem>>) src(%dma_wait3A_760 : memref<128x128xf32, #tpu.memory_space<vmem>>) dst(%dma_wait3A_756 : memref<128x128xf32, #tpu.memory_space<hbm>>)
      tpu.yield
    }) : () -> ()
    %dma_start3A_66 = arith.constant 0 : i32
    %dma_start3A_67 = arith.constant 0 : i32
    %dma_start3A_68 = arith.constant 0 : i32
    %dma_start3A_69 = tpu.memref_slice %arg8[%dma_start3A_66, %dma_start3A_67, %dma_start3A_68] : memref<2x128x128xf32, #tpu.memory_space<vmem>> -> memref<1x128x128xf32, #tpu.memory_space<vmem>>
    %dma_start3A_70 = tpu.memref_squeeze %dma_start3A_69 : memref<1x128x128xf32, #tpu.memory_space<vmem>> -> memref<128x128xf32, #tpu.memory_space<vmem>>
    %dma_start3A_71 = arith.constant 256 : i32
    %dma_start3A_72 = tpu.memref_slice %arg7[%dma_start3A_71] : memref<2048xi32, #tpu.memory_space<vmem>> -> memref<128xi32, #tpu.memory_space<vmem>>
    %dma_start3A_73 = arith.constant 0 : i32
    %dma_start3A_74 = arith.constant 0 : i32
    %dma_start3A_75 = tpu.memref_slice %arg2[%dma_start3A_73, %dma_start3A_74] : memref<524288x128xf32, #tpu.memory_space<hbm>> -> memref<524288x128xf32, #tpu.memory_space<hbm>>
    tpu.enqueue_indirect_dma source(%dma_start3A_75 : memref<524288x128xf32, #tpu.memory_space<hbm>>) target(%dma_start3A_70 : memref<128x128xf32, #tpu.memory_space<vmem>>) offsets(%dma_start3A_72 : memref<128xi32, #tpu.memory_space<vmem>>) semaphore(%arg10 : memref<!tpu.dma_semaphore, #tpu.memory_space<semaphore_mem>>)
    %dma_start3A_76 = arith.constant 0 : i32
    %dma_start3A_77 = arith.constant 0 : i32
    %dma_start3A_78 = arith.constant 0 : i32
    %dma_start3A_79 = tpu.memref_slice %arg9[%dma_start3A_76, %dma_start3A_77, %dma_start3A_78] : memref<2x128x128xf32, #tpu.memory_space<vmem>> -> memref<1x128x128xf32, #tpu.memory_space<vmem>>
    %dma_start3A_80 = tpu.memref_squeeze %dma_start3A_79 : memref<1x128x128xf32, #tpu.memory_space<vmem>> -> memref<128x128xf32, #tpu.memory_space<vmem>>
    %dma_start3A_81 = arith.constant 256 : i32
    %dma_start3A_82 = tpu.memref_slice %arg7[%dma_start3A_81] : memref<2048xi32, #tpu.memory_space<vmem>> -> memref<128xi32, #tpu.memory_space<vmem>>
    %dma_start3A_83 = arith.constant 0 : i32
    %dma_start3A_84 = arith.constant 0 : i32
    %dma_start3A_85 = tpu.memref_slice %arg3[%dma_start3A_83, %dma_start3A_84] : memref<524288x128xf32, #tpu.memory_space<hbm>> -> memref<524288x128xf32, #tpu.memory_space<hbm>>
    tpu.enqueue_indirect_dma source(%dma_start3A_85 : memref<524288x128xf32, #tpu.memory_space<hbm>>) target(%dma_start3A_80 : memref<128x128xf32, #tpu.memory_space<vmem>>) offsets(%dma_start3A_82 : memref<128xi32, #tpu.memory_space<vmem>>) semaphore(%arg12 : memref<!tpu.dma_semaphore, #tpu.memory_space<semaphore_mem>>)
    %dma_wait3A_86 = arith.constant 1 : i32
    %dma_wait3A_87 = arith.constant 0 : i32
    %dma_wait3A_88 = arith.constant 0 : i32
    %dma_wait3A_89 = tpu.memref_slice %arg8[%dma_wait3A_86, %dma_wait3A_87, %dma_wait3A_88] : memref<2x128x128xf32, #tpu.memory_space<vmem>> -> memref<1x128x128xf32, #tpu.memory_space<vmem>>
    %dma_wait3A_90 = tpu.memref_squeeze %dma_wait3A_89 : memref<1x128x128xf32, #tpu.memory_space<vmem>> -> memref<128x128xf32, #tpu.memory_space<vmem>>
    %dma_wait3A_91 = arith.constant 128 : i32
    %dma_wait3A_92 = tpu.memref_slice %arg7[%dma_wait3A_91] : memref<2048xi32, #tpu.memory_space<vmem>> -> memref<128xi32, #tpu.memory_space<vmem>>
    %dma_wait3A_93 = arith.constant 0 : i32
    %dma_wait3A_94 = arith.constant 0 : i32
    %dma_wait3A_95 = tpu.memref_slice %arg2[%dma_wait3A_93, %dma_wait3A_94] : memref<524288x128xf32, #tpu.memory_space<hbm>> -> memref<524288x128xf32, #tpu.memory_space<hbm>>
    tpu.wait_indirect_dma semaphore(%arg11 : memref<!tpu.dma_semaphore, #tpu.memory_space<semaphore_mem>>) src(%dma_wait3A_95 : memref<524288x128xf32, #tpu.memory_space<hbm>>) dst(%dma_wait3A_90 : memref<128x128xf32, #tpu.memory_space<vmem>>)
    %dma_wait3A_96 = arith.constant 1 : i32
    %dma_wait3A_97 = arith.constant 0 : i32
    %dma_wait3A_98 = arith.constant 0 : i32
    %dma_wait3A_99 = tpu.memref_slice %arg9[%dma_wait3A_96, %dma_wait3A_97, %dma_wait3A_98] : memref<2x128x128xf32, #tpu.memory_space<vmem>> -> memref<1x128x128xf32, #tpu.memory_space<vmem>>
    %dma_wait3A_100 = tpu.memref_squeeze %dma_wait3A_99 : memref<1x128x128xf32, #tpu.memory_space<vmem>> -> memref<128x128xf32, #tpu.memory_space<vmem>>
    %dma_wait3A_101 = arith.constant 128 : i32
    %dma_wait3A_102 = tpu.memref_slice %arg7[%dma_wait3A_101] : memref<2048xi32, #tpu.memory_space<vmem>> -> memref<128xi32, #tpu.memory_space<vmem>>
    %dma_wait3A_103 = arith.constant 0 : i32
    %dma_wait3A_104 = arith.constant 0 : i32
    %dma_wait3A_105 = tpu.memref_slice %arg3[%dma_wait3A_103, %dma_wait3A_104] : memref<524288x128xf32, #tpu.memory_space<hbm>> -> memref<524288x128xf32, #tpu.memory_space<hbm>>
    tpu.wait_indirect_dma semaphore(%arg13 : memref<!tpu.dma_semaphore, #tpu.memory_space<semaphore_mem>>) src(%dma_wait3A_105 : memref<524288x128xf32, #tpu.memory_space<hbm>>) dst(%dma_wait3A_100 : memref<128x128xf32, #tpu.memory_space<vmem>>)
    %add3A_106 = arith.constant 128 : i32
    %add3A_107 = arith.addi %mul3A_2, %add3A_106 : i32
    %run_scoped3A_108 = arith.constant 1 : i32
    "tpu.region"() ({
      %run_scoped3A_736 = tpu.sem_alloc : memref<!tpu.dma_semaphore, #tpu.memory_space<semaphore_mem>>
      %dma_start3A_737 = arith.constant 0 : i32
      %dma_start3A_738 = arith.constant 0 : i32
      %dma_start3A_739 = tpu.memref_slice %arg8[%run_scoped3A_108, %dma_start3A_737, %dma_start3A_738] : memref<2x128x128xf32, #tpu.memory_space<vmem>> -> memref<1x128x128xf32, #tpu.memory_space<vmem>>
      %dma_start3A_740 = tpu.memref_squeeze %dma_start3A_739 : memref<1x128x128xf32, #tpu.memory_space<vmem>> -> memref<128x128xf32, #tpu.memory_space<vmem>>
      %dma_start3A_741 = arith.constant 0 : i32
      %dma_start3A_742 = tpu.memref_slice %arg5[%add3A_107, %dma_start3A_741] : memref<65536x128xf32, #tpu.memory_space<hbm>> -> memref<128x128xf32, #tpu.memory_space<hbm>>
      %dma_start3A_743 = arith.constant 0 : i32
      %dma_start3A_744 = tpu.memref_slice %arg5[%add3A_107, %dma_start3A_743] : memref<65536x128xf32, #tpu.memory_space<hbm>> -> memref<128x128xf32, #tpu.memory_space<hbm>>
      %dma_start3A_745 = arith.constant 0 : i32
      %dma_start3A_746 = arith.constant 0 : i32
      %dma_start3A_747 = tpu.memref_slice %arg8[%run_scoped3A_108, %dma_start3A_745, %dma_start3A_746] : memref<2x128x128xf32, #tpu.memory_space<vmem>> -> memref<1x128x128xf32, #tpu.memory_space<vmem>>
      %dma_start3A_748 = tpu.memref_squeeze %dma_start3A_747 : memref<1x128x128xf32, #tpu.memory_space<vmem>> -> memref<128x128xf32, #tpu.memory_space<vmem>>
      tpu.enqueue_dma source(%dma_start3A_748 : memref<128x128xf32, #tpu.memory_space<vmem>>) target(%dma_start3A_744 : memref<128x128xf32, #tpu.memory_space<hbm>>) target_semaphore(%run_scoped3A_736 : memref<!tpu.dma_semaphore, #tpu.memory_space<semaphore_mem>>)
      %dma_wait3A_749 = arith.constant 0 : i32
      %dma_wait3A_750 = arith.constant 0 : i32
      %dma_wait3A_751 = tpu.memref_slice %arg8[%run_scoped3A_108, %dma_wait3A_749, %dma_wait3A_750] : memref<2x128x128xf32, #tpu.memory_space<vmem>> -> memref<1x128x128xf32, #tpu.memory_space<vmem>>
      %dma_wait3A_752 = tpu.memref_squeeze %dma_wait3A_751 : memref<1x128x128xf32, #tpu.memory_space<vmem>> -> memref<128x128xf32, #tpu.memory_space<vmem>>
      %dma_wait3A_753 = arith.constant 0 : i32
      %dma_wait3A_754 = tpu.memref_slice %arg5[%add3A_107, %dma_wait3A_753] : memref<65536x128xf32, #tpu.memory_space<hbm>> -> memref<128x128xf32, #tpu.memory_space<hbm>>
      %dma_wait3A_755 = arith.constant 0 : i32
      %dma_wait3A_756 = tpu.memref_slice %arg5[%add3A_107, %dma_wait3A_755] : memref<65536x128xf32, #tpu.memory_space<hbm>> -> memref<128x128xf32, #tpu.memory_space<hbm>>
      %dma_wait3A_757 = arith.constant 0 : i32
      %dma_wait3A_758 = arith.constant 0 : i32
      %dma_wait3A_759 = tpu.memref_slice %arg8[%run_scoped3A_108, %dma_wait3A_757, %dma_wait3A_758] : memref<2x128x128xf32, #tpu.memory_space<vmem>> -> memref<1x128x128xf32, #tpu.memory_space<vmem>>
      %dma_wait3A_760 = tpu.memref_squeeze %dma_wait3A_759 : memref<1x128x128xf32, #tpu.memory_space<vmem>> -> memref<128x128xf32, #tpu.memory_space<vmem>>
      tpu.wait_dma2 semaphore(%run_scoped3A_736 : memref<!tpu.dma_semaphore, #tpu.memory_space<semaphore_mem>>) src(%dma_wait3A_760 : memref<128x128xf32, #tpu.memory_space<vmem>>) dst(%dma_wait3A_756 : memref<128x128xf32, #tpu.memory_space<hbm>>)
      tpu.yield
    }) : () -> ()
    %add3A_109 = arith.constant 128 : i32
    %add3A_110 = arith.addi %mul3A_2, %add3A_109 : i32
    %run_scoped3A_111 = arith.constant 1 : i32
    "tpu.region"() ({
      %run_scoped3A_736 = tpu.sem_alloc : memref<!tpu.dma_semaphore, #tpu.memory_space<semaphore_mem>>
      %dma_start3A_737 = arith.constant 0 : i32
      %dma_start3A_738 = arith.constant 0 : i32
      %dma_start3A_739 = tpu.memref_slice %arg9[%run_scoped3A_111, %dma_start3A_737, %dma_start3A_738] : memref<2x128x128xf32, #tpu.memory_space<vmem>> -> memref<1x128x128xf32, #tpu.memory_space<vmem>>
      %dma_start3A_740 = tpu.memref_squeeze %dma_start3A_739 : memref<1x128x128xf32, #tpu.memory_space<vmem>> -> memref<128x128xf32, #tpu.memory_space<vmem>>
      %dma_start3A_741 = arith.constant 0 : i32
      %dma_start3A_742 = tpu.memref_slice %arg6[%add3A_110, %dma_start3A_741] : memref<65536x128xf32, #tpu.memory_space<hbm>> -> memref<128x128xf32, #tpu.memory_space<hbm>>
      %dma_start3A_743 = arith.constant 0 : i32
      %dma_start3A_744 = tpu.memref_slice %arg6[%add3A_110, %dma_start3A_743] : memref<65536x128xf32, #tpu.memory_space<hbm>> -> memref<128x128xf32, #tpu.memory_space<hbm>>
      %dma_start3A_745 = arith.constant 0 : i32
      %dma_start3A_746 = arith.constant 0 : i32
      %dma_start3A_747 = tpu.memref_slice %arg9[%run_scoped3A_111, %dma_start3A_745, %dma_start3A_746] : memref<2x128x128xf32, #tpu.memory_space<vmem>> -> memref<1x128x128xf32, #tpu.memory_space<vmem>>
      %dma_start3A_748 = tpu.memref_squeeze %dma_start3A_747 : memref<1x128x128xf32, #tpu.memory_space<vmem>> -> memref<128x128xf32, #tpu.memory_space<vmem>>
      tpu.enqueue_dma source(%dma_start3A_748 : memref<128x128xf32, #tpu.memory_space<vmem>>) target(%dma_start3A_744 : memref<128x128xf32, #tpu.memory_space<hbm>>) target_semaphore(%run_scoped3A_736 : memref<!tpu.dma_semaphore, #tpu.memory_space<semaphore_mem>>)
      %dma_wait3A_749 = arith.constant 0 : i32
      %dma_wait3A_750 = arith.constant 0 : i32
      %dma_wait3A_751 = tpu.memref_slice %arg9[%run_scoped3A_111, %dma_wait3A_749, %dma_wait3A_750] : memref<2x128x128xf32, #tpu.memory_space<vmem>> -> memref<1x128x128xf32, #tpu.memory_space<vmem>>
      %dma_wait3A_752 = tpu.memref_squeeze %dma_wait3A_751 : memref<1x128x128xf32, #tpu.memory_space<vmem>> -> memref<128x128xf32, #tpu.memory_space<vmem>>
      %dma_wait3A_753 = arith.constant 0 : i32
      %dma_wait3A_754 = tpu.memref_slice %arg6[%add3A_110, %dma_wait3A_753] : memref<65536x128xf32, #tpu.memory_space<hbm>> -> memref<128x128xf32, #tpu.memory_space<hbm>>
      %dma_wait3A_755 = arith.constant 0 : i32
      %dma_wait3A_756 = tpu.memref_slice %arg6[%add3A_110, %dma_wait3A_755] : memref<65536x128xf32, #tpu.memory_space<hbm>> -> memref<128x128xf32, #tpu.memory_space<hbm>>
      %dma_wait3A_757 = arith.constant 0 : i32
      %dma_wait3A_758 = arith.constant 0 : i32
      %dma_wait3A_759 = tpu.memref_slice %arg9[%run_scoped3A_111, %dma_wait3A_757, %dma_wait3A_758] : memref<2x128x128xf32, #tpu.memory_space<vmem>> -> memref<1x128x128xf32, #tpu.memory_space<vmem>>
      %dma_wait3A_760 = tpu.memref_squeeze %dma_wait3A_759 : memref<1x128x128xf32, #tpu.memory_space<vmem>> -> memref<128x128xf32, #tpu.memory_space<vmem>>
      tpu.wait_dma2 semaphore(%run_scoped3A_736 : memref<!tpu.dma_semaphore, #tpu.memory_space<semaphore_mem>>) src(%dma_wait3A_760 : memref<128x128xf32, #tpu.memory_space<vmem>>) dst(%dma_wait3A_756 : memref<128x128xf32, #tpu.memory_space<hbm>>)
      tpu.yield
    }) : () -> ()
    %dma_start3A_112 = arith.constant 1 : i32
    %dma_start3A_113 = arith.constant 0 : i32
    %dma_start3A_114 = arith.constant 0 : i32
    %dma_start3A_115 = tpu.memref_slice %arg8[%dma_start3A_112, %dma_start3A_113, %dma_start3A_114] : memref<2x128x128xf32, #tpu.memory_space<vmem>> -> memref<1x128x128xf32, #tpu.memory_space<vmem>>
    %dma_start3A_116 = tpu.memref_squeeze %dma_start3A_115 : memref<1x128x128xf32, #tpu.memory_space<vmem>> -> memref<128x128xf32, #tpu.memory_space<vmem>>
    %dma_start3A_117 = arith.constant 384 : i32
    %dma_start3A_118 = tpu.memref_slice %arg7[%dma_start3A_117] : memref<2048xi32, #tpu.memory_space<vmem>> -> memref<128xi32, #tpu.memory_space<vmem>>
    %dma_start3A_119 = arith.constant 0 : i32
    %dma_start3A_120 = arith.constant 0 : i32
    %dma_start3A_121 = tpu.memref_slice %arg2[%dma_start3A_119, %dma_start3A_120] : memref<524288x128xf32, #tpu.memory_space<hbm>> -> memref<524288x128xf32, #tpu.memory_space<hbm>>
    tpu.enqueue_indirect_dma source(%dma_start3A_121 : memref<524288x128xf32, #tpu.memory_space<hbm>>) target(%dma_start3A_116 : memref<128x128xf32, #tpu.memory_space<vmem>>) offsets(%dma_start3A_118 : memref<128xi32, #tpu.memory_space<vmem>>) semaphore(%arg11 : memref<!tpu.dma_semaphore, #tpu.memory_space<semaphore_mem>>)
    %dma_start3A_122 = arith.constant 1 : i32
    %dma_start3A_123 = arith.constant 0 : i32
    %dma_start3A_124 = arith.constant 0 : i32
    %dma_start3A_125 = tpu.memref_slice %arg9[%dma_start3A_122, %dma_start3A_123, %dma_start3A_124] : memref<2x128x128xf32, #tpu.memory_space<vmem>> -> memref<1x128x128xf32, #tpu.memory_space<vmem>>
    %dma_start3A_126 = tpu.memref_squeeze %dma_start3A_125 : memref<1x128x128xf32, #tpu.memory_space<vmem>> -> memref<128x128xf32, #tpu.memory_space<vmem>>
    %dma_start3A_127 = arith.constant 384 : i32
    %dma_start3A_128 = tpu.memref_slice %arg7[%dma_start3A_127] : memref<2048xi32, #tpu.memory_space<vmem>> -> memref<128xi32, #tpu.memory_space<vmem>>
    %dma_start3A_129 = arith.constant 0 : i32
    %dma_start3A_130 = arith.constant 0 : i32
    %dma_start3A_131 = tpu.memref_slice %arg3[%dma_start3A_129, %dma_start3A_130] : memref<524288x128xf32, #tpu.memory_space<hbm>> -> memref<524288x128xf32, #tpu.memory_space<hbm>>
    tpu.enqueue_indirect_dma source(%dma_start3A_131 : memref<524288x128xf32, #tpu.memory_space<hbm>>) target(%dma_start3A_126 : memref<128x128xf32, #tpu.memory_space<vmem>>) offsets(%dma_start3A_128 : memref<128xi32, #tpu.memory_space<vmem>>) semaphore(%arg13 : memref<!tpu.dma_semaphore, #tpu.memory_space<semaphore_mem>>)
    %dma_wait3A_132 = arith.constant 0 : i32
    %dma_wait3A_133 = arith.constant 0 : i32
    %dma_wait3A_134 = arith.constant 0 : i32
    %dma_wait3A_135 = tpu.memref_slice %arg8[%dma_wait3A_132, %dma_wait3A_133, %dma_wait3A_134] : memref<2x128x128xf32, #tpu.memory_space<vmem>> -> memref<1x128x128xf32, #tpu.memory_space<vmem>>
    %dma_wait3A_136 = tpu.memref_squeeze %dma_wait3A_135 : memref<1x128x128xf32, #tpu.memory_space<vmem>> -> memref<128x128xf32, #tpu.memory_space<vmem>>
    %dma_wait3A_137 = arith.constant 256 : i32
    %dma_wait3A_138 = tpu.memref_slice %arg7[%dma_wait3A_137] : memref<2048xi32, #tpu.memory_space<vmem>> -> memref<128xi32, #tpu.memory_space<vmem>>
    %dma_wait3A_139 = arith.constant 0 : i32
    %dma_wait3A_140 = arith.constant 0 : i32
    %dma_wait3A_141 = tpu.memref_slice %arg2[%dma_wait3A_139, %dma_wait3A_140] : memref<524288x128xf32, #tpu.memory_space<hbm>> -> memref<524288x128xf32, #tpu.memory_space<hbm>>
    tpu.wait_indirect_dma semaphore(%arg10 : memref<!tpu.dma_semaphore, #tpu.memory_space<semaphore_mem>>) src(%dma_wait3A_141 : memref<524288x128xf32, #tpu.memory_space<hbm>>) dst(%dma_wait3A_136 : memref<128x128xf32, #tpu.memory_space<vmem>>)
    %dma_wait3A_142 = arith.constant 0 : i32
    %dma_wait3A_143 = arith.constant 0 : i32
    %dma_wait3A_144 = arith.constant 0 : i32
    %dma_wait3A_145 = tpu.memref_slice %arg9[%dma_wait3A_142, %dma_wait3A_143, %dma_wait3A_144] : memref<2x128x128xf32, #tpu.memory_space<vmem>> -> memref<1x128x128xf32, #tpu.memory_space<vmem>>
    %dma_wait3A_146 = tpu.memref_squeeze %dma_wait3A_145 : memref<1x128x128xf32, #tpu.memory_space<vmem>> -> memref<128x128xf32, #tpu.memory_space<vmem>>
    %dma_wait3A_147 = arith.constant 256 : i32
    %dma_wait3A_148 = tpu.memref_slice %arg7[%dma_wait3A_147] : memref<2048xi32, #tpu.memory_space<vmem>> -> memref<128xi32, #tpu.memory_space<vmem>>
    %dma_wait3A_149 = arith.constant 0 : i32
    %dma_wait3A_150 = arith.constant 0 : i32
    %dma_wait3A_151 = tpu.memref_slice %arg3[%dma_wait3A_149, %dma_wait3A_150] : memref<524288x128xf32, #tpu.memory_space<hbm>> -> memref<524288x128xf32, #tpu.memory_space<hbm>>
    tpu.wait_indirect_dma semaphore(%arg12 : memref<!tpu.dma_semaphore, #tpu.memory_space<semaphore_mem>>) src(%dma_wait3A_151 : memref<524288x128xf32, #tpu.memory_space<hbm>>) dst(%dma_wait3A_146 : memref<128x128xf32, #tpu.memory_space<vmem>>)
    %add3A_152 = arith.constant 256 : i32
    %add3A_153 = arith.addi %mul3A_2, %add3A_152 : i32
    %run_scoped3A_154 = arith.constant 0 : i32
    "tpu.region"() ({
      %run_scoped3A_736 = tpu.sem_alloc : memref<!tpu.dma_semaphore, #tpu.memory_space<semaphore_mem>>
      %dma_start3A_737 = arith.constant 0 : i32
      %dma_start3A_738 = arith.constant 0 : i32
      %dma_start3A_739 = tpu.memref_slice %arg8[%run_scoped3A_154, %dma_start3A_737, %dma_start3A_738] : memref<2x128x128xf32, #tpu.memory_space<vmem>> -> memref<1x128x128xf32, #tpu.memory_space<vmem>>
      %dma_start3A_740 = tpu.memref_squeeze %dma_start3A_739 : memref<1x128x128xf32, #tpu.memory_space<vmem>> -> memref<128x128xf32, #tpu.memory_space<vmem>>
      %dma_start3A_741 = arith.constant 0 : i32
      %dma_start3A_742 = tpu.memref_slice %arg5[%add3A_153, %dma_start3A_741] : memref<65536x128xf32, #tpu.memory_space<hbm>> -> memref<128x128xf32, #tpu.memory_space<hbm>>
      %dma_start3A_743 = arith.constant 0 : i32
      %dma_start3A_744 = tpu.memref_slice %arg5[%add3A_153, %dma_start3A_743] : memref<65536x128xf32, #tpu.memory_space<hbm>> -> memref<128x128xf32, #tpu.memory_space<hbm>>
      %dma_start3A_745 = arith.constant 0 : i32
      %dma_start3A_746 = arith.constant 0 : i32
      %dma_start3A_747 = tpu.memref_slice %arg8[%run_scoped3A_154, %dma_start3A_745, %dma_start3A_746] : memref<2x128x128xf32, #tpu.memory_space<vmem>> -> memref<1x128x128xf32, #tpu.memory_space<vmem>>
      %dma_start3A_748 = tpu.memref_squeeze %dma_start3A_747 : memref<1x128x128xf32, #tpu.memory_space<vmem>> -> memref<128x128xf32, #tpu.memory_space<vmem>>
      tpu.enqueue_dma source(%dma_start3A_748 : memref<128x128xf32, #tpu.memory_space<vmem>>) target(%dma_start3A_744 : memref<128x128xf32, #tpu.memory_space<hbm>>) target_semaphore(%run_scoped3A_736 : memref<!tpu.dma_semaphore, #tpu.memory_space<semaphore_mem>>)
      %dma_wait3A_749 = arith.constant 0 : i32
      %dma_wait3A_750 = arith.constant 0 : i32
      %dma_wait3A_751 = tpu.memref_slice %arg8[%run_scoped3A_154, %dma_wait3A_749, %dma_wait3A_750] : memref<2x128x128xf32, #tpu.memory_space<vmem>> -> memref<1x128x128xf32, #tpu.memory_space<vmem>>
      %dma_wait3A_752 = tpu.memref_squeeze %dma_wait3A_751 : memref<1x128x128xf32, #tpu.memory_space<vmem>> -> memref<128x128xf32, #tpu.memory_space<vmem>>
      %dma_wait3A_753 = arith.constant 0 : i32
      %dma_wait3A_754 = tpu.memref_slice %arg5[%add3A_153, %dma_wait3A_753] : memref<65536x128xf32, #tpu.memory_space<hbm>> -> memref<128x128xf32, #tpu.memory_space<hbm>>
      %dma_wait3A_755 = arith.constant 0 : i32
      %dma_wait3A_756 = tpu.memref_slice %arg5[%add3A_153, %dma_wait3A_755] : memref<65536x128xf32, #tpu.memory_space<hbm>> -> memref<128x128xf32, #tpu.memory_space<hbm>>
      %dma_wait3A_757 = arith.constant 0 : i32
      %dma_wait3A_758 = arith.constant 0 : i32
      %dma_wait3A_759 = tpu.memref_slice %arg8[%run_scoped3A_154, %dma_wait3A_757, %dma_wait3A_758] : memref<2x128x128xf32, #tpu.memory_space<vmem>> -> memref<1x128x128xf32, #tpu.memory_space<vmem>>
      %dma_wait3A_760 = tpu.memref_squeeze %dma_wait3A_759 : memref<1x128x128xf32, #tpu.memory_space<vmem>> -> memref<128x128xf32, #tpu.memory_space<vmem>>
      tpu.wait_dma2 semaphore(%run_scoped3A_736 : memref<!tpu.dma_semaphore, #tpu.memory_space<semaphore_mem>>) src(%dma_wait3A_760 : memref<128x128xf32, #tpu.memory_space<vmem>>) dst(%dma_wait3A_756 : memref<128x128xf32, #tpu.memory_space<hbm>>)
      tpu.yield
    }) : () -> ()
    %add3A_155 = arith.constant 256 : i32
    %add3A_156 = arith.addi %mul3A_2, %add3A_155 : i32
    %run_scoped3A_157 = arith.constant 0 : i32
    "tpu.region"() ({
      %run_scoped3A_736 = tpu.sem_alloc : memref<!tpu.dma_semaphore, #tpu.memory_space<semaphore_mem>>
      %dma_start3A_737 = arith.constant 0 : i32
      %dma_start3A_738 = arith.constant 0 : i32
      %dma_start3A_739 = tpu.memref_slice %arg9[%run_scoped3A_157, %dma_start3A_737, %dma_start3A_738] : memref<2x128x128xf32, #tpu.memory_space<vmem>> -> memref<1x128x128xf32, #tpu.memory_space<vmem>>
      %dma_start3A_740 = tpu.memref_squeeze %dma_start3A_739 : memref<1x128x128xf32, #tpu.memory_space<vmem>> -> memref<128x128xf32, #tpu.memory_space<vmem>>
      %dma_start3A_741 = arith.constant 0 : i32
      %dma_start3A_742 = tpu.memref_slice %arg6[%add3A_156, %dma_start3A_741] : memref<65536x128xf32, #tpu.memory_space<hbm>> -> memref<128x128xf32, #tpu.memory_space<hbm>>
      %dma_start3A_743 = arith.constant 0 : i32
      %dma_start3A_744 = tpu.memref_slice %arg6[%add3A_156, %dma_start3A_743] : memref<65536x128xf32, #tpu.memory_space<hbm>> -> memref<128x128xf32, #tpu.memory_space<hbm>>
      %dma_start3A_745 = arith.constant 0 : i32
      %dma_start3A_746 = arith.constant 0 : i32
      %dma_start3A_747 = tpu.memref_slice %arg9[%run_scoped3A_157, %dma_start3A_745, %dma_start3A_746] : memref<2x128x128xf32, #tpu.memory_space<vmem>> -> memref<1x128x128xf32, #tpu.memory_space<vmem>>
      %dma_start3A_748 = tpu.memref_squeeze %dma_start3A_747 : memref<1x128x128xf32, #tpu.memory_space<vmem>> -> memref<128x128xf32, #tpu.memory_space<vmem>>
      tpu.enqueue_dma source(%dma_start3A_748 : memref<128x128xf32, #tpu.memory_space<vmem>>) target(%dma_start3A_744 : memref<128x128xf32, #tpu.memory_space<hbm>>) target_semaphore(%run_scoped3A_736 : memref<!tpu.dma_semaphore, #tpu.memory_space<semaphore_mem>>)
      %dma_wait3A_749 = arith.constant 0 : i32
      %dma_wait3A_750 = arith.constant 0 : i32
      %dma_wait3A_751 = tpu.memref_slice %arg9[%run_scoped3A_157, %dma_wait3A_749, %dma_wait3A_750] : memref<2x128x128xf32, #tpu.memory_space<vmem>> -> memref<1x128x128xf32, #tpu.memory_space<vmem>>
      %dma_wait3A_752 = tpu.memref_squeeze %dma_wait3A_751 : memref<1x128x128xf32, #tpu.memory_space<vmem>> -> memref<128x128xf32, #tpu.memory_space<vmem>>
      %dma_wait3A_753 = arith.constant 0 : i32
      %dma_wait3A_754 = tpu.memref_slice %arg6[%add3A_156, %dma_wait3A_753] : memref<65536x128xf32, #tpu.memory_space<hbm>> -> memref<128x128xf32, #tpu.memory_space<hbm>>
      %dma_wait3A_755 = arith.constant 0 : i32
      %dma_wait3A_756 = tpu.memref_slice %arg6[%add3A_156, %dma_wait3A_755] : memref<65536x128xf32, #tpu.memory_space<hbm>> -> memref<128x128xf32, #tpu.memory_space<hbm>>
      %dma_wait3A_757 = arith.constant 0 : i32
      %dma_wait3A_758 = arith.constant 0 : i32
      %dma_wait3A_759 = tpu.memref_slice %arg9[%run_scoped3A_157, %dma_wait3A_757, %dma_wait3A_758] : memref<2x128x128xf32, #tpu.memory_space<vmem>> -> memref<1x128x128xf32, #tpu.memory_space<vmem>>
      %dma_wait3A_760 = tpu.memref_squeeze %dma_wait3A_759 : memref<1x128x128xf32, #tpu.memory_space<vmem>> -> memref<128x128xf32, #tpu.memory_space<vmem>>
      tpu.wait_dma2 semaphore(%run_scoped3A_736 : memref<!tpu.dma_semaphore, #tpu.memory_space<semaphore_mem>>) src(%dma_wait3A_760 : memref<128x128xf32, #tpu.memory_space<vmem>>) dst(%dma_wait3A_756 : memref<128x128xf32, #tpu.memory_space<hbm>>)
      tpu.yield
    }) : () -> ()
    %dma_start3A_158 = arith.constant 0 : i32
    %dma_start3A_159 = arith.constant 0 : i32
    %dma_start3A_160 = arith.constant 0 : i32
    %dma_start3A_161 = tpu.memref_slice %arg8[%dma_start3A_158, %dma_start3A_159, %dma_start3A_160] : memref<2x128x128xf32, #tpu.memory_space<vmem>> -> memref<1x128x128xf32, #tpu.memory_space<vmem>>
    %dma_start3A_162 = tpu.memref_squeeze %dma_start3A_161 : memref<1x128x128xf32, #tpu.memory_space<vmem>> -> memref<128x128xf32, #tpu.memory_space<vmem>>
    %dma_start3A_163 = arith.constant 512 : i32
    %dma_start3A_164 = tpu.memref_slice %arg7[%dma_start3A_163] : memref<2048xi32, #tpu.memory_space<vmem>> -> memref<128xi32, #tpu.memory_space<vmem>>
    %dma_start3A_165 = arith.constant 0 : i32
    %dma_start3A_166 = arith.constant 0 : i32
    %dma_start3A_167 = tpu.memref_slice %arg2[%dma_start3A_165, %dma_start3A_166] : memref<524288x128xf32, #tpu.memory_space<hbm>> -> memref<524288x128xf32, #tpu.memory_space<hbm>>
    tpu.enqueue_indirect_dma source(%dma_start3A_167 : memref<524288x128xf32, #tpu.memory_space<hbm>>) target(%dma_start3A_162 : memref<128x128xf32, #tpu.memory_space<vmem>>) offsets(%dma_start3A_164 : memref<128xi32, #tpu.memory_space<vmem>>) semaphore(%arg10 : memref<!tpu.dma_semaphore, #tpu.memory_space<semaphore_mem>>)
    %dma_start3A_168 = arith.constant 0 : i32
    %dma_start3A_169 = arith.constant 0 : i32
    %dma_start3A_170 = arith.constant 0 : i32
    %dma_start3A_171 = tpu.memref_slice %arg9[%dma_start3A_168, %dma_start3A_169, %dma_start3A_170] : memref<2x128x128xf32, #tpu.memory_space<vmem>> -> memref<1x128x128xf32, #tpu.memory_space<vmem>>
    %dma_start3A_172 = tpu.memref_squeeze %dma_start3A_171 : memref<1x128x128xf32, #tpu.memory_space<vmem>> -> memref<128x128xf32, #tpu.memory_space<vmem>>
    %dma_start3A_173 = arith.constant 512 : i32
    %dma_start3A_174 = tpu.memref_slice %arg7[%dma_start3A_173] : memref<2048xi32, #tpu.memory_space<vmem>> -> memref<128xi32, #tpu.memory_space<vmem>>
    %dma_start3A_175 = arith.constant 0 : i32
    %dma_start3A_176 = arith.constant 0 : i32
    %dma_start3A_177 = tpu.memref_slice %arg3[%dma_start3A_175, %dma_start3A_176] : memref<524288x128xf32, #tpu.memory_space<hbm>> -> memref<524288x128xf32, #tpu.memory_space<hbm>>
    tpu.enqueue_indirect_dma source(%dma_start3A_177 : memref<524288x128xf32, #tpu.memory_space<hbm>>) target(%dma_start3A_172 : memref<128x128xf32, #tpu.memory_space<vmem>>) offsets(%dma_start3A_174 : memref<128xi32, #tpu.memory_space<vmem>>) semaphore(%arg12 : memref<!tpu.dma_semaphore, #tpu.memory_space<semaphore_mem>>)
    %dma_wait3A_178 = arith.constant 1 : i32
    %dma_wait3A_179 = arith.constant 0 : i32
    %dma_wait3A_180 = arith.constant 0 : i32
    %dma_wait3A_181 = tpu.memref_slice %arg8[%dma_wait3A_178, %dma_wait3A_179, %dma_wait3A_180] : memref<2x128x128xf32, #tpu.memory_space<vmem>> -> memref<1x128x128xf32, #tpu.memory_space<vmem>>
    %dma_wait3A_182 = tpu.memref_squeeze %dma_wait3A_181 : memref<1x128x128xf32, #tpu.memory_space<vmem>> -> memref<128x128xf32, #tpu.memory_space<vmem>>
    %dma_wait3A_183 = arith.constant 384 : i32
    %dma_wait3A_184 = tpu.memref_slice %arg7[%dma_wait3A_183] : memref<2048xi32, #tpu.memory_space<vmem>> -> memref<128xi32, #tpu.memory_space<vmem>>
    %dma_wait3A_185 = arith.constant 0 : i32
    %dma_wait3A_186 = arith.constant 0 : i32
    %dma_wait3A_187 = tpu.memref_slice %arg2[%dma_wait3A_185, %dma_wait3A_186] : memref<524288x128xf32, #tpu.memory_space<hbm>> -> memref<524288x128xf32, #tpu.memory_space<hbm>>
    tpu.wait_indirect_dma semaphore(%arg11 : memref<!tpu.dma_semaphore, #tpu.memory_space<semaphore_mem>>) src(%dma_wait3A_187 : memref<524288x128xf32, #tpu.memory_space<hbm>>) dst(%dma_wait3A_182 : memref<128x128xf32, #tpu.memory_space<vmem>>)
    %dma_wait3A_188 = arith.constant 1 : i32
    %dma_wait3A_189 = arith.constant 0 : i32
    %dma_wait3A_190 = arith.constant 0 : i32
    %dma_wait3A_191 = tpu.memref_slice %arg9[%dma_wait3A_188, %dma_wait3A_189, %dma_wait3A_190] : memref<2x128x128xf32, #tpu.memory_space<vmem>> -> memref<1x128x128xf32, #tpu.memory_space<vmem>>
    %dma_wait3A_192 = tpu.memref_squeeze %dma_wait3A_191 : memref<1x128x128xf32, #tpu.memory_space<vmem>> -> memref<128x128xf32, #tpu.memory_space<vmem>>
    %dma_wait3A_193 = arith.constant 384 : i32
    %dma_wait3A_194 = tpu.memref_slice %arg7[%dma_wait3A_193] : memref<2048xi32, #tpu.memory_space<vmem>> -> memref<128xi32, #tpu.memory_space<vmem>>
    %dma_wait3A_195 = arith.constant 0 : i32
    %dma_wait3A_196 = arith.constant 0 : i32
    %dma_wait3A_197 = tpu.memref_slice %arg3[%dma_wait3A_195, %dma_wait3A_196] : memref<524288x128xf32, #tpu.memory_space<hbm>> -> memref<524288x128xf32, #tpu.memory_space<hbm>>
    tpu.wait_indirect_dma semaphore(%arg13 : memref<!tpu.dma_semaphore, #tpu.memory_space<semaphore_mem>>) src(%dma_wait3A_197 : memref<524288x128xf32, #tpu.memory_space<hbm>>) dst(%dma_wait3A_192 : memref<128x128xf32, #tpu.memory_space<vmem>>)
    %add3A_198 = arith.constant 384 : i32
    %add3A_199 = arith.addi %mul3A_2, %add3A_198 : i32
    %run_scoped3A_200 = arith.constant 1 : i32
    "tpu.region"() ({
      %run_scoped3A_736 = tpu.sem_alloc : memref<!tpu.dma_semaphore, #tpu.memory_space<semaphore_mem>>
      %dma_start3A_737 = arith.constant 0 : i32
      %dma_start3A_738 = arith.constant 0 : i32
      %dma_start3A_739 = tpu.memref_slice %arg8[%run_scoped3A_200, %dma_start3A_737, %dma_start3A_738] : memref<2x128x128xf32, #tpu.memory_space<vmem>> -> memref<1x128x128xf32, #tpu.memory_space<vmem>>
      %dma_start3A_740 = tpu.memref_squeeze %dma_start3A_739 : memref<1x128x128xf32, #tpu.memory_space<vmem>> -> memref<128x128xf32, #tpu.memory_space<vmem>>
      %dma_start3A_741 = arith.constant 0 : i32
      %dma_start3A_742 = tpu.memref_slice %arg5[%add3A_199, %dma_start3A_741] : memref<65536x128xf32, #tpu.memory_space<hbm>> -> memref<128x128xf32, #tpu.memory_space<hbm>>
      %dma_start3A_743 = arith.constant 0 : i32
      %dma_start3A_744 = tpu.memref_slice %arg5[%add3A_199, %dma_start3A_743] : memref<65536x128xf32, #tpu.memory_space<hbm>> -> memref<128x128xf32, #tpu.memory_space<hbm>>
      %dma_start3A_745 = arith.constant 0 : i32
      %dma_start3A_746 = arith.constant 0 : i32
      %dma_start3A_747 = tpu.memref_slice %arg8[%run_scoped3A_200, %dma_start3A_745, %dma_start3A_746] : memref<2x128x128xf32, #tpu.memory_space<vmem>> -> memref<1x128x128xf32, #tpu.memory_space<vmem>>
      %dma_start3A_748 = tpu.memref_squeeze %dma_start3A_747 : memref<1x128x128xf32, #tpu.memory_space<vmem>> -> memref<128x128xf32, #tpu.memory_space<vmem>>
      tpu.enqueue_dma source(%dma_start3A_748 : memref<128x128xf32, #tpu.memory_space<vmem>>) target(%dma_start3A_744 : memref<128x128xf32, #tpu.memory_space<hbm>>) target_semaphore(%run_scoped3A_736 : memref<!tpu.dma_semaphore, #tpu.memory_space<semaphore_mem>>)
      %dma_wait3A_749 = arith.constant 0 : i32
      %dma_wait3A_750 = arith.constant 0 : i32
      %dma_wait3A_751 = tpu.memref_slice %arg8[%run_scoped3A_200, %dma_wait3A_749, %dma_wait3A_750] : memref<2x128x128xf32, #tpu.memory_space<vmem>> -> memref<1x128x128xf32, #tpu.memory_space<vmem>>
      %dma_wait3A_752 = tpu.memref_squeeze %dma_wait3A_751 : memref<1x128x128xf32, #tpu.memory_space<vmem>> -> memref<128x128xf32, #tpu.memory_space<vmem>>
      %dma_wait3A_753 = arith.constant 0 : i32
      %dma_wait3A_754 = tpu.memref_slice %arg5[%add3A_199, %dma_wait3A_753] : memref<65536x128xf32, #tpu.memory_space<hbm>> -> memref<128x128xf32, #tpu.memory_space<hbm>>
      %dma_wait3A_755 = arith.constant 0 : i32
      %dma_wait3A_756 = tpu.memref_slice %arg5[%add3A_199, %dma_wait3A_755] : memref<65536x128xf32, #tpu.memory_space<hbm>> -> memref<128x128xf32, #tpu.memory_space<hbm>>
      %dma_wait3A_757 = arith.constant 0 : i32
      %dma_wait3A_758 = arith.constant 0 : i32
      %dma_wait3A_759 = tpu.memref_slice %arg8[%run_scoped3A_200, %dma_wait3A_757, %dma_wait3A_758] : memref<2x128x128xf32, #tpu.memory_space<vmem>> -> memref<1x128x128xf32, #tpu.memory_space<vmem>>
      %dma_wait3A_760 = tpu.memref_squeeze %dma_wait3A_759 : memref<1x128x128xf32, #tpu.memory_space<vmem>> -> memref<128x128xf32, #tpu.memory_space<vmem>>
      tpu.wait_dma2 semaphore(%run_scoped3A_736 : memref<!tpu.dma_semaphore, #tpu.memory_space<semaphore_mem>>) src(%dma_wait3A_760 : memref<128x128xf32, #tpu.memory_space<vmem>>) dst(%dma_wait3A_756 : memref<128x128xf32, #tpu.memory_space<hbm>>)
      tpu.yield
    }) : () -> ()
    %add3A_201 = arith.constant 384 : i32
    %add3A_202 = arith.addi %mul3A_2, %add3A_201 : i32
    %run_scoped3A_203 = arith.constant 1 : i32
    "tpu.region"() ({
      %run_scoped3A_736 = tpu.sem_alloc : memref<!tpu.dma_semaphore, #tpu.memory_space<semaphore_mem>>
      %dma_start3A_737 = arith.constant 0 : i32
      %dma_start3A_738 = arith.constant 0 : i32
      %dma_start3A_739 = tpu.memref_slice %arg9[%run_scoped3A_203, %dma_start3A_737, %dma_start3A_738] : memref<2x128x128xf32, #tpu.memory_space<vmem>> -> memref<1x128x128xf32, #tpu.memory_space<vmem>>
      %dma_start3A_740 = tpu.memref_squeeze %dma_start3A_739 : memref<1x128x128xf32, #tpu.memory_space<vmem>> -> memref<128x128xf32, #tpu.memory_space<vmem>>
      %dma_start3A_741 = arith.constant 0 : i32
      %dma_start3A_742 = tpu.memref_slice %arg6[%add3A_202, %dma_start3A_741] : memref<65536x128xf32, #tpu.memory_space<hbm>> -> memref<128x128xf32, #tpu.memory_space<hbm>>
      %dma_start3A_743 = arith.constant 0 : i32
      %dma_start3A_744 = tpu.memref_slice %arg6[%add3A_202, %dma_start3A_743] : memref<65536x128xf32, #tpu.memory_space<hbm>> -> memref<128x128xf32, #tpu.memory_space<hbm>>
      %dma_start3A_745 = arith.constant 0 : i32
      %dma_start3A_746 = arith.constant 0 : i32
      %dma_start3A_747 = tpu.memref_slice %arg9[%run_scoped3A_203, %dma_start3A_745, %dma_start3A_746] : memref<2x128x128xf32, #tpu.memory_space<vmem>> -> memref<1x128x128xf32, #tpu.memory_space<vmem>>
      %dma_start3A_748 = tpu.memref_squeeze %dma_start3A_747 : memref<1x128x128xf32, #tpu.memory_space<vmem>> -> memref<128x128xf32, #tpu.memory_space<vmem>>
      tpu.enqueue_dma source(%dma_start3A_748 : memref<128x128xf32, #tpu.memory_space<vmem>>) target(%dma_start3A_744 : memref<128x128xf32, #tpu.memory_space<hbm>>) target_semaphore(%run_scoped3A_736 : memref<!tpu.dma_semaphore, #tpu.memory_space<semaphore_mem>>)
      %dma_wait3A_749 = arith.constant 0 : i32
      %dma_wait3A_750 = arith.constant 0 : i32
      %dma_wait3A_751 = tpu.memref_slice %arg9[%run_scoped3A_203, %dma_wait3A_749, %dma_wait3A_750] : memref<2x128x128xf32, #tpu.memory_space<vmem>> -> memref<1x128x128xf32, #tpu.memory_space<vmem>>
      %dma_wait3A_752 = tpu.memref_squeeze %dma_wait3A_751 : memref<1x128x128xf32, #tpu.memory_space<vmem>> -> memref<128x128xf32, #tpu.memory_space<vmem>>
      %dma_wait3A_753 = arith.constant 0 : i32
      %dma_wait3A_754 = tpu.memref_slice %arg6[%add3A_202, %dma_wait3A_753] : memref<65536x128xf32, #tpu.memory_space<hbm>> -> memref<128x128xf32, #tpu.memory_space<hbm>>
      %dma_wait3A_755 = arith.constant 0 : i32
      %dma_wait3A_756 = tpu.memref_slice %arg6[%add3A_202, %dma_wait3A_755] : memref<65536x128xf32, #tpu.memory_space<hbm>> -> memref<128x128xf32, #tpu.memory_space<hbm>>
      %dma_wait3A_757 = arith.constant 0 : i32
      %dma_wait3A_758 = arith.constant 0 : i32
      %dma_wait3A_759 = tpu.memref_slice %arg9[%run_scoped3A_203, %dma_wait3A_757, %dma_wait3A_758] : memref<2x128x128xf32, #tpu.memory_space<vmem>> -> memref<1x128x128xf32, #tpu.memory_space<vmem>>
      %dma_wait3A_760 = tpu.memref_squeeze %dma_wait3A_759 : memref<1x128x128xf32, #tpu.memory_space<vmem>> -> memref<128x128xf32, #tpu.memory_space<vmem>>
      tpu.wait_dma2 semaphore(%run_scoped3A_736 : memref<!tpu.dma_semaphore, #tpu.memory_space<semaphore_mem>>) src(%dma_wait3A_760 : memref<128x128xf32, #tpu.memory_space<vmem>>) dst(%dma_wait3A_756 : memref<128x128xf32, #tpu.memory_space<hbm>>)
      tpu.yield
    }) : () -> ()
    %dma_start3A_204 = arith.constant 1 : i32
    %dma_start3A_205 = arith.constant 0 : i32
    %dma_start3A_206 = arith.constant 0 : i32
    %dma_start3A_207 = tpu.memref_slice %arg8[%dma_start3A_204, %dma_start3A_205, %dma_start3A_206] : memref<2x128x128xf32, #tpu.memory_space<vmem>> -> memref<1x128x128xf32, #tpu.memory_space<vmem>>
    %dma_start3A_208 = tpu.memref_squeeze %dma_start3A_207 : memref<1x128x128xf32, #tpu.memory_space<vmem>> -> memref<128x128xf32, #tpu.memory_space<vmem>>
    %dma_start3A_209 = arith.constant 640 : i32
    %dma_start3A_210 = tpu.memref_slice %arg7[%dma_start3A_209] : memref<2048xi32, #tpu.memory_space<vmem>> -> memref<128xi32, #tpu.memory_space<vmem>>
    %dma_start3A_211 = arith.constant 0 : i32
    %dma_start3A_212 = arith.constant 0 : i32
    %dma_start3A_213 = tpu.memref_slice %arg2[%dma_start3A_211, %dma_start3A_212] : memref<524288x128xf32, #tpu.memory_space<hbm>> -> memref<524288x128xf32, #tpu.memory_space<hbm>>
    tpu.enqueue_indirect_dma source(%dma_start3A_213 : memref<524288x128xf32, #tpu.memory_space<hbm>>) target(%dma_start3A_208 : memref<128x128xf32, #tpu.memory_space<vmem>>) offsets(%dma_start3A_210 : memref<128xi32, #tpu.memory_space<vmem>>) semaphore(%arg11 : memref<!tpu.dma_semaphore, #tpu.memory_space<semaphore_mem>>)
    %dma_start3A_214 = arith.constant 1 : i32
    %dma_start3A_215 = arith.constant 0 : i32
    %dma_start3A_216 = arith.constant 0 : i32
    %dma_start3A_217 = tpu.memref_slice %arg9[%dma_start3A_214, %dma_start3A_215, %dma_start3A_216] : memref<2x128x128xf32, #tpu.memory_space<vmem>> -> memref<1x128x128xf32, #tpu.memory_space<vmem>>
    %dma_start3A_218 = tpu.memref_squeeze %dma_start3A_217 : memref<1x128x128xf32, #tpu.memory_space<vmem>> -> memref<128x128xf32, #tpu.memory_space<vmem>>
    %dma_start3A_219 = arith.constant 640 : i32
    %dma_start3A_220 = tpu.memref_slice %arg7[%dma_start3A_219] : memref<2048xi32, #tpu.memory_space<vmem>> -> memref<128xi32, #tpu.memory_space<vmem>>
    %dma_start3A_221 = arith.constant 0 : i32
    %dma_start3A_222 = arith.constant 0 : i32
    %dma_start3A_223 = tpu.memref_slice %arg3[%dma_start3A_221, %dma_start3A_222] : memref<524288x128xf32, #tpu.memory_space<hbm>> -> memref<524288x128xf32, #tpu.memory_space<hbm>>
    tpu.enqueue_indirect_dma source(%dma_start3A_223 : memref<524288x128xf32, #tpu.memory_space<hbm>>) target(%dma_start3A_218 : memref<128x128xf32, #tpu.memory_space<vmem>>) offsets(%dma_start3A_220 : memref<128xi32, #tpu.memory_space<vmem>>) semaphore(%arg13 : memref<!tpu.dma_semaphore, #tpu.memory_space<semaphore_mem>>)
    %dma_wait3A_224 = arith.constant 0 : i32
    %dma_wait3A_225 = arith.constant 0 : i32
    %dma_wait3A_226 = arith.constant 0 : i32
    %dma_wait3A_227 = tpu.memref_slice %arg8[%dma_wait3A_224, %dma_wait3A_225, %dma_wait3A_226] : memref<2x128x128xf32, #tpu.memory_space<vmem>> -> memref<1x128x128xf32, #tpu.memory_space<vmem>>
    %dma_wait3A_228 = tpu.memref_squeeze %dma_wait3A_227 : memref<1x128x128xf32, #tpu.memory_space<vmem>> -> memref<128x128xf32, #tpu.memory_space<vmem>>
    %dma_wait3A_229 = arith.constant 512 : i32
    %dma_wait3A_230 = tpu.memref_slice %arg7[%dma_wait3A_229] : memref<2048xi32, #tpu.memory_space<vmem>> -> memref<128xi32, #tpu.memory_space<vmem>>
    %dma_wait3A_231 = arith.constant 0 : i32
    %dma_wait3A_232 = arith.constant 0 : i32
    %dma_wait3A_233 = tpu.memref_slice %arg2[%dma_wait3A_231, %dma_wait3A_232] : memref<524288x128xf32, #tpu.memory_space<hbm>> -> memref<524288x128xf32, #tpu.memory_space<hbm>>
    tpu.wait_indirect_dma semaphore(%arg10 : memref<!tpu.dma_semaphore, #tpu.memory_space<semaphore_mem>>) src(%dma_wait3A_233 : memref<524288x128xf32, #tpu.memory_space<hbm>>) dst(%dma_wait3A_228 : memref<128x128xf32, #tpu.memory_space<vmem>>)
    %dma_wait3A_234 = arith.constant 0 : i32
    %dma_wait3A_235 = arith.constant 0 : i32
    %dma_wait3A_236 = arith.constant 0 : i32
    %dma_wait3A_237 = tpu.memref_slice %arg9[%dma_wait3A_234, %dma_wait3A_235, %dma_wait3A_236] : memref<2x128x128xf32, #tpu.memory_space<vmem>> -> memref<1x128x128xf32, #tpu.memory_space<vmem>>
    %dma_wait3A_238 = tpu.memref_squeeze %dma_wait3A_237 : memref<1x128x128xf32, #tpu.memory_space<vmem>> -> memref<128x128xf32, #tpu.memory_space<vmem>>
    %dma_wait3A_239 = arith.constant 512 : i32
    %dma_wait3A_240 = tpu.memref_slice %arg7[%dma_wait3A_239] : memref<2048xi32, #tpu.memory_space<vmem>> -> memref<128xi32, #tpu.memory_space<vmem>>
    %dma_wait3A_241 = arith.constant 0 : i32
    %dma_wait3A_242 = arith.constant 0 : i32
    %dma_wait3A_243 = tpu.memref_slice %arg3[%dma_wait3A_241, %dma_wait3A_242] : memref<524288x128xf32, #tpu.memory_space<hbm>> -> memref<524288x128xf32, #tpu.memory_space<hbm>>
    tpu.wait_indirect_dma semaphore(%arg12 : memref<!tpu.dma_semaphore, #tpu.memory_space<semaphore_mem>>) src(%dma_wait3A_243 : memref<524288x128xf32, #tpu.memory_space<hbm>>) dst(%dma_wait3A_238 : memref<128x128xf32, #tpu.memory_space<vmem>>)
    %add3A_244 = arith.constant 512 : i32
    %add3A_245 = arith.addi %mul3A_2, %add3A_244 : i32
    %run_scoped3A_246 = arith.constant 0 : i32
    "tpu.region"() ({
      %run_scoped3A_736 = tpu.sem_alloc : memref<!tpu.dma_semaphore, #tpu.memory_space<semaphore_mem>>
      %dma_start3A_737 = arith.constant 0 : i32
      %dma_start3A_738 = arith.constant 0 : i32
      %dma_start3A_739 = tpu.memref_slice %arg8[%run_scoped3A_246, %dma_start3A_737, %dma_start3A_738] : memref<2x128x128xf32, #tpu.memory_space<vmem>> -> memref<1x128x128xf32, #tpu.memory_space<vmem>>
      %dma_start3A_740 = tpu.memref_squeeze %dma_start3A_739 : memref<1x128x128xf32, #tpu.memory_space<vmem>> -> memref<128x128xf32, #tpu.memory_space<vmem>>
      %dma_start3A_741 = arith.constant 0 : i32
      %dma_start3A_742 = tpu.memref_slice %arg5[%add3A_245, %dma_start3A_741] : memref<65536x128xf32, #tpu.memory_space<hbm>> -> memref<128x128xf32, #tpu.memory_space<hbm>>
      %dma_start3A_743 = arith.constant 0 : i32
      %dma_start3A_744 = tpu.memref_slice %arg5[%add3A_245, %dma_start3A_743] : memref<65536x128xf32, #tpu.memory_space<hbm>> -> memref<128x128xf32, #tpu.memory_space<hbm>>
      %dma_start3A_745 = arith.constant 0 : i32
      %dma_start3A_746 = arith.constant 0 : i32
      %dma_start3A_747 = tpu.memref_slice %arg8[%run_scoped3A_246, %dma_start3A_745, %dma_start3A_746] : memref<2x128x128xf32, #tpu.memory_space<vmem>> -> memref<1x128x128xf32, #tpu.memory_space<vmem>>
      %dma_start3A_748 = tpu.memref_squeeze %dma_start3A_747 : memref<1x128x128xf32, #tpu.memory_space<vmem>> -> memref<128x128xf32, #tpu.memory_space<vmem>>
      tpu.enqueue_dma source(%dma_start3A_748 : memref<128x128xf32, #tpu.memory_space<vmem>>) target(%dma_start3A_744 : memref<128x128xf32, #tpu.memory_space<hbm>>) target_semaphore(%run_scoped3A_736 : memref<!tpu.dma_semaphore, #tpu.memory_space<semaphore_mem>>)
      %dma_wait3A_749 = arith.constant 0 : i32
      %dma_wait3A_750 = arith.constant 0 : i32
      %dma_wait3A_751 = tpu.memref_slice %arg8[%run_scoped3A_246, %dma_wait3A_749, %dma_wait3A_750] : memref<2x128x128xf32, #tpu.memory_space<vmem>> -> memref<1x128x128xf32, #tpu.memory_space<vmem>>
      %dma_wait3A_752 = tpu.memref_squeeze %dma_wait3A_751 : memref<1x128x128xf32, #tpu.memory_space<vmem>> -> memref<128x128xf32, #tpu.memory_space<vmem>>
      %dma_wait3A_753 = arith.constant 0 : i32
      %dma_wait3A_754 = tpu.memref_slice %arg5[%add3A_245, %dma_wait3A_753] : memref<65536x128xf32, #tpu.memory_space<hbm>> -> memref<128x128xf32, #tpu.memory_space<hbm>>
      %dma_wait3A_755 = arith.constant 0 : i32
      %dma_wait3A_756 = tpu.memref_slice %arg5[%add3A_245, %dma_wait3A_755] : memref<65536x128xf32, #tpu.memory_space<hbm>> -> memref<128x128xf32, #tpu.memory_space<hbm>>
      %dma_wait3A_757 = arith.constant 0 : i32
      %dma_wait3A_758 = arith.constant 0 : i32
      %dma_wait3A_759 = tpu.memref_slice %arg8[%run_scoped3A_246, %dma_wait3A_757, %dma_wait3A_758] : memref<2x128x128xf32, #tpu.memory_space<vmem>> -> memref<1x128x128xf32, #tpu.memory_space<vmem>>
      %dma_wait3A_760 = tpu.memref_squeeze %dma_wait3A_759 : memref<1x128x128xf32, #tpu.memory_space<vmem>> -> memref<128x128xf32, #tpu.memory_space<vmem>>
      tpu.wait_dma2 semaphore(%run_scoped3A_736 : memref<!tpu.dma_semaphore, #tpu.memory_space<semaphore_mem>>) src(%dma_wait3A_760 : memref<128x128xf32, #tpu.memory_space<vmem>>) dst(%dma_wait3A_756 : memref<128x128xf32, #tpu.memory_space<hbm>>)
      tpu.yield
    }) : () -> ()
    %add3A_247 = arith.constant 512 : i32
    %add3A_248 = arith.addi %mul3A_2, %add3A_247 : i32
    %run_scoped3A_249 = arith.constant 0 : i32
    "tpu.region"() ({
      %run_scoped3A_736 = tpu.sem_alloc : memref<!tpu.dma_semaphore, #tpu.memory_space<semaphore_mem>>
      %dma_start3A_737 = arith.constant 0 : i32
      %dma_start3A_738 = arith.constant 0 : i32
      %dma_start3A_739 = tpu.memref_slice %arg9[%run_scoped3A_249, %dma_start3A_737, %dma_start3A_738] : memref<2x128x128xf32, #tpu.memory_space<vmem>> -> memref<1x128x128xf32, #tpu.memory_space<vmem>>
      %dma_start3A_740 = tpu.memref_squeeze %dma_start3A_739 : memref<1x128x128xf32, #tpu.memory_space<vmem>> -> memref<128x128xf32, #tpu.memory_space<vmem>>
      %dma_start3A_741 = arith.constant 0 : i32
      %dma_start3A_742 = tpu.memref_slice %arg6[%add3A_248, %dma_start3A_741] : memref<65536x128xf32, #tpu.memory_space<hbm>> -> memref<128x128xf32, #tpu.memory_space<hbm>>
      %dma_start3A_743 = arith.constant 0 : i32
      %dma_start3A_744 = tpu.memref_slice %arg6[%add3A_248, %dma_start3A_743] : memref<65536x128xf32, #tpu.memory_space<hbm>> -> memref<128x128xf32, #tpu.memory_space<hbm>>
      %dma_start3A_745 = arith.constant 0 : i32
      %dma_start3A_746 = arith.constant 0 : i32
      %dma_start3A_747 = tpu.memref_slice %arg9[%run_scoped3A_249, %dma_start3A_745, %dma_start3A_746] : memref<2x128x128xf32, #tpu.memory_space<vmem>> -> memref<1x128x128xf32, #tpu.memory_space<vmem>>
      %dma_start3A_748 = tpu.memref_squeeze %dma_start3A_747 : memref<1x128x128xf32, #tpu.memory_space<vmem>> -> memref<128x128xf32, #tpu.memory_space<vmem>>
      tpu.enqueue_dma source(%dma_start3A_748 : memref<128x128xf32, #tpu.memory_space<vmem>>) target(%dma_start3A_744 : memref<128x128xf32, #tpu.memory_space<hbm>>) target_semaphore(%run_scoped3A_736 : memref<!tpu.dma_semaphore, #tpu.memory_space<semaphore_mem>>)
      %dma_wait3A_749 = arith.constant 0 : i32
      %dma_wait3A_750 = arith.constant 0 : i32
      %dma_wait3A_751 = tpu.memref_slice %arg9[%run_scoped3A_249, %dma_wait3A_749, %dma_wait3A_750] : memref<2x128x128xf32, #tpu.memory_space<vmem>> -> memref<1x128x128xf32, #tpu.memory_space<vmem>>
      %dma_wait3A_752 = tpu.memref_squeeze %dma_wait3A_751 : memref<1x128x128xf32, #tpu.memory_space<vmem>> -> memref<128x128xf32, #tpu.memory_space<vmem>>
      %dma_wait3A_753 = arith.constant 0 : i32
      %dma_wait3A_754 = tpu.memref_slice %arg6[%add3A_248, %dma_wait3A_753] : memref<65536x128xf32, #tpu.memory_space<hbm>> -> memref<128x128xf32, #tpu.memory_space<hbm>>
      %dma_wait3A_755 = arith.constant 0 : i32
      %dma_wait3A_756 = tpu.memref_slice %arg6[%add3A_248, %dma_wait3A_755] : memref<65536x128xf32, #tpu.memory_space<hbm>> -> memref<128x128xf32, #tpu.memory_space<hbm>>
      %dma_wait3A_757 = arith.constant 0 : i32
      %dma_wait3A_758 = arith.constant 0 : i32
      %dma_wait3A_759 = tpu.memref_slice %arg9[%run_scoped3A_249, %dma_wait3A_757, %dma_wait3A_758] : memref<2x128x128xf32, #tpu.memory_space<vmem>> -> memref<1x128x128xf32, #tpu.memory_space<vmem>>
      %dma_wait3A_760 = tpu.memref_squeeze %dma_wait3A_759 : memref<1x128x128xf32, #tpu.memory_space<vmem>> -> memref<128x128xf32, #tpu.memory_space<vmem>>
      tpu.wait_dma2 semaphore(%run_scoped3A_736 : memref<!tpu.dma_semaphore, #tpu.memory_space<semaphore_mem>>) src(%dma_wait3A_760 : memref<128x128xf32, #tpu.memory_space<vmem>>) dst(%dma_wait3A_756 : memref<128x128xf32, #tpu.memory_space<hbm>>)
      tpu.yield
    }) : () -> ()
    %dma_start3A_250 = arith.constant 0 : i32
    %dma_start3A_251 = arith.constant 0 : i32
    %dma_start3A_252 = arith.constant 0 : i32
    %dma_start3A_253 = tpu.memref_slice %arg8[%dma_start3A_250, %dma_start3A_251, %dma_start3A_252] : memref<2x128x128xf32, #tpu.memory_space<vmem>> -> memref<1x128x128xf32, #tpu.memory_space<vmem>>
    %dma_start3A_254 = tpu.memref_squeeze %dma_start3A_253 : memref<1x128x128xf32, #tpu.memory_space<vmem>> -> memref<128x128xf32, #tpu.memory_space<vmem>>
    %dma_start3A_255 = arith.constant 768 : i32
    %dma_start3A_256 = tpu.memref_slice %arg7[%dma_start3A_255] : memref<2048xi32, #tpu.memory_space<vmem>> -> memref<128xi32, #tpu.memory_space<vmem>>
    %dma_start3A_257 = arith.constant 0 : i32
    %dma_start3A_258 = arith.constant 0 : i32
    %dma_start3A_259 = tpu.memref_slice %arg2[%dma_start3A_257, %dma_start3A_258] : memref<524288x128xf32, #tpu.memory_space<hbm>> -> memref<524288x128xf32, #tpu.memory_space<hbm>>
    tpu.enqueue_indirect_dma source(%dma_start3A_259 : memref<524288x128xf32, #tpu.memory_space<hbm>>) target(%dma_start3A_254 : memref<128x128xf32, #tpu.memory_space<vmem>>) offsets(%dma_start3A_256 : memref<128xi32, #tpu.memory_space<vmem>>) semaphore(%arg10 : memref<!tpu.dma_semaphore, #tpu.memory_space<semaphore_mem>>)
    %dma_start3A_260 = arith.constant 0 : i32
    %dma_start3A_261 = arith.constant 0 : i32
    %dma_start3A_262 = arith.constant 0 : i32
    %dma_start3A_263 = tpu.memref_slice %arg9[%dma_start3A_260, %dma_start3A_261, %dma_start3A_262] : memref<2x128x128xf32, #tpu.memory_space<vmem>> -> memref<1x128x128xf32, #tpu.memory_space<vmem>>
    %dma_start3A_264 = tpu.memref_squeeze %dma_start3A_263 : memref<1x128x128xf32, #tpu.memory_space<vmem>> -> memref<128x128xf32, #tpu.memory_space<vmem>>
    %dma_start3A_265 = arith.constant 768 : i32
    %dma_start3A_266 = tpu.memref_slice %arg7[%dma_start3A_265] : memref<2048xi32, #tpu.memory_space<vmem>> -> memref<128xi32, #tpu.memory_space<vmem>>
    %dma_start3A_267 = arith.constant 0 : i32
    %dma_start3A_268 = arith.constant 0 : i32
    %dma_start3A_269 = tpu.memref_slice %arg3[%dma_start3A_267, %dma_start3A_268] : memref<524288x128xf32, #tpu.memory_space<hbm>> -> memref<524288x128xf32, #tpu.memory_space<hbm>>
    tpu.enqueue_indirect_dma source(%dma_start3A_269 : memref<524288x128xf32, #tpu.memory_space<hbm>>) target(%dma_start3A_264 : memref<128x128xf32, #tpu.memory_space<vmem>>) offsets(%dma_start3A_266 : memref<128xi32, #tpu.memory_space<vmem>>) semaphore(%arg12 : memref<!tpu.dma_semaphore, #tpu.memory_space<semaphore_mem>>)
    %dma_wait3A_270 = arith.constant 1 : i32
    %dma_wait3A_271 = arith.constant 0 : i32
    %dma_wait3A_272 = arith.constant 0 : i32
    %dma_wait3A_273 = tpu.memref_slice %arg8[%dma_wait3A_270, %dma_wait3A_271, %dma_wait3A_272] : memref<2x128x128xf32, #tpu.memory_space<vmem>> -> memref<1x128x128xf32, #tpu.memory_space<vmem>>
    %dma_wait3A_274 = tpu.memref_squeeze %dma_wait3A_273 : memref<1x128x128xf32, #tpu.memory_space<vmem>> -> memref<128x128xf32, #tpu.memory_space<vmem>>
    %dma_wait3A_275 = arith.constant 640 : i32
    %dma_wait3A_276 = tpu.memref_slice %arg7[%dma_wait3A_275] : memref<2048xi32, #tpu.memory_space<vmem>> -> memref<128xi32, #tpu.memory_space<vmem>>
    %dma_wait3A_277 = arith.constant 0 : i32
    %dma_wait3A_278 = arith.constant 0 : i32
    %dma_wait3A_279 = tpu.memref_slice %arg2[%dma_wait3A_277, %dma_wait3A_278] : memref<524288x128xf32, #tpu.memory_space<hbm>> -> memref<524288x128xf32, #tpu.memory_space<hbm>>
    tpu.wait_indirect_dma semaphore(%arg11 : memref<!tpu.dma_semaphore, #tpu.memory_space<semaphore_mem>>) src(%dma_wait3A_279 : memref<524288x128xf32, #tpu.memory_space<hbm>>) dst(%dma_wait3A_274 : memref<128x128xf32, #tpu.memory_space<vmem>>)
    %dma_wait3A_280 = arith.constant 1 : i32
    %dma_wait3A_281 = arith.constant 0 : i32
    %dma_wait3A_282 = arith.constant 0 : i32
    %dma_wait3A_283 = tpu.memref_slice %arg9[%dma_wait3A_280, %dma_wait3A_281, %dma_wait3A_282] : memref<2x128x128xf32, #tpu.memory_space<vmem>> -> memref<1x128x128xf32, #tpu.memory_space<vmem>>
    %dma_wait3A_284 = tpu.memref_squeeze %dma_wait3A_283 : memref<1x128x128xf32, #tpu.memory_space<vmem>> -> memref<128x128xf32, #tpu.memory_space<vmem>>
    %dma_wait3A_285 = arith.constant 640 : i32
    %dma_wait3A_286 = tpu.memref_slice %arg7[%dma_wait3A_285] : memref<2048xi32, #tpu.memory_space<vmem>> -> memref<128xi32, #tpu.memory_space<vmem>>
    %dma_wait3A_287 = arith.constant 0 : i32
    %dma_wait3A_288 = arith.constant 0 : i32
    %dma_wait3A_289 = tpu.memref_slice %arg3[%dma_wait3A_287, %dma_wait3A_288] : memref<524288x128xf32, #tpu.memory_space<hbm>> -> memref<524288x128xf32, #tpu.memory_space<hbm>>
    tpu.wait_indirect_dma semaphore(%arg13 : memref<!tpu.dma_semaphore, #tpu.memory_space<semaphore_mem>>) src(%dma_wait3A_289 : memref<524288x128xf32, #tpu.memory_space<hbm>>) dst(%dma_wait3A_284 : memref<128x128xf32, #tpu.memory_space<vmem>>)
    %add3A_290 = arith.constant 640 : i32
    %add3A_291 = arith.addi %mul3A_2, %add3A_290 : i32
    %run_scoped3A_292 = arith.constant 1 : i32
    "tpu.region"() ({
      %run_scoped3A_736 = tpu.sem_alloc : memref<!tpu.dma_semaphore, #tpu.memory_space<semaphore_mem>>
      %dma_start3A_737 = arith.constant 0 : i32
      %dma_start3A_738 = arith.constant 0 : i32
      %dma_start3A_739 = tpu.memref_slice %arg8[%run_scoped3A_292, %dma_start3A_737, %dma_start3A_738] : memref<2x128x128xf32, #tpu.memory_space<vmem>> -> memref<1x128x128xf32, #tpu.memory_space<vmem>>
      %dma_start3A_740 = tpu.memref_squeeze %dma_start3A_739 : memref<1x128x128xf32, #tpu.memory_space<vmem>> -> memref<128x128xf32, #tpu.memory_space<vmem>>
      %dma_start3A_741 = arith.constant 0 : i32
      %dma_start3A_742 = tpu.memref_slice %arg5[%add3A_291, %dma_start3A_741] : memref<65536x128xf32, #tpu.memory_space<hbm>> -> memref<128x128xf32, #tpu.memory_space<hbm>>
      %dma_start3A_743 = arith.constant 0 : i32
      %dma_start3A_744 = tpu.memref_slice %arg5[%add3A_291, %dma_start3A_743] : memref<65536x128xf32, #tpu.memory_space<hbm>> -> memref<128x128xf32, #tpu.memory_space<hbm>>
      %dma_start3A_745 = arith.constant 0 : i32
      %dma_start3A_746 = arith.constant 0 : i32
      %dma_start3A_747 = tpu.memref_slice %arg8[%run_scoped3A_292, %dma_start3A_745, %dma_start3A_746] : memref<2x128x128xf32, #tpu.memory_space<vmem>> -> memref<1x128x128xf32, #tpu.memory_space<vmem>>
      %dma_start3A_748 = tpu.memref_squeeze %dma_start3A_747 : memref<1x128x128xf32, #tpu.memory_space<vmem>> -> memref<128x128xf32, #tpu.memory_space<vmem>>
      tpu.enqueue_dma source(%dma_start3A_748 : memref<128x128xf32, #tpu.memory_space<vmem>>) target(%dma_start3A_744 : memref<128x128xf32, #tpu.memory_space<hbm>>) target_semaphore(%run_scoped3A_736 : memref<!tpu.dma_semaphore, #tpu.memory_space<semaphore_mem>>)
      %dma_wait3A_749 = arith.constant 0 : i32
      %dma_wait3A_750 = arith.constant 0 : i32
      %dma_wait3A_751 = tpu.memref_slice %arg8[%run_scoped3A_292, %dma_wait3A_749, %dma_wait3A_750] : memref<2x128x128xf32, #tpu.memory_space<vmem>> -> memref<1x128x128xf32, #tpu.memory_space<vmem>>
      %dma_wait3A_752 = tpu.memref_squeeze %dma_wait3A_751 : memref<1x128x128xf32, #tpu.memory_space<vmem>> -> memref<128x128xf32, #tpu.memory_space<vmem>>
      %dma_wait3A_753 = arith.constant 0 : i32
      %dma_wait3A_754 = tpu.memref_slice %arg5[%add3A_291, %dma_wait3A_753] : memref<65536x128xf32, #tpu.memory_space<hbm>> -> memref<128x128xf32, #tpu.memory_space<hbm>>
      %dma_wait3A_755 = arith.constant 0 : i32
      %dma_wait3A_756 = tpu.memref_slice %arg5[%add3A_291, %dma_wait3A_755] : memref<65536x128xf32, #tpu.memory_space<hbm>> -> memref<128x128xf32, #tpu.memory_space<hbm>>
      %dma_wait3A_757 = arith.constant 0 : i32
      %dma_wait3A_758 = arith.constant 0 : i32
      %dma_wait3A_759 = tpu.memref_slice %arg8[%run_scoped3A_292, %dma_wait3A_757, %dma_wait3A_758] : memref<2x128x128xf32, #tpu.memory_space<vmem>> -> memref<1x128x128xf32, #tpu.memory_space<vmem>>
      %dma_wait3A_760 = tpu.memref_squeeze %dma_wait3A_759 : memref<1x128x128xf32, #tpu.memory_space<vmem>> -> memref<128x128xf32, #tpu.memory_space<vmem>>
      tpu.wait_dma2 semaphore(%run_scoped3A_736 : memref<!tpu.dma_semaphore, #tpu.memory_space<semaphore_mem>>) src(%dma_wait3A_760 : memref<128x128xf32, #tpu.memory_space<vmem>>) dst(%dma_wait3A_756 : memref<128x128xf32, #tpu.memory_space<hbm>>)
      tpu.yield
    }) : () -> ()
    %add3A_293 = arith.constant 640 : i32
    %add3A_294 = arith.addi %mul3A_2, %add3A_293 : i32
    %run_scoped3A_295 = arith.constant 1 : i32
    "tpu.region"() ({
      %run_scoped3A_736 = tpu.sem_alloc : memref<!tpu.dma_semaphore, #tpu.memory_space<semaphore_mem>>
      %dma_start3A_737 = arith.constant 0 : i32
      %dma_start3A_738 = arith.constant 0 : i32
      %dma_start3A_739 = tpu.memref_slice %arg9[%run_scoped3A_295, %dma_start3A_737, %dma_start3A_738] : memref<2x128x128xf32, #tpu.memory_space<vmem>> -> memref<1x128x128xf32, #tpu.memory_space<vmem>>
      %dma_start3A_740 = tpu.memref_squeeze %dma_start3A_739 : memref<1x128x128xf32, #tpu.memory_space<vmem>> -> memref<128x128xf32, #tpu.memory_space<vmem>>
      %dma_start3A_741 = arith.constant 0 : i32
      %dma_start3A_742 = tpu.memref_slice %arg6[%add3A_294, %dma_start3A_741] : memref<65536x128xf32, #tpu.memory_space<hbm>> -> memref<128x128xf32, #tpu.memory_space<hbm>>
      %dma_start3A_743 = arith.constant 0 : i32
      %dma_start3A_744 = tpu.memref_slice %arg6[%add3A_294, %dma_start3A_743] : memref<65536x128xf32, #tpu.memory_space<hbm>> -> memref<128x128xf32, #tpu.memory_space<hbm>>
      %dma_start3A_745 = arith.constant 0 : i32
      %dma_start3A_746 = arith.constant 0 : i32
      %dma_start3A_747 = tpu.memref_slice %arg9[%run_scoped3A_295, %dma_start3A_745, %dma_start3A_746] : memref<2x128x128xf32, #tpu.memory_space<vmem>> -> memref<1x128x128xf32, #tpu.memory_space<vmem>>
      %dma_start3A_748 = tpu.memref_squeeze %dma_start3A_747 : memref<1x128x128xf32, #tpu.memory_space<vmem>> -> memref<128x128xf32, #tpu.memory_space<vmem>>
      tpu.enqueue_dma source(%dma_start3A_748 : memref<128x128xf32, #tpu.memory_space<vmem>>) target(%dma_start3A_744 : memref<128x128xf32, #tpu.memory_space<hbm>>) target_semaphore(%run_scoped3A_736 : memref<!tpu.dma_semaphore, #tpu.memory_space<semaphore_mem>>)
      %dma_wait3A_749 = arith.constant 0 : i32
      %dma_wait3A_750 = arith.constant 0 : i32
      %dma_wait3A_751 = tpu.memref_slice %arg9[%run_scoped3A_295, %dma_wait3A_749, %dma_wait3A_750] : memref<2x128x128xf32, #tpu.memory_space<vmem>> -> memref<1x128x128xf32, #tpu.memory_space<vmem>>
      %dma_wait3A_752 = tpu.memref_squeeze %dma_wait3A_751 : memref<1x128x128xf32, #tpu.memory_space<vmem>> -> memref<128x128xf32, #tpu.memory_space<vmem>>
      %dma_wait3A_753 = arith.constant 0 : i32
      %dma_wait3A_754 = tpu.memref_slice %arg6[%add3A_294, %dma_wait3A_753] : memref<65536x128xf32, #tpu.memory_space<hbm>> -> memref<128x128xf32, #tpu.memory_space<hbm>>
      %dma_wait3A_755 = arith.constant 0 : i32
      %dma_wait3A_756 = tpu.memref_slice %arg6[%add3A_294, %dma_wait3A_755] : memref<65536x128xf32, #tpu.memory_space<hbm>> -> memref<128x128xf32, #tpu.memory_space<hbm>>
      %dma_wait3A_757 = arith.constant 0 : i32
      %dma_wait3A_758 = arith.constant 0 : i32
      %dma_wait3A_759 = tpu.memref_slice %arg9[%run_scoped3A_295, %dma_wait3A_757, %dma_wait3A_758] : memref<2x128x128xf32, #tpu.memory_space<vmem>> -> memref<1x128x128xf32, #tpu.memory_space<vmem>>
      %dma_wait3A_760 = tpu.memref_squeeze %dma_wait3A_759 : memref<1x128x128xf32, #tpu.memory_space<vmem>> -> memref<128x128xf32, #tpu.memory_space<vmem>>
      tpu.wait_dma2 semaphore(%run_scoped3A_736 : memref<!tpu.dma_semaphore, #tpu.memory_space<semaphore_mem>>) src(%dma_wait3A_760 : memref<128x128xf32, #tpu.memory_space<vmem>>) dst(%dma_wait3A_756 : memref<128x128xf32, #tpu.memory_space<hbm>>)
      tpu.yield
    }) : () -> ()
    %dma_start3A_296 = arith.constant 1 : i32
    %dma_start3A_297 = arith.constant 0 : i32
    %dma_start3A_298 = arith.constant 0 : i32
    %dma_start3A_299 = tpu.memref_slice %arg8[%dma_start3A_296, %dma_start3A_297, %dma_start3A_298] : memref<2x128x128xf32, #tpu.memory_space<vmem>> -> memref<1x128x128xf32, #tpu.memory_space<vmem>>
    %dma_start3A_300 = tpu.memref_squeeze %dma_start3A_299 : memref<1x128x128xf32, #tpu.memory_space<vmem>> -> memref<128x128xf32, #tpu.memory_space<vmem>>
    %dma_start3A_301 = arith.constant 896 : i32
    %dma_start3A_302 = tpu.memref_slice %arg7[%dma_start3A_301] : memref<2048xi32, #tpu.memory_space<vmem>> -> memref<128xi32, #tpu.memory_space<vmem>>
    %dma_start3A_303 = arith.constant 0 : i32
    %dma_start3A_304 = arith.constant 0 : i32
    %dma_start3A_305 = tpu.memref_slice %arg2[%dma_start3A_303, %dma_start3A_304] : memref<524288x128xf32, #tpu.memory_space<hbm>> -> memref<524288x128xf32, #tpu.memory_space<hbm>>
    tpu.enqueue_indirect_dma source(%dma_start3A_305 : memref<524288x128xf32, #tpu.memory_space<hbm>>) target(%dma_start3A_300 : memref<128x128xf32, #tpu.memory_space<vmem>>) offsets(%dma_start3A_302 : memref<128xi32, #tpu.memory_space<vmem>>) semaphore(%arg11 : memref<!tpu.dma_semaphore, #tpu.memory_space<semaphore_mem>>)
    %dma_start3A_306 = arith.constant 1 : i32
    %dma_start3A_307 = arith.constant 0 : i32
    %dma_start3A_308 = arith.constant 0 : i32
    %dma_start3A_309 = tpu.memref_slice %arg9[%dma_start3A_306, %dma_start3A_307, %dma_start3A_308] : memref<2x128x128xf32, #tpu.memory_space<vmem>> -> memref<1x128x128xf32, #tpu.memory_space<vmem>>
    %dma_start3A_310 = tpu.memref_squeeze %dma_start3A_309 : memref<1x128x128xf32, #tpu.memory_space<vmem>> -> memref<128x128xf32, #tpu.memory_space<vmem>>
    %dma_start3A_311 = arith.constant 896 : i32
    %dma_start3A_312 = tpu.memref_slice %arg7[%dma_start3A_311] : memref<2048xi32, #tpu.memory_space<vmem>> -> memref<128xi32, #tpu.memory_space<vmem>>
    %dma_start3A_313 = arith.constant 0 : i32
    %dma_start3A_314 = arith.constant 0 : i32
    %dma_start3A_315 = tpu.memref_slice %arg3[%dma_start3A_313, %dma_start3A_314] : memref<524288x128xf32, #tpu.memory_space<hbm>> -> memref<524288x128xf32, #tpu.memory_space<hbm>>
    tpu.enqueue_indirect_dma source(%dma_start3A_315 : memref<524288x128xf32, #tpu.memory_space<hbm>>) target(%dma_start3A_310 : memref<128x128xf32, #tpu.memory_space<vmem>>) offsets(%dma_start3A_312 : memref<128xi32, #tpu.memory_space<vmem>>) semaphore(%arg13 : memref<!tpu.dma_semaphore, #tpu.memory_space<semaphore_mem>>)
    %dma_wait3A_316 = arith.constant 0 : i32
    %dma_wait3A_317 = arith.constant 0 : i32
    %dma_wait3A_318 = arith.constant 0 : i32
    %dma_wait3A_319 = tpu.memref_slice %arg8[%dma_wait3A_316, %dma_wait3A_317, %dma_wait3A_318] : memref<2x128x128xf32, #tpu.memory_space<vmem>> -> memref<1x128x128xf32, #tpu.memory_space<vmem>>
    %dma_wait3A_320 = tpu.memref_squeeze %dma_wait3A_319 : memref<1x128x128xf32, #tpu.memory_space<vmem>> -> memref<128x128xf32, #tpu.memory_space<vmem>>
    %dma_wait3A_321 = arith.constant 768 : i32
    %dma_wait3A_322 = tpu.memref_slice %arg7[%dma_wait3A_321] : memref<2048xi32, #tpu.memory_space<vmem>> -> memref<128xi32, #tpu.memory_space<vmem>>
    %dma_wait3A_323 = arith.constant 0 : i32
    %dma_wait3A_324 = arith.constant 0 : i32
    %dma_wait3A_325 = tpu.memref_slice %arg2[%dma_wait3A_323, %dma_wait3A_324] : memref<524288x128xf32, #tpu.memory_space<hbm>> -> memref<524288x128xf32, #tpu.memory_space<hbm>>
    tpu.wait_indirect_dma semaphore(%arg10 : memref<!tpu.dma_semaphore, #tpu.memory_space<semaphore_mem>>) src(%dma_wait3A_325 : memref<524288x128xf32, #tpu.memory_space<hbm>>) dst(%dma_wait3A_320 : memref<128x128xf32, #tpu.memory_space<vmem>>)
    %dma_wait3A_326 = arith.constant 0 : i32
    %dma_wait3A_327 = arith.constant 0 : i32
    %dma_wait3A_328 = arith.constant 0 : i32
    %dma_wait3A_329 = tpu.memref_slice %arg9[%dma_wait3A_326, %dma_wait3A_327, %dma_wait3A_328] : memref<2x128x128xf32, #tpu.memory_space<vmem>> -> memref<1x128x128xf32, #tpu.memory_space<vmem>>
    %dma_wait3A_330 = tpu.memref_squeeze %dma_wait3A_329 : memref<1x128x128xf32, #tpu.memory_space<vmem>> -> memref<128x128xf32, #tpu.memory_space<vmem>>
    %dma_wait3A_331 = arith.constant 768 : i32
    %dma_wait3A_332 = tpu.memref_slice %arg7[%dma_wait3A_331] : memref<2048xi32, #tpu.memory_space<vmem>> -> memref<128xi32, #tpu.memory_space<vmem>>
    %dma_wait3A_333 = arith.constant 0 : i32
    %dma_wait3A_334 = arith.constant 0 : i32
    %dma_wait3A_335 = tpu.memref_slice %arg3[%dma_wait3A_333, %dma_wait3A_334] : memref<524288x128xf32, #tpu.memory_space<hbm>> -> memref<524288x128xf32, #tpu.memory_space<hbm>>
    tpu.wait_indirect_dma semaphore(%arg12 : memref<!tpu.dma_semaphore, #tpu.memory_space<semaphore_mem>>) src(%dma_wait3A_335 : memref<524288x128xf32, #tpu.memory_space<hbm>>) dst(%dma_wait3A_330 : memref<128x128xf32, #tpu.memory_space<vmem>>)
    %add3A_336 = arith.constant 768 : i32
    %add3A_337 = arith.addi %mul3A_2, %add3A_336 : i32
    %run_scoped3A_338 = arith.constant 0 : i32
    "tpu.region"() ({
      %run_scoped3A_736 = tpu.sem_alloc : memref<!tpu.dma_semaphore, #tpu.memory_space<semaphore_mem>>
      %dma_start3A_737 = arith.constant 0 : i32
      %dma_start3A_738 = arith.constant 0 : i32
      %dma_start3A_739 = tpu.memref_slice %arg8[%run_scoped3A_338, %dma_start3A_737, %dma_start3A_738] : memref<2x128x128xf32, #tpu.memory_space<vmem>> -> memref<1x128x128xf32, #tpu.memory_space<vmem>>
      %dma_start3A_740 = tpu.memref_squeeze %dma_start3A_739 : memref<1x128x128xf32, #tpu.memory_space<vmem>> -> memref<128x128xf32, #tpu.memory_space<vmem>>
      %dma_start3A_741 = arith.constant 0 : i32
      %dma_start3A_742 = tpu.memref_slice %arg5[%add3A_337, %dma_start3A_741] : memref<65536x128xf32, #tpu.memory_space<hbm>> -> memref<128x128xf32, #tpu.memory_space<hbm>>
      %dma_start3A_743 = arith.constant 0 : i32
      %dma_start3A_744 = tpu.memref_slice %arg5[%add3A_337, %dma_start3A_743] : memref<65536x128xf32, #tpu.memory_space<hbm>> -> memref<128x128xf32, #tpu.memory_space<hbm>>
      %dma_start3A_745 = arith.constant 0 : i32
      %dma_start3A_746 = arith.constant 0 : i32
      %dma_start3A_747 = tpu.memref_slice %arg8[%run_scoped3A_338, %dma_start3A_745, %dma_start3A_746] : memref<2x128x128xf32, #tpu.memory_space<vmem>> -> memref<1x128x128xf32, #tpu.memory_space<vmem>>
      %dma_start3A_748 = tpu.memref_squeeze %dma_start3A_747 : memref<1x128x128xf32, #tpu.memory_space<vmem>> -> memref<128x128xf32, #tpu.memory_space<vmem>>
      tpu.enqueue_dma source(%dma_start3A_748 : memref<128x128xf32, #tpu.memory_space<vmem>>) target(%dma_start3A_744 : memref<128x128xf32, #tpu.memory_space<hbm>>) target_semaphore(%run_scoped3A_736 : memref<!tpu.dma_semaphore, #tpu.memory_space<semaphore_mem>>)
      %dma_wait3A_749 = arith.constant 0 : i32
      %dma_wait3A_750 = arith.constant 0 : i32
      %dma_wait3A_751 = tpu.memref_slice %arg8[%run_scoped3A_338, %dma_wait3A_749, %dma_wait3A_750] : memref<2x128x128xf32, #tpu.memory_space<vmem>> -> memref<1x128x128xf32, #tpu.memory_space<vmem>>
      %dma_wait3A_752 = tpu.memref_squeeze %dma_wait3A_751 : memref<1x128x128xf32, #tpu.memory_space<vmem>> -> memref<128x128xf32, #tpu.memory_space<vmem>>
      %dma_wait3A_753 = arith.constant 0 : i32
      %dma_wait3A_754 = tpu.memref_slice %arg5[%add3A_337, %dma_wait3A_753] : memref<65536x128xf32, #tpu.memory_space<hbm>> -> memref<128x128xf32, #tpu.memory_space<hbm>>
      %dma_wait3A_755 = arith.constant 0 : i32
      %dma_wait3A_756 = tpu.memref_slice %arg5[%add3A_337, %dma_wait3A_755] : memref<65536x128xf32, #tpu.memory_space<hbm>> -> memref<128x128xf32, #tpu.memory_space<hbm>>
      %dma_wait3A_757 = arith.constant 0 : i32
      %dma_wait3A_758 = arith.constant 0 : i32
      %dma_wait3A_759 = tpu.memref_slice %arg8[%run_scoped3A_338, %dma_wait3A_757, %dma_wait3A_758] : memref<2x128x128xf32, #tpu.memory_space<vmem>> -> memref<1x128x128xf32, #tpu.memory_space<vmem>>
      %dma_wait3A_760 = tpu.memref_squeeze %dma_wait3A_759 : memref<1x128x128xf32, #tpu.memory_space<vmem>> -> memref<128x128xf32, #tpu.memory_space<vmem>>
      tpu.wait_dma2 semaphore(%run_scoped3A_736 : memref<!tpu.dma_semaphore, #tpu.memory_space<semaphore_mem>>) src(%dma_wait3A_760 : memref<128x128xf32, #tpu.memory_space<vmem>>) dst(%dma_wait3A_756 : memref<128x128xf32, #tpu.memory_space<hbm>>)
      tpu.yield
    }) : () -> ()
    %add3A_339 = arith.constant 768 : i32
    %add3A_340 = arith.addi %mul3A_2, %add3A_339 : i32
    %run_scoped3A_341 = arith.constant 0 : i32
    "tpu.region"() ({
      %run_scoped3A_736 = tpu.sem_alloc : memref<!tpu.dma_semaphore, #tpu.memory_space<semaphore_mem>>
      %dma_start3A_737 = arith.constant 0 : i32
      %dma_start3A_738 = arith.constant 0 : i32
      %dma_start3A_739 = tpu.memref_slice %arg9[%run_scoped3A_341, %dma_start3A_737, %dma_start3A_738] : memref<2x128x128xf32, #tpu.memory_space<vmem>> -> memref<1x128x128xf32, #tpu.memory_space<vmem>>
      %dma_start3A_740 = tpu.memref_squeeze %dma_start3A_739 : memref<1x128x128xf32, #tpu.memory_space<vmem>> -> memref<128x128xf32, #tpu.memory_space<vmem>>
      %dma_start3A_741 = arith.constant 0 : i32
      %dma_start3A_742 = tpu.memref_slice %arg6[%add3A_340, %dma_start3A_741] : memref<65536x128xf32, #tpu.memory_space<hbm>> -> memref<128x128xf32, #tpu.memory_space<hbm>>
      %dma_start3A_743 = arith.constant 0 : i32
      %dma_start3A_744 = tpu.memref_slice %arg6[%add3A_340, %dma_start3A_743] : memref<65536x128xf32, #tpu.memory_space<hbm>> -> memref<128x128xf32, #tpu.memory_space<hbm>>
      %dma_start3A_745 = arith.constant 0 : i32
      %dma_start3A_746 = arith.constant 0 : i32
      %dma_start3A_747 = tpu.memref_slice %arg9[%run_scoped3A_341, %dma_start3A_745, %dma_start3A_746] : memref<2x128x128xf32, #tpu.memory_space<vmem>> -> memref<1x128x128xf32, #tpu.memory_space<vmem>>
      %dma_start3A_748 = tpu.memref_squeeze %dma_start3A_747 : memref<1x128x128xf32, #tpu.memory_space<vmem>> -> memref<128x128xf32, #tpu.memory_space<vmem>>
      tpu.enqueue_dma source(%dma_start3A_748 : memref<128x128xf32, #tpu.memory_space<vmem>>) target(%dma_start3A_744 : memref<128x128xf32, #tpu.memory_space<hbm>>) target_semaphore(%run_scoped3A_736 : memref<!tpu.dma_semaphore, #tpu.memory_space<semaphore_mem>>)
      %dma_wait3A_749 = arith.constant 0 : i32
      %dma_wait3A_750 = arith.constant 0 : i32
      %dma_wait3A_751 = tpu.memref_slice %arg9[%run_scoped3A_341, %dma_wait3A_749, %dma_wait3A_750] : memref<2x128x128xf32, #tpu.memory_space<vmem>> -> memref<1x128x128xf32, #tpu.memory_space<vmem>>
      %dma_wait3A_752 = tpu.memref_squeeze %dma_wait3A_751 : memref<1x128x128xf32, #tpu.memory_space<vmem>> -> memref<128x128xf32, #tpu.memory_space<vmem>>
      %dma_wait3A_753 = arith.constant 0 : i32
      %dma_wait3A_754 = tpu.memref_slice %arg6[%add3A_340, %dma_wait3A_753] : memref<65536x128xf32, #tpu.memory_space<hbm>> -> memref<128x128xf32, #tpu.memory_space<hbm>>
      %dma_wait3A_755 = arith.constant 0 : i32
      %dma_wait3A_756 = tpu.memref_slice %arg6[%add3A_340, %dma_wait3A_755] : memref<65536x128xf32, #tpu.memory_space<hbm>> -> memref<128x128xf32, #tpu.memory_space<hbm>>
      %dma_wait3A_757 = arith.constant 0 : i32
      %dma_wait3A_758 = arith.constant 0 : i32
      %dma_wait3A_759 = tpu.memref_slice %arg9[%run_scoped3A_341, %dma_wait3A_757, %dma_wait3A_758] : memref<2x128x128xf32, #tpu.memory_space<vmem>> -> memref<1x128x128xf32, #tpu.memory_space<vmem>>
      %dma_wait3A_760 = tpu.memref_squeeze %dma_wait3A_759 : memref<1x128x128xf32, #tpu.memory_space<vmem>> -> memref<128x128xf32, #tpu.memory_space<vmem>>
      tpu.wait_dma2 semaphore(%run_scoped3A_736 : memref<!tpu.dma_semaphore, #tpu.memory_space<semaphore_mem>>) src(%dma_wait3A_760 : memref<128x128xf32, #tpu.memory_space<vmem>>) dst(%dma_wait3A_756 : memref<128x128xf32, #tpu.memory_space<hbm>>)
      tpu.yield
    }) : () -> ()
    %dma_start3A_342 = arith.constant 0 : i32
    %dma_start3A_343 = arith.constant 0 : i32
    %dma_start3A_344 = arith.constant 0 : i32
    %dma_start3A_345 = tpu.memref_slice %arg8[%dma_start3A_342, %dma_start3A_343, %dma_start3A_344] : memref<2x128x128xf32, #tpu.memory_space<vmem>> -> memref<1x128x128xf32, #tpu.memory_space<vmem>>
    %dma_start3A_346 = tpu.memref_squeeze %dma_start3A_345 : memref<1x128x128xf32, #tpu.memory_space<vmem>> -> memref<128x128xf32, #tpu.memory_space<vmem>>
    %dma_start3A_347 = arith.constant 1024 : i32
    %dma_start3A_348 = tpu.memref_slice %arg7[%dma_start3A_347] : memref<2048xi32, #tpu.memory_space<vmem>> -> memref<128xi32, #tpu.memory_space<vmem>>
    %dma_start3A_349 = arith.constant 0 : i32
    %dma_start3A_350 = arith.constant 0 : i32
    %dma_start3A_351 = tpu.memref_slice %arg2[%dma_start3A_349, %dma_start3A_350] : memref<524288x128xf32, #tpu.memory_space<hbm>> -> memref<524288x128xf32, #tpu.memory_space<hbm>>
    tpu.enqueue_indirect_dma source(%dma_start3A_351 : memref<524288x128xf32, #tpu.memory_space<hbm>>) target(%dma_start3A_346 : memref<128x128xf32, #tpu.memory_space<vmem>>) offsets(%dma_start3A_348 : memref<128xi32, #tpu.memory_space<vmem>>) semaphore(%arg10 : memref<!tpu.dma_semaphore, #tpu.memory_space<semaphore_mem>>)
    %dma_start3A_352 = arith.constant 0 : i32
    %dma_start3A_353 = arith.constant 0 : i32
    %dma_start3A_354 = arith.constant 0 : i32
    %dma_start3A_355 = tpu.memref_slice %arg9[%dma_start3A_352, %dma_start3A_353, %dma_start3A_354] : memref<2x128x128xf32, #tpu.memory_space<vmem>> -> memref<1x128x128xf32, #tpu.memory_space<vmem>>
    %dma_start3A_356 = tpu.memref_squeeze %dma_start3A_355 : memref<1x128x128xf32, #tpu.memory_space<vmem>> -> memref<128x128xf32, #tpu.memory_space<vmem>>
    %dma_start3A_357 = arith.constant 1024 : i32
    %dma_start3A_358 = tpu.memref_slice %arg7[%dma_start3A_357] : memref<2048xi32, #tpu.memory_space<vmem>> -> memref<128xi32, #tpu.memory_space<vmem>>
    %dma_start3A_359 = arith.constant 0 : i32
    %dma_start3A_360 = arith.constant 0 : i32
    %dma_start3A_361 = tpu.memref_slice %arg3[%dma_start3A_359, %dma_start3A_360] : memref<524288x128xf32, #tpu.memory_space<hbm>> -> memref<524288x128xf32, #tpu.memory_space<hbm>>
    tpu.enqueue_indirect_dma source(%dma_start3A_361 : memref<524288x128xf32, #tpu.memory_space<hbm>>) target(%dma_start3A_356 : memref<128x128xf32, #tpu.memory_space<vmem>>) offsets(%dma_start3A_358 : memref<128xi32, #tpu.memory_space<vmem>>) semaphore(%arg12 : memref<!tpu.dma_semaphore, #tpu.memory_space<semaphore_mem>>)
    %dma_wait3A_362 = arith.constant 1 : i32
    %dma_wait3A_363 = arith.constant 0 : i32
    %dma_wait3A_364 = arith.constant 0 : i32
    %dma_wait3A_365 = tpu.memref_slice %arg8[%dma_wait3A_362, %dma_wait3A_363, %dma_wait3A_364] : memref<2x128x128xf32, #tpu.memory_space<vmem>> -> memref<1x128x128xf32, #tpu.memory_space<vmem>>
    %dma_wait3A_366 = tpu.memref_squeeze %dma_wait3A_365 : memref<1x128x128xf32, #tpu.memory_space<vmem>> -> memref<128x128xf32, #tpu.memory_space<vmem>>
    %dma_wait3A_367 = arith.constant 896 : i32
    %dma_wait3A_368 = tpu.memref_slice %arg7[%dma_wait3A_367] : memref<2048xi32, #tpu.memory_space<vmem>> -> memref<128xi32, #tpu.memory_space<vmem>>
    %dma_wait3A_369 = arith.constant 0 : i32
    %dma_wait3A_370 = arith.constant 0 : i32
    %dma_wait3A_371 = tpu.memref_slice %arg2[%dma_wait3A_369, %dma_wait3A_370] : memref<524288x128xf32, #tpu.memory_space<hbm>> -> memref<524288x128xf32, #tpu.memory_space<hbm>>
    tpu.wait_indirect_dma semaphore(%arg11 : memref<!tpu.dma_semaphore, #tpu.memory_space<semaphore_mem>>) src(%dma_wait3A_371 : memref<524288x128xf32, #tpu.memory_space<hbm>>) dst(%dma_wait3A_366 : memref<128x128xf32, #tpu.memory_space<vmem>>)
    %dma_wait3A_372 = arith.constant 1 : i32
    %dma_wait3A_373 = arith.constant 0 : i32
    %dma_wait3A_374 = arith.constant 0 : i32
    %dma_wait3A_375 = tpu.memref_slice %arg9[%dma_wait3A_372, %dma_wait3A_373, %dma_wait3A_374] : memref<2x128x128xf32, #tpu.memory_space<vmem>> -> memref<1x128x128xf32, #tpu.memory_space<vmem>>
    %dma_wait3A_376 = tpu.memref_squeeze %dma_wait3A_375 : memref<1x128x128xf32, #tpu.memory_space<vmem>> -> memref<128x128xf32, #tpu.memory_space<vmem>>
    %dma_wait3A_377 = arith.constant 896 : i32
    %dma_wait3A_378 = tpu.memref_slice %arg7[%dma_wait3A_377] : memref<2048xi32, #tpu.memory_space<vmem>> -> memref<128xi32, #tpu.memory_space<vmem>>
    %dma_wait3A_379 = arith.constant 0 : i32
    %dma_wait3A_380 = arith.constant 0 : i32
    %dma_wait3A_381 = tpu.memref_slice %arg3[%dma_wait3A_379, %dma_wait3A_380] : memref<524288x128xf32, #tpu.memory_space<hbm>> -> memref<524288x128xf32, #tpu.memory_space<hbm>>
    tpu.wait_indirect_dma semaphore(%arg13 : memref<!tpu.dma_semaphore, #tpu.memory_space<semaphore_mem>>) src(%dma_wait3A_381 : memref<524288x128xf32, #tpu.memory_space<hbm>>) dst(%dma_wait3A_376 : memref<128x128xf32, #tpu.memory_space<vmem>>)
    %add3A_382 = arith.constant 896 : i32
    %add3A_383 = arith.addi %mul3A_2, %add3A_382 : i32
    %run_scoped3A_384 = arith.constant 1 : i32
    "tpu.region"() ({
      %run_scoped3A_736 = tpu.sem_alloc : memref<!tpu.dma_semaphore, #tpu.memory_space<semaphore_mem>>
      %dma_start3A_737 = arith.constant 0 : i32
      %dma_start3A_738 = arith.constant 0 : i32
      %dma_start3A_739 = tpu.memref_slice %arg8[%run_scoped3A_384, %dma_start3A_737, %dma_start3A_738] : memref<2x128x128xf32, #tpu.memory_space<vmem>> -> memref<1x128x128xf32, #tpu.memory_space<vmem>>
      %dma_start3A_740 = tpu.memref_squeeze %dma_start3A_739 : memref<1x128x128xf32, #tpu.memory_space<vmem>> -> memref<128x128xf32, #tpu.memory_space<vmem>>
      %dma_start3A_741 = arith.constant 0 : i32
      %dma_start3A_742 = tpu.memref_slice %arg5[%add3A_383, %dma_start3A_741] : memref<65536x128xf32, #tpu.memory_space<hbm>> -> memref<128x128xf32, #tpu.memory_space<hbm>>
      %dma_start3A_743 = arith.constant 0 : i32
      %dma_start3A_744 = tpu.memref_slice %arg5[%add3A_383, %dma_start3A_743] : memref<65536x128xf32, #tpu.memory_space<hbm>> -> memref<128x128xf32, #tpu.memory_space<hbm>>
      %dma_start3A_745 = arith.constant 0 : i32
      %dma_start3A_746 = arith.constant 0 : i32
      %dma_start3A_747 = tpu.memref_slice %arg8[%run_scoped3A_384, %dma_start3A_745, %dma_start3A_746] : memref<2x128x128xf32, #tpu.memory_space<vmem>> -> memref<1x128x128xf32, #tpu.memory_space<vmem>>
      %dma_start3A_748 = tpu.memref_squeeze %dma_start3A_747 : memref<1x128x128xf32, #tpu.memory_space<vmem>> -> memref<128x128xf32, #tpu.memory_space<vmem>>
      tpu.enqueue_dma source(%dma_start3A_748 : memref<128x128xf32, #tpu.memory_space<vmem>>) target(%dma_start3A_744 : memref<128x128xf32, #tpu.memory_space<hbm>>) target_semaphore(%run_scoped3A_736 : memref<!tpu.dma_semaphore, #tpu.memory_space<semaphore_mem>>)
      %dma_wait3A_749 = arith.constant 0 : i32
      %dma_wait3A_750 = arith.constant 0 : i32
      %dma_wait3A_751 = tpu.memref_slice %arg8[%run_scoped3A_384, %dma_wait3A_749, %dma_wait3A_750] : memref<2x128x128xf32, #tpu.memory_space<vmem>> -> memref<1x128x128xf32, #tpu.memory_space<vmem>>
      %dma_wait3A_752 = tpu.memref_squeeze %dma_wait3A_751 : memref<1x128x128xf32, #tpu.memory_space<vmem>> -> memref<128x128xf32, #tpu.memory_space<vmem>>
      %dma_wait3A_753 = arith.constant 0 : i32
      %dma_wait3A_754 = tpu.memref_slice %arg5[%add3A_383, %dma_wait3A_753] : memref<65536x128xf32, #tpu.memory_space<hbm>> -> memref<128x128xf32, #tpu.memory_space<hbm>>
      %dma_wait3A_755 = arith.constant 0 : i32
      %dma_wait3A_756 = tpu.memref_slice %arg5[%add3A_383, %dma_wait3A_755] : memref<65536x128xf32, #tpu.memory_space<hbm>> -> memref<128x128xf32, #tpu.memory_space<hbm>>
      %dma_wait3A_757 = arith.constant 0 : i32
      %dma_wait3A_758 = arith.constant 0 : i32
      %dma_wait3A_759 = tpu.memref_slice %arg8[%run_scoped3A_384, %dma_wait3A_757, %dma_wait3A_758] : memref<2x128x128xf32, #tpu.memory_space<vmem>> -> memref<1x128x128xf32, #tpu.memory_space<vmem>>
      %dma_wait3A_760 = tpu.memref_squeeze %dma_wait3A_759 : memref<1x128x128xf32, #tpu.memory_space<vmem>> -> memref<128x128xf32, #tpu.memory_space<vmem>>
      tpu.wait_dma2 semaphore(%run_scoped3A_736 : memref<!tpu.dma_semaphore, #tpu.memory_space<semaphore_mem>>) src(%dma_wait3A_760 : memref<128x128xf32, #tpu.memory_space<vmem>>) dst(%dma_wait3A_756 : memref<128x128xf32, #tpu.memory_space<hbm>>)
      tpu.yield
    }) : () -> ()
    %add3A_385 = arith.constant 896 : i32
    %add3A_386 = arith.addi %mul3A_2, %add3A_385 : i32
    %run_scoped3A_387 = arith.constant 1 : i32
    "tpu.region"() ({
      %run_scoped3A_736 = tpu.sem_alloc : memref<!tpu.dma_semaphore, #tpu.memory_space<semaphore_mem>>
      %dma_start3A_737 = arith.constant 0 : i32
      %dma_start3A_738 = arith.constant 0 : i32
      %dma_start3A_739 = tpu.memref_slice %arg9[%run_scoped3A_387, %dma_start3A_737, %dma_start3A_738] : memref<2x128x128xf32, #tpu.memory_space<vmem>> -> memref<1x128x128xf32, #tpu.memory_space<vmem>>
      %dma_start3A_740 = tpu.memref_squeeze %dma_start3A_739 : memref<1x128x128xf32, #tpu.memory_space<vmem>> -> memref<128x128xf32, #tpu.memory_space<vmem>>
      %dma_start3A_741 = arith.constant 0 : i32
      %dma_start3A_742 = tpu.memref_slice %arg6[%add3A_386, %dma_start3A_741] : memref<65536x128xf32, #tpu.memory_space<hbm>> -> memref<128x128xf32, #tpu.memory_space<hbm>>
      %dma_start3A_743 = arith.constant 0 : i32
      %dma_start3A_744 = tpu.memref_slice %arg6[%add3A_386, %dma_start3A_743] : memref<65536x128xf32, #tpu.memory_space<hbm>> -> memref<128x128xf32, #tpu.memory_space<hbm>>
      %dma_start3A_745 = arith.constant 0 : i32
      %dma_start3A_746 = arith.constant 0 : i32
      %dma_start3A_747 = tpu.memref_slice %arg9[%run_scoped3A_387, %dma_start3A_745, %dma_start3A_746] : memref<2x128x128xf32, #tpu.memory_space<vmem>> -> memref<1x128x128xf32, #tpu.memory_space<vmem>>
      %dma_start3A_748 = tpu.memref_squeeze %dma_start3A_747 : memref<1x128x128xf32, #tpu.memory_space<vmem>> -> memref<128x128xf32, #tpu.memory_space<vmem>>
      tpu.enqueue_dma source(%dma_start3A_748 : memref<128x128xf32, #tpu.memory_space<vmem>>) target(%dma_start3A_744 : memref<128x128xf32, #tpu.memory_space<hbm>>) target_semaphore(%run_scoped3A_736 : memref<!tpu.dma_semaphore, #tpu.memory_space<semaphore_mem>>)
      %dma_wait3A_749 = arith.constant 0 : i32
      %dma_wait3A_750 = arith.constant 0 : i32
      %dma_wait3A_751 = tpu.memref_slice %arg9[%run_scoped3A_387, %dma_wait3A_749, %dma_wait3A_750] : memref<2x128x128xf32, #tpu.memory_space<vmem>> -> memref<1x128x128xf32, #tpu.memory_space<vmem>>
      %dma_wait3A_752 = tpu.memref_squeeze %dma_wait3A_751 : memref<1x128x128xf32, #tpu.memory_space<vmem>> -> memref<128x128xf32, #tpu.memory_space<vmem>>
      %dma_wait3A_753 = arith.constant 0 : i32
      %dma_wait3A_754 = tpu.memref_slice %arg6[%add3A_386, %dma_wait3A_753] : memref<65536x128xf32, #tpu.memory_space<hbm>> -> memref<128x128xf32, #tpu.memory_space<hbm>>
      %dma_wait3A_755 = arith.constant 0 : i32
      %dma_wait3A_756 = tpu.memref_slice %arg6[%add3A_386, %dma_wait3A_755] : memref<65536x128xf32, #tpu.memory_space<hbm>> -> memref<128x128xf32, #tpu.memory_space<hbm>>
      %dma_wait3A_757 = arith.constant 0 : i32
      %dma_wait3A_758 = arith.constant 0 : i32
      %dma_wait3A_759 = tpu.memref_slice %arg9[%run_scoped3A_387, %dma_wait3A_757, %dma_wait3A_758] : memref<2x128x128xf32, #tpu.memory_space<vmem>> -> memref<1x128x128xf32, #tpu.memory_space<vmem>>
      %dma_wait3A_760 = tpu.memref_squeeze %dma_wait3A_759 : memref<1x128x128xf32, #tpu.memory_space<vmem>> -> memref<128x128xf32, #tpu.memory_space<vmem>>
      tpu.wait_dma2 semaphore(%run_scoped3A_736 : memref<!tpu.dma_semaphore, #tpu.memory_space<semaphore_mem>>) src(%dma_wait3A_760 : memref<128x128xf32, #tpu.memory_space<vmem>>) dst(%dma_wait3A_756 : memref<128x128xf32, #tpu.memory_space<hbm>>)
      tpu.yield
    }) : () -> ()
    %dma_start3A_388 = arith.constant 1 : i32
    %dma_start3A_389 = arith.constant 0 : i32
    %dma_start3A_390 = arith.constant 0 : i32
    %dma_start3A_391 = tpu.memref_slice %arg8[%dma_start3A_388, %dma_start3A_389, %dma_start3A_390] : memref<2x128x128xf32, #tpu.memory_space<vmem>> -> memref<1x128x128xf32, #tpu.memory_space<vmem>>
    %dma_start3A_392 = tpu.memref_squeeze %dma_start3A_391 : memref<1x128x128xf32, #tpu.memory_space<vmem>> -> memref<128x128xf32, #tpu.memory_space<vmem>>
    %dma_start3A_393 = arith.constant 1152 : i32
    %dma_start3A_394 = tpu.memref_slice %arg7[%dma_start3A_393] : memref<2048xi32, #tpu.memory_space<vmem>> -> memref<128xi32, #tpu.memory_space<vmem>>
    %dma_start3A_395 = arith.constant 0 : i32
    %dma_start3A_396 = arith.constant 0 : i32
    %dma_start3A_397 = tpu.memref_slice %arg2[%dma_start3A_395, %dma_start3A_396] : memref<524288x128xf32, #tpu.memory_space<hbm>> -> memref<524288x128xf32, #tpu.memory_space<hbm>>
    tpu.enqueue_indirect_dma source(%dma_start3A_397 : memref<524288x128xf32, #tpu.memory_space<hbm>>) target(%dma_start3A_392 : memref<128x128xf32, #tpu.memory_space<vmem>>) offsets(%dma_start3A_394 : memref<128xi32, #tpu.memory_space<vmem>>) semaphore(%arg11 : memref<!tpu.dma_semaphore, #tpu.memory_space<semaphore_mem>>)
    %dma_start3A_398 = arith.constant 1 : i32
    %dma_start3A_399 = arith.constant 0 : i32
    %dma_start3A_400 = arith.constant 0 : i32
    %dma_start3A_401 = tpu.memref_slice %arg9[%dma_start3A_398, %dma_start3A_399, %dma_start3A_400] : memref<2x128x128xf32, #tpu.memory_space<vmem>> -> memref<1x128x128xf32, #tpu.memory_space<vmem>>
    %dma_start3A_402 = tpu.memref_squeeze %dma_start3A_401 : memref<1x128x128xf32, #tpu.memory_space<vmem>> -> memref<128x128xf32, #tpu.memory_space<vmem>>
    %dma_start3A_403 = arith.constant 1152 : i32
    %dma_start3A_404 = tpu.memref_slice %arg7[%dma_start3A_403] : memref<2048xi32, #tpu.memory_space<vmem>> -> memref<128xi32, #tpu.memory_space<vmem>>
    %dma_start3A_405 = arith.constant 0 : i32
    %dma_start3A_406 = arith.constant 0 : i32
    %dma_start3A_407 = tpu.memref_slice %arg3[%dma_start3A_405, %dma_start3A_406] : memref<524288x128xf32, #tpu.memory_space<hbm>> -> memref<524288x128xf32, #tpu.memory_space<hbm>>
    tpu.enqueue_indirect_dma source(%dma_start3A_407 : memref<524288x128xf32, #tpu.memory_space<hbm>>) target(%dma_start3A_402 : memref<128x128xf32, #tpu.memory_space<vmem>>) offsets(%dma_start3A_404 : memref<128xi32, #tpu.memory_space<vmem>>) semaphore(%arg13 : memref<!tpu.dma_semaphore, #tpu.memory_space<semaphore_mem>>)
    %dma_wait3A_408 = arith.constant 0 : i32
    %dma_wait3A_409 = arith.constant 0 : i32
    %dma_wait3A_410 = arith.constant 0 : i32
    %dma_wait3A_411 = tpu.memref_slice %arg8[%dma_wait3A_408, %dma_wait3A_409, %dma_wait3A_410] : memref<2x128x128xf32, #tpu.memory_space<vmem>> -> memref<1x128x128xf32, #tpu.memory_space<vmem>>
    %dma_wait3A_412 = tpu.memref_squeeze %dma_wait3A_411 : memref<1x128x128xf32, #tpu.memory_space<vmem>> -> memref<128x128xf32, #tpu.memory_space<vmem>>
    %dma_wait3A_413 = arith.constant 1024 : i32
    %dma_wait3A_414 = tpu.memref_slice %arg7[%dma_wait3A_413] : memref<2048xi32, #tpu.memory_space<vmem>> -> memref<128xi32, #tpu.memory_space<vmem>>
    %dma_wait3A_415 = arith.constant 0 : i32
    %dma_wait3A_416 = arith.constant 0 : i32
    %dma_wait3A_417 = tpu.memref_slice %arg2[%dma_wait3A_415, %dma_wait3A_416] : memref<524288x128xf32, #tpu.memory_space<hbm>> -> memref<524288x128xf32, #tpu.memory_space<hbm>>
    tpu.wait_indirect_dma semaphore(%arg10 : memref<!tpu.dma_semaphore, #tpu.memory_space<semaphore_mem>>) src(%dma_wait3A_417 : memref<524288x128xf32, #tpu.memory_space<hbm>>) dst(%dma_wait3A_412 : memref<128x128xf32, #tpu.memory_space<vmem>>)
    %dma_wait3A_418 = arith.constant 0 : i32
    %dma_wait3A_419 = arith.constant 0 : i32
    %dma_wait3A_420 = arith.constant 0 : i32
    %dma_wait3A_421 = tpu.memref_slice %arg9[%dma_wait3A_418, %dma_wait3A_419, %dma_wait3A_420] : memref<2x128x128xf32, #tpu.memory_space<vmem>> -> memref<1x128x128xf32, #tpu.memory_space<vmem>>
    %dma_wait3A_422 = tpu.memref_squeeze %dma_wait3A_421 : memref<1x128x128xf32, #tpu.memory_space<vmem>> -> memref<128x128xf32, #tpu.memory_space<vmem>>
    %dma_wait3A_423 = arith.constant 1024 : i32
    %dma_wait3A_424 = tpu.memref_slice %arg7[%dma_wait3A_423] : memref<2048xi32, #tpu.memory_space<vmem>> -> memref<128xi32, #tpu.memory_space<vmem>>
    %dma_wait3A_425 = arith.constant 0 : i32
    %dma_wait3A_426 = arith.constant 0 : i32
    %dma_wait3A_427 = tpu.memref_slice %arg3[%dma_wait3A_425, %dma_wait3A_426] : memref<524288x128xf32, #tpu.memory_space<hbm>> -> memref<524288x128xf32, #tpu.memory_space<hbm>>
    tpu.wait_indirect_dma semaphore(%arg12 : memref<!tpu.dma_semaphore, #tpu.memory_space<semaphore_mem>>) src(%dma_wait3A_427 : memref<524288x128xf32, #tpu.memory_space<hbm>>) dst(%dma_wait3A_422 : memref<128x128xf32, #tpu.memory_space<vmem>>)
    %add3A_428 = arith.constant 1024 : i32
    %add3A_429 = arith.addi %mul3A_2, %add3A_428 : i32
    %run_scoped3A_430 = arith.constant 0 : i32
    "tpu.region"() ({
      %run_scoped3A_736 = tpu.sem_alloc : memref<!tpu.dma_semaphore, #tpu.memory_space<semaphore_mem>>
      %dma_start3A_737 = arith.constant 0 : i32
      %dma_start3A_738 = arith.constant 0 : i32
      %dma_start3A_739 = tpu.memref_slice %arg8[%run_scoped3A_430, %dma_start3A_737, %dma_start3A_738] : memref<2x128x128xf32, #tpu.memory_space<vmem>> -> memref<1x128x128xf32, #tpu.memory_space<vmem>>
      %dma_start3A_740 = tpu.memref_squeeze %dma_start3A_739 : memref<1x128x128xf32, #tpu.memory_space<vmem>> -> memref<128x128xf32, #tpu.memory_space<vmem>>
      %dma_start3A_741 = arith.constant 0 : i32
      %dma_start3A_742 = tpu.memref_slice %arg5[%add3A_429, %dma_start3A_741] : memref<65536x128xf32, #tpu.memory_space<hbm>> -> memref<128x128xf32, #tpu.memory_space<hbm>>
      %dma_start3A_743 = arith.constant 0 : i32
      %dma_start3A_744 = tpu.memref_slice %arg5[%add3A_429, %dma_start3A_743] : memref<65536x128xf32, #tpu.memory_space<hbm>> -> memref<128x128xf32, #tpu.memory_space<hbm>>
      %dma_start3A_745 = arith.constant 0 : i32
      %dma_start3A_746 = arith.constant 0 : i32
      %dma_start3A_747 = tpu.memref_slice %arg8[%run_scoped3A_430, %dma_start3A_745, %dma_start3A_746] : memref<2x128x128xf32, #tpu.memory_space<vmem>> -> memref<1x128x128xf32, #tpu.memory_space<vmem>>
      %dma_start3A_748 = tpu.memref_squeeze %dma_start3A_747 : memref<1x128x128xf32, #tpu.memory_space<vmem>> -> memref<128x128xf32, #tpu.memory_space<vmem>>
      tpu.enqueue_dma source(%dma_start3A_748 : memref<128x128xf32, #tpu.memory_space<vmem>>) target(%dma_start3A_744 : memref<128x128xf32, #tpu.memory_space<hbm>>) target_semaphore(%run_scoped3A_736 : memref<!tpu.dma_semaphore, #tpu.memory_space<semaphore_mem>>)
      %dma_wait3A_749 = arith.constant 0 : i32
      %dma_wait3A_750 = arith.constant 0 : i32
      %dma_wait3A_751 = tpu.memref_slice %arg8[%run_scoped3A_430, %dma_wait3A_749, %dma_wait3A_750] : memref<2x128x128xf32, #tpu.memory_space<vmem>> -> memref<1x128x128xf32, #tpu.memory_space<vmem>>
      %dma_wait3A_752 = tpu.memref_squeeze %dma_wait3A_751 : memref<1x128x128xf32, #tpu.memory_space<vmem>> -> memref<128x128xf32, #tpu.memory_space<vmem>>
      %dma_wait3A_753 = arith.constant 0 : i32
      %dma_wait3A_754 = tpu.memref_slice %arg5[%add3A_429, %dma_wait3A_753] : memref<65536x128xf32, #tpu.memory_space<hbm>> -> memref<128x128xf32, #tpu.memory_space<hbm>>
      %dma_wait3A_755 = arith.constant 0 : i32
      %dma_wait3A_756 = tpu.memref_slice %arg5[%add3A_429, %dma_wait3A_755] : memref<65536x128xf32, #tpu.memory_space<hbm>> -> memref<128x128xf32, #tpu.memory_space<hbm>>
      %dma_wait3A_757 = arith.constant 0 : i32
      %dma_wait3A_758 = arith.constant 0 : i32
      %dma_wait3A_759 = tpu.memref_slice %arg8[%run_scoped3A_430, %dma_wait3A_757, %dma_wait3A_758] : memref<2x128x128xf32, #tpu.memory_space<vmem>> -> memref<1x128x128xf32, #tpu.memory_space<vmem>>
      %dma_wait3A_760 = tpu.memref_squeeze %dma_wait3A_759 : memref<1x128x128xf32, #tpu.memory_space<vmem>> -> memref<128x128xf32, #tpu.memory_space<vmem>>
      tpu.wait_dma2 semaphore(%run_scoped3A_736 : memref<!tpu.dma_semaphore, #tpu.memory_space<semaphore_mem>>) src(%dma_wait3A_760 : memref<128x128xf32, #tpu.memory_space<vmem>>) dst(%dma_wait3A_756 : memref<128x128xf32, #tpu.memory_space<hbm>>)
      tpu.yield
    }) : () -> ()
    %add3A_431 = arith.constant 1024 : i32
    %add3A_432 = arith.addi %mul3A_2, %add3A_431 : i32
    %run_scoped3A_433 = arith.constant 0 : i32
    "tpu.region"() ({
      %run_scoped3A_736 = tpu.sem_alloc : memref<!tpu.dma_semaphore, #tpu.memory_space<semaphore_mem>>
      %dma_start3A_737 = arith.constant 0 : i32
      %dma_start3A_738 = arith.constant 0 : i32
      %dma_start3A_739 = tpu.memref_slice %arg9[%run_scoped3A_433, %dma_start3A_737, %dma_start3A_738] : memref<2x128x128xf32, #tpu.memory_space<vmem>> -> memref<1x128x128xf32, #tpu.memory_space<vmem>>
      %dma_start3A_740 = tpu.memref_squeeze %dma_start3A_739 : memref<1x128x128xf32, #tpu.memory_space<vmem>> -> memref<128x128xf32, #tpu.memory_space<vmem>>
      %dma_start3A_741 = arith.constant 0 : i32
      %dma_start3A_742 = tpu.memref_slice %arg6[%add3A_432, %dma_start3A_741] : memref<65536x128xf32, #tpu.memory_space<hbm>> -> memref<128x128xf32, #tpu.memory_space<hbm>>
      %dma_start3A_743 = arith.constant 0 : i32
      %dma_start3A_744 = tpu.memref_slice %arg6[%add3A_432, %dma_start3A_743] : memref<65536x128xf32, #tpu.memory_space<hbm>> -> memref<128x128xf32, #tpu.memory_space<hbm>>
      %dma_start3A_745 = arith.constant 0 : i32
      %dma_start3A_746 = arith.constant 0 : i32
      %dma_start3A_747 = tpu.memref_slice %arg9[%run_scoped3A_433, %dma_start3A_745, %dma_start3A_746] : memref<2x128x128xf32, #tpu.memory_space<vmem>> -> memref<1x128x128xf32, #tpu.memory_space<vmem>>
      %dma_start3A_748 = tpu.memref_squeeze %dma_start3A_747 : memref<1x128x128xf32, #tpu.memory_space<vmem>> -> memref<128x128xf32, #tpu.memory_space<vmem>>
      tpu.enqueue_dma source(%dma_start3A_748 : memref<128x128xf32, #tpu.memory_space<vmem>>) target(%dma_start3A_744 : memref<128x128xf32, #tpu.memory_space<hbm>>) target_semaphore(%run_scoped3A_736 : memref<!tpu.dma_semaphore, #tpu.memory_space<semaphore_mem>>)
      %dma_wait3A_749 = arith.constant 0 : i32
      %dma_wait3A_750 = arith.constant 0 : i32
      %dma_wait3A_751 = tpu.memref_slice %arg9[%run_scoped3A_433, %dma_wait3A_749, %dma_wait3A_750] : memref<2x128x128xf32, #tpu.memory_space<vmem>> -> memref<1x128x128xf32, #tpu.memory_space<vmem>>
      %dma_wait3A_752 = tpu.memref_squeeze %dma_wait3A_751 : memref<1x128x128xf32, #tpu.memory_space<vmem>> -> memref<128x128xf32, #tpu.memory_space<vmem>>
      %dma_wait3A_753 = arith.constant 0 : i32
      %dma_wait3A_754 = tpu.memref_slice %arg6[%add3A_432, %dma_wait3A_753] : memref<65536x128xf32, #tpu.memory_space<hbm>> -> memref<128x128xf32, #tpu.memory_space<hbm>>
      %dma_wait3A_755 = arith.constant 0 : i32
      %dma_wait3A_756 = tpu.memref_slice %arg6[%add3A_432, %dma_wait3A_755] : memref<65536x128xf32, #tpu.memory_space<hbm>> -> memref<128x128xf32, #tpu.memory_space<hbm>>
      %dma_wait3A_757 = arith.constant 0 : i32
      %dma_wait3A_758 = arith.constant 0 : i32
      %dma_wait3A_759 = tpu.memref_slice %arg9[%run_scoped3A_433, %dma_wait3A_757, %dma_wait3A_758] : memref<2x128x128xf32, #tpu.memory_space<vmem>> -> memref<1x128x128xf32, #tpu.memory_space<vmem>>
      %dma_wait3A_760 = tpu.memref_squeeze %dma_wait3A_759 : memref<1x128x128xf32, #tpu.memory_space<vmem>> -> memref<128x128xf32, #tpu.memory_space<vmem>>
      tpu.wait_dma2 semaphore(%run_scoped3A_736 : memref<!tpu.dma_semaphore, #tpu.memory_space<semaphore_mem>>) src(%dma_wait3A_760 : memref<128x128xf32, #tpu.memory_space<vmem>>) dst(%dma_wait3A_756 : memref<128x128xf32, #tpu.memory_space<hbm>>)
      tpu.yield
    }) : () -> ()
    %dma_start3A_434 = arith.constant 0 : i32
    %dma_start3A_435 = arith.constant 0 : i32
    %dma_start3A_436 = arith.constant 0 : i32
    %dma_start3A_437 = tpu.memref_slice %arg8[%dma_start3A_434, %dma_start3A_435, %dma_start3A_436] : memref<2x128x128xf32, #tpu.memory_space<vmem>> -> memref<1x128x128xf32, #tpu.memory_space<vmem>>
    %dma_start3A_438 = tpu.memref_squeeze %dma_start3A_437 : memref<1x128x128xf32, #tpu.memory_space<vmem>> -> memref<128x128xf32, #tpu.memory_space<vmem>>
    %dma_start3A_439 = arith.constant 1280 : i32
    %dma_start3A_440 = tpu.memref_slice %arg7[%dma_start3A_439] : memref<2048xi32, #tpu.memory_space<vmem>> -> memref<128xi32, #tpu.memory_space<vmem>>
    %dma_start3A_441 = arith.constant 0 : i32
    %dma_start3A_442 = arith.constant 0 : i32
    %dma_start3A_443 = tpu.memref_slice %arg2[%dma_start3A_441, %dma_start3A_442] : memref<524288x128xf32, #tpu.memory_space<hbm>> -> memref<524288x128xf32, #tpu.memory_space<hbm>>
    tpu.enqueue_indirect_dma source(%dma_start3A_443 : memref<524288x128xf32, #tpu.memory_space<hbm>>) target(%dma_start3A_438 : memref<128x128xf32, #tpu.memory_space<vmem>>) offsets(%dma_start3A_440 : memref<128xi32, #tpu.memory_space<vmem>>) semaphore(%arg10 : memref<!tpu.dma_semaphore, #tpu.memory_space<semaphore_mem>>)
    %dma_start3A_444 = arith.constant 0 : i32
    %dma_start3A_445 = arith.constant 0 : i32
    %dma_start3A_446 = arith.constant 0 : i32
    %dma_start3A_447 = tpu.memref_slice %arg9[%dma_start3A_444, %dma_start3A_445, %dma_start3A_446] : memref<2x128x128xf32, #tpu.memory_space<vmem>> -> memref<1x128x128xf32, #tpu.memory_space<vmem>>
    %dma_start3A_448 = tpu.memref_squeeze %dma_start3A_447 : memref<1x128x128xf32, #tpu.memory_space<vmem>> -> memref<128x128xf32, #tpu.memory_space<vmem>>
    %dma_start3A_449 = arith.constant 1280 : i32
    %dma_start3A_450 = tpu.memref_slice %arg7[%dma_start3A_449] : memref<2048xi32, #tpu.memory_space<vmem>> -> memref<128xi32, #tpu.memory_space<vmem>>
    %dma_start3A_451 = arith.constant 0 : i32
    %dma_start3A_452 = arith.constant 0 : i32
    %dma_start3A_453 = tpu.memref_slice %arg3[%dma_start3A_451, %dma_start3A_452] : memref<524288x128xf32, #tpu.memory_space<hbm>> -> memref<524288x128xf32, #tpu.memory_space<hbm>>
    tpu.enqueue_indirect_dma source(%dma_start3A_453 : memref<524288x128xf32, #tpu.memory_space<hbm>>) target(%dma_start3A_448 : memref<128x128xf32, #tpu.memory_space<vmem>>) offsets(%dma_start3A_450 : memref<128xi32, #tpu.memory_space<vmem>>) semaphore(%arg12 : memref<!tpu.dma_semaphore, #tpu.memory_space<semaphore_mem>>)
    %dma_wait3A_454 = arith.constant 1 : i32
    %dma_wait3A_455 = arith.constant 0 : i32
    %dma_wait3A_456 = arith.constant 0 : i32
    %dma_wait3A_457 = tpu.memref_slice %arg8[%dma_wait3A_454, %dma_wait3A_455, %dma_wait3A_456] : memref<2x128x128xf32, #tpu.memory_space<vmem>> -> memref<1x128x128xf32, #tpu.memory_space<vmem>>
    %dma_wait3A_458 = tpu.memref_squeeze %dma_wait3A_457 : memref<1x128x128xf32, #tpu.memory_space<vmem>> -> memref<128x128xf32, #tpu.memory_space<vmem>>
    %dma_wait3A_459 = arith.constant 1152 : i32
    %dma_wait3A_460 = tpu.memref_slice %arg7[%dma_wait3A_459] : memref<2048xi32, #tpu.memory_space<vmem>> -> memref<128xi32, #tpu.memory_space<vmem>>
    %dma_wait3A_461 = arith.constant 0 : i32
    %dma_wait3A_462 = arith.constant 0 : i32
    %dma_wait3A_463 = tpu.memref_slice %arg2[%dma_wait3A_461, %dma_wait3A_462] : memref<524288x128xf32, #tpu.memory_space<hbm>> -> memref<524288x128xf32, #tpu.memory_space<hbm>>
    tpu.wait_indirect_dma semaphore(%arg11 : memref<!tpu.dma_semaphore, #tpu.memory_space<semaphore_mem>>) src(%dma_wait3A_463 : memref<524288x128xf32, #tpu.memory_space<hbm>>) dst(%dma_wait3A_458 : memref<128x128xf32, #tpu.memory_space<vmem>>)
    %dma_wait3A_464 = arith.constant 1 : i32
    %dma_wait3A_465 = arith.constant 0 : i32
    %dma_wait3A_466 = arith.constant 0 : i32
    %dma_wait3A_467 = tpu.memref_slice %arg9[%dma_wait3A_464, %dma_wait3A_465, %dma_wait3A_466] : memref<2x128x128xf32, #tpu.memory_space<vmem>> -> memref<1x128x128xf32, #tpu.memory_space<vmem>>
    %dma_wait3A_468 = tpu.memref_squeeze %dma_wait3A_467 : memref<1x128x128xf32, #tpu.memory_space<vmem>> -> memref<128x128xf32, #tpu.memory_space<vmem>>
    %dma_wait3A_469 = arith.constant 1152 : i32
    %dma_wait3A_470 = tpu.memref_slice %arg7[%dma_wait3A_469] : memref<2048xi32, #tpu.memory_space<vmem>> -> memref<128xi32, #tpu.memory_space<vmem>>
    %dma_wait3A_471 = arith.constant 0 : i32
    %dma_wait3A_472 = arith.constant 0 : i32
    %dma_wait3A_473 = tpu.memref_slice %arg3[%dma_wait3A_471, %dma_wait3A_472] : memref<524288x128xf32, #tpu.memory_space<hbm>> -> memref<524288x128xf32, #tpu.memory_space<hbm>>
    tpu.wait_indirect_dma semaphore(%arg13 : memref<!tpu.dma_semaphore, #tpu.memory_space<semaphore_mem>>) src(%dma_wait3A_473 : memref<524288x128xf32, #tpu.memory_space<hbm>>) dst(%dma_wait3A_468 : memref<128x128xf32, #tpu.memory_space<vmem>>)
    %add3A_474 = arith.constant 1152 : i32
    %add3A_475 = arith.addi %mul3A_2, %add3A_474 : i32
    %run_scoped3A_476 = arith.constant 1 : i32
    "tpu.region"() ({
      %run_scoped3A_736 = tpu.sem_alloc : memref<!tpu.dma_semaphore, #tpu.memory_space<semaphore_mem>>
      %dma_start3A_737 = arith.constant 0 : i32
      %dma_start3A_738 = arith.constant 0 : i32
      %dma_start3A_739 = tpu.memref_slice %arg8[%run_scoped3A_476, %dma_start3A_737, %dma_start3A_738] : memref<2x128x128xf32, #tpu.memory_space<vmem>> -> memref<1x128x128xf32, #tpu.memory_space<vmem>>
      %dma_start3A_740 = tpu.memref_squeeze %dma_start3A_739 : memref<1x128x128xf32, #tpu.memory_space<vmem>> -> memref<128x128xf32, #tpu.memory_space<vmem>>
      %dma_start3A_741 = arith.constant 0 : i32
      %dma_start3A_742 = tpu.memref_slice %arg5[%add3A_475, %dma_start3A_741] : memref<65536x128xf32, #tpu.memory_space<hbm>> -> memref<128x128xf32, #tpu.memory_space<hbm>>
      %dma_start3A_743 = arith.constant 0 : i32
      %dma_start3A_744 = tpu.memref_slice %arg5[%add3A_475, %dma_start3A_743] : memref<65536x128xf32, #tpu.memory_space<hbm>> -> memref<128x128xf32, #tpu.memory_space<hbm>>
      %dma_start3A_745 = arith.constant 0 : i32
      %dma_start3A_746 = arith.constant 0 : i32
      %dma_start3A_747 = tpu.memref_slice %arg8[%run_scoped3A_476, %dma_start3A_745, %dma_start3A_746] : memref<2x128x128xf32, #tpu.memory_space<vmem>> -> memref<1x128x128xf32, #tpu.memory_space<vmem>>
      %dma_start3A_748 = tpu.memref_squeeze %dma_start3A_747 : memref<1x128x128xf32, #tpu.memory_space<vmem>> -> memref<128x128xf32, #tpu.memory_space<vmem>>
      tpu.enqueue_dma source(%dma_start3A_748 : memref<128x128xf32, #tpu.memory_space<vmem>>) target(%dma_start3A_744 : memref<128x128xf32, #tpu.memory_space<hbm>>) target_semaphore(%run_scoped3A_736 : memref<!tpu.dma_semaphore, #tpu.memory_space<semaphore_mem>>)
      %dma_wait3A_749 = arith.constant 0 : i32
      %dma_wait3A_750 = arith.constant 0 : i32
      %dma_wait3A_751 = tpu.memref_slice %arg8[%run_scoped3A_476, %dma_wait3A_749, %dma_wait3A_750] : memref<2x128x128xf32, #tpu.memory_space<vmem>> -> memref<1x128x128xf32, #tpu.memory_space<vmem>>
      %dma_wait3A_752 = tpu.memref_squeeze %dma_wait3A_751 : memref<1x128x128xf32, #tpu.memory_space<vmem>> -> memref<128x128xf32, #tpu.memory_space<vmem>>
      %dma_wait3A_753 = arith.constant 0 : i32
      %dma_wait3A_754 = tpu.memref_slice %arg5[%add3A_475, %dma_wait3A_753] : memref<65536x128xf32, #tpu.memory_space<hbm>> -> memref<128x128xf32, #tpu.memory_space<hbm>>
      %dma_wait3A_755 = arith.constant 0 : i32
      %dma_wait3A_756 = tpu.memref_slice %arg5[%add3A_475, %dma_wait3A_755] : memref<65536x128xf32, #tpu.memory_space<hbm>> -> memref<128x128xf32, #tpu.memory_space<hbm>>
      %dma_wait3A_757 = arith.constant 0 : i32
      %dma_wait3A_758 = arith.constant 0 : i32
      %dma_wait3A_759 = tpu.memref_slice %arg8[%run_scoped3A_476, %dma_wait3A_757, %dma_wait3A_758] : memref<2x128x128xf32, #tpu.memory_space<vmem>> -> memref<1x128x128xf32, #tpu.memory_space<vmem>>
      %dma_wait3A_760 = tpu.memref_squeeze %dma_wait3A_759 : memref<1x128x128xf32, #tpu.memory_space<vmem>> -> memref<128x128xf32, #tpu.memory_space<vmem>>
      tpu.wait_dma2 semaphore(%run_scoped3A_736 : memref<!tpu.dma_semaphore, #tpu.memory_space<semaphore_mem>>) src(%dma_wait3A_760 : memref<128x128xf32, #tpu.memory_space<vmem>>) dst(%dma_wait3A_756 : memref<128x128xf32, #tpu.memory_space<hbm>>)
      tpu.yield
    }) : () -> ()
    %add3A_477 = arith.constant 1152 : i32
    %add3A_478 = arith.addi %mul3A_2, %add3A_477 : i32
    %run_scoped3A_479 = arith.constant 1 : i32
    "tpu.region"() ({
      %run_scoped3A_736 = tpu.sem_alloc : memref<!tpu.dma_semaphore, #tpu.memory_space<semaphore_mem>>
      %dma_start3A_737 = arith.constant 0 : i32
      %dma_start3A_738 = arith.constant 0 : i32
      %dma_start3A_739 = tpu.memref_slice %arg9[%run_scoped3A_479, %dma_start3A_737, %dma_start3A_738] : memref<2x128x128xf32, #tpu.memory_space<vmem>> -> memref<1x128x128xf32, #tpu.memory_space<vmem>>
      %dma_start3A_740 = tpu.memref_squeeze %dma_start3A_739 : memref<1x128x128xf32, #tpu.memory_space<vmem>> -> memref<128x128xf32, #tpu.memory_space<vmem>>
      %dma_start3A_741 = arith.constant 0 : i32
      %dma_start3A_742 = tpu.memref_slice %arg6[%add3A_478, %dma_start3A_741] : memref<65536x128xf32, #tpu.memory_space<hbm>> -> memref<128x128xf32, #tpu.memory_space<hbm>>
      %dma_start3A_743 = arith.constant 0 : i32
      %dma_start3A_744 = tpu.memref_slice %arg6[%add3A_478, %dma_start3A_743] : memref<65536x128xf32, #tpu.memory_space<hbm>> -> memref<128x128xf32, #tpu.memory_space<hbm>>
      %dma_start3A_745 = arith.constant 0 : i32
      %dma_start3A_746 = arith.constant 0 : i32
      %dma_start3A_747 = tpu.memref_slice %arg9[%run_scoped3A_479, %dma_start3A_745, %dma_start3A_746] : memref<2x128x128xf32, #tpu.memory_space<vmem>> -> memref<1x128x128xf32, #tpu.memory_space<vmem>>
      %dma_start3A_748 = tpu.memref_squeeze %dma_start3A_747 : memref<1x128x128xf32, #tpu.memory_space<vmem>> -> memref<128x128xf32, #tpu.memory_space<vmem>>
      tpu.enqueue_dma source(%dma_start3A_748 : memref<128x128xf32, #tpu.memory_space<vmem>>) target(%dma_start3A_744 : memref<128x128xf32, #tpu.memory_space<hbm>>) target_semaphore(%run_scoped3A_736 : memref<!tpu.dma_semaphore, #tpu.memory_space<semaphore_mem>>)
      %dma_wait3A_749 = arith.constant 0 : i32
      %dma_wait3A_750 = arith.constant 0 : i32
      %dma_wait3A_751 = tpu.memref_slice %arg9[%run_scoped3A_479, %dma_wait3A_749, %dma_wait3A_750] : memref<2x128x128xf32, #tpu.memory_space<vmem>> -> memref<1x128x128xf32, #tpu.memory_space<vmem>>
      %dma_wait3A_752 = tpu.memref_squeeze %dma_wait3A_751 : memref<1x128x128xf32, #tpu.memory_space<vmem>> -> memref<128x128xf32, #tpu.memory_space<vmem>>
      %dma_wait3A_753 = arith.constant 0 : i32
      %dma_wait3A_754 = tpu.memref_slice %arg6[%add3A_478, %dma_wait3A_753] : memref<65536x128xf32, #tpu.memory_space<hbm>> -> memref<128x128xf32, #tpu.memory_space<hbm>>
      %dma_wait3A_755 = arith.constant 0 : i32
      %dma_wait3A_756 = tpu.memref_slice %arg6[%add3A_478, %dma_wait3A_755] : memref<65536x128xf32, #tpu.memory_space<hbm>> -> memref<128x128xf32, #tpu.memory_space<hbm>>
      %dma_wait3A_757 = arith.constant 0 : i32
      %dma_wait3A_758 = arith.constant 0 : i32
      %dma_wait3A_759 = tpu.memref_slice %arg9[%run_scoped3A_479, %dma_wait3A_757, %dma_wait3A_758] : memref<2x128x128xf32, #tpu.memory_space<vmem>> -> memref<1x128x128xf32, #tpu.memory_space<vmem>>
      %dma_wait3A_760 = tpu.memref_squeeze %dma_wait3A_759 : memref<1x128x128xf32, #tpu.memory_space<vmem>> -> memref<128x128xf32, #tpu.memory_space<vmem>>
      tpu.wait_dma2 semaphore(%run_scoped3A_736 : memref<!tpu.dma_semaphore, #tpu.memory_space<semaphore_mem>>) src(%dma_wait3A_760 : memref<128x128xf32, #tpu.memory_space<vmem>>) dst(%dma_wait3A_756 : memref<128x128xf32, #tpu.memory_space<hbm>>)
      tpu.yield
    }) : () -> ()
    %dma_start3A_480 = arith.constant 1 : i32
    %dma_start3A_481 = arith.constant 0 : i32
    %dma_start3A_482 = arith.constant 0 : i32
    %dma_start3A_483 = tpu.memref_slice %arg8[%dma_start3A_480, %dma_start3A_481, %dma_start3A_482] : memref<2x128x128xf32, #tpu.memory_space<vmem>> -> memref<1x128x128xf32, #tpu.memory_space<vmem>>
    %dma_start3A_484 = tpu.memref_squeeze %dma_start3A_483 : memref<1x128x128xf32, #tpu.memory_space<vmem>> -> memref<128x128xf32, #tpu.memory_space<vmem>>
    %dma_start3A_485 = arith.constant 1408 : i32
    %dma_start3A_486 = tpu.memref_slice %arg7[%dma_start3A_485] : memref<2048xi32, #tpu.memory_space<vmem>> -> memref<128xi32, #tpu.memory_space<vmem>>
    %dma_start3A_487 = arith.constant 0 : i32
    %dma_start3A_488 = arith.constant 0 : i32
    %dma_start3A_489 = tpu.memref_slice %arg2[%dma_start3A_487, %dma_start3A_488] : memref<524288x128xf32, #tpu.memory_space<hbm>> -> memref<524288x128xf32, #tpu.memory_space<hbm>>
    tpu.enqueue_indirect_dma source(%dma_start3A_489 : memref<524288x128xf32, #tpu.memory_space<hbm>>) target(%dma_start3A_484 : memref<128x128xf32, #tpu.memory_space<vmem>>) offsets(%dma_start3A_486 : memref<128xi32, #tpu.memory_space<vmem>>) semaphore(%arg11 : memref<!tpu.dma_semaphore, #tpu.memory_space<semaphore_mem>>)
    %dma_start3A_490 = arith.constant 1 : i32
    %dma_start3A_491 = arith.constant 0 : i32
    %dma_start3A_492 = arith.constant 0 : i32
    %dma_start3A_493 = tpu.memref_slice %arg9[%dma_start3A_490, %dma_start3A_491, %dma_start3A_492] : memref<2x128x128xf32, #tpu.memory_space<vmem>> -> memref<1x128x128xf32, #tpu.memory_space<vmem>>
    %dma_start3A_494 = tpu.memref_squeeze %dma_start3A_493 : memref<1x128x128xf32, #tpu.memory_space<vmem>> -> memref<128x128xf32, #tpu.memory_space<vmem>>
    %dma_start3A_495 = arith.constant 1408 : i32
    %dma_start3A_496 = tpu.memref_slice %arg7[%dma_start3A_495] : memref<2048xi32, #tpu.memory_space<vmem>> -> memref<128xi32, #tpu.memory_space<vmem>>
    %dma_start3A_497 = arith.constant 0 : i32
    %dma_start3A_498 = arith.constant 0 : i32
    %dma_start3A_499 = tpu.memref_slice %arg3[%dma_start3A_497, %dma_start3A_498] : memref<524288x128xf32, #tpu.memory_space<hbm>> -> memref<524288x128xf32, #tpu.memory_space<hbm>>
    tpu.enqueue_indirect_dma source(%dma_start3A_499 : memref<524288x128xf32, #tpu.memory_space<hbm>>) target(%dma_start3A_494 : memref<128x128xf32, #tpu.memory_space<vmem>>) offsets(%dma_start3A_496 : memref<128xi32, #tpu.memory_space<vmem>>) semaphore(%arg13 : memref<!tpu.dma_semaphore, #tpu.memory_space<semaphore_mem>>)
    %dma_wait3A_500 = arith.constant 0 : i32
    %dma_wait3A_501 = arith.constant 0 : i32
    %dma_wait3A_502 = arith.constant 0 : i32
    %dma_wait3A_503 = tpu.memref_slice %arg8[%dma_wait3A_500, %dma_wait3A_501, %dma_wait3A_502] : memref<2x128x128xf32, #tpu.memory_space<vmem>> -> memref<1x128x128xf32, #tpu.memory_space<vmem>>
    %dma_wait3A_504 = tpu.memref_squeeze %dma_wait3A_503 : memref<1x128x128xf32, #tpu.memory_space<vmem>> -> memref<128x128xf32, #tpu.memory_space<vmem>>
    %dma_wait3A_505 = arith.constant 1280 : i32
    %dma_wait3A_506 = tpu.memref_slice %arg7[%dma_wait3A_505] : memref<2048xi32, #tpu.memory_space<vmem>> -> memref<128xi32, #tpu.memory_space<vmem>>
    %dma_wait3A_507 = arith.constant 0 : i32
    %dma_wait3A_508 = arith.constant 0 : i32
    %dma_wait3A_509 = tpu.memref_slice %arg2[%dma_wait3A_507, %dma_wait3A_508] : memref<524288x128xf32, #tpu.memory_space<hbm>> -> memref<524288x128xf32, #tpu.memory_space<hbm>>
    tpu.wait_indirect_dma semaphore(%arg10 : memref<!tpu.dma_semaphore, #tpu.memory_space<semaphore_mem>>) src(%dma_wait3A_509 : memref<524288x128xf32, #tpu.memory_space<hbm>>) dst(%dma_wait3A_504 : memref<128x128xf32, #tpu.memory_space<vmem>>)
    %dma_wait3A_510 = arith.constant 0 : i32
    %dma_wait3A_511 = arith.constant 0 : i32
    %dma_wait3A_512 = arith.constant 0 : i32
    %dma_wait3A_513 = tpu.memref_slice %arg9[%dma_wait3A_510, %dma_wait3A_511, %dma_wait3A_512] : memref<2x128x128xf32, #tpu.memory_space<vmem>> -> memref<1x128x128xf32, #tpu.memory_space<vmem>>
    %dma_wait3A_514 = tpu.memref_squeeze %dma_wait3A_513 : memref<1x128x128xf32, #tpu.memory_space<vmem>> -> memref<128x128xf32, #tpu.memory_space<vmem>>
    %dma_wait3A_515 = arith.constant 1280 : i32
    %dma_wait3A_516 = tpu.memref_slice %arg7[%dma_wait3A_515] : memref<2048xi32, #tpu.memory_space<vmem>> -> memref<128xi32, #tpu.memory_space<vmem>>
    %dma_wait3A_517 = arith.constant 0 : i32
    %dma_wait3A_518 = arith.constant 0 : i32
    %dma_wait3A_519 = tpu.memref_slice %arg3[%dma_wait3A_517, %dma_wait3A_518] : memref<524288x128xf32, #tpu.memory_space<hbm>> -> memref<524288x128xf32, #tpu.memory_space<hbm>>
    tpu.wait_indirect_dma semaphore(%arg12 : memref<!tpu.dma_semaphore, #tpu.memory_space<semaphore_mem>>) src(%dma_wait3A_519 : memref<524288x128xf32, #tpu.memory_space<hbm>>) dst(%dma_wait3A_514 : memref<128x128xf32, #tpu.memory_space<vmem>>)
    %add3A_520 = arith.constant 1280 : i32
    %add3A_521 = arith.addi %mul3A_2, %add3A_520 : i32
    %run_scoped3A_522 = arith.constant 0 : i32
    "tpu.region"() ({
      %run_scoped3A_736 = tpu.sem_alloc : memref<!tpu.dma_semaphore, #tpu.memory_space<semaphore_mem>>
      %dma_start3A_737 = arith.constant 0 : i32
      %dma_start3A_738 = arith.constant 0 : i32
      %dma_start3A_739 = tpu.memref_slice %arg8[%run_scoped3A_522, %dma_start3A_737, %dma_start3A_738] : memref<2x128x128xf32, #tpu.memory_space<vmem>> -> memref<1x128x128xf32, #tpu.memory_space<vmem>>
      %dma_start3A_740 = tpu.memref_squeeze %dma_start3A_739 : memref<1x128x128xf32, #tpu.memory_space<vmem>> -> memref<128x128xf32, #tpu.memory_space<vmem>>
      %dma_start3A_741 = arith.constant 0 : i32
      %dma_start3A_742 = tpu.memref_slice %arg5[%add3A_521, %dma_start3A_741] : memref<65536x128xf32, #tpu.memory_space<hbm>> -> memref<128x128xf32, #tpu.memory_space<hbm>>
      %dma_start3A_743 = arith.constant 0 : i32
      %dma_start3A_744 = tpu.memref_slice %arg5[%add3A_521, %dma_start3A_743] : memref<65536x128xf32, #tpu.memory_space<hbm>> -> memref<128x128xf32, #tpu.memory_space<hbm>>
      %dma_start3A_745 = arith.constant 0 : i32
      %dma_start3A_746 = arith.constant 0 : i32
      %dma_start3A_747 = tpu.memref_slice %arg8[%run_scoped3A_522, %dma_start3A_745, %dma_start3A_746] : memref<2x128x128xf32, #tpu.memory_space<vmem>> -> memref<1x128x128xf32, #tpu.memory_space<vmem>>
      %dma_start3A_748 = tpu.memref_squeeze %dma_start3A_747 : memref<1x128x128xf32, #tpu.memory_space<vmem>> -> memref<128x128xf32, #tpu.memory_space<vmem>>
      tpu.enqueue_dma source(%dma_start3A_748 : memref<128x128xf32, #tpu.memory_space<vmem>>) target(%dma_start3A_744 : memref<128x128xf32, #tpu.memory_space<hbm>>) target_semaphore(%run_scoped3A_736 : memref<!tpu.dma_semaphore, #tpu.memory_space<semaphore_mem>>)
      %dma_wait3A_749 = arith.constant 0 : i32
      %dma_wait3A_750 = arith.constant 0 : i32
      %dma_wait3A_751 = tpu.memref_slice %arg8[%run_scoped3A_522, %dma_wait3A_749, %dma_wait3A_750] : memref<2x128x128xf32, #tpu.memory_space<vmem>> -> memref<1x128x128xf32, #tpu.memory_space<vmem>>
      %dma_wait3A_752 = tpu.memref_squeeze %dma_wait3A_751 : memref<1x128x128xf32, #tpu.memory_space<vmem>> -> memref<128x128xf32, #tpu.memory_space<vmem>>
      %dma_wait3A_753 = arith.constant 0 : i32
      %dma_wait3A_754 = tpu.memref_slice %arg5[%add3A_521, %dma_wait3A_753] : memref<65536x128xf32, #tpu.memory_space<hbm>> -> memref<128x128xf32, #tpu.memory_space<hbm>>
      %dma_wait3A_755 = arith.constant 0 : i32
      %dma_wait3A_756 = tpu.memref_slice %arg5[%add3A_521, %dma_wait3A_755] : memref<65536x128xf32, #tpu.memory_space<hbm>> -> memref<128x128xf32, #tpu.memory_space<hbm>>
      %dma_wait3A_757 = arith.constant 0 : i32
      %dma_wait3A_758 = arith.constant 0 : i32
      %dma_wait3A_759 = tpu.memref_slice %arg8[%run_scoped3A_522, %dma_wait3A_757, %dma_wait3A_758] : memref<2x128x128xf32, #tpu.memory_space<vmem>> -> memref<1x128x128xf32, #tpu.memory_space<vmem>>
      %dma_wait3A_760 = tpu.memref_squeeze %dma_wait3A_759 : memref<1x128x128xf32, #tpu.memory_space<vmem>> -> memref<128x128xf32, #tpu.memory_space<vmem>>
      tpu.wait_dma2 semaphore(%run_scoped3A_736 : memref<!tpu.dma_semaphore, #tpu.memory_space<semaphore_mem>>) src(%dma_wait3A_760 : memref<128x128xf32, #tpu.memory_space<vmem>>) dst(%dma_wait3A_756 : memref<128x128xf32, #tpu.memory_space<hbm>>)
      tpu.yield
    }) : () -> ()
    %add3A_523 = arith.constant 1280 : i32
    %add3A_524 = arith.addi %mul3A_2, %add3A_523 : i32
    %run_scoped3A_525 = arith.constant 0 : i32
    "tpu.region"() ({
      %run_scoped3A_736 = tpu.sem_alloc : memref<!tpu.dma_semaphore, #tpu.memory_space<semaphore_mem>>
      %dma_start3A_737 = arith.constant 0 : i32
      %dma_start3A_738 = arith.constant 0 : i32
      %dma_start3A_739 = tpu.memref_slice %arg9[%run_scoped3A_525, %dma_start3A_737, %dma_start3A_738] : memref<2x128x128xf32, #tpu.memory_space<vmem>> -> memref<1x128x128xf32, #tpu.memory_space<vmem>>
      %dma_start3A_740 = tpu.memref_squeeze %dma_start3A_739 : memref<1x128x128xf32, #tpu.memory_space<vmem>> -> memref<128x128xf32, #tpu.memory_space<vmem>>
      %dma_start3A_741 = arith.constant 0 : i32
      %dma_start3A_742 = tpu.memref_slice %arg6[%add3A_524, %dma_start3A_741] : memref<65536x128xf32, #tpu.memory_space<hbm>> -> memref<128x128xf32, #tpu.memory_space<hbm>>
      %dma_start3A_743 = arith.constant 0 : i32
      %dma_start3A_744 = tpu.memref_slice %arg6[%add3A_524, %dma_start3A_743] : memref<65536x128xf32, #tpu.memory_space<hbm>> -> memref<128x128xf32, #tpu.memory_space<hbm>>
      %dma_start3A_745 = arith.constant 0 : i32
      %dma_start3A_746 = arith.constant 0 : i32
      %dma_start3A_747 = tpu.memref_slice %arg9[%run_scoped3A_525, %dma_start3A_745, %dma_start3A_746] : memref<2x128x128xf32, #tpu.memory_space<vmem>> -> memref<1x128x128xf32, #tpu.memory_space<vmem>>
      %dma_start3A_748 = tpu.memref_squeeze %dma_start3A_747 : memref<1x128x128xf32, #tpu.memory_space<vmem>> -> memref<128x128xf32, #tpu.memory_space<vmem>>
      tpu.enqueue_dma source(%dma_start3A_748 : memref<128x128xf32, #tpu.memory_space<vmem>>) target(%dma_start3A_744 : memref<128x128xf32, #tpu.memory_space<hbm>>) target_semaphore(%run_scoped3A_736 : memref<!tpu.dma_semaphore, #tpu.memory_space<semaphore_mem>>)
      %dma_wait3A_749 = arith.constant 0 : i32
      %dma_wait3A_750 = arith.constant 0 : i32
      %dma_wait3A_751 = tpu.memref_slice %arg9[%run_scoped3A_525, %dma_wait3A_749, %dma_wait3A_750] : memref<2x128x128xf32, #tpu.memory_space<vmem>> -> memref<1x128x128xf32, #tpu.memory_space<vmem>>
      %dma_wait3A_752 = tpu.memref_squeeze %dma_wait3A_751 : memref<1x128x128xf32, #tpu.memory_space<vmem>> -> memref<128x128xf32, #tpu.memory_space<vmem>>
      %dma_wait3A_753 = arith.constant 0 : i32
      %dma_wait3A_754 = tpu.memref_slice %arg6[%add3A_524, %dma_wait3A_753] : memref<65536x128xf32, #tpu.memory_space<hbm>> -> memref<128x128xf32, #tpu.memory_space<hbm>>
      %dma_wait3A_755 = arith.constant 0 : i32
      %dma_wait3A_756 = tpu.memref_slice %arg6[%add3A_524, %dma_wait3A_755] : memref<65536x128xf32, #tpu.memory_space<hbm>> -> memref<128x128xf32, #tpu.memory_space<hbm>>
      %dma_wait3A_757 = arith.constant 0 : i32
      %dma_wait3A_758 = arith.constant 0 : i32
      %dma_wait3A_759 = tpu.memref_slice %arg9[%run_scoped3A_525, %dma_wait3A_757, %dma_wait3A_758] : memref<2x128x128xf32, #tpu.memory_space<vmem>> -> memref<1x128x128xf32, #tpu.memory_space<vmem>>
      %dma_wait3A_760 = tpu.memref_squeeze %dma_wait3A_759 : memref<1x128x128xf32, #tpu.memory_space<vmem>> -> memref<128x128xf32, #tpu.memory_space<vmem>>
      tpu.wait_dma2 semaphore(%run_scoped3A_736 : memref<!tpu.dma_semaphore, #tpu.memory_space<semaphore_mem>>) src(%dma_wait3A_760 : memref<128x128xf32, #tpu.memory_space<vmem>>) dst(%dma_wait3A_756 : memref<128x128xf32, #tpu.memory_space<hbm>>)
      tpu.yield
    }) : () -> ()
    %dma_start3A_526 = arith.constant 0 : i32
    %dma_start3A_527 = arith.constant 0 : i32
    %dma_start3A_528 = arith.constant 0 : i32
    %dma_start3A_529 = tpu.memref_slice %arg8[%dma_start3A_526, %dma_start3A_527, %dma_start3A_528] : memref<2x128x128xf32, #tpu.memory_space<vmem>> -> memref<1x128x128xf32, #tpu.memory_space<vmem>>
    %dma_start3A_530 = tpu.memref_squeeze %dma_start3A_529 : memref<1x128x128xf32, #tpu.memory_space<vmem>> -> memref<128x128xf32, #tpu.memory_space<vmem>>
    %dma_start3A_531 = arith.constant 1536 : i32
    %dma_start3A_532 = tpu.memref_slice %arg7[%dma_start3A_531] : memref<2048xi32, #tpu.memory_space<vmem>> -> memref<128xi32, #tpu.memory_space<vmem>>
    %dma_start3A_533 = arith.constant 0 : i32
    %dma_start3A_534 = arith.constant 0 : i32
    %dma_start3A_535 = tpu.memref_slice %arg2[%dma_start3A_533, %dma_start3A_534] : memref<524288x128xf32, #tpu.memory_space<hbm>> -> memref<524288x128xf32, #tpu.memory_space<hbm>>
    tpu.enqueue_indirect_dma source(%dma_start3A_535 : memref<524288x128xf32, #tpu.memory_space<hbm>>) target(%dma_start3A_530 : memref<128x128xf32, #tpu.memory_space<vmem>>) offsets(%dma_start3A_532 : memref<128xi32, #tpu.memory_space<vmem>>) semaphore(%arg10 : memref<!tpu.dma_semaphore, #tpu.memory_space<semaphore_mem>>)
    %dma_start3A_536 = arith.constant 0 : i32
    %dma_start3A_537 = arith.constant 0 : i32
    %dma_start3A_538 = arith.constant 0 : i32
    %dma_start3A_539 = tpu.memref_slice %arg9[%dma_start3A_536, %dma_start3A_537, %dma_start3A_538] : memref<2x128x128xf32, #tpu.memory_space<vmem>> -> memref<1x128x128xf32, #tpu.memory_space<vmem>>
    %dma_start3A_540 = tpu.memref_squeeze %dma_start3A_539 : memref<1x128x128xf32, #tpu.memory_space<vmem>> -> memref<128x128xf32, #tpu.memory_space<vmem>>
    %dma_start3A_541 = arith.constant 1536 : i32
    %dma_start3A_542 = tpu.memref_slice %arg7[%dma_start3A_541] : memref<2048xi32, #tpu.memory_space<vmem>> -> memref<128xi32, #tpu.memory_space<vmem>>
    %dma_start3A_543 = arith.constant 0 : i32
    %dma_start3A_544 = arith.constant 0 : i32
    %dma_start3A_545 = tpu.memref_slice %arg3[%dma_start3A_543, %dma_start3A_544] : memref<524288x128xf32, #tpu.memory_space<hbm>> -> memref<524288x128xf32, #tpu.memory_space<hbm>>
    tpu.enqueue_indirect_dma source(%dma_start3A_545 : memref<524288x128xf32, #tpu.memory_space<hbm>>) target(%dma_start3A_540 : memref<128x128xf32, #tpu.memory_space<vmem>>) offsets(%dma_start3A_542 : memref<128xi32, #tpu.memory_space<vmem>>) semaphore(%arg12 : memref<!tpu.dma_semaphore, #tpu.memory_space<semaphore_mem>>)
    %dma_wait3A_546 = arith.constant 1 : i32
    %dma_wait3A_547 = arith.constant 0 : i32
    %dma_wait3A_548 = arith.constant 0 : i32
    %dma_wait3A_549 = tpu.memref_slice %arg8[%dma_wait3A_546, %dma_wait3A_547, %dma_wait3A_548] : memref<2x128x128xf32, #tpu.memory_space<vmem>> -> memref<1x128x128xf32, #tpu.memory_space<vmem>>
    %dma_wait3A_550 = tpu.memref_squeeze %dma_wait3A_549 : memref<1x128x128xf32, #tpu.memory_space<vmem>> -> memref<128x128xf32, #tpu.memory_space<vmem>>
    %dma_wait3A_551 = arith.constant 1408 : i32
    %dma_wait3A_552 = tpu.memref_slice %arg7[%dma_wait3A_551] : memref<2048xi32, #tpu.memory_space<vmem>> -> memref<128xi32, #tpu.memory_space<vmem>>
    %dma_wait3A_553 = arith.constant 0 : i32
    %dma_wait3A_554 = arith.constant 0 : i32
    %dma_wait3A_555 = tpu.memref_slice %arg2[%dma_wait3A_553, %dma_wait3A_554] : memref<524288x128xf32, #tpu.memory_space<hbm>> -> memref<524288x128xf32, #tpu.memory_space<hbm>>
    tpu.wait_indirect_dma semaphore(%arg11 : memref<!tpu.dma_semaphore, #tpu.memory_space<semaphore_mem>>) src(%dma_wait3A_555 : memref<524288x128xf32, #tpu.memory_space<hbm>>) dst(%dma_wait3A_550 : memref<128x128xf32, #tpu.memory_space<vmem>>)
    %dma_wait3A_556 = arith.constant 1 : i32
    %dma_wait3A_557 = arith.constant 0 : i32
    %dma_wait3A_558 = arith.constant 0 : i32
    %dma_wait3A_559 = tpu.memref_slice %arg9[%dma_wait3A_556, %dma_wait3A_557, %dma_wait3A_558] : memref<2x128x128xf32, #tpu.memory_space<vmem>> -> memref<1x128x128xf32, #tpu.memory_space<vmem>>
    %dma_wait3A_560 = tpu.memref_squeeze %dma_wait3A_559 : memref<1x128x128xf32, #tpu.memory_space<vmem>> -> memref<128x128xf32, #tpu.memory_space<vmem>>
    %dma_wait3A_561 = arith.constant 1408 : i32
    %dma_wait3A_562 = tpu.memref_slice %arg7[%dma_wait3A_561] : memref<2048xi32, #tpu.memory_space<vmem>> -> memref<128xi32, #tpu.memory_space<vmem>>
    %dma_wait3A_563 = arith.constant 0 : i32
    %dma_wait3A_564 = arith.constant 0 : i32
    %dma_wait3A_565 = tpu.memref_slice %arg3[%dma_wait3A_563, %dma_wait3A_564] : memref<524288x128xf32, #tpu.memory_space<hbm>> -> memref<524288x128xf32, #tpu.memory_space<hbm>>
    tpu.wait_indirect_dma semaphore(%arg13 : memref<!tpu.dma_semaphore, #tpu.memory_space<semaphore_mem>>) src(%dma_wait3A_565 : memref<524288x128xf32, #tpu.memory_space<hbm>>) dst(%dma_wait3A_560 : memref<128x128xf32, #tpu.memory_space<vmem>>)
    %add3A_566 = arith.constant 1408 : i32
    %add3A_567 = arith.addi %mul3A_2, %add3A_566 : i32
    %run_scoped3A_568 = arith.constant 1 : i32
    "tpu.region"() ({
      %run_scoped3A_736 = tpu.sem_alloc : memref<!tpu.dma_semaphore, #tpu.memory_space<semaphore_mem>>
      %dma_start3A_737 = arith.constant 0 : i32
      %dma_start3A_738 = arith.constant 0 : i32
      %dma_start3A_739 = tpu.memref_slice %arg8[%run_scoped3A_568, %dma_start3A_737, %dma_start3A_738] : memref<2x128x128xf32, #tpu.memory_space<vmem>> -> memref<1x128x128xf32, #tpu.memory_space<vmem>>
      %dma_start3A_740 = tpu.memref_squeeze %dma_start3A_739 : memref<1x128x128xf32, #tpu.memory_space<vmem>> -> memref<128x128xf32, #tpu.memory_space<vmem>>
      %dma_start3A_741 = arith.constant 0 : i32
      %dma_start3A_742 = tpu.memref_slice %arg5[%add3A_567, %dma_start3A_741] : memref<65536x128xf32, #tpu.memory_space<hbm>> -> memref<128x128xf32, #tpu.memory_space<hbm>>
      %dma_start3A_743 = arith.constant 0 : i32
      %dma_start3A_744 = tpu.memref_slice %arg5[%add3A_567, %dma_start3A_743] : memref<65536x128xf32, #tpu.memory_space<hbm>> -> memref<128x128xf32, #tpu.memory_space<hbm>>
      %dma_start3A_745 = arith.constant 0 : i32
      %dma_start3A_746 = arith.constant 0 : i32
      %dma_start3A_747 = tpu.memref_slice %arg8[%run_scoped3A_568, %dma_start3A_745, %dma_start3A_746] : memref<2x128x128xf32, #tpu.memory_space<vmem>> -> memref<1x128x128xf32, #tpu.memory_space<vmem>>
      %dma_start3A_748 = tpu.memref_squeeze %dma_start3A_747 : memref<1x128x128xf32, #tpu.memory_space<vmem>> -> memref<128x128xf32, #tpu.memory_space<vmem>>
      tpu.enqueue_dma source(%dma_start3A_748 : memref<128x128xf32, #tpu.memory_space<vmem>>) target(%dma_start3A_744 : memref<128x128xf32, #tpu.memory_space<hbm>>) target_semaphore(%run_scoped3A_736 : memref<!tpu.dma_semaphore, #tpu.memory_space<semaphore_mem>>)
      %dma_wait3A_749 = arith.constant 0 : i32
      %dma_wait3A_750 = arith.constant 0 : i32
      %dma_wait3A_751 = tpu.memref_slice %arg8[%run_scoped3A_568, %dma_wait3A_749, %dma_wait3A_750] : memref<2x128x128xf32, #tpu.memory_space<vmem>> -> memref<1x128x128xf32, #tpu.memory_space<vmem>>
      %dma_wait3A_752 = tpu.memref_squeeze %dma_wait3A_751 : memref<1x128x128xf32, #tpu.memory_space<vmem>> -> memref<128x128xf32, #tpu.memory_space<vmem>>
      %dma_wait3A_753 = arith.constant 0 : i32
      %dma_wait3A_754 = tpu.memref_slice %arg5[%add3A_567, %dma_wait3A_753] : memref<65536x128xf32, #tpu.memory_space<hbm>> -> memref<128x128xf32, #tpu.memory_space<hbm>>
      %dma_wait3A_755 = arith.constant 0 : i32
      %dma_wait3A_756 = tpu.memref_slice %arg5[%add3A_567, %dma_wait3A_755] : memref<65536x128xf32, #tpu.memory_space<hbm>> -> memref<128x128xf32, #tpu.memory_space<hbm>>
      %dma_wait3A_757 = arith.constant 0 : i32
      %dma_wait3A_758 = arith.constant 0 : i32
      %dma_wait3A_759 = tpu.memref_slice %arg8[%run_scoped3A_568, %dma_wait3A_757, %dma_wait3A_758] : memref<2x128x128xf32, #tpu.memory_space<vmem>> -> memref<1x128x128xf32, #tpu.memory_space<vmem>>
      %dma_wait3A_760 = tpu.memref_squeeze %dma_wait3A_759 : memref<1x128x128xf32, #tpu.memory_space<vmem>> -> memref<128x128xf32, #tpu.memory_space<vmem>>
      tpu.wait_dma2 semaphore(%run_scoped3A_736 : memref<!tpu.dma_semaphore, #tpu.memory_space<semaphore_mem>>) src(%dma_wait3A_760 : memref<128x128xf32, #tpu.memory_space<vmem>>) dst(%dma_wait3A_756 : memref<128x128xf32, #tpu.memory_space<hbm>>)
      tpu.yield
    }) : () -> ()
    %add3A_569 = arith.constant 1408 : i32
    %add3A_570 = arith.addi %mul3A_2, %add3A_569 : i32
    %run_scoped3A_571 = arith.constant 1 : i32
    "tpu.region"() ({
      %run_scoped3A_736 = tpu.sem_alloc : memref<!tpu.dma_semaphore, #tpu.memory_space<semaphore_mem>>
      %dma_start3A_737 = arith.constant 0 : i32
      %dma_start3A_738 = arith.constant 0 : i32
      %dma_start3A_739 = tpu.memref_slice %arg9[%run_scoped3A_571, %dma_start3A_737, %dma_start3A_738] : memref<2x128x128xf32, #tpu.memory_space<vmem>> -> memref<1x128x128xf32, #tpu.memory_space<vmem>>
      %dma_start3A_740 = tpu.memref_squeeze %dma_start3A_739 : memref<1x128x128xf32, #tpu.memory_space<vmem>> -> memref<128x128xf32, #tpu.memory_space<vmem>>
      %dma_start3A_741 = arith.constant 0 : i32
      %dma_start3A_742 = tpu.memref_slice %arg6[%add3A_570, %dma_start3A_741] : memref<65536x128xf32, #tpu.memory_space<hbm>> -> memref<128x128xf32, #tpu.memory_space<hbm>>
      %dma_start3A_743 = arith.constant 0 : i32
      %dma_start3A_744 = tpu.memref_slice %arg6[%add3A_570, %dma_start3A_743] : memref<65536x128xf32, #tpu.memory_space<hbm>> -> memref<128x128xf32, #tpu.memory_space<hbm>>
      %dma_start3A_745 = arith.constant 0 : i32
      %dma_start3A_746 = arith.constant 0 : i32
      %dma_start3A_747 = tpu.memref_slice %arg9[%run_scoped3A_571, %dma_start3A_745, %dma_start3A_746] : memref<2x128x128xf32, #tpu.memory_space<vmem>> -> memref<1x128x128xf32, #tpu.memory_space<vmem>>
      %dma_start3A_748 = tpu.memref_squeeze %dma_start3A_747 : memref<1x128x128xf32, #tpu.memory_space<vmem>> -> memref<128x128xf32, #tpu.memory_space<vmem>>
      tpu.enqueue_dma source(%dma_start3A_748 : memref<128x128xf32, #tpu.memory_space<vmem>>) target(%dma_start3A_744 : memref<128x128xf32, #tpu.memory_space<hbm>>) target_semaphore(%run_scoped3A_736 : memref<!tpu.dma_semaphore, #tpu.memory_space<semaphore_mem>>)
      %dma_wait3A_749 = arith.constant 0 : i32
      %dma_wait3A_750 = arith.constant 0 : i32
      %dma_wait3A_751 = tpu.memref_slice %arg9[%run_scoped3A_571, %dma_wait3A_749, %dma_wait3A_750] : memref<2x128x128xf32, #tpu.memory_space<vmem>> -> memref<1x128x128xf32, #tpu.memory_space<vmem>>
      %dma_wait3A_752 = tpu.memref_squeeze %dma_wait3A_751 : memref<1x128x128xf32, #tpu.memory_space<vmem>> -> memref<128x128xf32, #tpu.memory_space<vmem>>
      %dma_wait3A_753 = arith.constant 0 : i32
      %dma_wait3A_754 = tpu.memref_slice %arg6[%add3A_570, %dma_wait3A_753] : memref<65536x128xf32, #tpu.memory_space<hbm>> -> memref<128x128xf32, #tpu.memory_space<hbm>>
      %dma_wait3A_755 = arith.constant 0 : i32
      %dma_wait3A_756 = tpu.memref_slice %arg6[%add3A_570, %dma_wait3A_755] : memref<65536x128xf32, #tpu.memory_space<hbm>> -> memref<128x128xf32, #tpu.memory_space<hbm>>
      %dma_wait3A_757 = arith.constant 0 : i32
      %dma_wait3A_758 = arith.constant 0 : i32
      %dma_wait3A_759 = tpu.memref_slice %arg9[%run_scoped3A_571, %dma_wait3A_757, %dma_wait3A_758] : memref<2x128x128xf32, #tpu.memory_space<vmem>> -> memref<1x128x128xf32, #tpu.memory_space<vmem>>
      %dma_wait3A_760 = tpu.memref_squeeze %dma_wait3A_759 : memref<1x128x128xf32, #tpu.memory_space<vmem>> -> memref<128x128xf32, #tpu.memory_space<vmem>>
      tpu.wait_dma2 semaphore(%run_scoped3A_736 : memref<!tpu.dma_semaphore, #tpu.memory_space<semaphore_mem>>) src(%dma_wait3A_760 : memref<128x128xf32, #tpu.memory_space<vmem>>) dst(%dma_wait3A_756 : memref<128x128xf32, #tpu.memory_space<hbm>>)
      tpu.yield
    }) : () -> ()
    %dma_start3A_572 = arith.constant 1 : i32
    %dma_start3A_573 = arith.constant 0 : i32
    %dma_start3A_574 = arith.constant 0 : i32
    %dma_start3A_575 = tpu.memref_slice %arg8[%dma_start3A_572, %dma_start3A_573, %dma_start3A_574] : memref<2x128x128xf32, #tpu.memory_space<vmem>> -> memref<1x128x128xf32, #tpu.memory_space<vmem>>
    %dma_start3A_576 = tpu.memref_squeeze %dma_start3A_575 : memref<1x128x128xf32, #tpu.memory_space<vmem>> -> memref<128x128xf32, #tpu.memory_space<vmem>>
    %dma_start3A_577 = arith.constant 1664 : i32
    %dma_start3A_578 = tpu.memref_slice %arg7[%dma_start3A_577] : memref<2048xi32, #tpu.memory_space<vmem>> -> memref<128xi32, #tpu.memory_space<vmem>>
    %dma_start3A_579 = arith.constant 0 : i32
    %dma_start3A_580 = arith.constant 0 : i32
    %dma_start3A_581 = tpu.memref_slice %arg2[%dma_start3A_579, %dma_start3A_580] : memref<524288x128xf32, #tpu.memory_space<hbm>> -> memref<524288x128xf32, #tpu.memory_space<hbm>>
    tpu.enqueue_indirect_dma source(%dma_start3A_581 : memref<524288x128xf32, #tpu.memory_space<hbm>>) target(%dma_start3A_576 : memref<128x128xf32, #tpu.memory_space<vmem>>) offsets(%dma_start3A_578 : memref<128xi32, #tpu.memory_space<vmem>>) semaphore(%arg11 : memref<!tpu.dma_semaphore, #tpu.memory_space<semaphore_mem>>)
    %dma_start3A_582 = arith.constant 1 : i32
    %dma_start3A_583 = arith.constant 0 : i32
    %dma_start3A_584 = arith.constant 0 : i32
    %dma_start3A_585 = tpu.memref_slice %arg9[%dma_start3A_582, %dma_start3A_583, %dma_start3A_584] : memref<2x128x128xf32, #tpu.memory_space<vmem>> -> memref<1x128x128xf32, #tpu.memory_space<vmem>>
    %dma_start3A_586 = tpu.memref_squeeze %dma_start3A_585 : memref<1x128x128xf32, #tpu.memory_space<vmem>> -> memref<128x128xf32, #tpu.memory_space<vmem>>
    %dma_start3A_587 = arith.constant 1664 : i32
    %dma_start3A_588 = tpu.memref_slice %arg7[%dma_start3A_587] : memref<2048xi32, #tpu.memory_space<vmem>> -> memref<128xi32, #tpu.memory_space<vmem>>
    %dma_start3A_589 = arith.constant 0 : i32
    %dma_start3A_590 = arith.constant 0 : i32
    %dma_start3A_591 = tpu.memref_slice %arg3[%dma_start3A_589, %dma_start3A_590] : memref<524288x128xf32, #tpu.memory_space<hbm>> -> memref<524288x128xf32, #tpu.memory_space<hbm>>
    tpu.enqueue_indirect_dma source(%dma_start3A_591 : memref<524288x128xf32, #tpu.memory_space<hbm>>) target(%dma_start3A_586 : memref<128x128xf32, #tpu.memory_space<vmem>>) offsets(%dma_start3A_588 : memref<128xi32, #tpu.memory_space<vmem>>) semaphore(%arg13 : memref<!tpu.dma_semaphore, #tpu.memory_space<semaphore_mem>>)
    %dma_wait3A_592 = arith.constant 0 : i32
    %dma_wait3A_593 = arith.constant 0 : i32
    %dma_wait3A_594 = arith.constant 0 : i32
    %dma_wait3A_595 = tpu.memref_slice %arg8[%dma_wait3A_592, %dma_wait3A_593, %dma_wait3A_594] : memref<2x128x128xf32, #tpu.memory_space<vmem>> -> memref<1x128x128xf32, #tpu.memory_space<vmem>>
    %dma_wait3A_596 = tpu.memref_squeeze %dma_wait3A_595 : memref<1x128x128xf32, #tpu.memory_space<vmem>> -> memref<128x128xf32, #tpu.memory_space<vmem>>
    %dma_wait3A_597 = arith.constant 1536 : i32
    %dma_wait3A_598 = tpu.memref_slice %arg7[%dma_wait3A_597] : memref<2048xi32, #tpu.memory_space<vmem>> -> memref<128xi32, #tpu.memory_space<vmem>>
    %dma_wait3A_599 = arith.constant 0 : i32
    %dma_wait3A_600 = arith.constant 0 : i32
    %dma_wait3A_601 = tpu.memref_slice %arg2[%dma_wait3A_599, %dma_wait3A_600] : memref<524288x128xf32, #tpu.memory_space<hbm>> -> memref<524288x128xf32, #tpu.memory_space<hbm>>
    tpu.wait_indirect_dma semaphore(%arg10 : memref<!tpu.dma_semaphore, #tpu.memory_space<semaphore_mem>>) src(%dma_wait3A_601 : memref<524288x128xf32, #tpu.memory_space<hbm>>) dst(%dma_wait3A_596 : memref<128x128xf32, #tpu.memory_space<vmem>>)
    %dma_wait3A_602 = arith.constant 0 : i32
    %dma_wait3A_603 = arith.constant 0 : i32
    %dma_wait3A_604 = arith.constant 0 : i32
    %dma_wait3A_605 = tpu.memref_slice %arg9[%dma_wait3A_602, %dma_wait3A_603, %dma_wait3A_604] : memref<2x128x128xf32, #tpu.memory_space<vmem>> -> memref<1x128x128xf32, #tpu.memory_space<vmem>>
    %dma_wait3A_606 = tpu.memref_squeeze %dma_wait3A_605 : memref<1x128x128xf32, #tpu.memory_space<vmem>> -> memref<128x128xf32, #tpu.memory_space<vmem>>
    %dma_wait3A_607 = arith.constant 1536 : i32
    %dma_wait3A_608 = tpu.memref_slice %arg7[%dma_wait3A_607] : memref<2048xi32, #tpu.memory_space<vmem>> -> memref<128xi32, #tpu.memory_space<vmem>>
    %dma_wait3A_609 = arith.constant 0 : i32
    %dma_wait3A_610 = arith.constant 0 : i32
    %dma_wait3A_611 = tpu.memref_slice %arg3[%dma_wait3A_609, %dma_wait3A_610] : memref<524288x128xf32, #tpu.memory_space<hbm>> -> memref<524288x128xf32, #tpu.memory_space<hbm>>
    tpu.wait_indirect_dma semaphore(%arg12 : memref<!tpu.dma_semaphore, #tpu.memory_space<semaphore_mem>>) src(%dma_wait3A_611 : memref<524288x128xf32, #tpu.memory_space<hbm>>) dst(%dma_wait3A_606 : memref<128x128xf32, #tpu.memory_space<vmem>>)
    %add3A_612 = arith.constant 1536 : i32
    %add3A_613 = arith.addi %mul3A_2, %add3A_612 : i32
    %run_scoped3A_614 = arith.constant 0 : i32
    "tpu.region"() ({
      %run_scoped3A_736 = tpu.sem_alloc : memref<!tpu.dma_semaphore, #tpu.memory_space<semaphore_mem>>
      %dma_start3A_737 = arith.constant 0 : i32
      %dma_start3A_738 = arith.constant 0 : i32
      %dma_start3A_739 = tpu.memref_slice %arg8[%run_scoped3A_614, %dma_start3A_737, %dma_start3A_738] : memref<2x128x128xf32, #tpu.memory_space<vmem>> -> memref<1x128x128xf32, #tpu.memory_space<vmem>>
      %dma_start3A_740 = tpu.memref_squeeze %dma_start3A_739 : memref<1x128x128xf32, #tpu.memory_space<vmem>> -> memref<128x128xf32, #tpu.memory_space<vmem>>
      %dma_start3A_741 = arith.constant 0 : i32
      %dma_start3A_742 = tpu.memref_slice %arg5[%add3A_613, %dma_start3A_741] : memref<65536x128xf32, #tpu.memory_space<hbm>> -> memref<128x128xf32, #tpu.memory_space<hbm>>
      %dma_start3A_743 = arith.constant 0 : i32
      %dma_start3A_744 = tpu.memref_slice %arg5[%add3A_613, %dma_start3A_743] : memref<65536x128xf32, #tpu.memory_space<hbm>> -> memref<128x128xf32, #tpu.memory_space<hbm>>
      %dma_start3A_745 = arith.constant 0 : i32
      %dma_start3A_746 = arith.constant 0 : i32
      %dma_start3A_747 = tpu.memref_slice %arg8[%run_scoped3A_614, %dma_start3A_745, %dma_start3A_746] : memref<2x128x128xf32, #tpu.memory_space<vmem>> -> memref<1x128x128xf32, #tpu.memory_space<vmem>>
      %dma_start3A_748 = tpu.memref_squeeze %dma_start3A_747 : memref<1x128x128xf32, #tpu.memory_space<vmem>> -> memref<128x128xf32, #tpu.memory_space<vmem>>
      tpu.enqueue_dma source(%dma_start3A_748 : memref<128x128xf32, #tpu.memory_space<vmem>>) target(%dma_start3A_744 : memref<128x128xf32, #tpu.memory_space<hbm>>) target_semaphore(%run_scoped3A_736 : memref<!tpu.dma_semaphore, #tpu.memory_space<semaphore_mem>>)
      %dma_wait3A_749 = arith.constant 0 : i32
      %dma_wait3A_750 = arith.constant 0 : i32
      %dma_wait3A_751 = tpu.memref_slice %arg8[%run_scoped3A_614, %dma_wait3A_749, %dma_wait3A_750] : memref<2x128x128xf32, #tpu.memory_space<vmem>> -> memref<1x128x128xf32, #tpu.memory_space<vmem>>
      %dma_wait3A_752 = tpu.memref_squeeze %dma_wait3A_751 : memref<1x128x128xf32, #tpu.memory_space<vmem>> -> memref<128x128xf32, #tpu.memory_space<vmem>>
      %dma_wait3A_753 = arith.constant 0 : i32
      %dma_wait3A_754 = tpu.memref_slice %arg5[%add3A_613, %dma_wait3A_753] : memref<65536x128xf32, #tpu.memory_space<hbm>> -> memref<128x128xf32, #tpu.memory_space<hbm>>
      %dma_wait3A_755 = arith.constant 0 : i32
      %dma_wait3A_756 = tpu.memref_slice %arg5[%add3A_613, %dma_wait3A_755] : memref<65536x128xf32, #tpu.memory_space<hbm>> -> memref<128x128xf32, #tpu.memory_space<hbm>>
      %dma_wait3A_757 = arith.constant 0 : i32
      %dma_wait3A_758 = arith.constant 0 : i32
      %dma_wait3A_759 = tpu.memref_slice %arg8[%run_scoped3A_614, %dma_wait3A_757, %dma_wait3A_758] : memref<2x128x128xf32, #tpu.memory_space<vmem>> -> memref<1x128x128xf32, #tpu.memory_space<vmem>>
      %dma_wait3A_760 = tpu.memref_squeeze %dma_wait3A_759 : memref<1x128x128xf32, #tpu.memory_space<vmem>> -> memref<128x128xf32, #tpu.memory_space<vmem>>
      tpu.wait_dma2 semaphore(%run_scoped3A_736 : memref<!tpu.dma_semaphore, #tpu.memory_space<semaphore_mem>>) src(%dma_wait3A_760 : memref<128x128xf32, #tpu.memory_space<vmem>>) dst(%dma_wait3A_756 : memref<128x128xf32, #tpu.memory_space<hbm>>)
      tpu.yield
    }) : () -> ()
    %add3A_615 = arith.constant 1536 : i32
    %add3A_616 = arith.addi %mul3A_2, %add3A_615 : i32
    %run_scoped3A_617 = arith.constant 0 : i32
    "tpu.region"() ({
      %run_scoped3A_736 = tpu.sem_alloc : memref<!tpu.dma_semaphore, #tpu.memory_space<semaphore_mem>>
      %dma_start3A_737 = arith.constant 0 : i32
      %dma_start3A_738 = arith.constant 0 : i32
      %dma_start3A_739 = tpu.memref_slice %arg9[%run_scoped3A_617, %dma_start3A_737, %dma_start3A_738] : memref<2x128x128xf32, #tpu.memory_space<vmem>> -> memref<1x128x128xf32, #tpu.memory_space<vmem>>
      %dma_start3A_740 = tpu.memref_squeeze %dma_start3A_739 : memref<1x128x128xf32, #tpu.memory_space<vmem>> -> memref<128x128xf32, #tpu.memory_space<vmem>>
      %dma_start3A_741 = arith.constant 0 : i32
      %dma_start3A_742 = tpu.memref_slice %arg6[%add3A_616, %dma_start3A_741] : memref<65536x128xf32, #tpu.memory_space<hbm>> -> memref<128x128xf32, #tpu.memory_space<hbm>>
      %dma_start3A_743 = arith.constant 0 : i32
      %dma_start3A_744 = tpu.memref_slice %arg6[%add3A_616, %dma_start3A_743] : memref<65536x128xf32, #tpu.memory_space<hbm>> -> memref<128x128xf32, #tpu.memory_space<hbm>>
      %dma_start3A_745 = arith.constant 0 : i32
      %dma_start3A_746 = arith.constant 0 : i32
      %dma_start3A_747 = tpu.memref_slice %arg9[%run_scoped3A_617, %dma_start3A_745, %dma_start3A_746] : memref<2x128x128xf32, #tpu.memory_space<vmem>> -> memref<1x128x128xf32, #tpu.memory_space<vmem>>
      %dma_start3A_748 = tpu.memref_squeeze %dma_start3A_747 : memref<1x128x128xf32, #tpu.memory_space<vmem>> -> memref<128x128xf32, #tpu.memory_space<vmem>>
      tpu.enqueue_dma source(%dma_start3A_748 : memref<128x128xf32, #tpu.memory_space<vmem>>) target(%dma_start3A_744 : memref<128x128xf32, #tpu.memory_space<hbm>>) target_semaphore(%run_scoped3A_736 : memref<!tpu.dma_semaphore, #tpu.memory_space<semaphore_mem>>)
      %dma_wait3A_749 = arith.constant 0 : i32
      %dma_wait3A_750 = arith.constant 0 : i32
      %dma_wait3A_751 = tpu.memref_slice %arg9[%run_scoped3A_617, %dma_wait3A_749, %dma_wait3A_750] : memref<2x128x128xf32, #tpu.memory_space<vmem>> -> memref<1x128x128xf32, #tpu.memory_space<vmem>>
      %dma_wait3A_752 = tpu.memref_squeeze %dma_wait3A_751 : memref<1x128x128xf32, #tpu.memory_space<vmem>> -> memref<128x128xf32, #tpu.memory_space<vmem>>
      %dma_wait3A_753 = arith.constant 0 : i32
      %dma_wait3A_754 = tpu.memref_slice %arg6[%add3A_616, %dma_wait3A_753] : memref<65536x128xf32, #tpu.memory_space<hbm>> -> memref<128x128xf32, #tpu.memory_space<hbm>>
      %dma_wait3A_755 = arith.constant 0 : i32
      %dma_wait3A_756 = tpu.memref_slice %arg6[%add3A_616, %dma_wait3A_755] : memref<65536x128xf32, #tpu.memory_space<hbm>> -> memref<128x128xf32, #tpu.memory_space<hbm>>
      %dma_wait3A_757 = arith.constant 0 : i32
      %dma_wait3A_758 = arith.constant 0 : i32
      %dma_wait3A_759 = tpu.memref_slice %arg9[%run_scoped3A_617, %dma_wait3A_757, %dma_wait3A_758] : memref<2x128x128xf32, #tpu.memory_space<vmem>> -> memref<1x128x128xf32, #tpu.memory_space<vmem>>
      %dma_wait3A_760 = tpu.memref_squeeze %dma_wait3A_759 : memref<1x128x128xf32, #tpu.memory_space<vmem>> -> memref<128x128xf32, #tpu.memory_space<vmem>>
      tpu.wait_dma2 semaphore(%run_scoped3A_736 : memref<!tpu.dma_semaphore, #tpu.memory_space<semaphore_mem>>) src(%dma_wait3A_760 : memref<128x128xf32, #tpu.memory_space<vmem>>) dst(%dma_wait3A_756 : memref<128x128xf32, #tpu.memory_space<hbm>>)
      tpu.yield
    }) : () -> ()
    %dma_start3A_618 = arith.constant 0 : i32
    %dma_start3A_619 = arith.constant 0 : i32
    %dma_start3A_620 = arith.constant 0 : i32
    %dma_start3A_621 = tpu.memref_slice %arg8[%dma_start3A_618, %dma_start3A_619, %dma_start3A_620] : memref<2x128x128xf32, #tpu.memory_space<vmem>> -> memref<1x128x128xf32, #tpu.memory_space<vmem>>
    %dma_start3A_622 = tpu.memref_squeeze %dma_start3A_621 : memref<1x128x128xf32, #tpu.memory_space<vmem>> -> memref<128x128xf32, #tpu.memory_space<vmem>>
    %dma_start3A_623 = arith.constant 1792 : i32
    %dma_start3A_624 = tpu.memref_slice %arg7[%dma_start3A_623] : memref<2048xi32, #tpu.memory_space<vmem>> -> memref<128xi32, #tpu.memory_space<vmem>>
    %dma_start3A_625 = arith.constant 0 : i32
    %dma_start3A_626 = arith.constant 0 : i32
    %dma_start3A_627 = tpu.memref_slice %arg2[%dma_start3A_625, %dma_start3A_626] : memref<524288x128xf32, #tpu.memory_space<hbm>> -> memref<524288x128xf32, #tpu.memory_space<hbm>>
    tpu.enqueue_indirect_dma source(%dma_start3A_627 : memref<524288x128xf32, #tpu.memory_space<hbm>>) target(%dma_start3A_622 : memref<128x128xf32, #tpu.memory_space<vmem>>) offsets(%dma_start3A_624 : memref<128xi32, #tpu.memory_space<vmem>>) semaphore(%arg10 : memref<!tpu.dma_semaphore, #tpu.memory_space<semaphore_mem>>)
    %dma_start3A_628 = arith.constant 0 : i32
    %dma_start3A_629 = arith.constant 0 : i32
    %dma_start3A_630 = arith.constant 0 : i32
    %dma_start3A_631 = tpu.memref_slice %arg9[%dma_start3A_628, %dma_start3A_629, %dma_start3A_630] : memref<2x128x128xf32, #tpu.memory_space<vmem>> -> memref<1x128x128xf32, #tpu.memory_space<vmem>>
    %dma_start3A_632 = tpu.memref_squeeze %dma_start3A_631 : memref<1x128x128xf32, #tpu.memory_space<vmem>> -> memref<128x128xf32, #tpu.memory_space<vmem>>
    %dma_start3A_633 = arith.constant 1792 : i32
    %dma_start3A_634 = tpu.memref_slice %arg7[%dma_start3A_633] : memref<2048xi32, #tpu.memory_space<vmem>> -> memref<128xi32, #tpu.memory_space<vmem>>
    %dma_start3A_635 = arith.constant 0 : i32
    %dma_start3A_636 = arith.constant 0 : i32
    %dma_start3A_637 = tpu.memref_slice %arg3[%dma_start3A_635, %dma_start3A_636] : memref<524288x128xf32, #tpu.memory_space<hbm>> -> memref<524288x128xf32, #tpu.memory_space<hbm>>
    tpu.enqueue_indirect_dma source(%dma_start3A_637 : memref<524288x128xf32, #tpu.memory_space<hbm>>) target(%dma_start3A_632 : memref<128x128xf32, #tpu.memory_space<vmem>>) offsets(%dma_start3A_634 : memref<128xi32, #tpu.memory_space<vmem>>) semaphore(%arg12 : memref<!tpu.dma_semaphore, #tpu.memory_space<semaphore_mem>>)
    %dma_wait3A_638 = arith.constant 1 : i32
    %dma_wait3A_639 = arith.constant 0 : i32
    %dma_wait3A_640 = arith.constant 0 : i32
    %dma_wait3A_641 = tpu.memref_slice %arg8[%dma_wait3A_638, %dma_wait3A_639, %dma_wait3A_640] : memref<2x128x128xf32, #tpu.memory_space<vmem>> -> memref<1x128x128xf32, #tpu.memory_space<vmem>>
    %dma_wait3A_642 = tpu.memref_squeeze %dma_wait3A_641 : memref<1x128x128xf32, #tpu.memory_space<vmem>> -> memref<128x128xf32, #tpu.memory_space<vmem>>
    %dma_wait3A_643 = arith.constant 1664 : i32
    %dma_wait3A_644 = tpu.memref_slice %arg7[%dma_wait3A_643] : memref<2048xi32, #tpu.memory_space<vmem>> -> memref<128xi32, #tpu.memory_space<vmem>>
    %dma_wait3A_645 = arith.constant 0 : i32
    %dma_wait3A_646 = arith.constant 0 : i32
    %dma_wait3A_647 = tpu.memref_slice %arg2[%dma_wait3A_645, %dma_wait3A_646] : memref<524288x128xf32, #tpu.memory_space<hbm>> -> memref<524288x128xf32, #tpu.memory_space<hbm>>
    tpu.wait_indirect_dma semaphore(%arg11 : memref<!tpu.dma_semaphore, #tpu.memory_space<semaphore_mem>>) src(%dma_wait3A_647 : memref<524288x128xf32, #tpu.memory_space<hbm>>) dst(%dma_wait3A_642 : memref<128x128xf32, #tpu.memory_space<vmem>>)
    %dma_wait3A_648 = arith.constant 1 : i32
    %dma_wait3A_649 = arith.constant 0 : i32
    %dma_wait3A_650 = arith.constant 0 : i32
    %dma_wait3A_651 = tpu.memref_slice %arg9[%dma_wait3A_648, %dma_wait3A_649, %dma_wait3A_650] : memref<2x128x128xf32, #tpu.memory_space<vmem>> -> memref<1x128x128xf32, #tpu.memory_space<vmem>>
    %dma_wait3A_652 = tpu.memref_squeeze %dma_wait3A_651 : memref<1x128x128xf32, #tpu.memory_space<vmem>> -> memref<128x128xf32, #tpu.memory_space<vmem>>
    %dma_wait3A_653 = arith.constant 1664 : i32
    %dma_wait3A_654 = tpu.memref_slice %arg7[%dma_wait3A_653] : memref<2048xi32, #tpu.memory_space<vmem>> -> memref<128xi32, #tpu.memory_space<vmem>>
    %dma_wait3A_655 = arith.constant 0 : i32
    %dma_wait3A_656 = arith.constant 0 : i32
    %dma_wait3A_657 = tpu.memref_slice %arg3[%dma_wait3A_655, %dma_wait3A_656] : memref<524288x128xf32, #tpu.memory_space<hbm>> -> memref<524288x128xf32, #tpu.memory_space<hbm>>
    tpu.wait_indirect_dma semaphore(%arg13 : memref<!tpu.dma_semaphore, #tpu.memory_space<semaphore_mem>>) src(%dma_wait3A_657 : memref<524288x128xf32, #tpu.memory_space<hbm>>) dst(%dma_wait3A_652 : memref<128x128xf32, #tpu.memory_space<vmem>>)
    %add3A_658 = arith.constant 1664 : i32
    %add3A_659 = arith.addi %mul3A_2, %add3A_658 : i32
    %run_scoped3A_660 = arith.constant 1 : i32
    "tpu.region"() ({
      %run_scoped3A_736 = tpu.sem_alloc : memref<!tpu.dma_semaphore, #tpu.memory_space<semaphore_mem>>
      %dma_start3A_737 = arith.constant 0 : i32
      %dma_start3A_738 = arith.constant 0 : i32
      %dma_start3A_739 = tpu.memref_slice %arg8[%run_scoped3A_660, %dma_start3A_737, %dma_start3A_738] : memref<2x128x128xf32, #tpu.memory_space<vmem>> -> memref<1x128x128xf32, #tpu.memory_space<vmem>>
      %dma_start3A_740 = tpu.memref_squeeze %dma_start3A_739 : memref<1x128x128xf32, #tpu.memory_space<vmem>> -> memref<128x128xf32, #tpu.memory_space<vmem>>
      %dma_start3A_741 = arith.constant 0 : i32
      %dma_start3A_742 = tpu.memref_slice %arg5[%add3A_659, %dma_start3A_741] : memref<65536x128xf32, #tpu.memory_space<hbm>> -> memref<128x128xf32, #tpu.memory_space<hbm>>
      %dma_start3A_743 = arith.constant 0 : i32
      %dma_start3A_744 = tpu.memref_slice %arg5[%add3A_659, %dma_start3A_743] : memref<65536x128xf32, #tpu.memory_space<hbm>> -> memref<128x128xf32, #tpu.memory_space<hbm>>
      %dma_start3A_745 = arith.constant 0 : i32
      %dma_start3A_746 = arith.constant 0 : i32
      %dma_start3A_747 = tpu.memref_slice %arg8[%run_scoped3A_660, %dma_start3A_745, %dma_start3A_746] : memref<2x128x128xf32, #tpu.memory_space<vmem>> -> memref<1x128x128xf32, #tpu.memory_space<vmem>>
      %dma_start3A_748 = tpu.memref_squeeze %dma_start3A_747 : memref<1x128x128xf32, #tpu.memory_space<vmem>> -> memref<128x128xf32, #tpu.memory_space<vmem>>
      tpu.enqueue_dma source(%dma_start3A_748 : memref<128x128xf32, #tpu.memory_space<vmem>>) target(%dma_start3A_744 : memref<128x128xf32, #tpu.memory_space<hbm>>) target_semaphore(%run_scoped3A_736 : memref<!tpu.dma_semaphore, #tpu.memory_space<semaphore_mem>>)
      %dma_wait3A_749 = arith.constant 0 : i32
      %dma_wait3A_750 = arith.constant 0 : i32
      %dma_wait3A_751 = tpu.memref_slice %arg8[%run_scoped3A_660, %dma_wait3A_749, %dma_wait3A_750] : memref<2x128x128xf32, #tpu.memory_space<vmem>> -> memref<1x128x128xf32, #tpu.memory_space<vmem>>
      %dma_wait3A_752 = tpu.memref_squeeze %dma_wait3A_751 : memref<1x128x128xf32, #tpu.memory_space<vmem>> -> memref<128x128xf32, #tpu.memory_space<vmem>>
      %dma_wait3A_753 = arith.constant 0 : i32
      %dma_wait3A_754 = tpu.memref_slice %arg5[%add3A_659, %dma_wait3A_753] : memref<65536x128xf32, #tpu.memory_space<hbm>> -> memref<128x128xf32, #tpu.memory_space<hbm>>
      %dma_wait3A_755 = arith.constant 0 : i32
      %dma_wait3A_756 = tpu.memref_slice %arg5[%add3A_659, %dma_wait3A_755] : memref<65536x128xf32, #tpu.memory_space<hbm>> -> memref<128x128xf32, #tpu.memory_space<hbm>>
      %dma_wait3A_757 = arith.constant 0 : i32
      %dma_wait3A_758 = arith.constant 0 : i32
      %dma_wait3A_759 = tpu.memref_slice %arg8[%run_scoped3A_660, %dma_wait3A_757, %dma_wait3A_758] : memref<2x128x128xf32, #tpu.memory_space<vmem>> -> memref<1x128x128xf32, #tpu.memory_space<vmem>>
      %dma_wait3A_760 = tpu.memref_squeeze %dma_wait3A_759 : memref<1x128x128xf32, #tpu.memory_space<vmem>> -> memref<128x128xf32, #tpu.memory_space<vmem>>
      tpu.wait_dma2 semaphore(%run_scoped3A_736 : memref<!tpu.dma_semaphore, #tpu.memory_space<semaphore_mem>>) src(%dma_wait3A_760 : memref<128x128xf32, #tpu.memory_space<vmem>>) dst(%dma_wait3A_756 : memref<128x128xf32, #tpu.memory_space<hbm>>)
      tpu.yield
    }) : () -> ()
    %add3A_661 = arith.constant 1664 : i32
    %add3A_662 = arith.addi %mul3A_2, %add3A_661 : i32
    %run_scoped3A_663 = arith.constant 1 : i32
    "tpu.region"() ({
      %run_scoped3A_736 = tpu.sem_alloc : memref<!tpu.dma_semaphore, #tpu.memory_space<semaphore_mem>>
      %dma_start3A_737 = arith.constant 0 : i32
      %dma_start3A_738 = arith.constant 0 : i32
      %dma_start3A_739 = tpu.memref_slice %arg9[%run_scoped3A_663, %dma_start3A_737, %dma_start3A_738] : memref<2x128x128xf32, #tpu.memory_space<vmem>> -> memref<1x128x128xf32, #tpu.memory_space<vmem>>
      %dma_start3A_740 = tpu.memref_squeeze %dma_start3A_739 : memref<1x128x128xf32, #tpu.memory_space<vmem>> -> memref<128x128xf32, #tpu.memory_space<vmem>>
      %dma_start3A_741 = arith.constant 0 : i32
      %dma_start3A_742 = tpu.memref_slice %arg6[%add3A_662, %dma_start3A_741] : memref<65536x128xf32, #tpu.memory_space<hbm>> -> memref<128x128xf32, #tpu.memory_space<hbm>>
      %dma_start3A_743 = arith.constant 0 : i32
      %dma_start3A_744 = tpu.memref_slice %arg6[%add3A_662, %dma_start3A_743] : memref<65536x128xf32, #tpu.memory_space<hbm>> -> memref<128x128xf32, #tpu.memory_space<hbm>>
      %dma_start3A_745 = arith.constant 0 : i32
      %dma_start3A_746 = arith.constant 0 : i32
      %dma_start3A_747 = tpu.memref_slice %arg9[%run_scoped3A_663, %dma_start3A_745, %dma_start3A_746] : memref<2x128x128xf32, #tpu.memory_space<vmem>> -> memref<1x128x128xf32, #tpu.memory_space<vmem>>
      %dma_start3A_748 = tpu.memref_squeeze %dma_start3A_747 : memref<1x128x128xf32, #tpu.memory_space<vmem>> -> memref<128x128xf32, #tpu.memory_space<vmem>>
      tpu.enqueue_dma source(%dma_start3A_748 : memref<128x128xf32, #tpu.memory_space<vmem>>) target(%dma_start3A_744 : memref<128x128xf32, #tpu.memory_space<hbm>>) target_semaphore(%run_scoped3A_736 : memref<!tpu.dma_semaphore, #tpu.memory_space<semaphore_mem>>)
      %dma_wait3A_749 = arith.constant 0 : i32
      %dma_wait3A_750 = arith.constant 0 : i32
      %dma_wait3A_751 = tpu.memref_slice %arg9[%run_scoped3A_663, %dma_wait3A_749, %dma_wait3A_750] : memref<2x128x128xf32, #tpu.memory_space<vmem>> -> memref<1x128x128xf32, #tpu.memory_space<vmem>>
      %dma_wait3A_752 = tpu.memref_squeeze %dma_wait3A_751 : memref<1x128x128xf32, #tpu.memory_space<vmem>> -> memref<128x128xf32, #tpu.memory_space<vmem>>
      %dma_wait3A_753 = arith.constant 0 : i32
      %dma_wait3A_754 = tpu.memref_slice %arg6[%add3A_662, %dma_wait3A_753] : memref<65536x128xf32, #tpu.memory_space<hbm>> -> memref<128x128xf32, #tpu.memory_space<hbm>>
      %dma_wait3A_755 = arith.constant 0 : i32
      %dma_wait3A_756 = tpu.memref_slice %arg6[%add3A_662, %dma_wait3A_755] : memref<65536x128xf32, #tpu.memory_space<hbm>> -> memref<128x128xf32, #tpu.memory_space<hbm>>
      %dma_wait3A_757 = arith.constant 0 : i32
      %dma_wait3A_758 = arith.constant 0 : i32
      %dma_wait3A_759 = tpu.memref_slice %arg9[%run_scoped3A_663, %dma_wait3A_757, %dma_wait3A_758] : memref<2x128x128xf32, #tpu.memory_space<vmem>> -> memref<1x128x128xf32, #tpu.memory_space<vmem>>
      %dma_wait3A_760 = tpu.memref_squeeze %dma_wait3A_759 : memref<1x128x128xf32, #tpu.memory_space<vmem>> -> memref<128x128xf32, #tpu.memory_space<vmem>>
      tpu.wait_dma2 semaphore(%run_scoped3A_736 : memref<!tpu.dma_semaphore, #tpu.memory_space<semaphore_mem>>) src(%dma_wait3A_760 : memref<128x128xf32, #tpu.memory_space<vmem>>) dst(%dma_wait3A_756 : memref<128x128xf32, #tpu.memory_space<hbm>>)
      tpu.yield
    }) : () -> ()
    %dma_start3A_664 = arith.constant 1 : i32
    %dma_start3A_665 = arith.constant 0 : i32
    %dma_start3A_666 = arith.constant 0 : i32
    %dma_start3A_667 = tpu.memref_slice %arg8[%dma_start3A_664, %dma_start3A_665, %dma_start3A_666] : memref<2x128x128xf32, #tpu.memory_space<vmem>> -> memref<1x128x128xf32, #tpu.memory_space<vmem>>
    %dma_start3A_668 = tpu.memref_squeeze %dma_start3A_667 : memref<1x128x128xf32, #tpu.memory_space<vmem>> -> memref<128x128xf32, #tpu.memory_space<vmem>>
    %dma_start3A_669 = arith.constant 1920 : i32
    %dma_start3A_670 = tpu.memref_slice %arg7[%dma_start3A_669] : memref<2048xi32, #tpu.memory_space<vmem>> -> memref<128xi32, #tpu.memory_space<vmem>>
    %dma_start3A_671 = arith.constant 0 : i32
    %dma_start3A_672 = arith.constant 0 : i32
    %dma_start3A_673 = tpu.memref_slice %arg2[%dma_start3A_671, %dma_start3A_672] : memref<524288x128xf32, #tpu.memory_space<hbm>> -> memref<524288x128xf32, #tpu.memory_space<hbm>>
    tpu.enqueue_indirect_dma source(%dma_start3A_673 : memref<524288x128xf32, #tpu.memory_space<hbm>>) target(%dma_start3A_668 : memref<128x128xf32, #tpu.memory_space<vmem>>) offsets(%dma_start3A_670 : memref<128xi32, #tpu.memory_space<vmem>>) semaphore(%arg11 : memref<!tpu.dma_semaphore, #tpu.memory_space<semaphore_mem>>)
    %dma_start3A_674 = arith.constant 1 : i32
    %dma_start3A_675 = arith.constant 0 : i32
    %dma_start3A_676 = arith.constant 0 : i32
    %dma_start3A_677 = tpu.memref_slice %arg9[%dma_start3A_674, %dma_start3A_675, %dma_start3A_676] : memref<2x128x128xf32, #tpu.memory_space<vmem>> -> memref<1x128x128xf32, #tpu.memory_space<vmem>>
    %dma_start3A_678 = tpu.memref_squeeze %dma_start3A_677 : memref<1x128x128xf32, #tpu.memory_space<vmem>> -> memref<128x128xf32, #tpu.memory_space<vmem>>
    %dma_start3A_679 = arith.constant 1920 : i32
    %dma_start3A_680 = tpu.memref_slice %arg7[%dma_start3A_679] : memref<2048xi32, #tpu.memory_space<vmem>> -> memref<128xi32, #tpu.memory_space<vmem>>
    %dma_start3A_681 = arith.constant 0 : i32
    %dma_start3A_682 = arith.constant 0 : i32
    %dma_start3A_683 = tpu.memref_slice %arg3[%dma_start3A_681, %dma_start3A_682] : memref<524288x128xf32, #tpu.memory_space<hbm>> -> memref<524288x128xf32, #tpu.memory_space<hbm>>
    tpu.enqueue_indirect_dma source(%dma_start3A_683 : memref<524288x128xf32, #tpu.memory_space<hbm>>) target(%dma_start3A_678 : memref<128x128xf32, #tpu.memory_space<vmem>>) offsets(%dma_start3A_680 : memref<128xi32, #tpu.memory_space<vmem>>) semaphore(%arg13 : memref<!tpu.dma_semaphore, #tpu.memory_space<semaphore_mem>>)
    %dma_wait3A_684 = arith.constant 0 : i32
    %dma_wait3A_685 = arith.constant 0 : i32
    %dma_wait3A_686 = arith.constant 0 : i32
    %dma_wait3A_687 = tpu.memref_slice %arg8[%dma_wait3A_684, %dma_wait3A_685, %dma_wait3A_686] : memref<2x128x128xf32, #tpu.memory_space<vmem>> -> memref<1x128x128xf32, #tpu.memory_space<vmem>>
    %dma_wait3A_688 = tpu.memref_squeeze %dma_wait3A_687 : memref<1x128x128xf32, #tpu.memory_space<vmem>> -> memref<128x128xf32, #tpu.memory_space<vmem>>
    %dma_wait3A_689 = arith.constant 1792 : i32
    %dma_wait3A_690 = tpu.memref_slice %arg7[%dma_wait3A_689] : memref<2048xi32, #tpu.memory_space<vmem>> -> memref<128xi32, #tpu.memory_space<vmem>>
    %dma_wait3A_691 = arith.constant 0 : i32
    %dma_wait3A_692 = arith.constant 0 : i32
    %dma_wait3A_693 = tpu.memref_slice %arg2[%dma_wait3A_691, %dma_wait3A_692] : memref<524288x128xf32, #tpu.memory_space<hbm>> -> memref<524288x128xf32, #tpu.memory_space<hbm>>
    tpu.wait_indirect_dma semaphore(%arg10 : memref<!tpu.dma_semaphore, #tpu.memory_space<semaphore_mem>>) src(%dma_wait3A_693 : memref<524288x128xf32, #tpu.memory_space<hbm>>) dst(%dma_wait3A_688 : memref<128x128xf32, #tpu.memory_space<vmem>>)
    %dma_wait3A_694 = arith.constant 0 : i32
    %dma_wait3A_695 = arith.constant 0 : i32
    %dma_wait3A_696 = arith.constant 0 : i32
    %dma_wait3A_697 = tpu.memref_slice %arg9[%dma_wait3A_694, %dma_wait3A_695, %dma_wait3A_696] : memref<2x128x128xf32, #tpu.memory_space<vmem>> -> memref<1x128x128xf32, #tpu.memory_space<vmem>>
    %dma_wait3A_698 = tpu.memref_squeeze %dma_wait3A_697 : memref<1x128x128xf32, #tpu.memory_space<vmem>> -> memref<128x128xf32, #tpu.memory_space<vmem>>
    %dma_wait3A_699 = arith.constant 1792 : i32
    %dma_wait3A_700 = tpu.memref_slice %arg7[%dma_wait3A_699] : memref<2048xi32, #tpu.memory_space<vmem>> -> memref<128xi32, #tpu.memory_space<vmem>>
    %dma_wait3A_701 = arith.constant 0 : i32
    %dma_wait3A_702 = arith.constant 0 : i32
    %dma_wait3A_703 = tpu.memref_slice %arg3[%dma_wait3A_701, %dma_wait3A_702] : memref<524288x128xf32, #tpu.memory_space<hbm>> -> memref<524288x128xf32, #tpu.memory_space<hbm>>
    tpu.wait_indirect_dma semaphore(%arg12 : memref<!tpu.dma_semaphore, #tpu.memory_space<semaphore_mem>>) src(%dma_wait3A_703 : memref<524288x128xf32, #tpu.memory_space<hbm>>) dst(%dma_wait3A_698 : memref<128x128xf32, #tpu.memory_space<vmem>>)
    %add3A_704 = arith.constant 1792 : i32
    %add3A_705 = arith.addi %mul3A_2, %add3A_704 : i32
    %run_scoped3A_706 = arith.constant 0 : i32
    "tpu.region"() ({
      %run_scoped3A_736 = tpu.sem_alloc : memref<!tpu.dma_semaphore, #tpu.memory_space<semaphore_mem>>
      %dma_start3A_737 = arith.constant 0 : i32
      %dma_start3A_738 = arith.constant 0 : i32
      %dma_start3A_739 = tpu.memref_slice %arg8[%run_scoped3A_706, %dma_start3A_737, %dma_start3A_738] : memref<2x128x128xf32, #tpu.memory_space<vmem>> -> memref<1x128x128xf32, #tpu.memory_space<vmem>>
      %dma_start3A_740 = tpu.memref_squeeze %dma_start3A_739 : memref<1x128x128xf32, #tpu.memory_space<vmem>> -> memref<128x128xf32, #tpu.memory_space<vmem>>
      %dma_start3A_741 = arith.constant 0 : i32
      %dma_start3A_742 = tpu.memref_slice %arg5[%add3A_705, %dma_start3A_741] : memref<65536x128xf32, #tpu.memory_space<hbm>> -> memref<128x128xf32, #tpu.memory_space<hbm>>
      %dma_start3A_743 = arith.constant 0 : i32
      %dma_start3A_744 = tpu.memref_slice %arg5[%add3A_705, %dma_start3A_743] : memref<65536x128xf32, #tpu.memory_space<hbm>> -> memref<128x128xf32, #tpu.memory_space<hbm>>
      %dma_start3A_745 = arith.constant 0 : i32
      %dma_start3A_746 = arith.constant 0 : i32
      %dma_start3A_747 = tpu.memref_slice %arg8[%run_scoped3A_706, %dma_start3A_745, %dma_start3A_746] : memref<2x128x128xf32, #tpu.memory_space<vmem>> -> memref<1x128x128xf32, #tpu.memory_space<vmem>>
      %dma_start3A_748 = tpu.memref_squeeze %dma_start3A_747 : memref<1x128x128xf32, #tpu.memory_space<vmem>> -> memref<128x128xf32, #tpu.memory_space<vmem>>
      tpu.enqueue_dma source(%dma_start3A_748 : memref<128x128xf32, #tpu.memory_space<vmem>>) target(%dma_start3A_744 : memref<128x128xf32, #tpu.memory_space<hbm>>) target_semaphore(%run_scoped3A_736 : memref<!tpu.dma_semaphore, #tpu.memory_space<semaphore_mem>>)
      %dma_wait3A_749 = arith.constant 0 : i32
      %dma_wait3A_750 = arith.constant 0 : i32
      %dma_wait3A_751 = tpu.memref_slice %arg8[%run_scoped3A_706, %dma_wait3A_749, %dma_wait3A_750] : memref<2x128x128xf32, #tpu.memory_space<vmem>> -> memref<1x128x128xf32, #tpu.memory_space<vmem>>
      %dma_wait3A_752 = tpu.memref_squeeze %dma_wait3A_751 : memref<1x128x128xf32, #tpu.memory_space<vmem>> -> memref<128x128xf32, #tpu.memory_space<vmem>>
      %dma_wait3A_753 = arith.constant 0 : i32
      %dma_wait3A_754 = tpu.memref_slice %arg5[%add3A_705, %dma_wait3A_753] : memref<65536x128xf32, #tpu.memory_space<hbm>> -> memref<128x128xf32, #tpu.memory_space<hbm>>
      %dma_wait3A_755 = arith.constant 0 : i32
      %dma_wait3A_756 = tpu.memref_slice %arg5[%add3A_705, %dma_wait3A_755] : memref<65536x128xf32, #tpu.memory_space<hbm>> -> memref<128x128xf32, #tpu.memory_space<hbm>>
      %dma_wait3A_757 = arith.constant 0 : i32
      %dma_wait3A_758 = arith.constant 0 : i32
      %dma_wait3A_759 = tpu.memref_slice %arg8[%run_scoped3A_706, %dma_wait3A_757, %dma_wait3A_758] : memref<2x128x128xf32, #tpu.memory_space<vmem>> -> memref<1x128x128xf32, #tpu.memory_space<vmem>>
      %dma_wait3A_760 = tpu.memref_squeeze %dma_wait3A_759 : memref<1x128x128xf32, #tpu.memory_space<vmem>> -> memref<128x128xf32, #tpu.memory_space<vmem>>
      tpu.wait_dma2 semaphore(%run_scoped3A_736 : memref<!tpu.dma_semaphore, #tpu.memory_space<semaphore_mem>>) src(%dma_wait3A_760 : memref<128x128xf32, #tpu.memory_space<vmem>>) dst(%dma_wait3A_756 : memref<128x128xf32, #tpu.memory_space<hbm>>)
      tpu.yield
    }) : () -> ()
    %add3A_707 = arith.constant 1792 : i32
    %add3A_708 = arith.addi %mul3A_2, %add3A_707 : i32
    %run_scoped3A_709 = arith.constant 0 : i32
    "tpu.region"() ({
      %run_scoped3A_736 = tpu.sem_alloc : memref<!tpu.dma_semaphore, #tpu.memory_space<semaphore_mem>>
      %dma_start3A_737 = arith.constant 0 : i32
      %dma_start3A_738 = arith.constant 0 : i32
      %dma_start3A_739 = tpu.memref_slice %arg9[%run_scoped3A_709, %dma_start3A_737, %dma_start3A_738] : memref<2x128x128xf32, #tpu.memory_space<vmem>> -> memref<1x128x128xf32, #tpu.memory_space<vmem>>
      %dma_start3A_740 = tpu.memref_squeeze %dma_start3A_739 : memref<1x128x128xf32, #tpu.memory_space<vmem>> -> memref<128x128xf32, #tpu.memory_space<vmem>>
      %dma_start3A_741 = arith.constant 0 : i32
      %dma_start3A_742 = tpu.memref_slice %arg6[%add3A_708, %dma_start3A_741] : memref<65536x128xf32, #tpu.memory_space<hbm>> -> memref<128x128xf32, #tpu.memory_space<hbm>>
      %dma_start3A_743 = arith.constant 0 : i32
      %dma_start3A_744 = tpu.memref_slice %arg6[%add3A_708, %dma_start3A_743] : memref<65536x128xf32, #tpu.memory_space<hbm>> -> memref<128x128xf32, #tpu.memory_space<hbm>>
      %dma_start3A_745 = arith.constant 0 : i32
      %dma_start3A_746 = arith.constant 0 : i32
      %dma_start3A_747 = tpu.memref_slice %arg9[%run_scoped3A_709, %dma_start3A_745, %dma_start3A_746] : memref<2x128x128xf32, #tpu.memory_space<vmem>> -> memref<1x128x128xf32, #tpu.memory_space<vmem>>
      %dma_start3A_748 = tpu.memref_squeeze %dma_start3A_747 : memref<1x128x128xf32, #tpu.memory_space<vmem>> -> memref<128x128xf32, #tpu.memory_space<vmem>>
      tpu.enqueue_dma source(%dma_start3A_748 : memref<128x128xf32, #tpu.memory_space<vmem>>) target(%dma_start3A_744 : memref<128x128xf32, #tpu.memory_space<hbm>>) target_semaphore(%run_scoped3A_736 : memref<!tpu.dma_semaphore, #tpu.memory_space<semaphore_mem>>)
      %dma_wait3A_749 = arith.constant 0 : i32
      %dma_wait3A_750 = arith.constant 0 : i32
      %dma_wait3A_751 = tpu.memref_slice %arg9[%run_scoped3A_709, %dma_wait3A_749, %dma_wait3A_750] : memref<2x128x128xf32, #tpu.memory_space<vmem>> -> memref<1x128x128xf32, #tpu.memory_space<vmem>>
      %dma_wait3A_752 = tpu.memref_squeeze %dma_wait3A_751 : memref<1x128x128xf32, #tpu.memory_space<vmem>> -> memref<128x128xf32, #tpu.memory_space<vmem>>
      %dma_wait3A_753 = arith.constant 0 : i32
      %dma_wait3A_754 = tpu.memref_slice %arg6[%add3A_708, %dma_wait3A_753] : memref<65536x128xf32, #tpu.memory_space<hbm>> -> memref<128x128xf32, #tpu.memory_space<hbm>>
      %dma_wait3A_755 = arith.constant 0 : i32
      %dma_wait3A_756 = tpu.memref_slice %arg6[%add3A_708, %dma_wait3A_755] : memref<65536x128xf32, #tpu.memory_space<hbm>> -> memref<128x128xf32, #tpu.memory_space<hbm>>
      %dma_wait3A_757 = arith.constant 0 : i32
      %dma_wait3A_758 = arith.constant 0 : i32
      %dma_wait3A_759 = tpu.memref_slice %arg9[%run_scoped3A_709, %dma_wait3A_757, %dma_wait3A_758] : memref<2x128x128xf32, #tpu.memory_space<vmem>> -> memref<1x128x128xf32, #tpu.memory_space<vmem>>
      %dma_wait3A_760 = tpu.memref_squeeze %dma_wait3A_759 : memref<1x128x128xf32, #tpu.memory_space<vmem>> -> memref<128x128xf32, #tpu.memory_space<vmem>>
      tpu.wait_dma2 semaphore(%run_scoped3A_736 : memref<!tpu.dma_semaphore, #tpu.memory_space<semaphore_mem>>) src(%dma_wait3A_760 : memref<128x128xf32, #tpu.memory_space<vmem>>) dst(%dma_wait3A_756 : memref<128x128xf32, #tpu.memory_space<hbm>>)
      tpu.yield
    }) : () -> ()
    %dma_wait3A_710 = arith.constant 1 : i32
    %dma_wait3A_711 = arith.constant 0 : i32
    %dma_wait3A_712 = arith.constant 0 : i32
    %dma_wait3A_713 = tpu.memref_slice %arg8[%dma_wait3A_710, %dma_wait3A_711, %dma_wait3A_712] : memref<2x128x128xf32, #tpu.memory_space<vmem>> -> memref<1x128x128xf32, #tpu.memory_space<vmem>>
    %dma_wait3A_714 = tpu.memref_squeeze %dma_wait3A_713 : memref<1x128x128xf32, #tpu.memory_space<vmem>> -> memref<128x128xf32, #tpu.memory_space<vmem>>
    %dma_wait3A_715 = arith.constant 1920 : i32
    %dma_wait3A_716 = tpu.memref_slice %arg7[%dma_wait3A_715] : memref<2048xi32, #tpu.memory_space<vmem>> -> memref<128xi32, #tpu.memory_space<vmem>>
    %dma_wait3A_717 = arith.constant 0 : i32
    %dma_wait3A_718 = arith.constant 0 : i32
    %dma_wait3A_719 = tpu.memref_slice %arg2[%dma_wait3A_717, %dma_wait3A_718] : memref<524288x128xf32, #tpu.memory_space<hbm>> -> memref<524288x128xf32, #tpu.memory_space<hbm>>
    tpu.wait_indirect_dma semaphore(%arg11 : memref<!tpu.dma_semaphore, #tpu.memory_space<semaphore_mem>>) src(%dma_wait3A_719 : memref<524288x128xf32, #tpu.memory_space<hbm>>) dst(%dma_wait3A_714 : memref<128x128xf32, #tpu.memory_space<vmem>>)
    %dma_wait3A_720 = arith.constant 1 : i32
    %dma_wait3A_721 = arith.constant 0 : i32
    %dma_wait3A_722 = arith.constant 0 : i32
    %dma_wait3A_723 = tpu.memref_slice %arg9[%dma_wait3A_720, %dma_wait3A_721, %dma_wait3A_722] : memref<2x128x128xf32, #tpu.memory_space<vmem>> -> memref<1x128x128xf32, #tpu.memory_space<vmem>>
    %dma_wait3A_724 = tpu.memref_squeeze %dma_wait3A_723 : memref<1x128x128xf32, #tpu.memory_space<vmem>> -> memref<128x128xf32, #tpu.memory_space<vmem>>
    %dma_wait3A_725 = arith.constant 1920 : i32
    %dma_wait3A_726 = tpu.memref_slice %arg7[%dma_wait3A_725] : memref<2048xi32, #tpu.memory_space<vmem>> -> memref<128xi32, #tpu.memory_space<vmem>>
    %dma_wait3A_727 = arith.constant 0 : i32
    %dma_wait3A_728 = arith.constant 0 : i32
    %dma_wait3A_729 = tpu.memref_slice %arg3[%dma_wait3A_727, %dma_wait3A_728] : memref<524288x128xf32, #tpu.memory_space<hbm>> -> memref<524288x128xf32, #tpu.memory_space<hbm>>
    tpu.wait_indirect_dma semaphore(%arg13 : memref<!tpu.dma_semaphore, #tpu.memory_space<semaphore_mem>>) src(%dma_wait3A_729 : memref<524288x128xf32, #tpu.memory_space<hbm>>) dst(%dma_wait3A_724 : memref<128x128xf32, #tpu.memory_space<vmem>>)
    %add3A_730 = arith.constant 1920 : i32
    %add3A_731 = arith.addi %mul3A_2, %add3A_730 : i32
    %run_scoped3A_732 = arith.constant 1 : i32
    "tpu.region"() ({
      %run_scoped3A_736 = tpu.sem_alloc : memref<!tpu.dma_semaphore, #tpu.memory_space<semaphore_mem>>
      %dma_start3A_737 = arith.constant 0 : i32
      %dma_start3A_738 = arith.constant 0 : i32
      %dma_start3A_739 = tpu.memref_slice %arg8[%run_scoped3A_732, %dma_start3A_737, %dma_start3A_738] : memref<2x128x128xf32, #tpu.memory_space<vmem>> -> memref<1x128x128xf32, #tpu.memory_space<vmem>>
      %dma_start3A_740 = tpu.memref_squeeze %dma_start3A_739 : memref<1x128x128xf32, #tpu.memory_space<vmem>> -> memref<128x128xf32, #tpu.memory_space<vmem>>
      %dma_start3A_741 = arith.constant 0 : i32
      %dma_start3A_742 = tpu.memref_slice %arg5[%add3A_731, %dma_start3A_741] : memref<65536x128xf32, #tpu.memory_space<hbm>> -> memref<128x128xf32, #tpu.memory_space<hbm>>
      %dma_start3A_743 = arith.constant 0 : i32
      %dma_start3A_744 = tpu.memref_slice %arg5[%add3A_731, %dma_start3A_743] : memref<65536x128xf32, #tpu.memory_space<hbm>> -> memref<128x128xf32, #tpu.memory_space<hbm>>
      %dma_start3A_745 = arith.constant 0 : i32
      %dma_start3A_746 = arith.constant 0 : i32
      %dma_start3A_747 = tpu.memref_slice %arg8[%run_scoped3A_732, %dma_start3A_745, %dma_start3A_746] : memref<2x128x128xf32, #tpu.memory_space<vmem>> -> memref<1x128x128xf32, #tpu.memory_space<vmem>>
      %dma_start3A_748 = tpu.memref_squeeze %dma_start3A_747 : memref<1x128x128xf32, #tpu.memory_space<vmem>> -> memref<128x128xf32, #tpu.memory_space<vmem>>
      tpu.enqueue_dma source(%dma_start3A_748 : memref<128x128xf32, #tpu.memory_space<vmem>>) target(%dma_start3A_744 : memref<128x128xf32, #tpu.memory_space<hbm>>) target_semaphore(%run_scoped3A_736 : memref<!tpu.dma_semaphore, #tpu.memory_space<semaphore_mem>>)
      %dma_wait3A_749 = arith.constant 0 : i32
      %dma_wait3A_750 = arith.constant 0 : i32
      %dma_wait3A_751 = tpu.memref_slice %arg8[%run_scoped3A_732, %dma_wait3A_749, %dma_wait3A_750] : memref<2x128x128xf32, #tpu.memory_space<vmem>> -> memref<1x128x128xf32, #tpu.memory_space<vmem>>
      %dma_wait3A_752 = tpu.memref_squeeze %dma_wait3A_751 : memref<1x128x128xf32, #tpu.memory_space<vmem>> -> memref<128x128xf32, #tpu.memory_space<vmem>>
      %dma_wait3A_753 = arith.constant 0 : i32
      %dma_wait3A_754 = tpu.memref_slice %arg5[%add3A_731, %dma_wait3A_753] : memref<65536x128xf32, #tpu.memory_space<hbm>> -> memref<128x128xf32, #tpu.memory_space<hbm>>
      %dma_wait3A_755 = arith.constant 0 : i32
      %dma_wait3A_756 = tpu.memref_slice %arg5[%add3A_731, %dma_wait3A_755] : memref<65536x128xf32, #tpu.memory_space<hbm>> -> memref<128x128xf32, #tpu.memory_space<hbm>>
      %dma_wait3A_757 = arith.constant 0 : i32
      %dma_wait3A_758 = arith.constant 0 : i32
      %dma_wait3A_759 = tpu.memref_slice %arg8[%run_scoped3A_732, %dma_wait3A_757, %dma_wait3A_758] : memref<2x128x128xf32, #tpu.memory_space<vmem>> -> memref<1x128x128xf32, #tpu.memory_space<vmem>>
      %dma_wait3A_760 = tpu.memref_squeeze %dma_wait3A_759 : memref<1x128x128xf32, #tpu.memory_space<vmem>> -> memref<128x128xf32, #tpu.memory_space<vmem>>
      tpu.wait_dma2 semaphore(%run_scoped3A_736 : memref<!tpu.dma_semaphore, #tpu.memory_space<semaphore_mem>>) src(%dma_wait3A_760 : memref<128x128xf32, #tpu.memory_space<vmem>>) dst(%dma_wait3A_756 : memref<128x128xf32, #tpu.memory_space<hbm>>)
      tpu.yield
    }) : () -> ()
    %add3A_733 = arith.constant 1920 : i32
    %add3A_734 = arith.addi %mul3A_2, %add3A_733 : i32
    %run_scoped3A_735 = arith.constant 1 : i32
    "tpu.region"() ({
      %run_scoped3A_736 = tpu.sem_alloc : memref<!tpu.dma_semaphore, #tpu.memory_space<semaphore_mem>>
      %dma_start3A_737 = arith.constant 0 : i32
      %dma_start3A_738 = arith.constant 0 : i32
      %dma_start3A_739 = tpu.memref_slice %arg9[%run_scoped3A_735, %dma_start3A_737, %dma_start3A_738] : memref<2x128x128xf32, #tpu.memory_space<vmem>> -> memref<1x128x128xf32, #tpu.memory_space<vmem>>
      %dma_start3A_740 = tpu.memref_squeeze %dma_start3A_739 : memref<1x128x128xf32, #tpu.memory_space<vmem>> -> memref<128x128xf32, #tpu.memory_space<vmem>>
      %dma_start3A_741 = arith.constant 0 : i32
      %dma_start3A_742 = tpu.memref_slice %arg6[%add3A_734, %dma_start3A_741] : memref<65536x128xf32, #tpu.memory_space<hbm>> -> memref<128x128xf32, #tpu.memory_space<hbm>>
      %dma_start3A_743 = arith.constant 0 : i32
      %dma_start3A_744 = tpu.memref_slice %arg6[%add3A_734, %dma_start3A_743] : memref<65536x128xf32, #tpu.memory_space<hbm>> -> memref<128x128xf32, #tpu.memory_space<hbm>>
      %dma_start3A_745 = arith.constant 0 : i32
      %dma_start3A_746 = arith.constant 0 : i32
      %dma_start3A_747 = tpu.memref_slice %arg9[%run_scoped3A_735, %dma_start3A_745, %dma_start3A_746] : memref<2x128x128xf32, #tpu.memory_space<vmem>> -> memref<1x128x128xf32, #tpu.memory_space<vmem>>
      %dma_start3A_748 = tpu.memref_squeeze %dma_start3A_747 : memref<1x128x128xf32, #tpu.memory_space<vmem>> -> memref<128x128xf32, #tpu.memory_space<vmem>>
      tpu.enqueue_dma source(%dma_start3A_748 : memref<128x128xf32, #tpu.memory_space<vmem>>) target(%dma_start3A_744 : memref<128x128xf32, #tpu.memory_space<hbm>>) target_semaphore(%run_scoped3A_736 : memref<!tpu.dma_semaphore, #tpu.memory_space<semaphore_mem>>)
      %dma_wait3A_749 = arith.constant 0 : i32
      %dma_wait3A_750 = arith.constant 0 : i32
      %dma_wait3A_751 = tpu.memref_slice %arg9[%run_scoped3A_735, %dma_wait3A_749, %dma_wait3A_750] : memref<2x128x128xf32, #tpu.memory_space<vmem>> -> memref<1x128x128xf32, #tpu.memory_space<vmem>>
      %dma_wait3A_752 = tpu.memref_squeeze %dma_wait3A_751 : memref<1x128x128xf32, #tpu.memory_space<vmem>> -> memref<128x128xf32, #tpu.memory_space<vmem>>
      %dma_wait3A_753 = arith.constant 0 : i32
      %dma_wait3A_754 = tpu.memref_slice %arg6[%add3A_734, %dma_wait3A_753] : memref<65536x128xf32, #tpu.memory_space<hbm>> -> memref<128x128xf32, #tpu.memory_space<hbm>>
      %dma_wait3A_755 = arith.constant 0 : i32
      %dma_wait3A_756 = tpu.memref_slice %arg6[%add3A_734, %dma_wait3A_755] : memref<65536x128xf32, #tpu.memory_space<hbm>> -> memref<128x128xf32, #tpu.memory_space<hbm>>
      %dma_wait3A_757 = arith.constant 0 : i32
      %dma_wait3A_758 = arith.constant 0 : i32
      %dma_wait3A_759 = tpu.memref_slice %arg9[%run_scoped3A_735, %dma_wait3A_757, %dma_wait3A_758] : memref<2x128x128xf32, #tpu.memory_space<vmem>> -> memref<1x128x128xf32, #tpu.memory_space<vmem>>
      %dma_wait3A_760 = tpu.memref_squeeze %dma_wait3A_759 : memref<1x128x128xf32, #tpu.memory_space<vmem>> -> memref<128x128xf32, #tpu.memory_space<vmem>>
      tpu.wait_dma2 semaphore(%run_scoped3A_736 : memref<!tpu.dma_semaphore, #tpu.memory_space<semaphore_mem>>) src(%dma_wait3A_760 : memref<128x128xf32, #tpu.memory_space<vmem>>) dst(%dma_wait3A_756 : memref<128x128xf32, #tpu.memory_space<hbm>>)
      tpu.yield
    }) : () -> ()
    return
  }
}

module attributes {stable_mosaic.version = 14 : i64} {
  func.func @_attn_body(%arg0: i32, %arg1: memref<64x4x128xf32, #tpu.memory_space<vmem>>, %arg2: memref<64x128x128xf32, #tpu.memory_space<vmem>>, %arg3: memref<64x128x128xf32, #tpu.memory_space<vmem>>, %arg4: memref<64x4x128xf32, #tpu.memory_space<vmem>>) attributes {dimension_semantics = [#tpu.dimension_semantics<arbitrary>], iteration_bounds = array<i64: 8>, scalar_prefetch = 0 : i64, scratch_operands = 0 : i64, tpu.core_type = #tpu.core_type<tc>, window_params = [{transform_indices = @transform_0, window_bounds = array<i64: 64, 4, 128>}, {transform_indices = @transform_1, window_bounds = array<i64: 64, 128, 128>}, {transform_indices = @transform_2, window_bounds = array<i64: 64, 128, 128>}, {transform_indices = @transform_3, window_bounds = array<i64: 64, 4, 128>}]} {
    %get3A = arith.constant 0 : index
    %get3A_0 = arith.constant 0 : index
    %get3A_1 = arith.constant 0 : index
    %get3A_2 = vector.load %arg1[%get3A, %get3A_0, %get3A_1] : memref<64x4x128xf32, #tpu.memory_space<vmem>>, vector<1x4x128xf32>
    %get3A_3 = vector.shape_cast %get3A_2 : vector<1x4x128xf32> to vector<4x128xf32>
    %mul3A = arith.constant 0.0883883461 : f32
    %mul3A_4 = vector.broadcast %mul3A : f32 to vector<4x128xf32>
    %mul3A_5 = arith.mulf %get3A_3, %mul3A_4 : vector<4x128xf32>
    %convert_element_type3A = arith.truncf %mul3A_5 : vector<4x128xf32> to vector<4x128xbf16>
    %get3A_6 = arith.constant 0 : index
    %get3A_7 = arith.constant 0 : index
    %get3A_8 = arith.constant 0 : index
    %get3A_9 = vector.load %arg2[%get3A_6, %get3A_7, %get3A_8] : memref<64x128x128xf32, #tpu.memory_space<vmem>>, vector<1x128x128xf32>
    %get3A_10 = vector.shape_cast %get3A_9 : vector<1x128x128xf32> to vector<128x128xf32>
    %convert_element_type3A_11 = arith.truncf %get3A_10 : vector<128x128xf32> to vector<128x128xbf16>
    %dot_general3A = arith.constant dense<0.000000e+00> : vector<4x128xf32>
    %dot_general3A_12 = tpu.matmul %convert_element_type3A, %convert_element_type3A_11, %dot_general3A {dimension_numbers = #tpu.dot_dimension_numbers<[1], [1], [0], [0], [0, 0, 1, 0], [], []>, transpose_lhs_hint = false} : vector<4x128xbf16>, vector<128x128xbf16>, vector<4x128xf32> -> vector<4x128xf32>
    %get3A_13 = arith.constant 1 : index
    %get3A_14 = arith.constant 0 : index
    %get3A_15 = arith.constant 0 : index
    %get3A_16 = vector.load %arg1[%get3A_13, %get3A_14, %get3A_15] : memref<64x4x128xf32, #tpu.memory_space<vmem>>, vector<1x4x128xf32>
    %get3A_17 = vector.shape_cast %get3A_16 : vector<1x4x128xf32> to vector<4x128xf32>
    %mul3A_18 = arith.constant 0.0883883461 : f32
    %mul3A_19 = vector.broadcast %mul3A_18 : f32 to vector<4x128xf32>
    %mul3A_20 = arith.mulf %get3A_17, %mul3A_19 : vector<4x128xf32>
    %convert_element_type3A_21 = arith.truncf %mul3A_20 : vector<4x128xf32> to vector<4x128xbf16>
    %get3A_22 = arith.constant 1 : index
    %get3A_23 = arith.constant 0 : index
    %get3A_24 = arith.constant 0 : index
    %get3A_25 = vector.load %arg2[%get3A_22, %get3A_23, %get3A_24] : memref<64x128x128xf32, #tpu.memory_space<vmem>>, vector<1x128x128xf32>
    %get3A_26 = vector.shape_cast %get3A_25 : vector<1x128x128xf32> to vector<128x128xf32>
    %convert_element_type3A_27 = arith.truncf %get3A_26 : vector<128x128xf32> to vector<128x128xbf16>
    %dot_general3A_28 = arith.constant dense<0.000000e+00> : vector<4x128xf32>
    %dot_general3A_29 = tpu.matmul %convert_element_type3A_21, %convert_element_type3A_27, %dot_general3A_28 {dimension_numbers = #tpu.dot_dimension_numbers<[1], [1], [0], [0], [0, 0, 1, 0], [], []>, transpose_lhs_hint = false} : vector<4x128xbf16>, vector<128x128xbf16>, vector<4x128xf32> -> vector<4x128xf32>
    %get3A_30 = arith.constant 2 : index
    %get3A_31 = arith.constant 0 : index
    %get3A_32 = arith.constant 0 : index
    %get3A_33 = vector.load %arg1[%get3A_30, %get3A_31, %get3A_32] : memref<64x4x128xf32, #tpu.memory_space<vmem>>, vector<1x4x128xf32>
    %get3A_34 = vector.shape_cast %get3A_33 : vector<1x4x128xf32> to vector<4x128xf32>
    %mul3A_35 = arith.constant 0.0883883461 : f32
    %mul3A_36 = vector.broadcast %mul3A_35 : f32 to vector<4x128xf32>
    %mul3A_37 = arith.mulf %get3A_34, %mul3A_36 : vector<4x128xf32>
    %convert_element_type3A_38 = arith.truncf %mul3A_37 : vector<4x128xf32> to vector<4x128xbf16>
    %get3A_39 = arith.constant 2 : index
    %get3A_40 = arith.constant 0 : index
    %get3A_41 = arith.constant 0 : index
    %get3A_42 = vector.load %arg2[%get3A_39, %get3A_40, %get3A_41] : memref<64x128x128xf32, #tpu.memory_space<vmem>>, vector<1x128x128xf32>
    %get3A_43 = vector.shape_cast %get3A_42 : vector<1x128x128xf32> to vector<128x128xf32>
    %convert_element_type3A_44 = arith.truncf %get3A_43 : vector<128x128xf32> to vector<128x128xbf16>
    %dot_general3A_45 = arith.constant dense<0.000000e+00> : vector<4x128xf32>
    %dot_general3A_46 = tpu.matmul %convert_element_type3A_38, %convert_element_type3A_44, %dot_general3A_45 {dimension_numbers = #tpu.dot_dimension_numbers<[1], [1], [0], [0], [0, 0, 1, 0], [], []>, transpose_lhs_hint = false} : vector<4x128xbf16>, vector<128x128xbf16>, vector<4x128xf32> -> vector<4x128xf32>
    %get3A_47 = arith.constant 3 : index
    %get3A_48 = arith.constant 0 : index
    %get3A_49 = arith.constant 0 : index
    %get3A_50 = vector.load %arg1[%get3A_47, %get3A_48, %get3A_49] : memref<64x4x128xf32, #tpu.memory_space<vmem>>, vector<1x4x128xf32>
    %get3A_51 = vector.shape_cast %get3A_50 : vector<1x4x128xf32> to vector<4x128xf32>
    %mul3A_52 = arith.constant 0.0883883461 : f32
    %mul3A_53 = vector.broadcast %mul3A_52 : f32 to vector<4x128xf32>
    %mul3A_54 = arith.mulf %get3A_51, %mul3A_53 : vector<4x128xf32>
    %convert_element_type3A_55 = arith.truncf %mul3A_54 : vector<4x128xf32> to vector<4x128xbf16>
    %get3A_56 = arith.constant 3 : index
    %get3A_57 = arith.constant 0 : index
    %get3A_58 = arith.constant 0 : index
    %get3A_59 = vector.load %arg2[%get3A_56, %get3A_57, %get3A_58] : memref<64x128x128xf32, #tpu.memory_space<vmem>>, vector<1x128x128xf32>
    %get3A_60 = vector.shape_cast %get3A_59 : vector<1x128x128xf32> to vector<128x128xf32>
    %convert_element_type3A_61 = arith.truncf %get3A_60 : vector<128x128xf32> to vector<128x128xbf16>
    %dot_general3A_62 = arith.constant dense<0.000000e+00> : vector<4x128xf32>
    %dot_general3A_63 = tpu.matmul %convert_element_type3A_55, %convert_element_type3A_61, %dot_general3A_62 {dimension_numbers = #tpu.dot_dimension_numbers<[1], [1], [0], [0], [0, 0, 1, 0], [], []>, transpose_lhs_hint = false} : vector<4x128xbf16>, vector<128x128xbf16>, vector<4x128xf32> -> vector<4x128xf32>
    %get3A_64 = arith.constant 4 : index
    %get3A_65 = arith.constant 0 : index
    %get3A_66 = arith.constant 0 : index
    %get3A_67 = vector.load %arg1[%get3A_64, %get3A_65, %get3A_66] : memref<64x4x128xf32, #tpu.memory_space<vmem>>, vector<1x4x128xf32>
    %get3A_68 = vector.shape_cast %get3A_67 : vector<1x4x128xf32> to vector<4x128xf32>
    %mul3A_69 = arith.constant 0.0883883461 : f32
    %mul3A_70 = vector.broadcast %mul3A_69 : f32 to vector<4x128xf32>
    %mul3A_71 = arith.mulf %get3A_68, %mul3A_70 : vector<4x128xf32>
    %convert_element_type3A_72 = arith.truncf %mul3A_71 : vector<4x128xf32> to vector<4x128xbf16>
    %get3A_73 = arith.constant 4 : index
    %get3A_74 = arith.constant 0 : index
    %get3A_75 = arith.constant 0 : index
    %get3A_76 = vector.load %arg2[%get3A_73, %get3A_74, %get3A_75] : memref<64x128x128xf32, #tpu.memory_space<vmem>>, vector<1x128x128xf32>
    %get3A_77 = vector.shape_cast %get3A_76 : vector<1x128x128xf32> to vector<128x128xf32>
    %convert_element_type3A_78 = arith.truncf %get3A_77 : vector<128x128xf32> to vector<128x128xbf16>
    %dot_general3A_79 = arith.constant dense<0.000000e+00> : vector<4x128xf32>
    %dot_general3A_80 = tpu.matmul %convert_element_type3A_72, %convert_element_type3A_78, %dot_general3A_79 {dimension_numbers = #tpu.dot_dimension_numbers<[1], [1], [0], [0], [0, 0, 1, 0], [], []>, transpose_lhs_hint = false} : vector<4x128xbf16>, vector<128x128xbf16>, vector<4x128xf32> -> vector<4x128xf32>
    %get3A_81 = arith.constant 5 : index
    %get3A_82 = arith.constant 0 : index
    %get3A_83 = arith.constant 0 : index
    %get3A_84 = vector.load %arg1[%get3A_81, %get3A_82, %get3A_83] : memref<64x4x128xf32, #tpu.memory_space<vmem>>, vector<1x4x128xf32>
    %get3A_85 = vector.shape_cast %get3A_84 : vector<1x4x128xf32> to vector<4x128xf32>
    %mul3A_86 = arith.constant 0.0883883461 : f32
    %mul3A_87 = vector.broadcast %mul3A_86 : f32 to vector<4x128xf32>
    %mul3A_88 = arith.mulf %get3A_85, %mul3A_87 : vector<4x128xf32>
    %convert_element_type3A_89 = arith.truncf %mul3A_88 : vector<4x128xf32> to vector<4x128xbf16>
    %get3A_90 = arith.constant 5 : index
    %get3A_91 = arith.constant 0 : index
    %get3A_92 = arith.constant 0 : index
    %get3A_93 = vector.load %arg2[%get3A_90, %get3A_91, %get3A_92] : memref<64x128x128xf32, #tpu.memory_space<vmem>>, vector<1x128x128xf32>
    %get3A_94 = vector.shape_cast %get3A_93 : vector<1x128x128xf32> to vector<128x128xf32>
    %convert_element_type3A_95 = arith.truncf %get3A_94 : vector<128x128xf32> to vector<128x128xbf16>
    %dot_general3A_96 = arith.constant dense<0.000000e+00> : vector<4x128xf32>
    %dot_general3A_97 = tpu.matmul %convert_element_type3A_89, %convert_element_type3A_95, %dot_general3A_96 {dimension_numbers = #tpu.dot_dimension_numbers<[1], [1], [0], [0], [0, 0, 1, 0], [], []>, transpose_lhs_hint = false} : vector<4x128xbf16>, vector<128x128xbf16>, vector<4x128xf32> -> vector<4x128xf32>
    %get3A_98 = arith.constant 6 : index
    %get3A_99 = arith.constant 0 : index
    %get3A_100 = arith.constant 0 : index
    %get3A_101 = vector.load %arg1[%get3A_98, %get3A_99, %get3A_100] : memref<64x4x128xf32, #tpu.memory_space<vmem>>, vector<1x4x128xf32>
    %get3A_102 = vector.shape_cast %get3A_101 : vector<1x4x128xf32> to vector<4x128xf32>
    %mul3A_103 = arith.constant 0.0883883461 : f32
    %mul3A_104 = vector.broadcast %mul3A_103 : f32 to vector<4x128xf32>
    %mul3A_105 = arith.mulf %get3A_102, %mul3A_104 : vector<4x128xf32>
    %convert_element_type3A_106 = arith.truncf %mul3A_105 : vector<4x128xf32> to vector<4x128xbf16>
    %get3A_107 = arith.constant 6 : index
    %get3A_108 = arith.constant 0 : index
    %get3A_109 = arith.constant 0 : index
    %get3A_110 = vector.load %arg2[%get3A_107, %get3A_108, %get3A_109] : memref<64x128x128xf32, #tpu.memory_space<vmem>>, vector<1x128x128xf32>
    %get3A_111 = vector.shape_cast %get3A_110 : vector<1x128x128xf32> to vector<128x128xf32>
    %convert_element_type3A_112 = arith.truncf %get3A_111 : vector<128x128xf32> to vector<128x128xbf16>
    %dot_general3A_113 = arith.constant dense<0.000000e+00> : vector<4x128xf32>
    %dot_general3A_114 = tpu.matmul %convert_element_type3A_106, %convert_element_type3A_112, %dot_general3A_113 {dimension_numbers = #tpu.dot_dimension_numbers<[1], [1], [0], [0], [0, 0, 1, 0], [], []>, transpose_lhs_hint = false} : vector<4x128xbf16>, vector<128x128xbf16>, vector<4x128xf32> -> vector<4x128xf32>
    %get3A_115 = arith.constant 7 : index
    %get3A_116 = arith.constant 0 : index
    %get3A_117 = arith.constant 0 : index
    %get3A_118 = vector.load %arg1[%get3A_115, %get3A_116, %get3A_117] : memref<64x4x128xf32, #tpu.memory_space<vmem>>, vector<1x4x128xf32>
    %get3A_119 = vector.shape_cast %get3A_118 : vector<1x4x128xf32> to vector<4x128xf32>
    %mul3A_120 = arith.constant 0.0883883461 : f32
    %mul3A_121 = vector.broadcast %mul3A_120 : f32 to vector<4x128xf32>
    %mul3A_122 = arith.mulf %get3A_119, %mul3A_121 : vector<4x128xf32>
    %convert_element_type3A_123 = arith.truncf %mul3A_122 : vector<4x128xf32> to vector<4x128xbf16>
    %get3A_124 = arith.constant 7 : index
    %get3A_125 = arith.constant 0 : index
    %get3A_126 = arith.constant 0 : index
    %get3A_127 = vector.load %arg2[%get3A_124, %get3A_125, %get3A_126] : memref<64x128x128xf32, #tpu.memory_space<vmem>>, vector<1x128x128xf32>
    %get3A_128 = vector.shape_cast %get3A_127 : vector<1x128x128xf32> to vector<128x128xf32>
    %convert_element_type3A_129 = arith.truncf %get3A_128 : vector<128x128xf32> to vector<128x128xbf16>
    %dot_general3A_130 = arith.constant dense<0.000000e+00> : vector<4x128xf32>
    %dot_general3A_131 = tpu.matmul %convert_element_type3A_123, %convert_element_type3A_129, %dot_general3A_130 {dimension_numbers = #tpu.dot_dimension_numbers<[1], [1], [0], [0], [0, 0, 1, 0], [], []>, transpose_lhs_hint = false} : vector<4x128xbf16>, vector<128x128xbf16>, vector<4x128xf32> -> vector<4x128xf32>
    %get3A_132 = arith.constant 8 : index
    %get3A_133 = arith.constant 0 : index
    %get3A_134 = arith.constant 0 : index
    %get3A_135 = vector.load %arg1[%get3A_132, %get3A_133, %get3A_134] : memref<64x4x128xf32, #tpu.memory_space<vmem>>, vector<1x4x128xf32>
    %get3A_136 = vector.shape_cast %get3A_135 : vector<1x4x128xf32> to vector<4x128xf32>
    %mul3A_137 = arith.constant 0.0883883461 : f32
    %mul3A_138 = vector.broadcast %mul3A_137 : f32 to vector<4x128xf32>
    %mul3A_139 = arith.mulf %get3A_136, %mul3A_138 : vector<4x128xf32>
    %convert_element_type3A_140 = arith.truncf %mul3A_139 : vector<4x128xf32> to vector<4x128xbf16>
    %get3A_141 = arith.constant 8 : index
    %get3A_142 = arith.constant 0 : index
    %get3A_143 = arith.constant 0 : index
    %get3A_144 = vector.load %arg2[%get3A_141, %get3A_142, %get3A_143] : memref<64x128x128xf32, #tpu.memory_space<vmem>>, vector<1x128x128xf32>
    %get3A_145 = vector.shape_cast %get3A_144 : vector<1x128x128xf32> to vector<128x128xf32>
    %convert_element_type3A_146 = arith.truncf %get3A_145 : vector<128x128xf32> to vector<128x128xbf16>
    %dot_general3A_147 = arith.constant dense<0.000000e+00> : vector<4x128xf32>
    %dot_general3A_148 = tpu.matmul %convert_element_type3A_140, %convert_element_type3A_146, %dot_general3A_147 {dimension_numbers = #tpu.dot_dimension_numbers<[1], [1], [0], [0], [0, 0, 1, 0], [], []>, transpose_lhs_hint = false} : vector<4x128xbf16>, vector<128x128xbf16>, vector<4x128xf32> -> vector<4x128xf32>
    %get3A_149 = arith.constant 9 : index
    %get3A_150 = arith.constant 0 : index
    %get3A_151 = arith.constant 0 : index
    %get3A_152 = vector.load %arg1[%get3A_149, %get3A_150, %get3A_151] : memref<64x4x128xf32, #tpu.memory_space<vmem>>, vector<1x4x128xf32>
    %get3A_153 = vector.shape_cast %get3A_152 : vector<1x4x128xf32> to vector<4x128xf32>
    %mul3A_154 = arith.constant 0.0883883461 : f32
    %mul3A_155 = vector.broadcast %mul3A_154 : f32 to vector<4x128xf32>
    %mul3A_156 = arith.mulf %get3A_153, %mul3A_155 : vector<4x128xf32>
    %convert_element_type3A_157 = arith.truncf %mul3A_156 : vector<4x128xf32> to vector<4x128xbf16>
    %get3A_158 = arith.constant 9 : index
    %get3A_159 = arith.constant 0 : index
    %get3A_160 = arith.constant 0 : index
    %get3A_161 = vector.load %arg2[%get3A_158, %get3A_159, %get3A_160] : memref<64x128x128xf32, #tpu.memory_space<vmem>>, vector<1x128x128xf32>
    %get3A_162 = vector.shape_cast %get3A_161 : vector<1x128x128xf32> to vector<128x128xf32>
    %convert_element_type3A_163 = arith.truncf %get3A_162 : vector<128x128xf32> to vector<128x128xbf16>
    %dot_general3A_164 = arith.constant dense<0.000000e+00> : vector<4x128xf32>
    %dot_general3A_165 = tpu.matmul %convert_element_type3A_157, %convert_element_type3A_163, %dot_general3A_164 {dimension_numbers = #tpu.dot_dimension_numbers<[1], [1], [0], [0], [0, 0, 1, 0], [], []>, transpose_lhs_hint = false} : vector<4x128xbf16>, vector<128x128xbf16>, vector<4x128xf32> -> vector<4x128xf32>
    %get3A_166 = arith.constant 10 : index
    %get3A_167 = arith.constant 0 : index
    %get3A_168 = arith.constant 0 : index
    %get3A_169 = vector.load %arg1[%get3A_166, %get3A_167, %get3A_168] : memref<64x4x128xf32, #tpu.memory_space<vmem>>, vector<1x4x128xf32>
    %get3A_170 = vector.shape_cast %get3A_169 : vector<1x4x128xf32> to vector<4x128xf32>
    %mul3A_171 = arith.constant 0.0883883461 : f32
    %mul3A_172 = vector.broadcast %mul3A_171 : f32 to vector<4x128xf32>
    %mul3A_173 = arith.mulf %get3A_170, %mul3A_172 : vector<4x128xf32>
    %convert_element_type3A_174 = arith.truncf %mul3A_173 : vector<4x128xf32> to vector<4x128xbf16>
    %get3A_175 = arith.constant 10 : index
    %get3A_176 = arith.constant 0 : index
    %get3A_177 = arith.constant 0 : index
    %get3A_178 = vector.load %arg2[%get3A_175, %get3A_176, %get3A_177] : memref<64x128x128xf32, #tpu.memory_space<vmem>>, vector<1x128x128xf32>
    %get3A_179 = vector.shape_cast %get3A_178 : vector<1x128x128xf32> to vector<128x128xf32>
    %convert_element_type3A_180 = arith.truncf %get3A_179 : vector<128x128xf32> to vector<128x128xbf16>
    %dot_general3A_181 = arith.constant dense<0.000000e+00> : vector<4x128xf32>
    %dot_general3A_182 = tpu.matmul %convert_element_type3A_174, %convert_element_type3A_180, %dot_general3A_181 {dimension_numbers = #tpu.dot_dimension_numbers<[1], [1], [0], [0], [0, 0, 1, 0], [], []>, transpose_lhs_hint = false} : vector<4x128xbf16>, vector<128x128xbf16>, vector<4x128xf32> -> vector<4x128xf32>
    %get3A_183 = arith.constant 11 : index
    %get3A_184 = arith.constant 0 : index
    %get3A_185 = arith.constant 0 : index
    %get3A_186 = vector.load %arg1[%get3A_183, %get3A_184, %get3A_185] : memref<64x4x128xf32, #tpu.memory_space<vmem>>, vector<1x4x128xf32>
    %get3A_187 = vector.shape_cast %get3A_186 : vector<1x4x128xf32> to vector<4x128xf32>
    %mul3A_188 = arith.constant 0.0883883461 : f32
    %mul3A_189 = vector.broadcast %mul3A_188 : f32 to vector<4x128xf32>
    %mul3A_190 = arith.mulf %get3A_187, %mul3A_189 : vector<4x128xf32>
    %convert_element_type3A_191 = arith.truncf %mul3A_190 : vector<4x128xf32> to vector<4x128xbf16>
    %get3A_192 = arith.constant 11 : index
    %get3A_193 = arith.constant 0 : index
    %get3A_194 = arith.constant 0 : index
    %get3A_195 = vector.load %arg2[%get3A_192, %get3A_193, %get3A_194] : memref<64x128x128xf32, #tpu.memory_space<vmem>>, vector<1x128x128xf32>
    %get3A_196 = vector.shape_cast %get3A_195 : vector<1x128x128xf32> to vector<128x128xf32>
    %convert_element_type3A_197 = arith.truncf %get3A_196 : vector<128x128xf32> to vector<128x128xbf16>
    %dot_general3A_198 = arith.constant dense<0.000000e+00> : vector<4x128xf32>
    %dot_general3A_199 = tpu.matmul %convert_element_type3A_191, %convert_element_type3A_197, %dot_general3A_198 {dimension_numbers = #tpu.dot_dimension_numbers<[1], [1], [0], [0], [0, 0, 1, 0], [], []>, transpose_lhs_hint = false} : vector<4x128xbf16>, vector<128x128xbf16>, vector<4x128xf32> -> vector<4x128xf32>
    %get3A_200 = arith.constant 12 : index
    %get3A_201 = arith.constant 0 : index
    %get3A_202 = arith.constant 0 : index
    %get3A_203 = vector.load %arg1[%get3A_200, %get3A_201, %get3A_202] : memref<64x4x128xf32, #tpu.memory_space<vmem>>, vector<1x4x128xf32>
    %get3A_204 = vector.shape_cast %get3A_203 : vector<1x4x128xf32> to vector<4x128xf32>
    %mul3A_205 = arith.constant 0.0883883461 : f32
    %mul3A_206 = vector.broadcast %mul3A_205 : f32 to vector<4x128xf32>
    %mul3A_207 = arith.mulf %get3A_204, %mul3A_206 : vector<4x128xf32>
    %convert_element_type3A_208 = arith.truncf %mul3A_207 : vector<4x128xf32> to vector<4x128xbf16>
    %get3A_209 = arith.constant 12 : index
    %get3A_210 = arith.constant 0 : index
    %get3A_211 = arith.constant 0 : index
    %get3A_212 = vector.load %arg2[%get3A_209, %get3A_210, %get3A_211] : memref<64x128x128xf32, #tpu.memory_space<vmem>>, vector<1x128x128xf32>
    %get3A_213 = vector.shape_cast %get3A_212 : vector<1x128x128xf32> to vector<128x128xf32>
    %convert_element_type3A_214 = arith.truncf %get3A_213 : vector<128x128xf32> to vector<128x128xbf16>
    %dot_general3A_215 = arith.constant dense<0.000000e+00> : vector<4x128xf32>
    %dot_general3A_216 = tpu.matmul %convert_element_type3A_208, %convert_element_type3A_214, %dot_general3A_215 {dimension_numbers = #tpu.dot_dimension_numbers<[1], [1], [0], [0], [0, 0, 1, 0], [], []>, transpose_lhs_hint = false} : vector<4x128xbf16>, vector<128x128xbf16>, vector<4x128xf32> -> vector<4x128xf32>
    %get3A_217 = arith.constant 13 : index
    %get3A_218 = arith.constant 0 : index
    %get3A_219 = arith.constant 0 : index
    %get3A_220 = vector.load %arg1[%get3A_217, %get3A_218, %get3A_219] : memref<64x4x128xf32, #tpu.memory_space<vmem>>, vector<1x4x128xf32>
    %get3A_221 = vector.shape_cast %get3A_220 : vector<1x4x128xf32> to vector<4x128xf32>
    %mul3A_222 = arith.constant 0.0883883461 : f32
    %mul3A_223 = vector.broadcast %mul3A_222 : f32 to vector<4x128xf32>
    %mul3A_224 = arith.mulf %get3A_221, %mul3A_223 : vector<4x128xf32>
    %convert_element_type3A_225 = arith.truncf %mul3A_224 : vector<4x128xf32> to vector<4x128xbf16>
    %get3A_226 = arith.constant 13 : index
    %get3A_227 = arith.constant 0 : index
    %get3A_228 = arith.constant 0 : index
    %get3A_229 = vector.load %arg2[%get3A_226, %get3A_227, %get3A_228] : memref<64x128x128xf32, #tpu.memory_space<vmem>>, vector<1x128x128xf32>
    %get3A_230 = vector.shape_cast %get3A_229 : vector<1x128x128xf32> to vector<128x128xf32>
    %convert_element_type3A_231 = arith.truncf %get3A_230 : vector<128x128xf32> to vector<128x128xbf16>
    %dot_general3A_232 = arith.constant dense<0.000000e+00> : vector<4x128xf32>
    %dot_general3A_233 = tpu.matmul %convert_element_type3A_225, %convert_element_type3A_231, %dot_general3A_232 {dimension_numbers = #tpu.dot_dimension_numbers<[1], [1], [0], [0], [0, 0, 1, 0], [], []>, transpose_lhs_hint = false} : vector<4x128xbf16>, vector<128x128xbf16>, vector<4x128xf32> -> vector<4x128xf32>
    %get3A_234 = arith.constant 14 : index
    %get3A_235 = arith.constant 0 : index
    %get3A_236 = arith.constant 0 : index
    %get3A_237 = vector.load %arg1[%get3A_234, %get3A_235, %get3A_236] : memref<64x4x128xf32, #tpu.memory_space<vmem>>, vector<1x4x128xf32>
    %get3A_238 = vector.shape_cast %get3A_237 : vector<1x4x128xf32> to vector<4x128xf32>
    %mul3A_239 = arith.constant 0.0883883461 : f32
    %mul3A_240 = vector.broadcast %mul3A_239 : f32 to vector<4x128xf32>
    %mul3A_241 = arith.mulf %get3A_238, %mul3A_240 : vector<4x128xf32>
    %convert_element_type3A_242 = arith.truncf %mul3A_241 : vector<4x128xf32> to vector<4x128xbf16>
    %get3A_243 = arith.constant 14 : index
    %get3A_244 = arith.constant 0 : index
    %get3A_245 = arith.constant 0 : index
    %get3A_246 = vector.load %arg2[%get3A_243, %get3A_244, %get3A_245] : memref<64x128x128xf32, #tpu.memory_space<vmem>>, vector<1x128x128xf32>
    %get3A_247 = vector.shape_cast %get3A_246 : vector<1x128x128xf32> to vector<128x128xf32>
    %convert_element_type3A_248 = arith.truncf %get3A_247 : vector<128x128xf32> to vector<128x128xbf16>
    %dot_general3A_249 = arith.constant dense<0.000000e+00> : vector<4x128xf32>
    %dot_general3A_250 = tpu.matmul %convert_element_type3A_242, %convert_element_type3A_248, %dot_general3A_249 {dimension_numbers = #tpu.dot_dimension_numbers<[1], [1], [0], [0], [0, 0, 1, 0], [], []>, transpose_lhs_hint = false} : vector<4x128xbf16>, vector<128x128xbf16>, vector<4x128xf32> -> vector<4x128xf32>
    %get3A_251 = arith.constant 15 : index
    %get3A_252 = arith.constant 0 : index
    %get3A_253 = arith.constant 0 : index
    %get3A_254 = vector.load %arg1[%get3A_251, %get3A_252, %get3A_253] : memref<64x4x128xf32, #tpu.memory_space<vmem>>, vector<1x4x128xf32>
    %get3A_255 = vector.shape_cast %get3A_254 : vector<1x4x128xf32> to vector<4x128xf32>
    %mul3A_256 = arith.constant 0.0883883461 : f32
    %mul3A_257 = vector.broadcast %mul3A_256 : f32 to vector<4x128xf32>
    %mul3A_258 = arith.mulf %get3A_255, %mul3A_257 : vector<4x128xf32>
    %convert_element_type3A_259 = arith.truncf %mul3A_258 : vector<4x128xf32> to vector<4x128xbf16>
    %get3A_260 = arith.constant 15 : index
    %get3A_261 = arith.constant 0 : index
    %get3A_262 = arith.constant 0 : index
    %get3A_263 = vector.load %arg2[%get3A_260, %get3A_261, %get3A_262] : memref<64x128x128xf32, #tpu.memory_space<vmem>>, vector<1x128x128xf32>
    %get3A_264 = vector.shape_cast %get3A_263 : vector<1x128x128xf32> to vector<128x128xf32>
    %convert_element_type3A_265 = arith.truncf %get3A_264 : vector<128x128xf32> to vector<128x128xbf16>
    %dot_general3A_266 = arith.constant dense<0.000000e+00> : vector<4x128xf32>
    %dot_general3A_267 = tpu.matmul %convert_element_type3A_259, %convert_element_type3A_265, %dot_general3A_266 {dimension_numbers = #tpu.dot_dimension_numbers<[1], [1], [0], [0], [0, 0, 1, 0], [], []>, transpose_lhs_hint = false} : vector<4x128xbf16>, vector<128x128xbf16>, vector<4x128xf32> -> vector<4x128xf32>
    %get3A_268 = arith.constant 16 : index
    %get3A_269 = arith.constant 0 : index
    %get3A_270 = arith.constant 0 : index
    %get3A_271 = vector.load %arg1[%get3A_268, %get3A_269, %get3A_270] : memref<64x4x128xf32, #tpu.memory_space<vmem>>, vector<1x4x128xf32>
    %get3A_272 = vector.shape_cast %get3A_271 : vector<1x4x128xf32> to vector<4x128xf32>
    %mul3A_273 = arith.constant 0.0883883461 : f32
    %mul3A_274 = vector.broadcast %mul3A_273 : f32 to vector<4x128xf32>
    %mul3A_275 = arith.mulf %get3A_272, %mul3A_274 : vector<4x128xf32>
    %convert_element_type3A_276 = arith.truncf %mul3A_275 : vector<4x128xf32> to vector<4x128xbf16>
    %get3A_277 = arith.constant 16 : index
    %get3A_278 = arith.constant 0 : index
    %get3A_279 = arith.constant 0 : index
    %get3A_280 = vector.load %arg2[%get3A_277, %get3A_278, %get3A_279] : memref<64x128x128xf32, #tpu.memory_space<vmem>>, vector<1x128x128xf32>
    %get3A_281 = vector.shape_cast %get3A_280 : vector<1x128x128xf32> to vector<128x128xf32>
    %convert_element_type3A_282 = arith.truncf %get3A_281 : vector<128x128xf32> to vector<128x128xbf16>
    %dot_general3A_283 = arith.constant dense<0.000000e+00> : vector<4x128xf32>
    %dot_general3A_284 = tpu.matmul %convert_element_type3A_276, %convert_element_type3A_282, %dot_general3A_283 {dimension_numbers = #tpu.dot_dimension_numbers<[1], [1], [0], [0], [0, 0, 1, 0], [], []>, transpose_lhs_hint = false} : vector<4x128xbf16>, vector<128x128xbf16>, vector<4x128xf32> -> vector<4x128xf32>
    %get3A_285 = arith.constant 17 : index
    %get3A_286 = arith.constant 0 : index
    %get3A_287 = arith.constant 0 : index
    %get3A_288 = vector.load %arg1[%get3A_285, %get3A_286, %get3A_287] : memref<64x4x128xf32, #tpu.memory_space<vmem>>, vector<1x4x128xf32>
    %get3A_289 = vector.shape_cast %get3A_288 : vector<1x4x128xf32> to vector<4x128xf32>
    %mul3A_290 = arith.constant 0.0883883461 : f32
    %mul3A_291 = vector.broadcast %mul3A_290 : f32 to vector<4x128xf32>
    %mul3A_292 = arith.mulf %get3A_289, %mul3A_291 : vector<4x128xf32>
    %convert_element_type3A_293 = arith.truncf %mul3A_292 : vector<4x128xf32> to vector<4x128xbf16>
    %get3A_294 = arith.constant 17 : index
    %get3A_295 = arith.constant 0 : index
    %get3A_296 = arith.constant 0 : index
    %get3A_297 = vector.load %arg2[%get3A_294, %get3A_295, %get3A_296] : memref<64x128x128xf32, #tpu.memory_space<vmem>>, vector<1x128x128xf32>
    %get3A_298 = vector.shape_cast %get3A_297 : vector<1x128x128xf32> to vector<128x128xf32>
    %convert_element_type3A_299 = arith.truncf %get3A_298 : vector<128x128xf32> to vector<128x128xbf16>
    %dot_general3A_300 = arith.constant dense<0.000000e+00> : vector<4x128xf32>
    %dot_general3A_301 = tpu.matmul %convert_element_type3A_293, %convert_element_type3A_299, %dot_general3A_300 {dimension_numbers = #tpu.dot_dimension_numbers<[1], [1], [0], [0], [0, 0, 1, 0], [], []>, transpose_lhs_hint = false} : vector<4x128xbf16>, vector<128x128xbf16>, vector<4x128xf32> -> vector<4x128xf32>
    %get3A_302 = arith.constant 18 : index
    %get3A_303 = arith.constant 0 : index
    %get3A_304 = arith.constant 0 : index
    %get3A_305 = vector.load %arg1[%get3A_302, %get3A_303, %get3A_304] : memref<64x4x128xf32, #tpu.memory_space<vmem>>, vector<1x4x128xf32>
    %get3A_306 = vector.shape_cast %get3A_305 : vector<1x4x128xf32> to vector<4x128xf32>
    %mul3A_307 = arith.constant 0.0883883461 : f32
    %mul3A_308 = vector.broadcast %mul3A_307 : f32 to vector<4x128xf32>
    %mul3A_309 = arith.mulf %get3A_306, %mul3A_308 : vector<4x128xf32>
    %convert_element_type3A_310 = arith.truncf %mul3A_309 : vector<4x128xf32> to vector<4x128xbf16>
    %get3A_311 = arith.constant 18 : index
    %get3A_312 = arith.constant 0 : index
    %get3A_313 = arith.constant 0 : index
    %get3A_314 = vector.load %arg2[%get3A_311, %get3A_312, %get3A_313] : memref<64x128x128xf32, #tpu.memory_space<vmem>>, vector<1x128x128xf32>
    %get3A_315 = vector.shape_cast %get3A_314 : vector<1x128x128xf32> to vector<128x128xf32>
    %convert_element_type3A_316 = arith.truncf %get3A_315 : vector<128x128xf32> to vector<128x128xbf16>
    %dot_general3A_317 = arith.constant dense<0.000000e+00> : vector<4x128xf32>
    %dot_general3A_318 = tpu.matmul %convert_element_type3A_310, %convert_element_type3A_316, %dot_general3A_317 {dimension_numbers = #tpu.dot_dimension_numbers<[1], [1], [0], [0], [0, 0, 1, 0], [], []>, transpose_lhs_hint = false} : vector<4x128xbf16>, vector<128x128xbf16>, vector<4x128xf32> -> vector<4x128xf32>
    %get3A_319 = arith.constant 19 : index
    %get3A_320 = arith.constant 0 : index
    %get3A_321 = arith.constant 0 : index
    %get3A_322 = vector.load %arg1[%get3A_319, %get3A_320, %get3A_321] : memref<64x4x128xf32, #tpu.memory_space<vmem>>, vector<1x4x128xf32>
    %get3A_323 = vector.shape_cast %get3A_322 : vector<1x4x128xf32> to vector<4x128xf32>
    %mul3A_324 = arith.constant 0.0883883461 : f32
    %mul3A_325 = vector.broadcast %mul3A_324 : f32 to vector<4x128xf32>
    %mul3A_326 = arith.mulf %get3A_323, %mul3A_325 : vector<4x128xf32>
    %convert_element_type3A_327 = arith.truncf %mul3A_326 : vector<4x128xf32> to vector<4x128xbf16>
    %get3A_328 = arith.constant 19 : index
    %get3A_329 = arith.constant 0 : index
    %get3A_330 = arith.constant 0 : index
    %get3A_331 = vector.load %arg2[%get3A_328, %get3A_329, %get3A_330] : memref<64x128x128xf32, #tpu.memory_space<vmem>>, vector<1x128x128xf32>
    %get3A_332 = vector.shape_cast %get3A_331 : vector<1x128x128xf32> to vector<128x128xf32>
    %convert_element_type3A_333 = arith.truncf %get3A_332 : vector<128x128xf32> to vector<128x128xbf16>
    %dot_general3A_334 = arith.constant dense<0.000000e+00> : vector<4x128xf32>
    %dot_general3A_335 = tpu.matmul %convert_element_type3A_327, %convert_element_type3A_333, %dot_general3A_334 {dimension_numbers = #tpu.dot_dimension_numbers<[1], [1], [0], [0], [0, 0, 1, 0], [], []>, transpose_lhs_hint = false} : vector<4x128xbf16>, vector<128x128xbf16>, vector<4x128xf32> -> vector<4x128xf32>
    %get3A_336 = arith.constant 20 : index
    %get3A_337 = arith.constant 0 : index
    %get3A_338 = arith.constant 0 : index
    %get3A_339 = vector.load %arg1[%get3A_336, %get3A_337, %get3A_338] : memref<64x4x128xf32, #tpu.memory_space<vmem>>, vector<1x4x128xf32>
    %get3A_340 = vector.shape_cast %get3A_339 : vector<1x4x128xf32> to vector<4x128xf32>
    %mul3A_341 = arith.constant 0.0883883461 : f32
    %mul3A_342 = vector.broadcast %mul3A_341 : f32 to vector<4x128xf32>
    %mul3A_343 = arith.mulf %get3A_340, %mul3A_342 : vector<4x128xf32>
    %convert_element_type3A_344 = arith.truncf %mul3A_343 : vector<4x128xf32> to vector<4x128xbf16>
    %get3A_345 = arith.constant 20 : index
    %get3A_346 = arith.constant 0 : index
    %get3A_347 = arith.constant 0 : index
    %get3A_348 = vector.load %arg2[%get3A_345, %get3A_346, %get3A_347] : memref<64x128x128xf32, #tpu.memory_space<vmem>>, vector<1x128x128xf32>
    %get3A_349 = vector.shape_cast %get3A_348 : vector<1x128x128xf32> to vector<128x128xf32>
    %convert_element_type3A_350 = arith.truncf %get3A_349 : vector<128x128xf32> to vector<128x128xbf16>
    %dot_general3A_351 = arith.constant dense<0.000000e+00> : vector<4x128xf32>
    %dot_general3A_352 = tpu.matmul %convert_element_type3A_344, %convert_element_type3A_350, %dot_general3A_351 {dimension_numbers = #tpu.dot_dimension_numbers<[1], [1], [0], [0], [0, 0, 1, 0], [], []>, transpose_lhs_hint = false} : vector<4x128xbf16>, vector<128x128xbf16>, vector<4x128xf32> -> vector<4x128xf32>
    %get3A_353 = arith.constant 21 : index
    %get3A_354 = arith.constant 0 : index
    %get3A_355 = arith.constant 0 : index
    %get3A_356 = vector.load %arg1[%get3A_353, %get3A_354, %get3A_355] : memref<64x4x128xf32, #tpu.memory_space<vmem>>, vector<1x4x128xf32>
    %get3A_357 = vector.shape_cast %get3A_356 : vector<1x4x128xf32> to vector<4x128xf32>
    %mul3A_358 = arith.constant 0.0883883461 : f32
    %mul3A_359 = vector.broadcast %mul3A_358 : f32 to vector<4x128xf32>
    %mul3A_360 = arith.mulf %get3A_357, %mul3A_359 : vector<4x128xf32>
    %convert_element_type3A_361 = arith.truncf %mul3A_360 : vector<4x128xf32> to vector<4x128xbf16>
    %get3A_362 = arith.constant 21 : index
    %get3A_363 = arith.constant 0 : index
    %get3A_364 = arith.constant 0 : index
    %get3A_365 = vector.load %arg2[%get3A_362, %get3A_363, %get3A_364] : memref<64x128x128xf32, #tpu.memory_space<vmem>>, vector<1x128x128xf32>
    %get3A_366 = vector.shape_cast %get3A_365 : vector<1x128x128xf32> to vector<128x128xf32>
    %convert_element_type3A_367 = arith.truncf %get3A_366 : vector<128x128xf32> to vector<128x128xbf16>
    %dot_general3A_368 = arith.constant dense<0.000000e+00> : vector<4x128xf32>
    %dot_general3A_369 = tpu.matmul %convert_element_type3A_361, %convert_element_type3A_367, %dot_general3A_368 {dimension_numbers = #tpu.dot_dimension_numbers<[1], [1], [0], [0], [0, 0, 1, 0], [], []>, transpose_lhs_hint = false} : vector<4x128xbf16>, vector<128x128xbf16>, vector<4x128xf32> -> vector<4x128xf32>
    %get3A_370 = arith.constant 22 : index
    %get3A_371 = arith.constant 0 : index
    %get3A_372 = arith.constant 0 : index
    %get3A_373 = vector.load %arg1[%get3A_370, %get3A_371, %get3A_372] : memref<64x4x128xf32, #tpu.memory_space<vmem>>, vector<1x4x128xf32>
    %get3A_374 = vector.shape_cast %get3A_373 : vector<1x4x128xf32> to vector<4x128xf32>
    %mul3A_375 = arith.constant 0.0883883461 : f32
    %mul3A_376 = vector.broadcast %mul3A_375 : f32 to vector<4x128xf32>
    %mul3A_377 = arith.mulf %get3A_374, %mul3A_376 : vector<4x128xf32>
    %convert_element_type3A_378 = arith.truncf %mul3A_377 : vector<4x128xf32> to vector<4x128xbf16>
    %get3A_379 = arith.constant 22 : index
    %get3A_380 = arith.constant 0 : index
    %get3A_381 = arith.constant 0 : index
    %get3A_382 = vector.load %arg2[%get3A_379, %get3A_380, %get3A_381] : memref<64x128x128xf32, #tpu.memory_space<vmem>>, vector<1x128x128xf32>
    %get3A_383 = vector.shape_cast %get3A_382 : vector<1x128x128xf32> to vector<128x128xf32>
    %convert_element_type3A_384 = arith.truncf %get3A_383 : vector<128x128xf32> to vector<128x128xbf16>
    %dot_general3A_385 = arith.constant dense<0.000000e+00> : vector<4x128xf32>
    %dot_general3A_386 = tpu.matmul %convert_element_type3A_378, %convert_element_type3A_384, %dot_general3A_385 {dimension_numbers = #tpu.dot_dimension_numbers<[1], [1], [0], [0], [0, 0, 1, 0], [], []>, transpose_lhs_hint = false} : vector<4x128xbf16>, vector<128x128xbf16>, vector<4x128xf32> -> vector<4x128xf32>
    %get3A_387 = arith.constant 23 : index
    %get3A_388 = arith.constant 0 : index
    %get3A_389 = arith.constant 0 : index
    %get3A_390 = vector.load %arg1[%get3A_387, %get3A_388, %get3A_389] : memref<64x4x128xf32, #tpu.memory_space<vmem>>, vector<1x4x128xf32>
    %get3A_391 = vector.shape_cast %get3A_390 : vector<1x4x128xf32> to vector<4x128xf32>
    %mul3A_392 = arith.constant 0.0883883461 : f32
    %mul3A_393 = vector.broadcast %mul3A_392 : f32 to vector<4x128xf32>
    %mul3A_394 = arith.mulf %get3A_391, %mul3A_393 : vector<4x128xf32>
    %convert_element_type3A_395 = arith.truncf %mul3A_394 : vector<4x128xf32> to vector<4x128xbf16>
    %get3A_396 = arith.constant 23 : index
    %get3A_397 = arith.constant 0 : index
    %get3A_398 = arith.constant 0 : index
    %get3A_399 = vector.load %arg2[%get3A_396, %get3A_397, %get3A_398] : memref<64x128x128xf32, #tpu.memory_space<vmem>>, vector<1x128x128xf32>
    %get3A_400 = vector.shape_cast %get3A_399 : vector<1x128x128xf32> to vector<128x128xf32>
    %convert_element_type3A_401 = arith.truncf %get3A_400 : vector<128x128xf32> to vector<128x128xbf16>
    %dot_general3A_402 = arith.constant dense<0.000000e+00> : vector<4x128xf32>
    %dot_general3A_403 = tpu.matmul %convert_element_type3A_395, %convert_element_type3A_401, %dot_general3A_402 {dimension_numbers = #tpu.dot_dimension_numbers<[1], [1], [0], [0], [0, 0, 1, 0], [], []>, transpose_lhs_hint = false} : vector<4x128xbf16>, vector<128x128xbf16>, vector<4x128xf32> -> vector<4x128xf32>
    %get3A_404 = arith.constant 24 : index
    %get3A_405 = arith.constant 0 : index
    %get3A_406 = arith.constant 0 : index
    %get3A_407 = vector.load %arg1[%get3A_404, %get3A_405, %get3A_406] : memref<64x4x128xf32, #tpu.memory_space<vmem>>, vector<1x4x128xf32>
    %get3A_408 = vector.shape_cast %get3A_407 : vector<1x4x128xf32> to vector<4x128xf32>
    %mul3A_409 = arith.constant 0.0883883461 : f32
    %mul3A_410 = vector.broadcast %mul3A_409 : f32 to vector<4x128xf32>
    %mul3A_411 = arith.mulf %get3A_408, %mul3A_410 : vector<4x128xf32>
    %convert_element_type3A_412 = arith.truncf %mul3A_411 : vector<4x128xf32> to vector<4x128xbf16>
    %get3A_413 = arith.constant 24 : index
    %get3A_414 = arith.constant 0 : index
    %get3A_415 = arith.constant 0 : index
    %get3A_416 = vector.load %arg2[%get3A_413, %get3A_414, %get3A_415] : memref<64x128x128xf32, #tpu.memory_space<vmem>>, vector<1x128x128xf32>
    %get3A_417 = vector.shape_cast %get3A_416 : vector<1x128x128xf32> to vector<128x128xf32>
    %convert_element_type3A_418 = arith.truncf %get3A_417 : vector<128x128xf32> to vector<128x128xbf16>
    %dot_general3A_419 = arith.constant dense<0.000000e+00> : vector<4x128xf32>
    %dot_general3A_420 = tpu.matmul %convert_element_type3A_412, %convert_element_type3A_418, %dot_general3A_419 {dimension_numbers = #tpu.dot_dimension_numbers<[1], [1], [0], [0], [0, 0, 1, 0], [], []>, transpose_lhs_hint = false} : vector<4x128xbf16>, vector<128x128xbf16>, vector<4x128xf32> -> vector<4x128xf32>
    %get3A_421 = arith.constant 25 : index
    %get3A_422 = arith.constant 0 : index
    %get3A_423 = arith.constant 0 : index
    %get3A_424 = vector.load %arg1[%get3A_421, %get3A_422, %get3A_423] : memref<64x4x128xf32, #tpu.memory_space<vmem>>, vector<1x4x128xf32>
    %get3A_425 = vector.shape_cast %get3A_424 : vector<1x4x128xf32> to vector<4x128xf32>
    %mul3A_426 = arith.constant 0.0883883461 : f32
    %mul3A_427 = vector.broadcast %mul3A_426 : f32 to vector<4x128xf32>
    %mul3A_428 = arith.mulf %get3A_425, %mul3A_427 : vector<4x128xf32>
    %convert_element_type3A_429 = arith.truncf %mul3A_428 : vector<4x128xf32> to vector<4x128xbf16>
    %get3A_430 = arith.constant 25 : index
    %get3A_431 = arith.constant 0 : index
    %get3A_432 = arith.constant 0 : index
    %get3A_433 = vector.load %arg2[%get3A_430, %get3A_431, %get3A_432] : memref<64x128x128xf32, #tpu.memory_space<vmem>>, vector<1x128x128xf32>
    %get3A_434 = vector.shape_cast %get3A_433 : vector<1x128x128xf32> to vector<128x128xf32>
    %convert_element_type3A_435 = arith.truncf %get3A_434 : vector<128x128xf32> to vector<128x128xbf16>
    %dot_general3A_436 = arith.constant dense<0.000000e+00> : vector<4x128xf32>
    %dot_general3A_437 = tpu.matmul %convert_element_type3A_429, %convert_element_type3A_435, %dot_general3A_436 {dimension_numbers = #tpu.dot_dimension_numbers<[1], [1], [0], [0], [0, 0, 1, 0], [], []>, transpose_lhs_hint = false} : vector<4x128xbf16>, vector<128x128xbf16>, vector<4x128xf32> -> vector<4x128xf32>
    %get3A_438 = arith.constant 26 : index
    %get3A_439 = arith.constant 0 : index
    %get3A_440 = arith.constant 0 : index
    %get3A_441 = vector.load %arg1[%get3A_438, %get3A_439, %get3A_440] : memref<64x4x128xf32, #tpu.memory_space<vmem>>, vector<1x4x128xf32>
    %get3A_442 = vector.shape_cast %get3A_441 : vector<1x4x128xf32> to vector<4x128xf32>
    %mul3A_443 = arith.constant 0.0883883461 : f32
    %mul3A_444 = vector.broadcast %mul3A_443 : f32 to vector<4x128xf32>
    %mul3A_445 = arith.mulf %get3A_442, %mul3A_444 : vector<4x128xf32>
    %convert_element_type3A_446 = arith.truncf %mul3A_445 : vector<4x128xf32> to vector<4x128xbf16>
    %get3A_447 = arith.constant 26 : index
    %get3A_448 = arith.constant 0 : index
    %get3A_449 = arith.constant 0 : index
    %get3A_450 = vector.load %arg2[%get3A_447, %get3A_448, %get3A_449] : memref<64x128x128xf32, #tpu.memory_space<vmem>>, vector<1x128x128xf32>
    %get3A_451 = vector.shape_cast %get3A_450 : vector<1x128x128xf32> to vector<128x128xf32>
    %convert_element_type3A_452 = arith.truncf %get3A_451 : vector<128x128xf32> to vector<128x128xbf16>
    %dot_general3A_453 = arith.constant dense<0.000000e+00> : vector<4x128xf32>
    %dot_general3A_454 = tpu.matmul %convert_element_type3A_446, %convert_element_type3A_452, %dot_general3A_453 {dimension_numbers = #tpu.dot_dimension_numbers<[1], [1], [0], [0], [0, 0, 1, 0], [], []>, transpose_lhs_hint = false} : vector<4x128xbf16>, vector<128x128xbf16>, vector<4x128xf32> -> vector<4x128xf32>
    %get3A_455 = arith.constant 27 : index
    %get3A_456 = arith.constant 0 : index
    %get3A_457 = arith.constant 0 : index
    %get3A_458 = vector.load %arg1[%get3A_455, %get3A_456, %get3A_457] : memref<64x4x128xf32, #tpu.memory_space<vmem>>, vector<1x4x128xf32>
    %get3A_459 = vector.shape_cast %get3A_458 : vector<1x4x128xf32> to vector<4x128xf32>
    %mul3A_460 = arith.constant 0.0883883461 : f32
    %mul3A_461 = vector.broadcast %mul3A_460 : f32 to vector<4x128xf32>
    %mul3A_462 = arith.mulf %get3A_459, %mul3A_461 : vector<4x128xf32>
    %convert_element_type3A_463 = arith.truncf %mul3A_462 : vector<4x128xf32> to vector<4x128xbf16>
    %get3A_464 = arith.constant 27 : index
    %get3A_465 = arith.constant 0 : index
    %get3A_466 = arith.constant 0 : index
    %get3A_467 = vector.load %arg2[%get3A_464, %get3A_465, %get3A_466] : memref<64x128x128xf32, #tpu.memory_space<vmem>>, vector<1x128x128xf32>
    %get3A_468 = vector.shape_cast %get3A_467 : vector<1x128x128xf32> to vector<128x128xf32>
    %convert_element_type3A_469 = arith.truncf %get3A_468 : vector<128x128xf32> to vector<128x128xbf16>
    %dot_general3A_470 = arith.constant dense<0.000000e+00> : vector<4x128xf32>
    %dot_general3A_471 = tpu.matmul %convert_element_type3A_463, %convert_element_type3A_469, %dot_general3A_470 {dimension_numbers = #tpu.dot_dimension_numbers<[1], [1], [0], [0], [0, 0, 1, 0], [], []>, transpose_lhs_hint = false} : vector<4x128xbf16>, vector<128x128xbf16>, vector<4x128xf32> -> vector<4x128xf32>
    %get3A_472 = arith.constant 28 : index
    %get3A_473 = arith.constant 0 : index
    %get3A_474 = arith.constant 0 : index
    %get3A_475 = vector.load %arg1[%get3A_472, %get3A_473, %get3A_474] : memref<64x4x128xf32, #tpu.memory_space<vmem>>, vector<1x4x128xf32>
    %get3A_476 = vector.shape_cast %get3A_475 : vector<1x4x128xf32> to vector<4x128xf32>
    %mul3A_477 = arith.constant 0.0883883461 : f32
    %mul3A_478 = vector.broadcast %mul3A_477 : f32 to vector<4x128xf32>
    %mul3A_479 = arith.mulf %get3A_476, %mul3A_478 : vector<4x128xf32>
    %convert_element_type3A_480 = arith.truncf %mul3A_479 : vector<4x128xf32> to vector<4x128xbf16>
    %get3A_481 = arith.constant 28 : index
    %get3A_482 = arith.constant 0 : index
    %get3A_483 = arith.constant 0 : index
    %get3A_484 = vector.load %arg2[%get3A_481, %get3A_482, %get3A_483] : memref<64x128x128xf32, #tpu.memory_space<vmem>>, vector<1x128x128xf32>
    %get3A_485 = vector.shape_cast %get3A_484 : vector<1x128x128xf32> to vector<128x128xf32>
    %convert_element_type3A_486 = arith.truncf %get3A_485 : vector<128x128xf32> to vector<128x128xbf16>
    %dot_general3A_487 = arith.constant dense<0.000000e+00> : vector<4x128xf32>
    %dot_general3A_488 = tpu.matmul %convert_element_type3A_480, %convert_element_type3A_486, %dot_general3A_487 {dimension_numbers = #tpu.dot_dimension_numbers<[1], [1], [0], [0], [0, 0, 1, 0], [], []>, transpose_lhs_hint = false} : vector<4x128xbf16>, vector<128x128xbf16>, vector<4x128xf32> -> vector<4x128xf32>
    %get3A_489 = arith.constant 29 : index
    %get3A_490 = arith.constant 0 : index
    %get3A_491 = arith.constant 0 : index
    %get3A_492 = vector.load %arg1[%get3A_489, %get3A_490, %get3A_491] : memref<64x4x128xf32, #tpu.memory_space<vmem>>, vector<1x4x128xf32>
    %get3A_493 = vector.shape_cast %get3A_492 : vector<1x4x128xf32> to vector<4x128xf32>
    %mul3A_494 = arith.constant 0.0883883461 : f32
    %mul3A_495 = vector.broadcast %mul3A_494 : f32 to vector<4x128xf32>
    %mul3A_496 = arith.mulf %get3A_493, %mul3A_495 : vector<4x128xf32>
    %convert_element_type3A_497 = arith.truncf %mul3A_496 : vector<4x128xf32> to vector<4x128xbf16>
    %get3A_498 = arith.constant 29 : index
    %get3A_499 = arith.constant 0 : index
    %get3A_500 = arith.constant 0 : index
    %get3A_501 = vector.load %arg2[%get3A_498, %get3A_499, %get3A_500] : memref<64x128x128xf32, #tpu.memory_space<vmem>>, vector<1x128x128xf32>
    %get3A_502 = vector.shape_cast %get3A_501 : vector<1x128x128xf32> to vector<128x128xf32>
    %convert_element_type3A_503 = arith.truncf %get3A_502 : vector<128x128xf32> to vector<128x128xbf16>
    %dot_general3A_504 = arith.constant dense<0.000000e+00> : vector<4x128xf32>
    %dot_general3A_505 = tpu.matmul %convert_element_type3A_497, %convert_element_type3A_503, %dot_general3A_504 {dimension_numbers = #tpu.dot_dimension_numbers<[1], [1], [0], [0], [0, 0, 1, 0], [], []>, transpose_lhs_hint = false} : vector<4x128xbf16>, vector<128x128xbf16>, vector<4x128xf32> -> vector<4x128xf32>
    %get3A_506 = arith.constant 30 : index
    %get3A_507 = arith.constant 0 : index
    %get3A_508 = arith.constant 0 : index
    %get3A_509 = vector.load %arg1[%get3A_506, %get3A_507, %get3A_508] : memref<64x4x128xf32, #tpu.memory_space<vmem>>, vector<1x4x128xf32>
    %get3A_510 = vector.shape_cast %get3A_509 : vector<1x4x128xf32> to vector<4x128xf32>
    %mul3A_511 = arith.constant 0.0883883461 : f32
    %mul3A_512 = vector.broadcast %mul3A_511 : f32 to vector<4x128xf32>
    %mul3A_513 = arith.mulf %get3A_510, %mul3A_512 : vector<4x128xf32>
    %convert_element_type3A_514 = arith.truncf %mul3A_513 : vector<4x128xf32> to vector<4x128xbf16>
    %get3A_515 = arith.constant 30 : index
    %get3A_516 = arith.constant 0 : index
    %get3A_517 = arith.constant 0 : index
    %get3A_518 = vector.load %arg2[%get3A_515, %get3A_516, %get3A_517] : memref<64x128x128xf32, #tpu.memory_space<vmem>>, vector<1x128x128xf32>
    %get3A_519 = vector.shape_cast %get3A_518 : vector<1x128x128xf32> to vector<128x128xf32>
    %convert_element_type3A_520 = arith.truncf %get3A_519 : vector<128x128xf32> to vector<128x128xbf16>
    %dot_general3A_521 = arith.constant dense<0.000000e+00> : vector<4x128xf32>
    %dot_general3A_522 = tpu.matmul %convert_element_type3A_514, %convert_element_type3A_520, %dot_general3A_521 {dimension_numbers = #tpu.dot_dimension_numbers<[1], [1], [0], [0], [0, 0, 1, 0], [], []>, transpose_lhs_hint = false} : vector<4x128xbf16>, vector<128x128xbf16>, vector<4x128xf32> -> vector<4x128xf32>
    %get3A_523 = arith.constant 31 : index
    %get3A_524 = arith.constant 0 : index
    %get3A_525 = arith.constant 0 : index
    %get3A_526 = vector.load %arg1[%get3A_523, %get3A_524, %get3A_525] : memref<64x4x128xf32, #tpu.memory_space<vmem>>, vector<1x4x128xf32>
    %get3A_527 = vector.shape_cast %get3A_526 : vector<1x4x128xf32> to vector<4x128xf32>
    %mul3A_528 = arith.constant 0.0883883461 : f32
    %mul3A_529 = vector.broadcast %mul3A_528 : f32 to vector<4x128xf32>
    %mul3A_530 = arith.mulf %get3A_527, %mul3A_529 : vector<4x128xf32>
    %convert_element_type3A_531 = arith.truncf %mul3A_530 : vector<4x128xf32> to vector<4x128xbf16>
    %get3A_532 = arith.constant 31 : index
    %get3A_533 = arith.constant 0 : index
    %get3A_534 = arith.constant 0 : index
    %get3A_535 = vector.load %arg2[%get3A_532, %get3A_533, %get3A_534] : memref<64x128x128xf32, #tpu.memory_space<vmem>>, vector<1x128x128xf32>
    %get3A_536 = vector.shape_cast %get3A_535 : vector<1x128x128xf32> to vector<128x128xf32>
    %convert_element_type3A_537 = arith.truncf %get3A_536 : vector<128x128xf32> to vector<128x128xbf16>
    %dot_general3A_538 = arith.constant dense<0.000000e+00> : vector<4x128xf32>
    %dot_general3A_539 = tpu.matmul %convert_element_type3A_531, %convert_element_type3A_537, %dot_general3A_538 {dimension_numbers = #tpu.dot_dimension_numbers<[1], [1], [0], [0], [0, 0, 1, 0], [], []>, transpose_lhs_hint = false} : vector<4x128xbf16>, vector<128x128xbf16>, vector<4x128xf32> -> vector<4x128xf32>
    %get3A_540 = arith.constant 32 : index
    %get3A_541 = arith.constant 0 : index
    %get3A_542 = arith.constant 0 : index
    %get3A_543 = vector.load %arg1[%get3A_540, %get3A_541, %get3A_542] : memref<64x4x128xf32, #tpu.memory_space<vmem>>, vector<1x4x128xf32>
    %get3A_544 = vector.shape_cast %get3A_543 : vector<1x4x128xf32> to vector<4x128xf32>
    %mul3A_545 = arith.constant 0.0883883461 : f32
    %mul3A_546 = vector.broadcast %mul3A_545 : f32 to vector<4x128xf32>
    %mul3A_547 = arith.mulf %get3A_544, %mul3A_546 : vector<4x128xf32>
    %convert_element_type3A_548 = arith.truncf %mul3A_547 : vector<4x128xf32> to vector<4x128xbf16>
    %get3A_549 = arith.constant 32 : index
    %get3A_550 = arith.constant 0 : index
    %get3A_551 = arith.constant 0 : index
    %get3A_552 = vector.load %arg2[%get3A_549, %get3A_550, %get3A_551] : memref<64x128x128xf32, #tpu.memory_space<vmem>>, vector<1x128x128xf32>
    %get3A_553 = vector.shape_cast %get3A_552 : vector<1x128x128xf32> to vector<128x128xf32>
    %convert_element_type3A_554 = arith.truncf %get3A_553 : vector<128x128xf32> to vector<128x128xbf16>
    %dot_general3A_555 = arith.constant dense<0.000000e+00> : vector<4x128xf32>
    %dot_general3A_556 = tpu.matmul %convert_element_type3A_548, %convert_element_type3A_554, %dot_general3A_555 {dimension_numbers = #tpu.dot_dimension_numbers<[1], [1], [0], [0], [0, 0, 1, 0], [], []>, transpose_lhs_hint = false} : vector<4x128xbf16>, vector<128x128xbf16>, vector<4x128xf32> -> vector<4x128xf32>
    %get3A_557 = arith.constant 33 : index
    %get3A_558 = arith.constant 0 : index
    %get3A_559 = arith.constant 0 : index
    %get3A_560 = vector.load %arg1[%get3A_557, %get3A_558, %get3A_559] : memref<64x4x128xf32, #tpu.memory_space<vmem>>, vector<1x4x128xf32>
    %get3A_561 = vector.shape_cast %get3A_560 : vector<1x4x128xf32> to vector<4x128xf32>
    %mul3A_562 = arith.constant 0.0883883461 : f32
    %mul3A_563 = vector.broadcast %mul3A_562 : f32 to vector<4x128xf32>
    %mul3A_564 = arith.mulf %get3A_561, %mul3A_563 : vector<4x128xf32>
    %convert_element_type3A_565 = arith.truncf %mul3A_564 : vector<4x128xf32> to vector<4x128xbf16>
    %get3A_566 = arith.constant 33 : index
    %get3A_567 = arith.constant 0 : index
    %get3A_568 = arith.constant 0 : index
    %get3A_569 = vector.load %arg2[%get3A_566, %get3A_567, %get3A_568] : memref<64x128x128xf32, #tpu.memory_space<vmem>>, vector<1x128x128xf32>
    %get3A_570 = vector.shape_cast %get3A_569 : vector<1x128x128xf32> to vector<128x128xf32>
    %convert_element_type3A_571 = arith.truncf %get3A_570 : vector<128x128xf32> to vector<128x128xbf16>
    %dot_general3A_572 = arith.constant dense<0.000000e+00> : vector<4x128xf32>
    %dot_general3A_573 = tpu.matmul %convert_element_type3A_565, %convert_element_type3A_571, %dot_general3A_572 {dimension_numbers = #tpu.dot_dimension_numbers<[1], [1], [0], [0], [0, 0, 1, 0], [], []>, transpose_lhs_hint = false} : vector<4x128xbf16>, vector<128x128xbf16>, vector<4x128xf32> -> vector<4x128xf32>
    %get3A_574 = arith.constant 34 : index
    %get3A_575 = arith.constant 0 : index
    %get3A_576 = arith.constant 0 : index
    %get3A_577 = vector.load %arg1[%get3A_574, %get3A_575, %get3A_576] : memref<64x4x128xf32, #tpu.memory_space<vmem>>, vector<1x4x128xf32>
    %get3A_578 = vector.shape_cast %get3A_577 : vector<1x4x128xf32> to vector<4x128xf32>
    %mul3A_579 = arith.constant 0.0883883461 : f32
    %mul3A_580 = vector.broadcast %mul3A_579 : f32 to vector<4x128xf32>
    %mul3A_581 = arith.mulf %get3A_578, %mul3A_580 : vector<4x128xf32>
    %convert_element_type3A_582 = arith.truncf %mul3A_581 : vector<4x128xf32> to vector<4x128xbf16>
    %get3A_583 = arith.constant 34 : index
    %get3A_584 = arith.constant 0 : index
    %get3A_585 = arith.constant 0 : index
    %get3A_586 = vector.load %arg2[%get3A_583, %get3A_584, %get3A_585] : memref<64x128x128xf32, #tpu.memory_space<vmem>>, vector<1x128x128xf32>
    %get3A_587 = vector.shape_cast %get3A_586 : vector<1x128x128xf32> to vector<128x128xf32>
    %convert_element_type3A_588 = arith.truncf %get3A_587 : vector<128x128xf32> to vector<128x128xbf16>
    %dot_general3A_589 = arith.constant dense<0.000000e+00> : vector<4x128xf32>
    %dot_general3A_590 = tpu.matmul %convert_element_type3A_582, %convert_element_type3A_588, %dot_general3A_589 {dimension_numbers = #tpu.dot_dimension_numbers<[1], [1], [0], [0], [0, 0, 1, 0], [], []>, transpose_lhs_hint = false} : vector<4x128xbf16>, vector<128x128xbf16>, vector<4x128xf32> -> vector<4x128xf32>
    %get3A_591 = arith.constant 35 : index
    %get3A_592 = arith.constant 0 : index
    %get3A_593 = arith.constant 0 : index
    %get3A_594 = vector.load %arg1[%get3A_591, %get3A_592, %get3A_593] : memref<64x4x128xf32, #tpu.memory_space<vmem>>, vector<1x4x128xf32>
    %get3A_595 = vector.shape_cast %get3A_594 : vector<1x4x128xf32> to vector<4x128xf32>
    %mul3A_596 = arith.constant 0.0883883461 : f32
    %mul3A_597 = vector.broadcast %mul3A_596 : f32 to vector<4x128xf32>
    %mul3A_598 = arith.mulf %get3A_595, %mul3A_597 : vector<4x128xf32>
    %convert_element_type3A_599 = arith.truncf %mul3A_598 : vector<4x128xf32> to vector<4x128xbf16>
    %get3A_600 = arith.constant 35 : index
    %get3A_601 = arith.constant 0 : index
    %get3A_602 = arith.constant 0 : index
    %get3A_603 = vector.load %arg2[%get3A_600, %get3A_601, %get3A_602] : memref<64x128x128xf32, #tpu.memory_space<vmem>>, vector<1x128x128xf32>
    %get3A_604 = vector.shape_cast %get3A_603 : vector<1x128x128xf32> to vector<128x128xf32>
    %convert_element_type3A_605 = arith.truncf %get3A_604 : vector<128x128xf32> to vector<128x128xbf16>
    %dot_general3A_606 = arith.constant dense<0.000000e+00> : vector<4x128xf32>
    %dot_general3A_607 = tpu.matmul %convert_element_type3A_599, %convert_element_type3A_605, %dot_general3A_606 {dimension_numbers = #tpu.dot_dimension_numbers<[1], [1], [0], [0], [0, 0, 1, 0], [], []>, transpose_lhs_hint = false} : vector<4x128xbf16>, vector<128x128xbf16>, vector<4x128xf32> -> vector<4x128xf32>
    %get3A_608 = arith.constant 36 : index
    %get3A_609 = arith.constant 0 : index
    %get3A_610 = arith.constant 0 : index
    %get3A_611 = vector.load %arg1[%get3A_608, %get3A_609, %get3A_610] : memref<64x4x128xf32, #tpu.memory_space<vmem>>, vector<1x4x128xf32>
    %get3A_612 = vector.shape_cast %get3A_611 : vector<1x4x128xf32> to vector<4x128xf32>
    %mul3A_613 = arith.constant 0.0883883461 : f32
    %mul3A_614 = vector.broadcast %mul3A_613 : f32 to vector<4x128xf32>
    %mul3A_615 = arith.mulf %get3A_612, %mul3A_614 : vector<4x128xf32>
    %convert_element_type3A_616 = arith.truncf %mul3A_615 : vector<4x128xf32> to vector<4x128xbf16>
    %get3A_617 = arith.constant 36 : index
    %get3A_618 = arith.constant 0 : index
    %get3A_619 = arith.constant 0 : index
    %get3A_620 = vector.load %arg2[%get3A_617, %get3A_618, %get3A_619] : memref<64x128x128xf32, #tpu.memory_space<vmem>>, vector<1x128x128xf32>
    %get3A_621 = vector.shape_cast %get3A_620 : vector<1x128x128xf32> to vector<128x128xf32>
    %convert_element_type3A_622 = arith.truncf %get3A_621 : vector<128x128xf32> to vector<128x128xbf16>
    %dot_general3A_623 = arith.constant dense<0.000000e+00> : vector<4x128xf32>
    %dot_general3A_624 = tpu.matmul %convert_element_type3A_616, %convert_element_type3A_622, %dot_general3A_623 {dimension_numbers = #tpu.dot_dimension_numbers<[1], [1], [0], [0], [0, 0, 1, 0], [], []>, transpose_lhs_hint = false} : vector<4x128xbf16>, vector<128x128xbf16>, vector<4x128xf32> -> vector<4x128xf32>
    %get3A_625 = arith.constant 37 : index
    %get3A_626 = arith.constant 0 : index
    %get3A_627 = arith.constant 0 : index
    %get3A_628 = vector.load %arg1[%get3A_625, %get3A_626, %get3A_627] : memref<64x4x128xf32, #tpu.memory_space<vmem>>, vector<1x4x128xf32>
    %get3A_629 = vector.shape_cast %get3A_628 : vector<1x4x128xf32> to vector<4x128xf32>
    %mul3A_630 = arith.constant 0.0883883461 : f32
    %mul3A_631 = vector.broadcast %mul3A_630 : f32 to vector<4x128xf32>
    %mul3A_632 = arith.mulf %get3A_629, %mul3A_631 : vector<4x128xf32>
    %convert_element_type3A_633 = arith.truncf %mul3A_632 : vector<4x128xf32> to vector<4x128xbf16>
    %get3A_634 = arith.constant 37 : index
    %get3A_635 = arith.constant 0 : index
    %get3A_636 = arith.constant 0 : index
    %get3A_637 = vector.load %arg2[%get3A_634, %get3A_635, %get3A_636] : memref<64x128x128xf32, #tpu.memory_space<vmem>>, vector<1x128x128xf32>
    %get3A_638 = vector.shape_cast %get3A_637 : vector<1x128x128xf32> to vector<128x128xf32>
    %convert_element_type3A_639 = arith.truncf %get3A_638 : vector<128x128xf32> to vector<128x128xbf16>
    %dot_general3A_640 = arith.constant dense<0.000000e+00> : vector<4x128xf32>
    %dot_general3A_641 = tpu.matmul %convert_element_type3A_633, %convert_element_type3A_639, %dot_general3A_640 {dimension_numbers = #tpu.dot_dimension_numbers<[1], [1], [0], [0], [0, 0, 1, 0], [], []>, transpose_lhs_hint = false} : vector<4x128xbf16>, vector<128x128xbf16>, vector<4x128xf32> -> vector<4x128xf32>
    %get3A_642 = arith.constant 38 : index
    %get3A_643 = arith.constant 0 : index
    %get3A_644 = arith.constant 0 : index
    %get3A_645 = vector.load %arg1[%get3A_642, %get3A_643, %get3A_644] : memref<64x4x128xf32, #tpu.memory_space<vmem>>, vector<1x4x128xf32>
    %get3A_646 = vector.shape_cast %get3A_645 : vector<1x4x128xf32> to vector<4x128xf32>
    %mul3A_647 = arith.constant 0.0883883461 : f32
    %mul3A_648 = vector.broadcast %mul3A_647 : f32 to vector<4x128xf32>
    %mul3A_649 = arith.mulf %get3A_646, %mul3A_648 : vector<4x128xf32>
    %convert_element_type3A_650 = arith.truncf %mul3A_649 : vector<4x128xf32> to vector<4x128xbf16>
    %get3A_651 = arith.constant 38 : index
    %get3A_652 = arith.constant 0 : index
    %get3A_653 = arith.constant 0 : index
    %get3A_654 = vector.load %arg2[%get3A_651, %get3A_652, %get3A_653] : memref<64x128x128xf32, #tpu.memory_space<vmem>>, vector<1x128x128xf32>
    %get3A_655 = vector.shape_cast %get3A_654 : vector<1x128x128xf32> to vector<128x128xf32>
    %convert_element_type3A_656 = arith.truncf %get3A_655 : vector<128x128xf32> to vector<128x128xbf16>
    %dot_general3A_657 = arith.constant dense<0.000000e+00> : vector<4x128xf32>
    %dot_general3A_658 = tpu.matmul %convert_element_type3A_650, %convert_element_type3A_656, %dot_general3A_657 {dimension_numbers = #tpu.dot_dimension_numbers<[1], [1], [0], [0], [0, 0, 1, 0], [], []>, transpose_lhs_hint = false} : vector<4x128xbf16>, vector<128x128xbf16>, vector<4x128xf32> -> vector<4x128xf32>
    %get3A_659 = arith.constant 39 : index
    %get3A_660 = arith.constant 0 : index
    %get3A_661 = arith.constant 0 : index
    %get3A_662 = vector.load %arg1[%get3A_659, %get3A_660, %get3A_661] : memref<64x4x128xf32, #tpu.memory_space<vmem>>, vector<1x4x128xf32>
    %get3A_663 = vector.shape_cast %get3A_662 : vector<1x4x128xf32> to vector<4x128xf32>
    %mul3A_664 = arith.constant 0.0883883461 : f32
    %mul3A_665 = vector.broadcast %mul3A_664 : f32 to vector<4x128xf32>
    %mul3A_666 = arith.mulf %get3A_663, %mul3A_665 : vector<4x128xf32>
    %convert_element_type3A_667 = arith.truncf %mul3A_666 : vector<4x128xf32> to vector<4x128xbf16>
    %get3A_668 = arith.constant 39 : index
    %get3A_669 = arith.constant 0 : index
    %get3A_670 = arith.constant 0 : index
    %get3A_671 = vector.load %arg2[%get3A_668, %get3A_669, %get3A_670] : memref<64x128x128xf32, #tpu.memory_space<vmem>>, vector<1x128x128xf32>
    %get3A_672 = vector.shape_cast %get3A_671 : vector<1x128x128xf32> to vector<128x128xf32>
    %convert_element_type3A_673 = arith.truncf %get3A_672 : vector<128x128xf32> to vector<128x128xbf16>
    %dot_general3A_674 = arith.constant dense<0.000000e+00> : vector<4x128xf32>
    %dot_general3A_675 = tpu.matmul %convert_element_type3A_667, %convert_element_type3A_673, %dot_general3A_674 {dimension_numbers = #tpu.dot_dimension_numbers<[1], [1], [0], [0], [0, 0, 1, 0], [], []>, transpose_lhs_hint = false} : vector<4x128xbf16>, vector<128x128xbf16>, vector<4x128xf32> -> vector<4x128xf32>
    %get3A_676 = arith.constant 40 : index
    %get3A_677 = arith.constant 0 : index
    %get3A_678 = arith.constant 0 : index
    %get3A_679 = vector.load %arg1[%get3A_676, %get3A_677, %get3A_678] : memref<64x4x128xf32, #tpu.memory_space<vmem>>, vector<1x4x128xf32>
    %get3A_680 = vector.shape_cast %get3A_679 : vector<1x4x128xf32> to vector<4x128xf32>
    %mul3A_681 = arith.constant 0.0883883461 : f32
    %mul3A_682 = vector.broadcast %mul3A_681 : f32 to vector<4x128xf32>
    %mul3A_683 = arith.mulf %get3A_680, %mul3A_682 : vector<4x128xf32>
    %convert_element_type3A_684 = arith.truncf %mul3A_683 : vector<4x128xf32> to vector<4x128xbf16>
    %get3A_685 = arith.constant 40 : index
    %get3A_686 = arith.constant 0 : index
    %get3A_687 = arith.constant 0 : index
    %get3A_688 = vector.load %arg2[%get3A_685, %get3A_686, %get3A_687] : memref<64x128x128xf32, #tpu.memory_space<vmem>>, vector<1x128x128xf32>
    %get3A_689 = vector.shape_cast %get3A_688 : vector<1x128x128xf32> to vector<128x128xf32>
    %convert_element_type3A_690 = arith.truncf %get3A_689 : vector<128x128xf32> to vector<128x128xbf16>
    %dot_general3A_691 = arith.constant dense<0.000000e+00> : vector<4x128xf32>
    %dot_general3A_692 = tpu.matmul %convert_element_type3A_684, %convert_element_type3A_690, %dot_general3A_691 {dimension_numbers = #tpu.dot_dimension_numbers<[1], [1], [0], [0], [0, 0, 1, 0], [], []>, transpose_lhs_hint = false} : vector<4x128xbf16>, vector<128x128xbf16>, vector<4x128xf32> -> vector<4x128xf32>
    %get3A_693 = arith.constant 41 : index
    %get3A_694 = arith.constant 0 : index
    %get3A_695 = arith.constant 0 : index
    %get3A_696 = vector.load %arg1[%get3A_693, %get3A_694, %get3A_695] : memref<64x4x128xf32, #tpu.memory_space<vmem>>, vector<1x4x128xf32>
    %get3A_697 = vector.shape_cast %get3A_696 : vector<1x4x128xf32> to vector<4x128xf32>
    %mul3A_698 = arith.constant 0.0883883461 : f32
    %mul3A_699 = vector.broadcast %mul3A_698 : f32 to vector<4x128xf32>
    %mul3A_700 = arith.mulf %get3A_697, %mul3A_699 : vector<4x128xf32>
    %convert_element_type3A_701 = arith.truncf %mul3A_700 : vector<4x128xf32> to vector<4x128xbf16>
    %get3A_702 = arith.constant 41 : index
    %get3A_703 = arith.constant 0 : index
    %get3A_704 = arith.constant 0 : index
    %get3A_705 = vector.load %arg2[%get3A_702, %get3A_703, %get3A_704] : memref<64x128x128xf32, #tpu.memory_space<vmem>>, vector<1x128x128xf32>
    %get3A_706 = vector.shape_cast %get3A_705 : vector<1x128x128xf32> to vector<128x128xf32>
    %convert_element_type3A_707 = arith.truncf %get3A_706 : vector<128x128xf32> to vector<128x128xbf16>
    %dot_general3A_708 = arith.constant dense<0.000000e+00> : vector<4x128xf32>
    %dot_general3A_709 = tpu.matmul %convert_element_type3A_701, %convert_element_type3A_707, %dot_general3A_708 {dimension_numbers = #tpu.dot_dimension_numbers<[1], [1], [0], [0], [0, 0, 1, 0], [], []>, transpose_lhs_hint = false} : vector<4x128xbf16>, vector<128x128xbf16>, vector<4x128xf32> -> vector<4x128xf32>
    %get3A_710 = arith.constant 42 : index
    %get3A_711 = arith.constant 0 : index
    %get3A_712 = arith.constant 0 : index
    %get3A_713 = vector.load %arg1[%get3A_710, %get3A_711, %get3A_712] : memref<64x4x128xf32, #tpu.memory_space<vmem>>, vector<1x4x128xf32>
    %get3A_714 = vector.shape_cast %get3A_713 : vector<1x4x128xf32> to vector<4x128xf32>
    %mul3A_715 = arith.constant 0.0883883461 : f32
    %mul3A_716 = vector.broadcast %mul3A_715 : f32 to vector<4x128xf32>
    %mul3A_717 = arith.mulf %get3A_714, %mul3A_716 : vector<4x128xf32>
    %convert_element_type3A_718 = arith.truncf %mul3A_717 : vector<4x128xf32> to vector<4x128xbf16>
    %get3A_719 = arith.constant 42 : index
    %get3A_720 = arith.constant 0 : index
    %get3A_721 = arith.constant 0 : index
    %get3A_722 = vector.load %arg2[%get3A_719, %get3A_720, %get3A_721] : memref<64x128x128xf32, #tpu.memory_space<vmem>>, vector<1x128x128xf32>
    %get3A_723 = vector.shape_cast %get3A_722 : vector<1x128x128xf32> to vector<128x128xf32>
    %convert_element_type3A_724 = arith.truncf %get3A_723 : vector<128x128xf32> to vector<128x128xbf16>
    %dot_general3A_725 = arith.constant dense<0.000000e+00> : vector<4x128xf32>
    %dot_general3A_726 = tpu.matmul %convert_element_type3A_718, %convert_element_type3A_724, %dot_general3A_725 {dimension_numbers = #tpu.dot_dimension_numbers<[1], [1], [0], [0], [0, 0, 1, 0], [], []>, transpose_lhs_hint = false} : vector<4x128xbf16>, vector<128x128xbf16>, vector<4x128xf32> -> vector<4x128xf32>
    %get3A_727 = arith.constant 43 : index
    %get3A_728 = arith.constant 0 : index
    %get3A_729 = arith.constant 0 : index
    %get3A_730 = vector.load %arg1[%get3A_727, %get3A_728, %get3A_729] : memref<64x4x128xf32, #tpu.memory_space<vmem>>, vector<1x4x128xf32>
    %get3A_731 = vector.shape_cast %get3A_730 : vector<1x4x128xf32> to vector<4x128xf32>
    %mul3A_732 = arith.constant 0.0883883461 : f32
    %mul3A_733 = vector.broadcast %mul3A_732 : f32 to vector<4x128xf32>
    %mul3A_734 = arith.mulf %get3A_731, %mul3A_733 : vector<4x128xf32>
    %convert_element_type3A_735 = arith.truncf %mul3A_734 : vector<4x128xf32> to vector<4x128xbf16>
    %get3A_736 = arith.constant 43 : index
    %get3A_737 = arith.constant 0 : index
    %get3A_738 = arith.constant 0 : index
    %get3A_739 = vector.load %arg2[%get3A_736, %get3A_737, %get3A_738] : memref<64x128x128xf32, #tpu.memory_space<vmem>>, vector<1x128x128xf32>
    %get3A_740 = vector.shape_cast %get3A_739 : vector<1x128x128xf32> to vector<128x128xf32>
    %convert_element_type3A_741 = arith.truncf %get3A_740 : vector<128x128xf32> to vector<128x128xbf16>
    %dot_general3A_742 = arith.constant dense<0.000000e+00> : vector<4x128xf32>
    %dot_general3A_743 = tpu.matmul %convert_element_type3A_735, %convert_element_type3A_741, %dot_general3A_742 {dimension_numbers = #tpu.dot_dimension_numbers<[1], [1], [0], [0], [0, 0, 1, 0], [], []>, transpose_lhs_hint = false} : vector<4x128xbf16>, vector<128x128xbf16>, vector<4x128xf32> -> vector<4x128xf32>
    %get3A_744 = arith.constant 44 : index
    %get3A_745 = arith.constant 0 : index
    %get3A_746 = arith.constant 0 : index
    %get3A_747 = vector.load %arg1[%get3A_744, %get3A_745, %get3A_746] : memref<64x4x128xf32, #tpu.memory_space<vmem>>, vector<1x4x128xf32>
    %get3A_748 = vector.shape_cast %get3A_747 : vector<1x4x128xf32> to vector<4x128xf32>
    %mul3A_749 = arith.constant 0.0883883461 : f32
    %mul3A_750 = vector.broadcast %mul3A_749 : f32 to vector<4x128xf32>
    %mul3A_751 = arith.mulf %get3A_748, %mul3A_750 : vector<4x128xf32>
    %convert_element_type3A_752 = arith.truncf %mul3A_751 : vector<4x128xf32> to vector<4x128xbf16>
    %get3A_753 = arith.constant 44 : index
    %get3A_754 = arith.constant 0 : index
    %get3A_755 = arith.constant 0 : index
    %get3A_756 = vector.load %arg2[%get3A_753, %get3A_754, %get3A_755] : memref<64x128x128xf32, #tpu.memory_space<vmem>>, vector<1x128x128xf32>
    %get3A_757 = vector.shape_cast %get3A_756 : vector<1x128x128xf32> to vector<128x128xf32>
    %convert_element_type3A_758 = arith.truncf %get3A_757 : vector<128x128xf32> to vector<128x128xbf16>
    %dot_general3A_759 = arith.constant dense<0.000000e+00> : vector<4x128xf32>
    %dot_general3A_760 = tpu.matmul %convert_element_type3A_752, %convert_element_type3A_758, %dot_general3A_759 {dimension_numbers = #tpu.dot_dimension_numbers<[1], [1], [0], [0], [0, 0, 1, 0], [], []>, transpose_lhs_hint = false} : vector<4x128xbf16>, vector<128x128xbf16>, vector<4x128xf32> -> vector<4x128xf32>
    %get3A_761 = arith.constant 45 : index
    %get3A_762 = arith.constant 0 : index
    %get3A_763 = arith.constant 0 : index
    %get3A_764 = vector.load %arg1[%get3A_761, %get3A_762, %get3A_763] : memref<64x4x128xf32, #tpu.memory_space<vmem>>, vector<1x4x128xf32>
    %get3A_765 = vector.shape_cast %get3A_764 : vector<1x4x128xf32> to vector<4x128xf32>
    %mul3A_766 = arith.constant 0.0883883461 : f32
    %mul3A_767 = vector.broadcast %mul3A_766 : f32 to vector<4x128xf32>
    %mul3A_768 = arith.mulf %get3A_765, %mul3A_767 : vector<4x128xf32>
    %convert_element_type3A_769 = arith.truncf %mul3A_768 : vector<4x128xf32> to vector<4x128xbf16>
    %get3A_770 = arith.constant 45 : index
    %get3A_771 = arith.constant 0 : index
    %get3A_772 = arith.constant 0 : index
    %get3A_773 = vector.load %arg2[%get3A_770, %get3A_771, %get3A_772] : memref<64x128x128xf32, #tpu.memory_space<vmem>>, vector<1x128x128xf32>
    %get3A_774 = vector.shape_cast %get3A_773 : vector<1x128x128xf32> to vector<128x128xf32>
    %convert_element_type3A_775 = arith.truncf %get3A_774 : vector<128x128xf32> to vector<128x128xbf16>
    %dot_general3A_776 = arith.constant dense<0.000000e+00> : vector<4x128xf32>
    %dot_general3A_777 = tpu.matmul %convert_element_type3A_769, %convert_element_type3A_775, %dot_general3A_776 {dimension_numbers = #tpu.dot_dimension_numbers<[1], [1], [0], [0], [0, 0, 1, 0], [], []>, transpose_lhs_hint = false} : vector<4x128xbf16>, vector<128x128xbf16>, vector<4x128xf32> -> vector<4x128xf32>
    %get3A_778 = arith.constant 46 : index
    %get3A_779 = arith.constant 0 : index
    %get3A_780 = arith.constant 0 : index
    %get3A_781 = vector.load %arg1[%get3A_778, %get3A_779, %get3A_780] : memref<64x4x128xf32, #tpu.memory_space<vmem>>, vector<1x4x128xf32>
    %get3A_782 = vector.shape_cast %get3A_781 : vector<1x4x128xf32> to vector<4x128xf32>
    %mul3A_783 = arith.constant 0.0883883461 : f32
    %mul3A_784 = vector.broadcast %mul3A_783 : f32 to vector<4x128xf32>
    %mul3A_785 = arith.mulf %get3A_782, %mul3A_784 : vector<4x128xf32>
    %convert_element_type3A_786 = arith.truncf %mul3A_785 : vector<4x128xf32> to vector<4x128xbf16>
    %get3A_787 = arith.constant 46 : index
    %get3A_788 = arith.constant 0 : index
    %get3A_789 = arith.constant 0 : index
    %get3A_790 = vector.load %arg2[%get3A_787, %get3A_788, %get3A_789] : memref<64x128x128xf32, #tpu.memory_space<vmem>>, vector<1x128x128xf32>
    %get3A_791 = vector.shape_cast %get3A_790 : vector<1x128x128xf32> to vector<128x128xf32>
    %convert_element_type3A_792 = arith.truncf %get3A_791 : vector<128x128xf32> to vector<128x128xbf16>
    %dot_general3A_793 = arith.constant dense<0.000000e+00> : vector<4x128xf32>
    %dot_general3A_794 = tpu.matmul %convert_element_type3A_786, %convert_element_type3A_792, %dot_general3A_793 {dimension_numbers = #tpu.dot_dimension_numbers<[1], [1], [0], [0], [0, 0, 1, 0], [], []>, transpose_lhs_hint = false} : vector<4x128xbf16>, vector<128x128xbf16>, vector<4x128xf32> -> vector<4x128xf32>
    %get3A_795 = arith.constant 47 : index
    %get3A_796 = arith.constant 0 : index
    %get3A_797 = arith.constant 0 : index
    %get3A_798 = vector.load %arg1[%get3A_795, %get3A_796, %get3A_797] : memref<64x4x128xf32, #tpu.memory_space<vmem>>, vector<1x4x128xf32>
    %get3A_799 = vector.shape_cast %get3A_798 : vector<1x4x128xf32> to vector<4x128xf32>
    %mul3A_800 = arith.constant 0.0883883461 : f32
    %mul3A_801 = vector.broadcast %mul3A_800 : f32 to vector<4x128xf32>
    %mul3A_802 = arith.mulf %get3A_799, %mul3A_801 : vector<4x128xf32>
    %convert_element_type3A_803 = arith.truncf %mul3A_802 : vector<4x128xf32> to vector<4x128xbf16>
    %get3A_804 = arith.constant 47 : index
    %get3A_805 = arith.constant 0 : index
    %get3A_806 = arith.constant 0 : index
    %get3A_807 = vector.load %arg2[%get3A_804, %get3A_805, %get3A_806] : memref<64x128x128xf32, #tpu.memory_space<vmem>>, vector<1x128x128xf32>
    %get3A_808 = vector.shape_cast %get3A_807 : vector<1x128x128xf32> to vector<128x128xf32>
    %convert_element_type3A_809 = arith.truncf %get3A_808 : vector<128x128xf32> to vector<128x128xbf16>
    %dot_general3A_810 = arith.constant dense<0.000000e+00> : vector<4x128xf32>
    %dot_general3A_811 = tpu.matmul %convert_element_type3A_803, %convert_element_type3A_809, %dot_general3A_810 {dimension_numbers = #tpu.dot_dimension_numbers<[1], [1], [0], [0], [0, 0, 1, 0], [], []>, transpose_lhs_hint = false} : vector<4x128xbf16>, vector<128x128xbf16>, vector<4x128xf32> -> vector<4x128xf32>
    %get3A_812 = arith.constant 48 : index
    %get3A_813 = arith.constant 0 : index
    %get3A_814 = arith.constant 0 : index
    %get3A_815 = vector.load %arg1[%get3A_812, %get3A_813, %get3A_814] : memref<64x4x128xf32, #tpu.memory_space<vmem>>, vector<1x4x128xf32>
    %get3A_816 = vector.shape_cast %get3A_815 : vector<1x4x128xf32> to vector<4x128xf32>
    %mul3A_817 = arith.constant 0.0883883461 : f32
    %mul3A_818 = vector.broadcast %mul3A_817 : f32 to vector<4x128xf32>
    %mul3A_819 = arith.mulf %get3A_816, %mul3A_818 : vector<4x128xf32>
    %convert_element_type3A_820 = arith.truncf %mul3A_819 : vector<4x128xf32> to vector<4x128xbf16>
    %get3A_821 = arith.constant 48 : index
    %get3A_822 = arith.constant 0 : index
    %get3A_823 = arith.constant 0 : index
    %get3A_824 = vector.load %arg2[%get3A_821, %get3A_822, %get3A_823] : memref<64x128x128xf32, #tpu.memory_space<vmem>>, vector<1x128x128xf32>
    %get3A_825 = vector.shape_cast %get3A_824 : vector<1x128x128xf32> to vector<128x128xf32>
    %convert_element_type3A_826 = arith.truncf %get3A_825 : vector<128x128xf32> to vector<128x128xbf16>
    %dot_general3A_827 = arith.constant dense<0.000000e+00> : vector<4x128xf32>
    %dot_general3A_828 = tpu.matmul %convert_element_type3A_820, %convert_element_type3A_826, %dot_general3A_827 {dimension_numbers = #tpu.dot_dimension_numbers<[1], [1], [0], [0], [0, 0, 1, 0], [], []>, transpose_lhs_hint = false} : vector<4x128xbf16>, vector<128x128xbf16>, vector<4x128xf32> -> vector<4x128xf32>
    %get3A_829 = arith.constant 49 : index
    %get3A_830 = arith.constant 0 : index
    %get3A_831 = arith.constant 0 : index
    %get3A_832 = vector.load %arg1[%get3A_829, %get3A_830, %get3A_831] : memref<64x4x128xf32, #tpu.memory_space<vmem>>, vector<1x4x128xf32>
    %get3A_833 = vector.shape_cast %get3A_832 : vector<1x4x128xf32> to vector<4x128xf32>
    %mul3A_834 = arith.constant 0.0883883461 : f32
    %mul3A_835 = vector.broadcast %mul3A_834 : f32 to vector<4x128xf32>
    %mul3A_836 = arith.mulf %get3A_833, %mul3A_835 : vector<4x128xf32>
    %convert_element_type3A_837 = arith.truncf %mul3A_836 : vector<4x128xf32> to vector<4x128xbf16>
    %get3A_838 = arith.constant 49 : index
    %get3A_839 = arith.constant 0 : index
    %get3A_840 = arith.constant 0 : index
    %get3A_841 = vector.load %arg2[%get3A_838, %get3A_839, %get3A_840] : memref<64x128x128xf32, #tpu.memory_space<vmem>>, vector<1x128x128xf32>
    %get3A_842 = vector.shape_cast %get3A_841 : vector<1x128x128xf32> to vector<128x128xf32>
    %convert_element_type3A_843 = arith.truncf %get3A_842 : vector<128x128xf32> to vector<128x128xbf16>
    %dot_general3A_844 = arith.constant dense<0.000000e+00> : vector<4x128xf32>
    %dot_general3A_845 = tpu.matmul %convert_element_type3A_837, %convert_element_type3A_843, %dot_general3A_844 {dimension_numbers = #tpu.dot_dimension_numbers<[1], [1], [0], [0], [0, 0, 1, 0], [], []>, transpose_lhs_hint = false} : vector<4x128xbf16>, vector<128x128xbf16>, vector<4x128xf32> -> vector<4x128xf32>
    %get3A_846 = arith.constant 50 : index
    %get3A_847 = arith.constant 0 : index
    %get3A_848 = arith.constant 0 : index
    %get3A_849 = vector.load %arg1[%get3A_846, %get3A_847, %get3A_848] : memref<64x4x128xf32, #tpu.memory_space<vmem>>, vector<1x4x128xf32>
    %get3A_850 = vector.shape_cast %get3A_849 : vector<1x4x128xf32> to vector<4x128xf32>
    %mul3A_851 = arith.constant 0.0883883461 : f32
    %mul3A_852 = vector.broadcast %mul3A_851 : f32 to vector<4x128xf32>
    %mul3A_853 = arith.mulf %get3A_850, %mul3A_852 : vector<4x128xf32>
    %convert_element_type3A_854 = arith.truncf %mul3A_853 : vector<4x128xf32> to vector<4x128xbf16>
    %get3A_855 = arith.constant 50 : index
    %get3A_856 = arith.constant 0 : index
    %get3A_857 = arith.constant 0 : index
    %get3A_858 = vector.load %arg2[%get3A_855, %get3A_856, %get3A_857] : memref<64x128x128xf32, #tpu.memory_space<vmem>>, vector<1x128x128xf32>
    %get3A_859 = vector.shape_cast %get3A_858 : vector<1x128x128xf32> to vector<128x128xf32>
    %convert_element_type3A_860 = arith.truncf %get3A_859 : vector<128x128xf32> to vector<128x128xbf16>
    %dot_general3A_861 = arith.constant dense<0.000000e+00> : vector<4x128xf32>
    %dot_general3A_862 = tpu.matmul %convert_element_type3A_854, %convert_element_type3A_860, %dot_general3A_861 {dimension_numbers = #tpu.dot_dimension_numbers<[1], [1], [0], [0], [0, 0, 1, 0], [], []>, transpose_lhs_hint = false} : vector<4x128xbf16>, vector<128x128xbf16>, vector<4x128xf32> -> vector<4x128xf32>
    %get3A_863 = arith.constant 51 : index
    %get3A_864 = arith.constant 0 : index
    %get3A_865 = arith.constant 0 : index
    %get3A_866 = vector.load %arg1[%get3A_863, %get3A_864, %get3A_865] : memref<64x4x128xf32, #tpu.memory_space<vmem>>, vector<1x4x128xf32>
    %get3A_867 = vector.shape_cast %get3A_866 : vector<1x4x128xf32> to vector<4x128xf32>
    %mul3A_868 = arith.constant 0.0883883461 : f32
    %mul3A_869 = vector.broadcast %mul3A_868 : f32 to vector<4x128xf32>
    %mul3A_870 = arith.mulf %get3A_867, %mul3A_869 : vector<4x128xf32>
    %convert_element_type3A_871 = arith.truncf %mul3A_870 : vector<4x128xf32> to vector<4x128xbf16>
    %get3A_872 = arith.constant 51 : index
    %get3A_873 = arith.constant 0 : index
    %get3A_874 = arith.constant 0 : index
    %get3A_875 = vector.load %arg2[%get3A_872, %get3A_873, %get3A_874] : memref<64x128x128xf32, #tpu.memory_space<vmem>>, vector<1x128x128xf32>
    %get3A_876 = vector.shape_cast %get3A_875 : vector<1x128x128xf32> to vector<128x128xf32>
    %convert_element_type3A_877 = arith.truncf %get3A_876 : vector<128x128xf32> to vector<128x128xbf16>
    %dot_general3A_878 = arith.constant dense<0.000000e+00> : vector<4x128xf32>
    %dot_general3A_879 = tpu.matmul %convert_element_type3A_871, %convert_element_type3A_877, %dot_general3A_878 {dimension_numbers = #tpu.dot_dimension_numbers<[1], [1], [0], [0], [0, 0, 1, 0], [], []>, transpose_lhs_hint = false} : vector<4x128xbf16>, vector<128x128xbf16>, vector<4x128xf32> -> vector<4x128xf32>
    %get3A_880 = arith.constant 52 : index
    %get3A_881 = arith.constant 0 : index
    %get3A_882 = arith.constant 0 : index
    %get3A_883 = vector.load %arg1[%get3A_880, %get3A_881, %get3A_882] : memref<64x4x128xf32, #tpu.memory_space<vmem>>, vector<1x4x128xf32>
    %get3A_884 = vector.shape_cast %get3A_883 : vector<1x4x128xf32> to vector<4x128xf32>
    %mul3A_885 = arith.constant 0.0883883461 : f32
    %mul3A_886 = vector.broadcast %mul3A_885 : f32 to vector<4x128xf32>
    %mul3A_887 = arith.mulf %get3A_884, %mul3A_886 : vector<4x128xf32>
    %convert_element_type3A_888 = arith.truncf %mul3A_887 : vector<4x128xf32> to vector<4x128xbf16>
    %get3A_889 = arith.constant 52 : index
    %get3A_890 = arith.constant 0 : index
    %get3A_891 = arith.constant 0 : index
    %get3A_892 = vector.load %arg2[%get3A_889, %get3A_890, %get3A_891] : memref<64x128x128xf32, #tpu.memory_space<vmem>>, vector<1x128x128xf32>
    %get3A_893 = vector.shape_cast %get3A_892 : vector<1x128x128xf32> to vector<128x128xf32>
    %convert_element_type3A_894 = arith.truncf %get3A_893 : vector<128x128xf32> to vector<128x128xbf16>
    %dot_general3A_895 = arith.constant dense<0.000000e+00> : vector<4x128xf32>
    %dot_general3A_896 = tpu.matmul %convert_element_type3A_888, %convert_element_type3A_894, %dot_general3A_895 {dimension_numbers = #tpu.dot_dimension_numbers<[1], [1], [0], [0], [0, 0, 1, 0], [], []>, transpose_lhs_hint = false} : vector<4x128xbf16>, vector<128x128xbf16>, vector<4x128xf32> -> vector<4x128xf32>
    %get3A_897 = arith.constant 53 : index
    %get3A_898 = arith.constant 0 : index
    %get3A_899 = arith.constant 0 : index
    %get3A_900 = vector.load %arg1[%get3A_897, %get3A_898, %get3A_899] : memref<64x4x128xf32, #tpu.memory_space<vmem>>, vector<1x4x128xf32>
    %get3A_901 = vector.shape_cast %get3A_900 : vector<1x4x128xf32> to vector<4x128xf32>
    %mul3A_902 = arith.constant 0.0883883461 : f32
    %mul3A_903 = vector.broadcast %mul3A_902 : f32 to vector<4x128xf32>
    %mul3A_904 = arith.mulf %get3A_901, %mul3A_903 : vector<4x128xf32>
    %convert_element_type3A_905 = arith.truncf %mul3A_904 : vector<4x128xf32> to vector<4x128xbf16>
    %get3A_906 = arith.constant 53 : index
    %get3A_907 = arith.constant 0 : index
    %get3A_908 = arith.constant 0 : index
    %get3A_909 = vector.load %arg2[%get3A_906, %get3A_907, %get3A_908] : memref<64x128x128xf32, #tpu.memory_space<vmem>>, vector<1x128x128xf32>
    %get3A_910 = vector.shape_cast %get3A_909 : vector<1x128x128xf32> to vector<128x128xf32>
    %convert_element_type3A_911 = arith.truncf %get3A_910 : vector<128x128xf32> to vector<128x128xbf16>
    %dot_general3A_912 = arith.constant dense<0.000000e+00> : vector<4x128xf32>
    %dot_general3A_913 = tpu.matmul %convert_element_type3A_905, %convert_element_type3A_911, %dot_general3A_912 {dimension_numbers = #tpu.dot_dimension_numbers<[1], [1], [0], [0], [0, 0, 1, 0], [], []>, transpose_lhs_hint = false} : vector<4x128xbf16>, vector<128x128xbf16>, vector<4x128xf32> -> vector<4x128xf32>
    %get3A_914 = arith.constant 54 : index
    %get3A_915 = arith.constant 0 : index
    %get3A_916 = arith.constant 0 : index
    %get3A_917 = vector.load %arg1[%get3A_914, %get3A_915, %get3A_916] : memref<64x4x128xf32, #tpu.memory_space<vmem>>, vector<1x4x128xf32>
    %get3A_918 = vector.shape_cast %get3A_917 : vector<1x4x128xf32> to vector<4x128xf32>
    %mul3A_919 = arith.constant 0.0883883461 : f32
    %mul3A_920 = vector.broadcast %mul3A_919 : f32 to vector<4x128xf32>
    %mul3A_921 = arith.mulf %get3A_918, %mul3A_920 : vector<4x128xf32>
    %convert_element_type3A_922 = arith.truncf %mul3A_921 : vector<4x128xf32> to vector<4x128xbf16>
    %get3A_923 = arith.constant 54 : index
    %get3A_924 = arith.constant 0 : index
    %get3A_925 = arith.constant 0 : index
    %get3A_926 = vector.load %arg2[%get3A_923, %get3A_924, %get3A_925] : memref<64x128x128xf32, #tpu.memory_space<vmem>>, vector<1x128x128xf32>
    %get3A_927 = vector.shape_cast %get3A_926 : vector<1x128x128xf32> to vector<128x128xf32>
    %convert_element_type3A_928 = arith.truncf %get3A_927 : vector<128x128xf32> to vector<128x128xbf16>
    %dot_general3A_929 = arith.constant dense<0.000000e+00> : vector<4x128xf32>
    %dot_general3A_930 = tpu.matmul %convert_element_type3A_922, %convert_element_type3A_928, %dot_general3A_929 {dimension_numbers = #tpu.dot_dimension_numbers<[1], [1], [0], [0], [0, 0, 1, 0], [], []>, transpose_lhs_hint = false} : vector<4x128xbf16>, vector<128x128xbf16>, vector<4x128xf32> -> vector<4x128xf32>
    %get3A_931 = arith.constant 55 : index
    %get3A_932 = arith.constant 0 : index
    %get3A_933 = arith.constant 0 : index
    %get3A_934 = vector.load %arg1[%get3A_931, %get3A_932, %get3A_933] : memref<64x4x128xf32, #tpu.memory_space<vmem>>, vector<1x4x128xf32>
    %get3A_935 = vector.shape_cast %get3A_934 : vector<1x4x128xf32> to vector<4x128xf32>
    %mul3A_936 = arith.constant 0.0883883461 : f32
    %mul3A_937 = vector.broadcast %mul3A_936 : f32 to vector<4x128xf32>
    %mul3A_938 = arith.mulf %get3A_935, %mul3A_937 : vector<4x128xf32>
    %convert_element_type3A_939 = arith.truncf %mul3A_938 : vector<4x128xf32> to vector<4x128xbf16>
    %get3A_940 = arith.constant 55 : index
    %get3A_941 = arith.constant 0 : index
    %get3A_942 = arith.constant 0 : index
    %get3A_943 = vector.load %arg2[%get3A_940, %get3A_941, %get3A_942] : memref<64x128x128xf32, #tpu.memory_space<vmem>>, vector<1x128x128xf32>
    %get3A_944 = vector.shape_cast %get3A_943 : vector<1x128x128xf32> to vector<128x128xf32>
    %convert_element_type3A_945 = arith.truncf %get3A_944 : vector<128x128xf32> to vector<128x128xbf16>
    %dot_general3A_946 = arith.constant dense<0.000000e+00> : vector<4x128xf32>
    %dot_general3A_947 = tpu.matmul %convert_element_type3A_939, %convert_element_type3A_945, %dot_general3A_946 {dimension_numbers = #tpu.dot_dimension_numbers<[1], [1], [0], [0], [0, 0, 1, 0], [], []>, transpose_lhs_hint = false} : vector<4x128xbf16>, vector<128x128xbf16>, vector<4x128xf32> -> vector<4x128xf32>
    %get3A_948 = arith.constant 56 : index
    %get3A_949 = arith.constant 0 : index
    %get3A_950 = arith.constant 0 : index
    %get3A_951 = vector.load %arg1[%get3A_948, %get3A_949, %get3A_950] : memref<64x4x128xf32, #tpu.memory_space<vmem>>, vector<1x4x128xf32>
    %get3A_952 = vector.shape_cast %get3A_951 : vector<1x4x128xf32> to vector<4x128xf32>
    %mul3A_953 = arith.constant 0.0883883461 : f32
    %mul3A_954 = vector.broadcast %mul3A_953 : f32 to vector<4x128xf32>
    %mul3A_955 = arith.mulf %get3A_952, %mul3A_954 : vector<4x128xf32>
    %convert_element_type3A_956 = arith.truncf %mul3A_955 : vector<4x128xf32> to vector<4x128xbf16>
    %get3A_957 = arith.constant 56 : index
    %get3A_958 = arith.constant 0 : index
    %get3A_959 = arith.constant 0 : index
    %get3A_960 = vector.load %arg2[%get3A_957, %get3A_958, %get3A_959] : memref<64x128x128xf32, #tpu.memory_space<vmem>>, vector<1x128x128xf32>
    %get3A_961 = vector.shape_cast %get3A_960 : vector<1x128x128xf32> to vector<128x128xf32>
    %convert_element_type3A_962 = arith.truncf %get3A_961 : vector<128x128xf32> to vector<128x128xbf16>
    %dot_general3A_963 = arith.constant dense<0.000000e+00> : vector<4x128xf32>
    %dot_general3A_964 = tpu.matmul %convert_element_type3A_956, %convert_element_type3A_962, %dot_general3A_963 {dimension_numbers = #tpu.dot_dimension_numbers<[1], [1], [0], [0], [0, 0, 1, 0], [], []>, transpose_lhs_hint = false} : vector<4x128xbf16>, vector<128x128xbf16>, vector<4x128xf32> -> vector<4x128xf32>
    %get3A_965 = arith.constant 57 : index
    %get3A_966 = arith.constant 0 : index
    %get3A_967 = arith.constant 0 : index
    %get3A_968 = vector.load %arg1[%get3A_965, %get3A_966, %get3A_967] : memref<64x4x128xf32, #tpu.memory_space<vmem>>, vector<1x4x128xf32>
    %get3A_969 = vector.shape_cast %get3A_968 : vector<1x4x128xf32> to vector<4x128xf32>
    %mul3A_970 = arith.constant 0.0883883461 : f32
    %mul3A_971 = vector.broadcast %mul3A_970 : f32 to vector<4x128xf32>
    %mul3A_972 = arith.mulf %get3A_969, %mul3A_971 : vector<4x128xf32>
    %convert_element_type3A_973 = arith.truncf %mul3A_972 : vector<4x128xf32> to vector<4x128xbf16>
    %get3A_974 = arith.constant 57 : index
    %get3A_975 = arith.constant 0 : index
    %get3A_976 = arith.constant 0 : index
    %get3A_977 = vector.load %arg2[%get3A_974, %get3A_975, %get3A_976] : memref<64x128x128xf32, #tpu.memory_space<vmem>>, vector<1x128x128xf32>
    %get3A_978 = vector.shape_cast %get3A_977 : vector<1x128x128xf32> to vector<128x128xf32>
    %convert_element_type3A_979 = arith.truncf %get3A_978 : vector<128x128xf32> to vector<128x128xbf16>
    %dot_general3A_980 = arith.constant dense<0.000000e+00> : vector<4x128xf32>
    %dot_general3A_981 = tpu.matmul %convert_element_type3A_973, %convert_element_type3A_979, %dot_general3A_980 {dimension_numbers = #tpu.dot_dimension_numbers<[1], [1], [0], [0], [0, 0, 1, 0], [], []>, transpose_lhs_hint = false} : vector<4x128xbf16>, vector<128x128xbf16>, vector<4x128xf32> -> vector<4x128xf32>
    %get3A_982 = arith.constant 58 : index
    %get3A_983 = arith.constant 0 : index
    %get3A_984 = arith.constant 0 : index
    %get3A_985 = vector.load %arg1[%get3A_982, %get3A_983, %get3A_984] : memref<64x4x128xf32, #tpu.memory_space<vmem>>, vector<1x4x128xf32>
    %get3A_986 = vector.shape_cast %get3A_985 : vector<1x4x128xf32> to vector<4x128xf32>
    %mul3A_987 = arith.constant 0.0883883461 : f32
    %mul3A_988 = vector.broadcast %mul3A_987 : f32 to vector<4x128xf32>
    %mul3A_989 = arith.mulf %get3A_986, %mul3A_988 : vector<4x128xf32>
    %convert_element_type3A_990 = arith.truncf %mul3A_989 : vector<4x128xf32> to vector<4x128xbf16>
    %get3A_991 = arith.constant 58 : index
    %get3A_992 = arith.constant 0 : index
    %get3A_993 = arith.constant 0 : index
    %get3A_994 = vector.load %arg2[%get3A_991, %get3A_992, %get3A_993] : memref<64x128x128xf32, #tpu.memory_space<vmem>>, vector<1x128x128xf32>
    %get3A_995 = vector.shape_cast %get3A_994 : vector<1x128x128xf32> to vector<128x128xf32>
    %convert_element_type3A_996 = arith.truncf %get3A_995 : vector<128x128xf32> to vector<128x128xbf16>
    %dot_general3A_997 = arith.constant dense<0.000000e+00> : vector<4x128xf32>
    %dot_general3A_998 = tpu.matmul %convert_element_type3A_990, %convert_element_type3A_996, %dot_general3A_997 {dimension_numbers = #tpu.dot_dimension_numbers<[1], [1], [0], [0], [0, 0, 1, 0], [], []>, transpose_lhs_hint = false} : vector<4x128xbf16>, vector<128x128xbf16>, vector<4x128xf32> -> vector<4x128xf32>
    %get3A_999 = arith.constant 59 : index
    %get3A_1000 = arith.constant 0 : index
    %get3A_1001 = arith.constant 0 : index
    %get3A_1002 = vector.load %arg1[%get3A_999, %get3A_1000, %get3A_1001] : memref<64x4x128xf32, #tpu.memory_space<vmem>>, vector<1x4x128xf32>
    %get3A_1003 = vector.shape_cast %get3A_1002 : vector<1x4x128xf32> to vector<4x128xf32>
    %mul3A_1004 = arith.constant 0.0883883461 : f32
    %mul3A_1005 = vector.broadcast %mul3A_1004 : f32 to vector<4x128xf32>
    %mul3A_1006 = arith.mulf %get3A_1003, %mul3A_1005 : vector<4x128xf32>
    %convert_element_type3A_1007 = arith.truncf %mul3A_1006 : vector<4x128xf32> to vector<4x128xbf16>
    %get3A_1008 = arith.constant 59 : index
    %get3A_1009 = arith.constant 0 : index
    %get3A_1010 = arith.constant 0 : index
    %get3A_1011 = vector.load %arg2[%get3A_1008, %get3A_1009, %get3A_1010] : memref<64x128x128xf32, #tpu.memory_space<vmem>>, vector<1x128x128xf32>
    %get3A_1012 = vector.shape_cast %get3A_1011 : vector<1x128x128xf32> to vector<128x128xf32>
    %convert_element_type3A_1013 = arith.truncf %get3A_1012 : vector<128x128xf32> to vector<128x128xbf16>
    %dot_general3A_1014 = arith.constant dense<0.000000e+00> : vector<4x128xf32>
    %dot_general3A_1015 = tpu.matmul %convert_element_type3A_1007, %convert_element_type3A_1013, %dot_general3A_1014 {dimension_numbers = #tpu.dot_dimension_numbers<[1], [1], [0], [0], [0, 0, 1, 0], [], []>, transpose_lhs_hint = false} : vector<4x128xbf16>, vector<128x128xbf16>, vector<4x128xf32> -> vector<4x128xf32>
    %get3A_1016 = arith.constant 60 : index
    %get3A_1017 = arith.constant 0 : index
    %get3A_1018 = arith.constant 0 : index
    %get3A_1019 = vector.load %arg1[%get3A_1016, %get3A_1017, %get3A_1018] : memref<64x4x128xf32, #tpu.memory_space<vmem>>, vector<1x4x128xf32>
    %get3A_1020 = vector.shape_cast %get3A_1019 : vector<1x4x128xf32> to vector<4x128xf32>
    %mul3A_1021 = arith.constant 0.0883883461 : f32
    %mul3A_1022 = vector.broadcast %mul3A_1021 : f32 to vector<4x128xf32>
    %mul3A_1023 = arith.mulf %get3A_1020, %mul3A_1022 : vector<4x128xf32>
    %convert_element_type3A_1024 = arith.truncf %mul3A_1023 : vector<4x128xf32> to vector<4x128xbf16>
    %get3A_1025 = arith.constant 60 : index
    %get3A_1026 = arith.constant 0 : index
    %get3A_1027 = arith.constant 0 : index
    %get3A_1028 = vector.load %arg2[%get3A_1025, %get3A_1026, %get3A_1027] : memref<64x128x128xf32, #tpu.memory_space<vmem>>, vector<1x128x128xf32>
    %get3A_1029 = vector.shape_cast %get3A_1028 : vector<1x128x128xf32> to vector<128x128xf32>
    %convert_element_type3A_1030 = arith.truncf %get3A_1029 : vector<128x128xf32> to vector<128x128xbf16>
    %dot_general3A_1031 = arith.constant dense<0.000000e+00> : vector<4x128xf32>
    %dot_general3A_1032 = tpu.matmul %convert_element_type3A_1024, %convert_element_type3A_1030, %dot_general3A_1031 {dimension_numbers = #tpu.dot_dimension_numbers<[1], [1], [0], [0], [0, 0, 1, 0], [], []>, transpose_lhs_hint = false} : vector<4x128xbf16>, vector<128x128xbf16>, vector<4x128xf32> -> vector<4x128xf32>
    %get3A_1033 = arith.constant 61 : index
    %get3A_1034 = arith.constant 0 : index
    %get3A_1035 = arith.constant 0 : index
    %get3A_1036 = vector.load %arg1[%get3A_1033, %get3A_1034, %get3A_1035] : memref<64x4x128xf32, #tpu.memory_space<vmem>>, vector<1x4x128xf32>
    %get3A_1037 = vector.shape_cast %get3A_1036 : vector<1x4x128xf32> to vector<4x128xf32>
    %mul3A_1038 = arith.constant 0.0883883461 : f32
    %mul3A_1039 = vector.broadcast %mul3A_1038 : f32 to vector<4x128xf32>
    %mul3A_1040 = arith.mulf %get3A_1037, %mul3A_1039 : vector<4x128xf32>
    %convert_element_type3A_1041 = arith.truncf %mul3A_1040 : vector<4x128xf32> to vector<4x128xbf16>
    %get3A_1042 = arith.constant 61 : index
    %get3A_1043 = arith.constant 0 : index
    %get3A_1044 = arith.constant 0 : index
    %get3A_1045 = vector.load %arg2[%get3A_1042, %get3A_1043, %get3A_1044] : memref<64x128x128xf32, #tpu.memory_space<vmem>>, vector<1x128x128xf32>
    %get3A_1046 = vector.shape_cast %get3A_1045 : vector<1x128x128xf32> to vector<128x128xf32>
    %convert_element_type3A_1047 = arith.truncf %get3A_1046 : vector<128x128xf32> to vector<128x128xbf16>
    %dot_general3A_1048 = arith.constant dense<0.000000e+00> : vector<4x128xf32>
    %dot_general3A_1049 = tpu.matmul %convert_element_type3A_1041, %convert_element_type3A_1047, %dot_general3A_1048 {dimension_numbers = #tpu.dot_dimension_numbers<[1], [1], [0], [0], [0, 0, 1, 0], [], []>, transpose_lhs_hint = false} : vector<4x128xbf16>, vector<128x128xbf16>, vector<4x128xf32> -> vector<4x128xf32>
    %get3A_1050 = arith.constant 62 : index
    %get3A_1051 = arith.constant 0 : index
    %get3A_1052 = arith.constant 0 : index
    %get3A_1053 = vector.load %arg1[%get3A_1050, %get3A_1051, %get3A_1052] : memref<64x4x128xf32, #tpu.memory_space<vmem>>, vector<1x4x128xf32>
    %get3A_1054 = vector.shape_cast %get3A_1053 : vector<1x4x128xf32> to vector<4x128xf32>
    %mul3A_1055 = arith.constant 0.0883883461 : f32
    %mul3A_1056 = vector.broadcast %mul3A_1055 : f32 to vector<4x128xf32>
    %mul3A_1057 = arith.mulf %get3A_1054, %mul3A_1056 : vector<4x128xf32>
    %convert_element_type3A_1058 = arith.truncf %mul3A_1057 : vector<4x128xf32> to vector<4x128xbf16>
    %get3A_1059 = arith.constant 62 : index
    %get3A_1060 = arith.constant 0 : index
    %get3A_1061 = arith.constant 0 : index
    %get3A_1062 = vector.load %arg2[%get3A_1059, %get3A_1060, %get3A_1061] : memref<64x128x128xf32, #tpu.memory_space<vmem>>, vector<1x128x128xf32>
    %get3A_1063 = vector.shape_cast %get3A_1062 : vector<1x128x128xf32> to vector<128x128xf32>
    %convert_element_type3A_1064 = arith.truncf %get3A_1063 : vector<128x128xf32> to vector<128x128xbf16>
    %dot_general3A_1065 = arith.constant dense<0.000000e+00> : vector<4x128xf32>
    %dot_general3A_1066 = tpu.matmul %convert_element_type3A_1058, %convert_element_type3A_1064, %dot_general3A_1065 {dimension_numbers = #tpu.dot_dimension_numbers<[1], [1], [0], [0], [0, 0, 1, 0], [], []>, transpose_lhs_hint = false} : vector<4x128xbf16>, vector<128x128xbf16>, vector<4x128xf32> -> vector<4x128xf32>
    %get3A_1067 = arith.constant 63 : index
    %get3A_1068 = arith.constant 0 : index
    %get3A_1069 = arith.constant 0 : index
    %get3A_1070 = vector.load %arg1[%get3A_1067, %get3A_1068, %get3A_1069] : memref<64x4x128xf32, #tpu.memory_space<vmem>>, vector<1x4x128xf32>
    %get3A_1071 = vector.shape_cast %get3A_1070 : vector<1x4x128xf32> to vector<4x128xf32>
    %mul3A_1072 = arith.constant 0.0883883461 : f32
    %mul3A_1073 = vector.broadcast %mul3A_1072 : f32 to vector<4x128xf32>
    %mul3A_1074 = arith.mulf %get3A_1071, %mul3A_1073 : vector<4x128xf32>
    %convert_element_type3A_1075 = arith.truncf %mul3A_1074 : vector<4x128xf32> to vector<4x128xbf16>
    %get3A_1076 = arith.constant 63 : index
    %get3A_1077 = arith.constant 0 : index
    %get3A_1078 = arith.constant 0 : index
    %get3A_1079 = vector.load %arg2[%get3A_1076, %get3A_1077, %get3A_1078] : memref<64x128x128xf32, #tpu.memory_space<vmem>>, vector<1x128x128xf32>
    %get3A_1080 = vector.shape_cast %get3A_1079 : vector<1x128x128xf32> to vector<128x128xf32>
    %convert_element_type3A_1081 = arith.truncf %get3A_1080 : vector<128x128xf32> to vector<128x128xbf16>
    %dot_general3A_1082 = arith.constant dense<0.000000e+00> : vector<4x128xf32>
    %dot_general3A_1083 = tpu.matmul %convert_element_type3A_1075, %convert_element_type3A_1081, %dot_general3A_1082 {dimension_numbers = #tpu.dot_dimension_numbers<[1], [1], [0], [0], [0, 0, 1, 0], [], []>, transpose_lhs_hint = false} : vector<4x128xbf16>, vector<128x128xbf16>, vector<4x128xf32> -> vector<4x128xf32>
    %reduce_max3A = arith.constant dense<0xFF800000> : vector<4xf32>
    %reduce_max3A_1084 = vector.multi_reduction <maximumf>, %dot_general3A_12, %reduce_max3A [1] : vector<4x128xf32> to vector<4xf32>
    %broadcast_in_dim3A = vector.shape_cast %reduce_max3A_1084 : vector<4xf32> to vector<4x1xf32>
    %sub3A = vector.broadcast %broadcast_in_dim3A : vector<4x1xf32> to vector<4x128xf32>
    %sub3A_1085 = arith.subf %dot_general3A_12, %sub3A : vector<4x128xf32>
    %exp3A = math.exp %sub3A_1085 : vector<4x128xf32>
    %reduce_sum3A = arith.constant dense<0.000000e+00> : vector<4xf32>
    %reduce_sum3A_1086 = vector.multi_reduction <add>, %exp3A, %reduce_sum3A [1] : vector<4x128xf32> to vector<4xf32>
    %broadcast_in_dim3A_1087 = vector.shape_cast %reduce_sum3A_1086 : vector<4xf32> to vector<4x1xf32>
    %div3A = vector.broadcast %broadcast_in_dim3A_1087 : vector<4x1xf32> to vector<4x128xf32>
    %div3A_1088 = arith.divf %exp3A, %div3A : vector<4x128xf32>
    %convert_element_type3A_1089 = arith.truncf %div3A_1088 : vector<4x128xf32> to vector<4x128xbf16>
    %reduce_max3A_1090 = arith.constant dense<0xFF800000> : vector<4xf32>
    %reduce_max3A_1091 = vector.multi_reduction <maximumf>, %dot_general3A_29, %reduce_max3A_1090 [1] : vector<4x128xf32> to vector<4xf32>
    %broadcast_in_dim3A_1092 = vector.shape_cast %reduce_max3A_1091 : vector<4xf32> to vector<4x1xf32>
    %sub3A_1093 = vector.broadcast %broadcast_in_dim3A_1092 : vector<4x1xf32> to vector<4x128xf32>
    %sub3A_1094 = arith.subf %dot_general3A_29, %sub3A_1093 : vector<4x128xf32>
    %exp3A_1095 = math.exp %sub3A_1094 : vector<4x128xf32>
    %reduce_sum3A_1096 = arith.constant dense<0.000000e+00> : vector<4xf32>
    %reduce_sum3A_1097 = vector.multi_reduction <add>, %exp3A_1095, %reduce_sum3A_1096 [1] : vector<4x128xf32> to vector<4xf32>
    %broadcast_in_dim3A_1098 = vector.shape_cast %reduce_sum3A_1097 : vector<4xf32> to vector<4x1xf32>
    %div3A_1099 = vector.broadcast %broadcast_in_dim3A_1098 : vector<4x1xf32> to vector<4x128xf32>
    %div3A_1100 = arith.divf %exp3A_1095, %div3A_1099 : vector<4x128xf32>
    %convert_element_type3A_1101 = arith.truncf %div3A_1100 : vector<4x128xf32> to vector<4x128xbf16>
    %reduce_max3A_1102 = arith.constant dense<0xFF800000> : vector<4xf32>
    %reduce_max3A_1103 = vector.multi_reduction <maximumf>, %dot_general3A_46, %reduce_max3A_1102 [1] : vector<4x128xf32> to vector<4xf32>
    %broadcast_in_dim3A_1104 = vector.shape_cast %reduce_max3A_1103 : vector<4xf32> to vector<4x1xf32>
    %sub3A_1105 = vector.broadcast %broadcast_in_dim3A_1104 : vector<4x1xf32> to vector<4x128xf32>
    %sub3A_1106 = arith.subf %dot_general3A_46, %sub3A_1105 : vector<4x128xf32>
    %exp3A_1107 = math.exp %sub3A_1106 : vector<4x128xf32>
    %reduce_sum3A_1108 = arith.constant dense<0.000000e+00> : vector<4xf32>
    %reduce_sum3A_1109 = vector.multi_reduction <add>, %exp3A_1107, %reduce_sum3A_1108 [1] : vector<4x128xf32> to vector<4xf32>
    %broadcast_in_dim3A_1110 = vector.shape_cast %reduce_sum3A_1109 : vector<4xf32> to vector<4x1xf32>
    %div3A_1111 = vector.broadcast %broadcast_in_dim3A_1110 : vector<4x1xf32> to vector<4x128xf32>
    %div3A_1112 = arith.divf %exp3A_1107, %div3A_1111 : vector<4x128xf32>
    %convert_element_type3A_1113 = arith.truncf %div3A_1112 : vector<4x128xf32> to vector<4x128xbf16>
    %reduce_max3A_1114 = arith.constant dense<0xFF800000> : vector<4xf32>
    %reduce_max3A_1115 = vector.multi_reduction <maximumf>, %dot_general3A_63, %reduce_max3A_1114 [1] : vector<4x128xf32> to vector<4xf32>
    %broadcast_in_dim3A_1116 = vector.shape_cast %reduce_max3A_1115 : vector<4xf32> to vector<4x1xf32>
    %sub3A_1117 = vector.broadcast %broadcast_in_dim3A_1116 : vector<4x1xf32> to vector<4x128xf32>
    %sub3A_1118 = arith.subf %dot_general3A_63, %sub3A_1117 : vector<4x128xf32>
    %exp3A_1119 = math.exp %sub3A_1118 : vector<4x128xf32>
    %reduce_sum3A_1120 = arith.constant dense<0.000000e+00> : vector<4xf32>
    %reduce_sum3A_1121 = vector.multi_reduction <add>, %exp3A_1119, %reduce_sum3A_1120 [1] : vector<4x128xf32> to vector<4xf32>
    %broadcast_in_dim3A_1122 = vector.shape_cast %reduce_sum3A_1121 : vector<4xf32> to vector<4x1xf32>
    %div3A_1123 = vector.broadcast %broadcast_in_dim3A_1122 : vector<4x1xf32> to vector<4x128xf32>
    %div3A_1124 = arith.divf %exp3A_1119, %div3A_1123 : vector<4x128xf32>
    %convert_element_type3A_1125 = arith.truncf %div3A_1124 : vector<4x128xf32> to vector<4x128xbf16>
    %reduce_max3A_1126 = arith.constant dense<0xFF800000> : vector<4xf32>
    %reduce_max3A_1127 = vector.multi_reduction <maximumf>, %dot_general3A_80, %reduce_max3A_1126 [1] : vector<4x128xf32> to vector<4xf32>
    %broadcast_in_dim3A_1128 = vector.shape_cast %reduce_max3A_1127 : vector<4xf32> to vector<4x1xf32>
    %sub3A_1129 = vector.broadcast %broadcast_in_dim3A_1128 : vector<4x1xf32> to vector<4x128xf32>
    %sub3A_1130 = arith.subf %dot_general3A_80, %sub3A_1129 : vector<4x128xf32>
    %exp3A_1131 = math.exp %sub3A_1130 : vector<4x128xf32>
    %reduce_sum3A_1132 = arith.constant dense<0.000000e+00> : vector<4xf32>
    %reduce_sum3A_1133 = vector.multi_reduction <add>, %exp3A_1131, %reduce_sum3A_1132 [1] : vector<4x128xf32> to vector<4xf32>
    %broadcast_in_dim3A_1134 = vector.shape_cast %reduce_sum3A_1133 : vector<4xf32> to vector<4x1xf32>
    %div3A_1135 = vector.broadcast %broadcast_in_dim3A_1134 : vector<4x1xf32> to vector<4x128xf32>
    %div3A_1136 = arith.divf %exp3A_1131, %div3A_1135 : vector<4x128xf32>
    %convert_element_type3A_1137 = arith.truncf %div3A_1136 : vector<4x128xf32> to vector<4x128xbf16>
    %reduce_max3A_1138 = arith.constant dense<0xFF800000> : vector<4xf32>
    %reduce_max3A_1139 = vector.multi_reduction <maximumf>, %dot_general3A_97, %reduce_max3A_1138 [1] : vector<4x128xf32> to vector<4xf32>
    %broadcast_in_dim3A_1140 = vector.shape_cast %reduce_max3A_1139 : vector<4xf32> to vector<4x1xf32>
    %sub3A_1141 = vector.broadcast %broadcast_in_dim3A_1140 : vector<4x1xf32> to vector<4x128xf32>
    %sub3A_1142 = arith.subf %dot_general3A_97, %sub3A_1141 : vector<4x128xf32>
    %exp3A_1143 = math.exp %sub3A_1142 : vector<4x128xf32>
    %reduce_sum3A_1144 = arith.constant dense<0.000000e+00> : vector<4xf32>
    %reduce_sum3A_1145 = vector.multi_reduction <add>, %exp3A_1143, %reduce_sum3A_1144 [1] : vector<4x128xf32> to vector<4xf32>
    %broadcast_in_dim3A_1146 = vector.shape_cast %reduce_sum3A_1145 : vector<4xf32> to vector<4x1xf32>
    %div3A_1147 = vector.broadcast %broadcast_in_dim3A_1146 : vector<4x1xf32> to vector<4x128xf32>
    %div3A_1148 = arith.divf %exp3A_1143, %div3A_1147 : vector<4x128xf32>
    %convert_element_type3A_1149 = arith.truncf %div3A_1148 : vector<4x128xf32> to vector<4x128xbf16>
    %reduce_max3A_1150 = arith.constant dense<0xFF800000> : vector<4xf32>
    %reduce_max3A_1151 = vector.multi_reduction <maximumf>, %dot_general3A_114, %reduce_max3A_1150 [1] : vector<4x128xf32> to vector<4xf32>
    %broadcast_in_dim3A_1152 = vector.shape_cast %reduce_max3A_1151 : vector<4xf32> to vector<4x1xf32>
    %sub3A_1153 = vector.broadcast %broadcast_in_dim3A_1152 : vector<4x1xf32> to vector<4x128xf32>
    %sub3A_1154 = arith.subf %dot_general3A_114, %sub3A_1153 : vector<4x128xf32>
    %exp3A_1155 = math.exp %sub3A_1154 : vector<4x128xf32>
    %reduce_sum3A_1156 = arith.constant dense<0.000000e+00> : vector<4xf32>
    %reduce_sum3A_1157 = vector.multi_reduction <add>, %exp3A_1155, %reduce_sum3A_1156 [1] : vector<4x128xf32> to vector<4xf32>
    %broadcast_in_dim3A_1158 = vector.shape_cast %reduce_sum3A_1157 : vector<4xf32> to vector<4x1xf32>
    %div3A_1159 = vector.broadcast %broadcast_in_dim3A_1158 : vector<4x1xf32> to vector<4x128xf32>
    %div3A_1160 = arith.divf %exp3A_1155, %div3A_1159 : vector<4x128xf32>
    %convert_element_type3A_1161 = arith.truncf %div3A_1160 : vector<4x128xf32> to vector<4x128xbf16>
    %reduce_max3A_1162 = arith.constant dense<0xFF800000> : vector<4xf32>
    %reduce_max3A_1163 = vector.multi_reduction <maximumf>, %dot_general3A_131, %reduce_max3A_1162 [1] : vector<4x128xf32> to vector<4xf32>
    %broadcast_in_dim3A_1164 = vector.shape_cast %reduce_max3A_1163 : vector<4xf32> to vector<4x1xf32>
    %sub3A_1165 = vector.broadcast %broadcast_in_dim3A_1164 : vector<4x1xf32> to vector<4x128xf32>
    %sub3A_1166 = arith.subf %dot_general3A_131, %sub3A_1165 : vector<4x128xf32>
    %exp3A_1167 = math.exp %sub3A_1166 : vector<4x128xf32>
    %reduce_sum3A_1168 = arith.constant dense<0.000000e+00> : vector<4xf32>
    %reduce_sum3A_1169 = vector.multi_reduction <add>, %exp3A_1167, %reduce_sum3A_1168 [1] : vector<4x128xf32> to vector<4xf32>
    %broadcast_in_dim3A_1170 = vector.shape_cast %reduce_sum3A_1169 : vector<4xf32> to vector<4x1xf32>
    %div3A_1171 = vector.broadcast %broadcast_in_dim3A_1170 : vector<4x1xf32> to vector<4x128xf32>
    %div3A_1172 = arith.divf %exp3A_1167, %div3A_1171 : vector<4x128xf32>
    %convert_element_type3A_1173 = arith.truncf %div3A_1172 : vector<4x128xf32> to vector<4x128xbf16>
    %reduce_max3A_1174 = arith.constant dense<0xFF800000> : vector<4xf32>
    %reduce_max3A_1175 = vector.multi_reduction <maximumf>, %dot_general3A_148, %reduce_max3A_1174 [1] : vector<4x128xf32> to vector<4xf32>
    %broadcast_in_dim3A_1176 = vector.shape_cast %reduce_max3A_1175 : vector<4xf32> to vector<4x1xf32>
    %sub3A_1177 = vector.broadcast %broadcast_in_dim3A_1176 : vector<4x1xf32> to vector<4x128xf32>
    %sub3A_1178 = arith.subf %dot_general3A_148, %sub3A_1177 : vector<4x128xf32>
    %exp3A_1179 = math.exp %sub3A_1178 : vector<4x128xf32>
    %reduce_sum3A_1180 = arith.constant dense<0.000000e+00> : vector<4xf32>
    %reduce_sum3A_1181 = vector.multi_reduction <add>, %exp3A_1179, %reduce_sum3A_1180 [1] : vector<4x128xf32> to vector<4xf32>
    %broadcast_in_dim3A_1182 = vector.shape_cast %reduce_sum3A_1181 : vector<4xf32> to vector<4x1xf32>
    %div3A_1183 = vector.broadcast %broadcast_in_dim3A_1182 : vector<4x1xf32> to vector<4x128xf32>
    %div3A_1184 = arith.divf %exp3A_1179, %div3A_1183 : vector<4x128xf32>
    %convert_element_type3A_1185 = arith.truncf %div3A_1184 : vector<4x128xf32> to vector<4x128xbf16>
    %reduce_max3A_1186 = arith.constant dense<0xFF800000> : vector<4xf32>
    %reduce_max3A_1187 = vector.multi_reduction <maximumf>, %dot_general3A_165, %reduce_max3A_1186 [1] : vector<4x128xf32> to vector<4xf32>
    %broadcast_in_dim3A_1188 = vector.shape_cast %reduce_max3A_1187 : vector<4xf32> to vector<4x1xf32>
    %sub3A_1189 = vector.broadcast %broadcast_in_dim3A_1188 : vector<4x1xf32> to vector<4x128xf32>
    %sub3A_1190 = arith.subf %dot_general3A_165, %sub3A_1189 : vector<4x128xf32>
    %exp3A_1191 = math.exp %sub3A_1190 : vector<4x128xf32>
    %reduce_sum3A_1192 = arith.constant dense<0.000000e+00> : vector<4xf32>
    %reduce_sum3A_1193 = vector.multi_reduction <add>, %exp3A_1191, %reduce_sum3A_1192 [1] : vector<4x128xf32> to vector<4xf32>
    %broadcast_in_dim3A_1194 = vector.shape_cast %reduce_sum3A_1193 : vector<4xf32> to vector<4x1xf32>
    %div3A_1195 = vector.broadcast %broadcast_in_dim3A_1194 : vector<4x1xf32> to vector<4x128xf32>
    %div3A_1196 = arith.divf %exp3A_1191, %div3A_1195 : vector<4x128xf32>
    %convert_element_type3A_1197 = arith.truncf %div3A_1196 : vector<4x128xf32> to vector<4x128xbf16>
    %reduce_max3A_1198 = arith.constant dense<0xFF800000> : vector<4xf32>
    %reduce_max3A_1199 = vector.multi_reduction <maximumf>, %dot_general3A_182, %reduce_max3A_1198 [1] : vector<4x128xf32> to vector<4xf32>
    %broadcast_in_dim3A_1200 = vector.shape_cast %reduce_max3A_1199 : vector<4xf32> to vector<4x1xf32>
    %sub3A_1201 = vector.broadcast %broadcast_in_dim3A_1200 : vector<4x1xf32> to vector<4x128xf32>
    %sub3A_1202 = arith.subf %dot_general3A_182, %sub3A_1201 : vector<4x128xf32>
    %exp3A_1203 = math.exp %sub3A_1202 : vector<4x128xf32>
    %reduce_sum3A_1204 = arith.constant dense<0.000000e+00> : vector<4xf32>
    %reduce_sum3A_1205 = vector.multi_reduction <add>, %exp3A_1203, %reduce_sum3A_1204 [1] : vector<4x128xf32> to vector<4xf32>
    %broadcast_in_dim3A_1206 = vector.shape_cast %reduce_sum3A_1205 : vector<4xf32> to vector<4x1xf32>
    %div3A_1207 = vector.broadcast %broadcast_in_dim3A_1206 : vector<4x1xf32> to vector<4x128xf32>
    %div3A_1208 = arith.divf %exp3A_1203, %div3A_1207 : vector<4x128xf32>
    %convert_element_type3A_1209 = arith.truncf %div3A_1208 : vector<4x128xf32> to vector<4x128xbf16>
    %reduce_max3A_1210 = arith.constant dense<0xFF800000> : vector<4xf32>
    %reduce_max3A_1211 = vector.multi_reduction <maximumf>, %dot_general3A_199, %reduce_max3A_1210 [1] : vector<4x128xf32> to vector<4xf32>
    %broadcast_in_dim3A_1212 = vector.shape_cast %reduce_max3A_1211 : vector<4xf32> to vector<4x1xf32>
    %sub3A_1213 = vector.broadcast %broadcast_in_dim3A_1212 : vector<4x1xf32> to vector<4x128xf32>
    %sub3A_1214 = arith.subf %dot_general3A_199, %sub3A_1213 : vector<4x128xf32>
    %exp3A_1215 = math.exp %sub3A_1214 : vector<4x128xf32>
    %reduce_sum3A_1216 = arith.constant dense<0.000000e+00> : vector<4xf32>
    %reduce_sum3A_1217 = vector.multi_reduction <add>, %exp3A_1215, %reduce_sum3A_1216 [1] : vector<4x128xf32> to vector<4xf32>
    %broadcast_in_dim3A_1218 = vector.shape_cast %reduce_sum3A_1217 : vector<4xf32> to vector<4x1xf32>
    %div3A_1219 = vector.broadcast %broadcast_in_dim3A_1218 : vector<4x1xf32> to vector<4x128xf32>
    %div3A_1220 = arith.divf %exp3A_1215, %div3A_1219 : vector<4x128xf32>
    %convert_element_type3A_1221 = arith.truncf %div3A_1220 : vector<4x128xf32> to vector<4x128xbf16>
    %reduce_max3A_1222 = arith.constant dense<0xFF800000> : vector<4xf32>
    %reduce_max3A_1223 = vector.multi_reduction <maximumf>, %dot_general3A_216, %reduce_max3A_1222 [1] : vector<4x128xf32> to vector<4xf32>
    %broadcast_in_dim3A_1224 = vector.shape_cast %reduce_max3A_1223 : vector<4xf32> to vector<4x1xf32>
    %sub3A_1225 = vector.broadcast %broadcast_in_dim3A_1224 : vector<4x1xf32> to vector<4x128xf32>
    %sub3A_1226 = arith.subf %dot_general3A_216, %sub3A_1225 : vector<4x128xf32>
    %exp3A_1227 = math.exp %sub3A_1226 : vector<4x128xf32>
    %reduce_sum3A_1228 = arith.constant dense<0.000000e+00> : vector<4xf32>
    %reduce_sum3A_1229 = vector.multi_reduction <add>, %exp3A_1227, %reduce_sum3A_1228 [1] : vector<4x128xf32> to vector<4xf32>
    %broadcast_in_dim3A_1230 = vector.shape_cast %reduce_sum3A_1229 : vector<4xf32> to vector<4x1xf32>
    %div3A_1231 = vector.broadcast %broadcast_in_dim3A_1230 : vector<4x1xf32> to vector<4x128xf32>
    %div3A_1232 = arith.divf %exp3A_1227, %div3A_1231 : vector<4x128xf32>
    %convert_element_type3A_1233 = arith.truncf %div3A_1232 : vector<4x128xf32> to vector<4x128xbf16>
    %reduce_max3A_1234 = arith.constant dense<0xFF800000> : vector<4xf32>
    %reduce_max3A_1235 = vector.multi_reduction <maximumf>, %dot_general3A_233, %reduce_max3A_1234 [1] : vector<4x128xf32> to vector<4xf32>
    %broadcast_in_dim3A_1236 = vector.shape_cast %reduce_max3A_1235 : vector<4xf32> to vector<4x1xf32>
    %sub3A_1237 = vector.broadcast %broadcast_in_dim3A_1236 : vector<4x1xf32> to vector<4x128xf32>
    %sub3A_1238 = arith.subf %dot_general3A_233, %sub3A_1237 : vector<4x128xf32>
    %exp3A_1239 = math.exp %sub3A_1238 : vector<4x128xf32>
    %reduce_sum3A_1240 = arith.constant dense<0.000000e+00> : vector<4xf32>
    %reduce_sum3A_1241 = vector.multi_reduction <add>, %exp3A_1239, %reduce_sum3A_1240 [1] : vector<4x128xf32> to vector<4xf32>
    %broadcast_in_dim3A_1242 = vector.shape_cast %reduce_sum3A_1241 : vector<4xf32> to vector<4x1xf32>
    %div3A_1243 = vector.broadcast %broadcast_in_dim3A_1242 : vector<4x1xf32> to vector<4x128xf32>
    %div3A_1244 = arith.divf %exp3A_1239, %div3A_1243 : vector<4x128xf32>
    %convert_element_type3A_1245 = arith.truncf %div3A_1244 : vector<4x128xf32> to vector<4x128xbf16>
    %reduce_max3A_1246 = arith.constant dense<0xFF800000> : vector<4xf32>
    %reduce_max3A_1247 = vector.multi_reduction <maximumf>, %dot_general3A_250, %reduce_max3A_1246 [1] : vector<4x128xf32> to vector<4xf32>
    %broadcast_in_dim3A_1248 = vector.shape_cast %reduce_max3A_1247 : vector<4xf32> to vector<4x1xf32>
    %sub3A_1249 = vector.broadcast %broadcast_in_dim3A_1248 : vector<4x1xf32> to vector<4x128xf32>
    %sub3A_1250 = arith.subf %dot_general3A_250, %sub3A_1249 : vector<4x128xf32>
    %exp3A_1251 = math.exp %sub3A_1250 : vector<4x128xf32>
    %reduce_sum3A_1252 = arith.constant dense<0.000000e+00> : vector<4xf32>
    %reduce_sum3A_1253 = vector.multi_reduction <add>, %exp3A_1251, %reduce_sum3A_1252 [1] : vector<4x128xf32> to vector<4xf32>
    %broadcast_in_dim3A_1254 = vector.shape_cast %reduce_sum3A_1253 : vector<4xf32> to vector<4x1xf32>
    %div3A_1255 = vector.broadcast %broadcast_in_dim3A_1254 : vector<4x1xf32> to vector<4x128xf32>
    %div3A_1256 = arith.divf %exp3A_1251, %div3A_1255 : vector<4x128xf32>
    %convert_element_type3A_1257 = arith.truncf %div3A_1256 : vector<4x128xf32> to vector<4x128xbf16>
    %reduce_max3A_1258 = arith.constant dense<0xFF800000> : vector<4xf32>
    %reduce_max3A_1259 = vector.multi_reduction <maximumf>, %dot_general3A_267, %reduce_max3A_1258 [1] : vector<4x128xf32> to vector<4xf32>
    %broadcast_in_dim3A_1260 = vector.shape_cast %reduce_max3A_1259 : vector<4xf32> to vector<4x1xf32>
    %sub3A_1261 = vector.broadcast %broadcast_in_dim3A_1260 : vector<4x1xf32> to vector<4x128xf32>
    %sub3A_1262 = arith.subf %dot_general3A_267, %sub3A_1261 : vector<4x128xf32>
    %exp3A_1263 = math.exp %sub3A_1262 : vector<4x128xf32>
    %reduce_sum3A_1264 = arith.constant dense<0.000000e+00> : vector<4xf32>
    %reduce_sum3A_1265 = vector.multi_reduction <add>, %exp3A_1263, %reduce_sum3A_1264 [1] : vector<4x128xf32> to vector<4xf32>
    %broadcast_in_dim3A_1266 = vector.shape_cast %reduce_sum3A_1265 : vector<4xf32> to vector<4x1xf32>
    %div3A_1267 = vector.broadcast %broadcast_in_dim3A_1266 : vector<4x1xf32> to vector<4x128xf32>
    %div3A_1268 = arith.divf %exp3A_1263, %div3A_1267 : vector<4x128xf32>
    %convert_element_type3A_1269 = arith.truncf %div3A_1268 : vector<4x128xf32> to vector<4x128xbf16>
    %reduce_max3A_1270 = arith.constant dense<0xFF800000> : vector<4xf32>
    %reduce_max3A_1271 = vector.multi_reduction <maximumf>, %dot_general3A_284, %reduce_max3A_1270 [1] : vector<4x128xf32> to vector<4xf32>
    %broadcast_in_dim3A_1272 = vector.shape_cast %reduce_max3A_1271 : vector<4xf32> to vector<4x1xf32>
    %sub3A_1273 = vector.broadcast %broadcast_in_dim3A_1272 : vector<4x1xf32> to vector<4x128xf32>
    %sub3A_1274 = arith.subf %dot_general3A_284, %sub3A_1273 : vector<4x128xf32>
    %exp3A_1275 = math.exp %sub3A_1274 : vector<4x128xf32>
    %reduce_sum3A_1276 = arith.constant dense<0.000000e+00> : vector<4xf32>
    %reduce_sum3A_1277 = vector.multi_reduction <add>, %exp3A_1275, %reduce_sum3A_1276 [1] : vector<4x128xf32> to vector<4xf32>
    %broadcast_in_dim3A_1278 = vector.shape_cast %reduce_sum3A_1277 : vector<4xf32> to vector<4x1xf32>
    %div3A_1279 = vector.broadcast %broadcast_in_dim3A_1278 : vector<4x1xf32> to vector<4x128xf32>
    %div3A_1280 = arith.divf %exp3A_1275, %div3A_1279 : vector<4x128xf32>
    %convert_element_type3A_1281 = arith.truncf %div3A_1280 : vector<4x128xf32> to vector<4x128xbf16>
    %reduce_max3A_1282 = arith.constant dense<0xFF800000> : vector<4xf32>
    %reduce_max3A_1283 = vector.multi_reduction <maximumf>, %dot_general3A_301, %reduce_max3A_1282 [1] : vector<4x128xf32> to vector<4xf32>
    %broadcast_in_dim3A_1284 = vector.shape_cast %reduce_max3A_1283 : vector<4xf32> to vector<4x1xf32>
    %sub3A_1285 = vector.broadcast %broadcast_in_dim3A_1284 : vector<4x1xf32> to vector<4x128xf32>
    %sub3A_1286 = arith.subf %dot_general3A_301, %sub3A_1285 : vector<4x128xf32>
    %exp3A_1287 = math.exp %sub3A_1286 : vector<4x128xf32>
    %reduce_sum3A_1288 = arith.constant dense<0.000000e+00> : vector<4xf32>
    %reduce_sum3A_1289 = vector.multi_reduction <add>, %exp3A_1287, %reduce_sum3A_1288 [1] : vector<4x128xf32> to vector<4xf32>
    %broadcast_in_dim3A_1290 = vector.shape_cast %reduce_sum3A_1289 : vector<4xf32> to vector<4x1xf32>
    %div3A_1291 = vector.broadcast %broadcast_in_dim3A_1290 : vector<4x1xf32> to vector<4x128xf32>
    %div3A_1292 = arith.divf %exp3A_1287, %div3A_1291 : vector<4x128xf32>
    %convert_element_type3A_1293 = arith.truncf %div3A_1292 : vector<4x128xf32> to vector<4x128xbf16>
    %reduce_max3A_1294 = arith.constant dense<0xFF800000> : vector<4xf32>
    %reduce_max3A_1295 = vector.multi_reduction <maximumf>, %dot_general3A_318, %reduce_max3A_1294 [1] : vector<4x128xf32> to vector<4xf32>
    %broadcast_in_dim3A_1296 = vector.shape_cast %reduce_max3A_1295 : vector<4xf32> to vector<4x1xf32>
    %sub3A_1297 = vector.broadcast %broadcast_in_dim3A_1296 : vector<4x1xf32> to vector<4x128xf32>
    %sub3A_1298 = arith.subf %dot_general3A_318, %sub3A_1297 : vector<4x128xf32>
    %exp3A_1299 = math.exp %sub3A_1298 : vector<4x128xf32>
    %reduce_sum3A_1300 = arith.constant dense<0.000000e+00> : vector<4xf32>
    %reduce_sum3A_1301 = vector.multi_reduction <add>, %exp3A_1299, %reduce_sum3A_1300 [1] : vector<4x128xf32> to vector<4xf32>
    %broadcast_in_dim3A_1302 = vector.shape_cast %reduce_sum3A_1301 : vector<4xf32> to vector<4x1xf32>
    %div3A_1303 = vector.broadcast %broadcast_in_dim3A_1302 : vector<4x1xf32> to vector<4x128xf32>
    %div3A_1304 = arith.divf %exp3A_1299, %div3A_1303 : vector<4x128xf32>
    %convert_element_type3A_1305 = arith.truncf %div3A_1304 : vector<4x128xf32> to vector<4x128xbf16>
    %reduce_max3A_1306 = arith.constant dense<0xFF800000> : vector<4xf32>
    %reduce_max3A_1307 = vector.multi_reduction <maximumf>, %dot_general3A_335, %reduce_max3A_1306 [1] : vector<4x128xf32> to vector<4xf32>
    %broadcast_in_dim3A_1308 = vector.shape_cast %reduce_max3A_1307 : vector<4xf32> to vector<4x1xf32>
    %sub3A_1309 = vector.broadcast %broadcast_in_dim3A_1308 : vector<4x1xf32> to vector<4x128xf32>
    %sub3A_1310 = arith.subf %dot_general3A_335, %sub3A_1309 : vector<4x128xf32>
    %exp3A_1311 = math.exp %sub3A_1310 : vector<4x128xf32>
    %reduce_sum3A_1312 = arith.constant dense<0.000000e+00> : vector<4xf32>
    %reduce_sum3A_1313 = vector.multi_reduction <add>, %exp3A_1311, %reduce_sum3A_1312 [1] : vector<4x128xf32> to vector<4xf32>
    %broadcast_in_dim3A_1314 = vector.shape_cast %reduce_sum3A_1313 : vector<4xf32> to vector<4x1xf32>
    %div3A_1315 = vector.broadcast %broadcast_in_dim3A_1314 : vector<4x1xf32> to vector<4x128xf32>
    %div3A_1316 = arith.divf %exp3A_1311, %div3A_1315 : vector<4x128xf32>
    %convert_element_type3A_1317 = arith.truncf %div3A_1316 : vector<4x128xf32> to vector<4x128xbf16>
    %reduce_max3A_1318 = arith.constant dense<0xFF800000> : vector<4xf32>
    %reduce_max3A_1319 = vector.multi_reduction <maximumf>, %dot_general3A_352, %reduce_max3A_1318 [1] : vector<4x128xf32> to vector<4xf32>
    %broadcast_in_dim3A_1320 = vector.shape_cast %reduce_max3A_1319 : vector<4xf32> to vector<4x1xf32>
    %sub3A_1321 = vector.broadcast %broadcast_in_dim3A_1320 : vector<4x1xf32> to vector<4x128xf32>
    %sub3A_1322 = arith.subf %dot_general3A_352, %sub3A_1321 : vector<4x128xf32>
    %exp3A_1323 = math.exp %sub3A_1322 : vector<4x128xf32>
    %reduce_sum3A_1324 = arith.constant dense<0.000000e+00> : vector<4xf32>
    %reduce_sum3A_1325 = vector.multi_reduction <add>, %exp3A_1323, %reduce_sum3A_1324 [1] : vector<4x128xf32> to vector<4xf32>
    %broadcast_in_dim3A_1326 = vector.shape_cast %reduce_sum3A_1325 : vector<4xf32> to vector<4x1xf32>
    %div3A_1327 = vector.broadcast %broadcast_in_dim3A_1326 : vector<4x1xf32> to vector<4x128xf32>
    %div3A_1328 = arith.divf %exp3A_1323, %div3A_1327 : vector<4x128xf32>
    %convert_element_type3A_1329 = arith.truncf %div3A_1328 : vector<4x128xf32> to vector<4x128xbf16>
    %reduce_max3A_1330 = arith.constant dense<0xFF800000> : vector<4xf32>
    %reduce_max3A_1331 = vector.multi_reduction <maximumf>, %dot_general3A_369, %reduce_max3A_1330 [1] : vector<4x128xf32> to vector<4xf32>
    %broadcast_in_dim3A_1332 = vector.shape_cast %reduce_max3A_1331 : vector<4xf32> to vector<4x1xf32>
    %sub3A_1333 = vector.broadcast %broadcast_in_dim3A_1332 : vector<4x1xf32> to vector<4x128xf32>
    %sub3A_1334 = arith.subf %dot_general3A_369, %sub3A_1333 : vector<4x128xf32>
    %exp3A_1335 = math.exp %sub3A_1334 : vector<4x128xf32>
    %reduce_sum3A_1336 = arith.constant dense<0.000000e+00> : vector<4xf32>
    %reduce_sum3A_1337 = vector.multi_reduction <add>, %exp3A_1335, %reduce_sum3A_1336 [1] : vector<4x128xf32> to vector<4xf32>
    %broadcast_in_dim3A_1338 = vector.shape_cast %reduce_sum3A_1337 : vector<4xf32> to vector<4x1xf32>
    %div3A_1339 = vector.broadcast %broadcast_in_dim3A_1338 : vector<4x1xf32> to vector<4x128xf32>
    %div3A_1340 = arith.divf %exp3A_1335, %div3A_1339 : vector<4x128xf32>
    %convert_element_type3A_1341 = arith.truncf %div3A_1340 : vector<4x128xf32> to vector<4x128xbf16>
    %reduce_max3A_1342 = arith.constant dense<0xFF800000> : vector<4xf32>
    %reduce_max3A_1343 = vector.multi_reduction <maximumf>, %dot_general3A_386, %reduce_max3A_1342 [1] : vector<4x128xf32> to vector<4xf32>
    %broadcast_in_dim3A_1344 = vector.shape_cast %reduce_max3A_1343 : vector<4xf32> to vector<4x1xf32>
    %sub3A_1345 = vector.broadcast %broadcast_in_dim3A_1344 : vector<4x1xf32> to vector<4x128xf32>
    %sub3A_1346 = arith.subf %dot_general3A_386, %sub3A_1345 : vector<4x128xf32>
    %exp3A_1347 = math.exp %sub3A_1346 : vector<4x128xf32>
    %reduce_sum3A_1348 = arith.constant dense<0.000000e+00> : vector<4xf32>
    %reduce_sum3A_1349 = vector.multi_reduction <add>, %exp3A_1347, %reduce_sum3A_1348 [1] : vector<4x128xf32> to vector<4xf32>
    %broadcast_in_dim3A_1350 = vector.shape_cast %reduce_sum3A_1349 : vector<4xf32> to vector<4x1xf32>
    %div3A_1351 = vector.broadcast %broadcast_in_dim3A_1350 : vector<4x1xf32> to vector<4x128xf32>
    %div3A_1352 = arith.divf %exp3A_1347, %div3A_1351 : vector<4x128xf32>
    %convert_element_type3A_1353 = arith.truncf %div3A_1352 : vector<4x128xf32> to vector<4x128xbf16>
    %reduce_max3A_1354 = arith.constant dense<0xFF800000> : vector<4xf32>
    %reduce_max3A_1355 = vector.multi_reduction <maximumf>, %dot_general3A_403, %reduce_max3A_1354 [1] : vector<4x128xf32> to vector<4xf32>
    %broadcast_in_dim3A_1356 = vector.shape_cast %reduce_max3A_1355 : vector<4xf32> to vector<4x1xf32>
    %sub3A_1357 = vector.broadcast %broadcast_in_dim3A_1356 : vector<4x1xf32> to vector<4x128xf32>
    %sub3A_1358 = arith.subf %dot_general3A_403, %sub3A_1357 : vector<4x128xf32>
    %exp3A_1359 = math.exp %sub3A_1358 : vector<4x128xf32>
    %reduce_sum3A_1360 = arith.constant dense<0.000000e+00> : vector<4xf32>
    %reduce_sum3A_1361 = vector.multi_reduction <add>, %exp3A_1359, %reduce_sum3A_1360 [1] : vector<4x128xf32> to vector<4xf32>
    %broadcast_in_dim3A_1362 = vector.shape_cast %reduce_sum3A_1361 : vector<4xf32> to vector<4x1xf32>
    %div3A_1363 = vector.broadcast %broadcast_in_dim3A_1362 : vector<4x1xf32> to vector<4x128xf32>
    %div3A_1364 = arith.divf %exp3A_1359, %div3A_1363 : vector<4x128xf32>
    %convert_element_type3A_1365 = arith.truncf %div3A_1364 : vector<4x128xf32> to vector<4x128xbf16>
    %reduce_max3A_1366 = arith.constant dense<0xFF800000> : vector<4xf32>
    %reduce_max3A_1367 = vector.multi_reduction <maximumf>, %dot_general3A_420, %reduce_max3A_1366 [1] : vector<4x128xf32> to vector<4xf32>
    %broadcast_in_dim3A_1368 = vector.shape_cast %reduce_max3A_1367 : vector<4xf32> to vector<4x1xf32>
    %sub3A_1369 = vector.broadcast %broadcast_in_dim3A_1368 : vector<4x1xf32> to vector<4x128xf32>
    %sub3A_1370 = arith.subf %dot_general3A_420, %sub3A_1369 : vector<4x128xf32>
    %exp3A_1371 = math.exp %sub3A_1370 : vector<4x128xf32>
    %reduce_sum3A_1372 = arith.constant dense<0.000000e+00> : vector<4xf32>
    %reduce_sum3A_1373 = vector.multi_reduction <add>, %exp3A_1371, %reduce_sum3A_1372 [1] : vector<4x128xf32> to vector<4xf32>
    %broadcast_in_dim3A_1374 = vector.shape_cast %reduce_sum3A_1373 : vector<4xf32> to vector<4x1xf32>
    %div3A_1375 = vector.broadcast %broadcast_in_dim3A_1374 : vector<4x1xf32> to vector<4x128xf32>
    %div3A_1376 = arith.divf %exp3A_1371, %div3A_1375 : vector<4x128xf32>
    %convert_element_type3A_1377 = arith.truncf %div3A_1376 : vector<4x128xf32> to vector<4x128xbf16>
    %reduce_max3A_1378 = arith.constant dense<0xFF800000> : vector<4xf32>
    %reduce_max3A_1379 = vector.multi_reduction <maximumf>, %dot_general3A_437, %reduce_max3A_1378 [1] : vector<4x128xf32> to vector<4xf32>
    %broadcast_in_dim3A_1380 = vector.shape_cast %reduce_max3A_1379 : vector<4xf32> to vector<4x1xf32>
    %sub3A_1381 = vector.broadcast %broadcast_in_dim3A_1380 : vector<4x1xf32> to vector<4x128xf32>
    %sub3A_1382 = arith.subf %dot_general3A_437, %sub3A_1381 : vector<4x128xf32>
    %exp3A_1383 = math.exp %sub3A_1382 : vector<4x128xf32>
    %reduce_sum3A_1384 = arith.constant dense<0.000000e+00> : vector<4xf32>
    %reduce_sum3A_1385 = vector.multi_reduction <add>, %exp3A_1383, %reduce_sum3A_1384 [1] : vector<4x128xf32> to vector<4xf32>
    %broadcast_in_dim3A_1386 = vector.shape_cast %reduce_sum3A_1385 : vector<4xf32> to vector<4x1xf32>
    %div3A_1387 = vector.broadcast %broadcast_in_dim3A_1386 : vector<4x1xf32> to vector<4x128xf32>
    %div3A_1388 = arith.divf %exp3A_1383, %div3A_1387 : vector<4x128xf32>
    %convert_element_type3A_1389 = arith.truncf %div3A_1388 : vector<4x128xf32> to vector<4x128xbf16>
    %reduce_max3A_1390 = arith.constant dense<0xFF800000> : vector<4xf32>
    %reduce_max3A_1391 = vector.multi_reduction <maximumf>, %dot_general3A_454, %reduce_max3A_1390 [1] : vector<4x128xf32> to vector<4xf32>
    %broadcast_in_dim3A_1392 = vector.shape_cast %reduce_max3A_1391 : vector<4xf32> to vector<4x1xf32>
    %sub3A_1393 = vector.broadcast %broadcast_in_dim3A_1392 : vector<4x1xf32> to vector<4x128xf32>
    %sub3A_1394 = arith.subf %dot_general3A_454, %sub3A_1393 : vector<4x128xf32>
    %exp3A_1395 = math.exp %sub3A_1394 : vector<4x128xf32>
    %reduce_sum3A_1396 = arith.constant dense<0.000000e+00> : vector<4xf32>
    %reduce_sum3A_1397 = vector.multi_reduction <add>, %exp3A_1395, %reduce_sum3A_1396 [1] : vector<4x128xf32> to vector<4xf32>
    %broadcast_in_dim3A_1398 = vector.shape_cast %reduce_sum3A_1397 : vector<4xf32> to vector<4x1xf32>
    %div3A_1399 = vector.broadcast %broadcast_in_dim3A_1398 : vector<4x1xf32> to vector<4x128xf32>
    %div3A_1400 = arith.divf %exp3A_1395, %div3A_1399 : vector<4x128xf32>
    %convert_element_type3A_1401 = arith.truncf %div3A_1400 : vector<4x128xf32> to vector<4x128xbf16>
    %reduce_max3A_1402 = arith.constant dense<0xFF800000> : vector<4xf32>
    %reduce_max3A_1403 = vector.multi_reduction <maximumf>, %dot_general3A_471, %reduce_max3A_1402 [1] : vector<4x128xf32> to vector<4xf32>
    %broadcast_in_dim3A_1404 = vector.shape_cast %reduce_max3A_1403 : vector<4xf32> to vector<4x1xf32>
    %sub3A_1405 = vector.broadcast %broadcast_in_dim3A_1404 : vector<4x1xf32> to vector<4x128xf32>
    %sub3A_1406 = arith.subf %dot_general3A_471, %sub3A_1405 : vector<4x128xf32>
    %exp3A_1407 = math.exp %sub3A_1406 : vector<4x128xf32>
    %reduce_sum3A_1408 = arith.constant dense<0.000000e+00> : vector<4xf32>
    %reduce_sum3A_1409 = vector.multi_reduction <add>, %exp3A_1407, %reduce_sum3A_1408 [1] : vector<4x128xf32> to vector<4xf32>
    %broadcast_in_dim3A_1410 = vector.shape_cast %reduce_sum3A_1409 : vector<4xf32> to vector<4x1xf32>
    %div3A_1411 = vector.broadcast %broadcast_in_dim3A_1410 : vector<4x1xf32> to vector<4x128xf32>
    %div3A_1412 = arith.divf %exp3A_1407, %div3A_1411 : vector<4x128xf32>
    %convert_element_type3A_1413 = arith.truncf %div3A_1412 : vector<4x128xf32> to vector<4x128xbf16>
    %reduce_max3A_1414 = arith.constant dense<0xFF800000> : vector<4xf32>
    %reduce_max3A_1415 = vector.multi_reduction <maximumf>, %dot_general3A_488, %reduce_max3A_1414 [1] : vector<4x128xf32> to vector<4xf32>
    %broadcast_in_dim3A_1416 = vector.shape_cast %reduce_max3A_1415 : vector<4xf32> to vector<4x1xf32>
    %sub3A_1417 = vector.broadcast %broadcast_in_dim3A_1416 : vector<4x1xf32> to vector<4x128xf32>
    %sub3A_1418 = arith.subf %dot_general3A_488, %sub3A_1417 : vector<4x128xf32>
    %exp3A_1419 = math.exp %sub3A_1418 : vector<4x128xf32>
    %reduce_sum3A_1420 = arith.constant dense<0.000000e+00> : vector<4xf32>
    %reduce_sum3A_1421 = vector.multi_reduction <add>, %exp3A_1419, %reduce_sum3A_1420 [1] : vector<4x128xf32> to vector<4xf32>
    %broadcast_in_dim3A_1422 = vector.shape_cast %reduce_sum3A_1421 : vector<4xf32> to vector<4x1xf32>
    %div3A_1423 = vector.broadcast %broadcast_in_dim3A_1422 : vector<4x1xf32> to vector<4x128xf32>
    %div3A_1424 = arith.divf %exp3A_1419, %div3A_1423 : vector<4x128xf32>
    %convert_element_type3A_1425 = arith.truncf %div3A_1424 : vector<4x128xf32> to vector<4x128xbf16>
    %reduce_max3A_1426 = arith.constant dense<0xFF800000> : vector<4xf32>
    %reduce_max3A_1427 = vector.multi_reduction <maximumf>, %dot_general3A_505, %reduce_max3A_1426 [1] : vector<4x128xf32> to vector<4xf32>
    %broadcast_in_dim3A_1428 = vector.shape_cast %reduce_max3A_1427 : vector<4xf32> to vector<4x1xf32>
    %sub3A_1429 = vector.broadcast %broadcast_in_dim3A_1428 : vector<4x1xf32> to vector<4x128xf32>
    %sub3A_1430 = arith.subf %dot_general3A_505, %sub3A_1429 : vector<4x128xf32>
    %exp3A_1431 = math.exp %sub3A_1430 : vector<4x128xf32>
    %reduce_sum3A_1432 = arith.constant dense<0.000000e+00> : vector<4xf32>
    %reduce_sum3A_1433 = vector.multi_reduction <add>, %exp3A_1431, %reduce_sum3A_1432 [1] : vector<4x128xf32> to vector<4xf32>
    %broadcast_in_dim3A_1434 = vector.shape_cast %reduce_sum3A_1433 : vector<4xf32> to vector<4x1xf32>
    %div3A_1435 = vector.broadcast %broadcast_in_dim3A_1434 : vector<4x1xf32> to vector<4x128xf32>
    %div3A_1436 = arith.divf %exp3A_1431, %div3A_1435 : vector<4x128xf32>
    %convert_element_type3A_1437 = arith.truncf %div3A_1436 : vector<4x128xf32> to vector<4x128xbf16>
    %reduce_max3A_1438 = arith.constant dense<0xFF800000> : vector<4xf32>
    %reduce_max3A_1439 = vector.multi_reduction <maximumf>, %dot_general3A_522, %reduce_max3A_1438 [1] : vector<4x128xf32> to vector<4xf32>
    %broadcast_in_dim3A_1440 = vector.shape_cast %reduce_max3A_1439 : vector<4xf32> to vector<4x1xf32>
    %sub3A_1441 = vector.broadcast %broadcast_in_dim3A_1440 : vector<4x1xf32> to vector<4x128xf32>
    %sub3A_1442 = arith.subf %dot_general3A_522, %sub3A_1441 : vector<4x128xf32>
    %exp3A_1443 = math.exp %sub3A_1442 : vector<4x128xf32>
    %reduce_sum3A_1444 = arith.constant dense<0.000000e+00> : vector<4xf32>
    %reduce_sum3A_1445 = vector.multi_reduction <add>, %exp3A_1443, %reduce_sum3A_1444 [1] : vector<4x128xf32> to vector<4xf32>
    %broadcast_in_dim3A_1446 = vector.shape_cast %reduce_sum3A_1445 : vector<4xf32> to vector<4x1xf32>
    %div3A_1447 = vector.broadcast %broadcast_in_dim3A_1446 : vector<4x1xf32> to vector<4x128xf32>
    %div3A_1448 = arith.divf %exp3A_1443, %div3A_1447 : vector<4x128xf32>
    %convert_element_type3A_1449 = arith.truncf %div3A_1448 : vector<4x128xf32> to vector<4x128xbf16>
    %reduce_max3A_1450 = arith.constant dense<0xFF800000> : vector<4xf32>
    %reduce_max3A_1451 = vector.multi_reduction <maximumf>, %dot_general3A_539, %reduce_max3A_1450 [1] : vector<4x128xf32> to vector<4xf32>
    %broadcast_in_dim3A_1452 = vector.shape_cast %reduce_max3A_1451 : vector<4xf32> to vector<4x1xf32>
    %sub3A_1453 = vector.broadcast %broadcast_in_dim3A_1452 : vector<4x1xf32> to vector<4x128xf32>
    %sub3A_1454 = arith.subf %dot_general3A_539, %sub3A_1453 : vector<4x128xf32>
    %exp3A_1455 = math.exp %sub3A_1454 : vector<4x128xf32>
    %reduce_sum3A_1456 = arith.constant dense<0.000000e+00> : vector<4xf32>
    %reduce_sum3A_1457 = vector.multi_reduction <add>, %exp3A_1455, %reduce_sum3A_1456 [1] : vector<4x128xf32> to vector<4xf32>
    %broadcast_in_dim3A_1458 = vector.shape_cast %reduce_sum3A_1457 : vector<4xf32> to vector<4x1xf32>
    %div3A_1459 = vector.broadcast %broadcast_in_dim3A_1458 : vector<4x1xf32> to vector<4x128xf32>
    %div3A_1460 = arith.divf %exp3A_1455, %div3A_1459 : vector<4x128xf32>
    %convert_element_type3A_1461 = arith.truncf %div3A_1460 : vector<4x128xf32> to vector<4x128xbf16>
    %reduce_max3A_1462 = arith.constant dense<0xFF800000> : vector<4xf32>
    %reduce_max3A_1463 = vector.multi_reduction <maximumf>, %dot_general3A_556, %reduce_max3A_1462 [1] : vector<4x128xf32> to vector<4xf32>
    %broadcast_in_dim3A_1464 = vector.shape_cast %reduce_max3A_1463 : vector<4xf32> to vector<4x1xf32>
    %sub3A_1465 = vector.broadcast %broadcast_in_dim3A_1464 : vector<4x1xf32> to vector<4x128xf32>
    %sub3A_1466 = arith.subf %dot_general3A_556, %sub3A_1465 : vector<4x128xf32>
    %exp3A_1467 = math.exp %sub3A_1466 : vector<4x128xf32>
    %reduce_sum3A_1468 = arith.constant dense<0.000000e+00> : vector<4xf32>
    %reduce_sum3A_1469 = vector.multi_reduction <add>, %exp3A_1467, %reduce_sum3A_1468 [1] : vector<4x128xf32> to vector<4xf32>
    %broadcast_in_dim3A_1470 = vector.shape_cast %reduce_sum3A_1469 : vector<4xf32> to vector<4x1xf32>
    %div3A_1471 = vector.broadcast %broadcast_in_dim3A_1470 : vector<4x1xf32> to vector<4x128xf32>
    %div3A_1472 = arith.divf %exp3A_1467, %div3A_1471 : vector<4x128xf32>
    %convert_element_type3A_1473 = arith.truncf %div3A_1472 : vector<4x128xf32> to vector<4x128xbf16>
    %reduce_max3A_1474 = arith.constant dense<0xFF800000> : vector<4xf32>
    %reduce_max3A_1475 = vector.multi_reduction <maximumf>, %dot_general3A_573, %reduce_max3A_1474 [1] : vector<4x128xf32> to vector<4xf32>
    %broadcast_in_dim3A_1476 = vector.shape_cast %reduce_max3A_1475 : vector<4xf32> to vector<4x1xf32>
    %sub3A_1477 = vector.broadcast %broadcast_in_dim3A_1476 : vector<4x1xf32> to vector<4x128xf32>
    %sub3A_1478 = arith.subf %dot_general3A_573, %sub3A_1477 : vector<4x128xf32>
    %exp3A_1479 = math.exp %sub3A_1478 : vector<4x128xf32>
    %reduce_sum3A_1480 = arith.constant dense<0.000000e+00> : vector<4xf32>
    %reduce_sum3A_1481 = vector.multi_reduction <add>, %exp3A_1479, %reduce_sum3A_1480 [1] : vector<4x128xf32> to vector<4xf32>
    %broadcast_in_dim3A_1482 = vector.shape_cast %reduce_sum3A_1481 : vector<4xf32> to vector<4x1xf32>
    %div3A_1483 = vector.broadcast %broadcast_in_dim3A_1482 : vector<4x1xf32> to vector<4x128xf32>
    %div3A_1484 = arith.divf %exp3A_1479, %div3A_1483 : vector<4x128xf32>
    %convert_element_type3A_1485 = arith.truncf %div3A_1484 : vector<4x128xf32> to vector<4x128xbf16>
    %reduce_max3A_1486 = arith.constant dense<0xFF800000> : vector<4xf32>
    %reduce_max3A_1487 = vector.multi_reduction <maximumf>, %dot_general3A_590, %reduce_max3A_1486 [1] : vector<4x128xf32> to vector<4xf32>
    %broadcast_in_dim3A_1488 = vector.shape_cast %reduce_max3A_1487 : vector<4xf32> to vector<4x1xf32>
    %sub3A_1489 = vector.broadcast %broadcast_in_dim3A_1488 : vector<4x1xf32> to vector<4x128xf32>
    %sub3A_1490 = arith.subf %dot_general3A_590, %sub3A_1489 : vector<4x128xf32>
    %exp3A_1491 = math.exp %sub3A_1490 : vector<4x128xf32>
    %reduce_sum3A_1492 = arith.constant dense<0.000000e+00> : vector<4xf32>
    %reduce_sum3A_1493 = vector.multi_reduction <add>, %exp3A_1491, %reduce_sum3A_1492 [1] : vector<4x128xf32> to vector<4xf32>
    %broadcast_in_dim3A_1494 = vector.shape_cast %reduce_sum3A_1493 : vector<4xf32> to vector<4x1xf32>
    %div3A_1495 = vector.broadcast %broadcast_in_dim3A_1494 : vector<4x1xf32> to vector<4x128xf32>
    %div3A_1496 = arith.divf %exp3A_1491, %div3A_1495 : vector<4x128xf32>
    %convert_element_type3A_1497 = arith.truncf %div3A_1496 : vector<4x128xf32> to vector<4x128xbf16>
    %reduce_max3A_1498 = arith.constant dense<0xFF800000> : vector<4xf32>
    %reduce_max3A_1499 = vector.multi_reduction <maximumf>, %dot_general3A_607, %reduce_max3A_1498 [1] : vector<4x128xf32> to vector<4xf32>
    %broadcast_in_dim3A_1500 = vector.shape_cast %reduce_max3A_1499 : vector<4xf32> to vector<4x1xf32>
    %sub3A_1501 = vector.broadcast %broadcast_in_dim3A_1500 : vector<4x1xf32> to vector<4x128xf32>
    %sub3A_1502 = arith.subf %dot_general3A_607, %sub3A_1501 : vector<4x128xf32>
    %exp3A_1503 = math.exp %sub3A_1502 : vector<4x128xf32>
    %reduce_sum3A_1504 = arith.constant dense<0.000000e+00> : vector<4xf32>
    %reduce_sum3A_1505 = vector.multi_reduction <add>, %exp3A_1503, %reduce_sum3A_1504 [1] : vector<4x128xf32> to vector<4xf32>
    %broadcast_in_dim3A_1506 = vector.shape_cast %reduce_sum3A_1505 : vector<4xf32> to vector<4x1xf32>
    %div3A_1507 = vector.broadcast %broadcast_in_dim3A_1506 : vector<4x1xf32> to vector<4x128xf32>
    %div3A_1508 = arith.divf %exp3A_1503, %div3A_1507 : vector<4x128xf32>
    %convert_element_type3A_1509 = arith.truncf %div3A_1508 : vector<4x128xf32> to vector<4x128xbf16>
    %reduce_max3A_1510 = arith.constant dense<0xFF800000> : vector<4xf32>
    %reduce_max3A_1511 = vector.multi_reduction <maximumf>, %dot_general3A_624, %reduce_max3A_1510 [1] : vector<4x128xf32> to vector<4xf32>
    %broadcast_in_dim3A_1512 = vector.shape_cast %reduce_max3A_1511 : vector<4xf32> to vector<4x1xf32>
    %sub3A_1513 = vector.broadcast %broadcast_in_dim3A_1512 : vector<4x1xf32> to vector<4x128xf32>
    %sub3A_1514 = arith.subf %dot_general3A_624, %sub3A_1513 : vector<4x128xf32>
    %exp3A_1515 = math.exp %sub3A_1514 : vector<4x128xf32>
    %reduce_sum3A_1516 = arith.constant dense<0.000000e+00> : vector<4xf32>
    %reduce_sum3A_1517 = vector.multi_reduction <add>, %exp3A_1515, %reduce_sum3A_1516 [1] : vector<4x128xf32> to vector<4xf32>
    %broadcast_in_dim3A_1518 = vector.shape_cast %reduce_sum3A_1517 : vector<4xf32> to vector<4x1xf32>
    %div3A_1519 = vector.broadcast %broadcast_in_dim3A_1518 : vector<4x1xf32> to vector<4x128xf32>
    %div3A_1520 = arith.divf %exp3A_1515, %div3A_1519 : vector<4x128xf32>
    %convert_element_type3A_1521 = arith.truncf %div3A_1520 : vector<4x128xf32> to vector<4x128xbf16>
    %reduce_max3A_1522 = arith.constant dense<0xFF800000> : vector<4xf32>
    %reduce_max3A_1523 = vector.multi_reduction <maximumf>, %dot_general3A_641, %reduce_max3A_1522 [1] : vector<4x128xf32> to vector<4xf32>
    %broadcast_in_dim3A_1524 = vector.shape_cast %reduce_max3A_1523 : vector<4xf32> to vector<4x1xf32>
    %sub3A_1525 = vector.broadcast %broadcast_in_dim3A_1524 : vector<4x1xf32> to vector<4x128xf32>
    %sub3A_1526 = arith.subf %dot_general3A_641, %sub3A_1525 : vector<4x128xf32>
    %exp3A_1527 = math.exp %sub3A_1526 : vector<4x128xf32>
    %reduce_sum3A_1528 = arith.constant dense<0.000000e+00> : vector<4xf32>
    %reduce_sum3A_1529 = vector.multi_reduction <add>, %exp3A_1527, %reduce_sum3A_1528 [1] : vector<4x128xf32> to vector<4xf32>
    %broadcast_in_dim3A_1530 = vector.shape_cast %reduce_sum3A_1529 : vector<4xf32> to vector<4x1xf32>
    %div3A_1531 = vector.broadcast %broadcast_in_dim3A_1530 : vector<4x1xf32> to vector<4x128xf32>
    %div3A_1532 = arith.divf %exp3A_1527, %div3A_1531 : vector<4x128xf32>
    %convert_element_type3A_1533 = arith.truncf %div3A_1532 : vector<4x128xf32> to vector<4x128xbf16>
    %reduce_max3A_1534 = arith.constant dense<0xFF800000> : vector<4xf32>
    %reduce_max3A_1535 = vector.multi_reduction <maximumf>, %dot_general3A_658, %reduce_max3A_1534 [1] : vector<4x128xf32> to vector<4xf32>
    %broadcast_in_dim3A_1536 = vector.shape_cast %reduce_max3A_1535 : vector<4xf32> to vector<4x1xf32>
    %sub3A_1537 = vector.broadcast %broadcast_in_dim3A_1536 : vector<4x1xf32> to vector<4x128xf32>
    %sub3A_1538 = arith.subf %dot_general3A_658, %sub3A_1537 : vector<4x128xf32>
    %exp3A_1539 = math.exp %sub3A_1538 : vector<4x128xf32>
    %reduce_sum3A_1540 = arith.constant dense<0.000000e+00> : vector<4xf32>
    %reduce_sum3A_1541 = vector.multi_reduction <add>, %exp3A_1539, %reduce_sum3A_1540 [1] : vector<4x128xf32> to vector<4xf32>
    %broadcast_in_dim3A_1542 = vector.shape_cast %reduce_sum3A_1541 : vector<4xf32> to vector<4x1xf32>
    %div3A_1543 = vector.broadcast %broadcast_in_dim3A_1542 : vector<4x1xf32> to vector<4x128xf32>
    %div3A_1544 = arith.divf %exp3A_1539, %div3A_1543 : vector<4x128xf32>
    %convert_element_type3A_1545 = arith.truncf %div3A_1544 : vector<4x128xf32> to vector<4x128xbf16>
    %reduce_max3A_1546 = arith.constant dense<0xFF800000> : vector<4xf32>
    %reduce_max3A_1547 = vector.multi_reduction <maximumf>, %dot_general3A_675, %reduce_max3A_1546 [1] : vector<4x128xf32> to vector<4xf32>
    %broadcast_in_dim3A_1548 = vector.shape_cast %reduce_max3A_1547 : vector<4xf32> to vector<4x1xf32>
    %sub3A_1549 = vector.broadcast %broadcast_in_dim3A_1548 : vector<4x1xf32> to vector<4x128xf32>
    %sub3A_1550 = arith.subf %dot_general3A_675, %sub3A_1549 : vector<4x128xf32>
    %exp3A_1551 = math.exp %sub3A_1550 : vector<4x128xf32>
    %reduce_sum3A_1552 = arith.constant dense<0.000000e+00> : vector<4xf32>
    %reduce_sum3A_1553 = vector.multi_reduction <add>, %exp3A_1551, %reduce_sum3A_1552 [1] : vector<4x128xf32> to vector<4xf32>
    %broadcast_in_dim3A_1554 = vector.shape_cast %reduce_sum3A_1553 : vector<4xf32> to vector<4x1xf32>
    %div3A_1555 = vector.broadcast %broadcast_in_dim3A_1554 : vector<4x1xf32> to vector<4x128xf32>
    %div3A_1556 = arith.divf %exp3A_1551, %div3A_1555 : vector<4x128xf32>
    %convert_element_type3A_1557 = arith.truncf %div3A_1556 : vector<4x128xf32> to vector<4x128xbf16>
    %reduce_max3A_1558 = arith.constant dense<0xFF800000> : vector<4xf32>
    %reduce_max3A_1559 = vector.multi_reduction <maximumf>, %dot_general3A_692, %reduce_max3A_1558 [1] : vector<4x128xf32> to vector<4xf32>
    %broadcast_in_dim3A_1560 = vector.shape_cast %reduce_max3A_1559 : vector<4xf32> to vector<4x1xf32>
    %sub3A_1561 = vector.broadcast %broadcast_in_dim3A_1560 : vector<4x1xf32> to vector<4x128xf32>
    %sub3A_1562 = arith.subf %dot_general3A_692, %sub3A_1561 : vector<4x128xf32>
    %exp3A_1563 = math.exp %sub3A_1562 : vector<4x128xf32>
    %reduce_sum3A_1564 = arith.constant dense<0.000000e+00> : vector<4xf32>
    %reduce_sum3A_1565 = vector.multi_reduction <add>, %exp3A_1563, %reduce_sum3A_1564 [1] : vector<4x128xf32> to vector<4xf32>
    %broadcast_in_dim3A_1566 = vector.shape_cast %reduce_sum3A_1565 : vector<4xf32> to vector<4x1xf32>
    %div3A_1567 = vector.broadcast %broadcast_in_dim3A_1566 : vector<4x1xf32> to vector<4x128xf32>
    %div3A_1568 = arith.divf %exp3A_1563, %div3A_1567 : vector<4x128xf32>
    %convert_element_type3A_1569 = arith.truncf %div3A_1568 : vector<4x128xf32> to vector<4x128xbf16>
    %reduce_max3A_1570 = arith.constant dense<0xFF800000> : vector<4xf32>
    %reduce_max3A_1571 = vector.multi_reduction <maximumf>, %dot_general3A_709, %reduce_max3A_1570 [1] : vector<4x128xf32> to vector<4xf32>
    %broadcast_in_dim3A_1572 = vector.shape_cast %reduce_max3A_1571 : vector<4xf32> to vector<4x1xf32>
    %sub3A_1573 = vector.broadcast %broadcast_in_dim3A_1572 : vector<4x1xf32> to vector<4x128xf32>
    %sub3A_1574 = arith.subf %dot_general3A_709, %sub3A_1573 : vector<4x128xf32>
    %exp3A_1575 = math.exp %sub3A_1574 : vector<4x128xf32>
    %reduce_sum3A_1576 = arith.constant dense<0.000000e+00> : vector<4xf32>
    %reduce_sum3A_1577 = vector.multi_reduction <add>, %exp3A_1575, %reduce_sum3A_1576 [1] : vector<4x128xf32> to vector<4xf32>
    %broadcast_in_dim3A_1578 = vector.shape_cast %reduce_sum3A_1577 : vector<4xf32> to vector<4x1xf32>
    %div3A_1579 = vector.broadcast %broadcast_in_dim3A_1578 : vector<4x1xf32> to vector<4x128xf32>
    %div3A_1580 = arith.divf %exp3A_1575, %div3A_1579 : vector<4x128xf32>
    %convert_element_type3A_1581 = arith.truncf %div3A_1580 : vector<4x128xf32> to vector<4x128xbf16>
    %reduce_max3A_1582 = arith.constant dense<0xFF800000> : vector<4xf32>
    %reduce_max3A_1583 = vector.multi_reduction <maximumf>, %dot_general3A_726, %reduce_max3A_1582 [1] : vector<4x128xf32> to vector<4xf32>
    %broadcast_in_dim3A_1584 = vector.shape_cast %reduce_max3A_1583 : vector<4xf32> to vector<4x1xf32>
    %sub3A_1585 = vector.broadcast %broadcast_in_dim3A_1584 : vector<4x1xf32> to vector<4x128xf32>
    %sub3A_1586 = arith.subf %dot_general3A_726, %sub3A_1585 : vector<4x128xf32>
    %exp3A_1587 = math.exp %sub3A_1586 : vector<4x128xf32>
    %reduce_sum3A_1588 = arith.constant dense<0.000000e+00> : vector<4xf32>
    %reduce_sum3A_1589 = vector.multi_reduction <add>, %exp3A_1587, %reduce_sum3A_1588 [1] : vector<4x128xf32> to vector<4xf32>
    %broadcast_in_dim3A_1590 = vector.shape_cast %reduce_sum3A_1589 : vector<4xf32> to vector<4x1xf32>
    %div3A_1591 = vector.broadcast %broadcast_in_dim3A_1590 : vector<4x1xf32> to vector<4x128xf32>
    %div3A_1592 = arith.divf %exp3A_1587, %div3A_1591 : vector<4x128xf32>
    %convert_element_type3A_1593 = arith.truncf %div3A_1592 : vector<4x128xf32> to vector<4x128xbf16>
    %reduce_max3A_1594 = arith.constant dense<0xFF800000> : vector<4xf32>
    %reduce_max3A_1595 = vector.multi_reduction <maximumf>, %dot_general3A_743, %reduce_max3A_1594 [1] : vector<4x128xf32> to vector<4xf32>
    %broadcast_in_dim3A_1596 = vector.shape_cast %reduce_max3A_1595 : vector<4xf32> to vector<4x1xf32>
    %sub3A_1597 = vector.broadcast %broadcast_in_dim3A_1596 : vector<4x1xf32> to vector<4x128xf32>
    %sub3A_1598 = arith.subf %dot_general3A_743, %sub3A_1597 : vector<4x128xf32>
    %exp3A_1599 = math.exp %sub3A_1598 : vector<4x128xf32>
    %reduce_sum3A_1600 = arith.constant dense<0.000000e+00> : vector<4xf32>
    %reduce_sum3A_1601 = vector.multi_reduction <add>, %exp3A_1599, %reduce_sum3A_1600 [1] : vector<4x128xf32> to vector<4xf32>
    %broadcast_in_dim3A_1602 = vector.shape_cast %reduce_sum3A_1601 : vector<4xf32> to vector<4x1xf32>
    %div3A_1603 = vector.broadcast %broadcast_in_dim3A_1602 : vector<4x1xf32> to vector<4x128xf32>
    %div3A_1604 = arith.divf %exp3A_1599, %div3A_1603 : vector<4x128xf32>
    %convert_element_type3A_1605 = arith.truncf %div3A_1604 : vector<4x128xf32> to vector<4x128xbf16>
    %reduce_max3A_1606 = arith.constant dense<0xFF800000> : vector<4xf32>
    %reduce_max3A_1607 = vector.multi_reduction <maximumf>, %dot_general3A_760, %reduce_max3A_1606 [1] : vector<4x128xf32> to vector<4xf32>
    %broadcast_in_dim3A_1608 = vector.shape_cast %reduce_max3A_1607 : vector<4xf32> to vector<4x1xf32>
    %sub3A_1609 = vector.broadcast %broadcast_in_dim3A_1608 : vector<4x1xf32> to vector<4x128xf32>
    %sub3A_1610 = arith.subf %dot_general3A_760, %sub3A_1609 : vector<4x128xf32>
    %exp3A_1611 = math.exp %sub3A_1610 : vector<4x128xf32>
    %reduce_sum3A_1612 = arith.constant dense<0.000000e+00> : vector<4xf32>
    %reduce_sum3A_1613 = vector.multi_reduction <add>, %exp3A_1611, %reduce_sum3A_1612 [1] : vector<4x128xf32> to vector<4xf32>
    %broadcast_in_dim3A_1614 = vector.shape_cast %reduce_sum3A_1613 : vector<4xf32> to vector<4x1xf32>
    %div3A_1615 = vector.broadcast %broadcast_in_dim3A_1614 : vector<4x1xf32> to vector<4x128xf32>
    %div3A_1616 = arith.divf %exp3A_1611, %div3A_1615 : vector<4x128xf32>
    %convert_element_type3A_1617 = arith.truncf %div3A_1616 : vector<4x128xf32> to vector<4x128xbf16>
    %reduce_max3A_1618 = arith.constant dense<0xFF800000> : vector<4xf32>
    %reduce_max3A_1619 = vector.multi_reduction <maximumf>, %dot_general3A_777, %reduce_max3A_1618 [1] : vector<4x128xf32> to vector<4xf32>
    %broadcast_in_dim3A_1620 = vector.shape_cast %reduce_max3A_1619 : vector<4xf32> to vector<4x1xf32>
    %sub3A_1621 = vector.broadcast %broadcast_in_dim3A_1620 : vector<4x1xf32> to vector<4x128xf32>
    %sub3A_1622 = arith.subf %dot_general3A_777, %sub3A_1621 : vector<4x128xf32>
    %exp3A_1623 = math.exp %sub3A_1622 : vector<4x128xf32>
    %reduce_sum3A_1624 = arith.constant dense<0.000000e+00> : vector<4xf32>
    %reduce_sum3A_1625 = vector.multi_reduction <add>, %exp3A_1623, %reduce_sum3A_1624 [1] : vector<4x128xf32> to vector<4xf32>
    %broadcast_in_dim3A_1626 = vector.shape_cast %reduce_sum3A_1625 : vector<4xf32> to vector<4x1xf32>
    %div3A_1627 = vector.broadcast %broadcast_in_dim3A_1626 : vector<4x1xf32> to vector<4x128xf32>
    %div3A_1628 = arith.divf %exp3A_1623, %div3A_1627 : vector<4x128xf32>
    %convert_element_type3A_1629 = arith.truncf %div3A_1628 : vector<4x128xf32> to vector<4x128xbf16>
    %reduce_max3A_1630 = arith.constant dense<0xFF800000> : vector<4xf32>
    %reduce_max3A_1631 = vector.multi_reduction <maximumf>, %dot_general3A_794, %reduce_max3A_1630 [1] : vector<4x128xf32> to vector<4xf32>
    %broadcast_in_dim3A_1632 = vector.shape_cast %reduce_max3A_1631 : vector<4xf32> to vector<4x1xf32>
    %sub3A_1633 = vector.broadcast %broadcast_in_dim3A_1632 : vector<4x1xf32> to vector<4x128xf32>
    %sub3A_1634 = arith.subf %dot_general3A_794, %sub3A_1633 : vector<4x128xf32>
    %exp3A_1635 = math.exp %sub3A_1634 : vector<4x128xf32>
    %reduce_sum3A_1636 = arith.constant dense<0.000000e+00> : vector<4xf32>
    %reduce_sum3A_1637 = vector.multi_reduction <add>, %exp3A_1635, %reduce_sum3A_1636 [1] : vector<4x128xf32> to vector<4xf32>
    %broadcast_in_dim3A_1638 = vector.shape_cast %reduce_sum3A_1637 : vector<4xf32> to vector<4x1xf32>
    %div3A_1639 = vector.broadcast %broadcast_in_dim3A_1638 : vector<4x1xf32> to vector<4x128xf32>
    %div3A_1640 = arith.divf %exp3A_1635, %div3A_1639 : vector<4x128xf32>
    %convert_element_type3A_1641 = arith.truncf %div3A_1640 : vector<4x128xf32> to vector<4x128xbf16>
    %reduce_max3A_1642 = arith.constant dense<0xFF800000> : vector<4xf32>
    %reduce_max3A_1643 = vector.multi_reduction <maximumf>, %dot_general3A_811, %reduce_max3A_1642 [1] : vector<4x128xf32> to vector<4xf32>
    %broadcast_in_dim3A_1644 = vector.shape_cast %reduce_max3A_1643 : vector<4xf32> to vector<4x1xf32>
    %sub3A_1645 = vector.broadcast %broadcast_in_dim3A_1644 : vector<4x1xf32> to vector<4x128xf32>
    %sub3A_1646 = arith.subf %dot_general3A_811, %sub3A_1645 : vector<4x128xf32>
    %exp3A_1647 = math.exp %sub3A_1646 : vector<4x128xf32>
    %reduce_sum3A_1648 = arith.constant dense<0.000000e+00> : vector<4xf32>
    %reduce_sum3A_1649 = vector.multi_reduction <add>, %exp3A_1647, %reduce_sum3A_1648 [1] : vector<4x128xf32> to vector<4xf32>
    %broadcast_in_dim3A_1650 = vector.shape_cast %reduce_sum3A_1649 : vector<4xf32> to vector<4x1xf32>
    %div3A_1651 = vector.broadcast %broadcast_in_dim3A_1650 : vector<4x1xf32> to vector<4x128xf32>
    %div3A_1652 = arith.divf %exp3A_1647, %div3A_1651 : vector<4x128xf32>
    %convert_element_type3A_1653 = arith.truncf %div3A_1652 : vector<4x128xf32> to vector<4x128xbf16>
    %reduce_max3A_1654 = arith.constant dense<0xFF800000> : vector<4xf32>
    %reduce_max3A_1655 = vector.multi_reduction <maximumf>, %dot_general3A_828, %reduce_max3A_1654 [1] : vector<4x128xf32> to vector<4xf32>
    %broadcast_in_dim3A_1656 = vector.shape_cast %reduce_max3A_1655 : vector<4xf32> to vector<4x1xf32>
    %sub3A_1657 = vector.broadcast %broadcast_in_dim3A_1656 : vector<4x1xf32> to vector<4x128xf32>
    %sub3A_1658 = arith.subf %dot_general3A_828, %sub3A_1657 : vector<4x128xf32>
    %exp3A_1659 = math.exp %sub3A_1658 : vector<4x128xf32>
    %reduce_sum3A_1660 = arith.constant dense<0.000000e+00> : vector<4xf32>
    %reduce_sum3A_1661 = vector.multi_reduction <add>, %exp3A_1659, %reduce_sum3A_1660 [1] : vector<4x128xf32> to vector<4xf32>
    %broadcast_in_dim3A_1662 = vector.shape_cast %reduce_sum3A_1661 : vector<4xf32> to vector<4x1xf32>
    %div3A_1663 = vector.broadcast %broadcast_in_dim3A_1662 : vector<4x1xf32> to vector<4x128xf32>
    %div3A_1664 = arith.divf %exp3A_1659, %div3A_1663 : vector<4x128xf32>
    %convert_element_type3A_1665 = arith.truncf %div3A_1664 : vector<4x128xf32> to vector<4x128xbf16>
    %reduce_max3A_1666 = arith.constant dense<0xFF800000> : vector<4xf32>
    %reduce_max3A_1667 = vector.multi_reduction <maximumf>, %dot_general3A_845, %reduce_max3A_1666 [1] : vector<4x128xf32> to vector<4xf32>
    %broadcast_in_dim3A_1668 = vector.shape_cast %reduce_max3A_1667 : vector<4xf32> to vector<4x1xf32>
    %sub3A_1669 = vector.broadcast %broadcast_in_dim3A_1668 : vector<4x1xf32> to vector<4x128xf32>
    %sub3A_1670 = arith.subf %dot_general3A_845, %sub3A_1669 : vector<4x128xf32>
    %exp3A_1671 = math.exp %sub3A_1670 : vector<4x128xf32>
    %reduce_sum3A_1672 = arith.constant dense<0.000000e+00> : vector<4xf32>
    %reduce_sum3A_1673 = vector.multi_reduction <add>, %exp3A_1671, %reduce_sum3A_1672 [1] : vector<4x128xf32> to vector<4xf32>
    %broadcast_in_dim3A_1674 = vector.shape_cast %reduce_sum3A_1673 : vector<4xf32> to vector<4x1xf32>
    %div3A_1675 = vector.broadcast %broadcast_in_dim3A_1674 : vector<4x1xf32> to vector<4x128xf32>
    %div3A_1676 = arith.divf %exp3A_1671, %div3A_1675 : vector<4x128xf32>
    %convert_element_type3A_1677 = arith.truncf %div3A_1676 : vector<4x128xf32> to vector<4x128xbf16>
    %reduce_max3A_1678 = arith.constant dense<0xFF800000> : vector<4xf32>
    %reduce_max3A_1679 = vector.multi_reduction <maximumf>, %dot_general3A_862, %reduce_max3A_1678 [1] : vector<4x128xf32> to vector<4xf32>
    %broadcast_in_dim3A_1680 = vector.shape_cast %reduce_max3A_1679 : vector<4xf32> to vector<4x1xf32>
    %sub3A_1681 = vector.broadcast %broadcast_in_dim3A_1680 : vector<4x1xf32> to vector<4x128xf32>
    %sub3A_1682 = arith.subf %dot_general3A_862, %sub3A_1681 : vector<4x128xf32>
    %exp3A_1683 = math.exp %sub3A_1682 : vector<4x128xf32>
    %reduce_sum3A_1684 = arith.constant dense<0.000000e+00> : vector<4xf32>
    %reduce_sum3A_1685 = vector.multi_reduction <add>, %exp3A_1683, %reduce_sum3A_1684 [1] : vector<4x128xf32> to vector<4xf32>
    %broadcast_in_dim3A_1686 = vector.shape_cast %reduce_sum3A_1685 : vector<4xf32> to vector<4x1xf32>
    %div3A_1687 = vector.broadcast %broadcast_in_dim3A_1686 : vector<4x1xf32> to vector<4x128xf32>
    %div3A_1688 = arith.divf %exp3A_1683, %div3A_1687 : vector<4x128xf32>
    %convert_element_type3A_1689 = arith.truncf %div3A_1688 : vector<4x128xf32> to vector<4x128xbf16>
    %reduce_max3A_1690 = arith.constant dense<0xFF800000> : vector<4xf32>
    %reduce_max3A_1691 = vector.multi_reduction <maximumf>, %dot_general3A_879, %reduce_max3A_1690 [1] : vector<4x128xf32> to vector<4xf32>
    %broadcast_in_dim3A_1692 = vector.shape_cast %reduce_max3A_1691 : vector<4xf32> to vector<4x1xf32>
    %sub3A_1693 = vector.broadcast %broadcast_in_dim3A_1692 : vector<4x1xf32> to vector<4x128xf32>
    %sub3A_1694 = arith.subf %dot_general3A_879, %sub3A_1693 : vector<4x128xf32>
    %exp3A_1695 = math.exp %sub3A_1694 : vector<4x128xf32>
    %reduce_sum3A_1696 = arith.constant dense<0.000000e+00> : vector<4xf32>
    %reduce_sum3A_1697 = vector.multi_reduction <add>, %exp3A_1695, %reduce_sum3A_1696 [1] : vector<4x128xf32> to vector<4xf32>
    %broadcast_in_dim3A_1698 = vector.shape_cast %reduce_sum3A_1697 : vector<4xf32> to vector<4x1xf32>
    %div3A_1699 = vector.broadcast %broadcast_in_dim3A_1698 : vector<4x1xf32> to vector<4x128xf32>
    %div3A_1700 = arith.divf %exp3A_1695, %div3A_1699 : vector<4x128xf32>
    %convert_element_type3A_1701 = arith.truncf %div3A_1700 : vector<4x128xf32> to vector<4x128xbf16>
    %reduce_max3A_1702 = arith.constant dense<0xFF800000> : vector<4xf32>
    %reduce_max3A_1703 = vector.multi_reduction <maximumf>, %dot_general3A_896, %reduce_max3A_1702 [1] : vector<4x128xf32> to vector<4xf32>
    %broadcast_in_dim3A_1704 = vector.shape_cast %reduce_max3A_1703 : vector<4xf32> to vector<4x1xf32>
    %sub3A_1705 = vector.broadcast %broadcast_in_dim3A_1704 : vector<4x1xf32> to vector<4x128xf32>
    %sub3A_1706 = arith.subf %dot_general3A_896, %sub3A_1705 : vector<4x128xf32>
    %exp3A_1707 = math.exp %sub3A_1706 : vector<4x128xf32>
    %reduce_sum3A_1708 = arith.constant dense<0.000000e+00> : vector<4xf32>
    %reduce_sum3A_1709 = vector.multi_reduction <add>, %exp3A_1707, %reduce_sum3A_1708 [1] : vector<4x128xf32> to vector<4xf32>
    %broadcast_in_dim3A_1710 = vector.shape_cast %reduce_sum3A_1709 : vector<4xf32> to vector<4x1xf32>
    %div3A_1711 = vector.broadcast %broadcast_in_dim3A_1710 : vector<4x1xf32> to vector<4x128xf32>
    %div3A_1712 = arith.divf %exp3A_1707, %div3A_1711 : vector<4x128xf32>
    %convert_element_type3A_1713 = arith.truncf %div3A_1712 : vector<4x128xf32> to vector<4x128xbf16>
    %reduce_max3A_1714 = arith.constant dense<0xFF800000> : vector<4xf32>
    %reduce_max3A_1715 = vector.multi_reduction <maximumf>, %dot_general3A_913, %reduce_max3A_1714 [1] : vector<4x128xf32> to vector<4xf32>
    %broadcast_in_dim3A_1716 = vector.shape_cast %reduce_max3A_1715 : vector<4xf32> to vector<4x1xf32>
    %sub3A_1717 = vector.broadcast %broadcast_in_dim3A_1716 : vector<4x1xf32> to vector<4x128xf32>
    %sub3A_1718 = arith.subf %dot_general3A_913, %sub3A_1717 : vector<4x128xf32>
    %exp3A_1719 = math.exp %sub3A_1718 : vector<4x128xf32>
    %reduce_sum3A_1720 = arith.constant dense<0.000000e+00> : vector<4xf32>
    %reduce_sum3A_1721 = vector.multi_reduction <add>, %exp3A_1719, %reduce_sum3A_1720 [1] : vector<4x128xf32> to vector<4xf32>
    %broadcast_in_dim3A_1722 = vector.shape_cast %reduce_sum3A_1721 : vector<4xf32> to vector<4x1xf32>
    %div3A_1723 = vector.broadcast %broadcast_in_dim3A_1722 : vector<4x1xf32> to vector<4x128xf32>
    %div3A_1724 = arith.divf %exp3A_1719, %div3A_1723 : vector<4x128xf32>
    %convert_element_type3A_1725 = arith.truncf %div3A_1724 : vector<4x128xf32> to vector<4x128xbf16>
    %reduce_max3A_1726 = arith.constant dense<0xFF800000> : vector<4xf32>
    %reduce_max3A_1727 = vector.multi_reduction <maximumf>, %dot_general3A_930, %reduce_max3A_1726 [1] : vector<4x128xf32> to vector<4xf32>
    %broadcast_in_dim3A_1728 = vector.shape_cast %reduce_max3A_1727 : vector<4xf32> to vector<4x1xf32>
    %sub3A_1729 = vector.broadcast %broadcast_in_dim3A_1728 : vector<4x1xf32> to vector<4x128xf32>
    %sub3A_1730 = arith.subf %dot_general3A_930, %sub3A_1729 : vector<4x128xf32>
    %exp3A_1731 = math.exp %sub3A_1730 : vector<4x128xf32>
    %reduce_sum3A_1732 = arith.constant dense<0.000000e+00> : vector<4xf32>
    %reduce_sum3A_1733 = vector.multi_reduction <add>, %exp3A_1731, %reduce_sum3A_1732 [1] : vector<4x128xf32> to vector<4xf32>
    %broadcast_in_dim3A_1734 = vector.shape_cast %reduce_sum3A_1733 : vector<4xf32> to vector<4x1xf32>
    %div3A_1735 = vector.broadcast %broadcast_in_dim3A_1734 : vector<4x1xf32> to vector<4x128xf32>
    %div3A_1736 = arith.divf %exp3A_1731, %div3A_1735 : vector<4x128xf32>
    %convert_element_type3A_1737 = arith.truncf %div3A_1736 : vector<4x128xf32> to vector<4x128xbf16>
    %reduce_max3A_1738 = arith.constant dense<0xFF800000> : vector<4xf32>
    %reduce_max3A_1739 = vector.multi_reduction <maximumf>, %dot_general3A_947, %reduce_max3A_1738 [1] : vector<4x128xf32> to vector<4xf32>
    %broadcast_in_dim3A_1740 = vector.shape_cast %reduce_max3A_1739 : vector<4xf32> to vector<4x1xf32>
    %sub3A_1741 = vector.broadcast %broadcast_in_dim3A_1740 : vector<4x1xf32> to vector<4x128xf32>
    %sub3A_1742 = arith.subf %dot_general3A_947, %sub3A_1741 : vector<4x128xf32>
    %exp3A_1743 = math.exp %sub3A_1742 : vector<4x128xf32>
    %reduce_sum3A_1744 = arith.constant dense<0.000000e+00> : vector<4xf32>
    %reduce_sum3A_1745 = vector.multi_reduction <add>, %exp3A_1743, %reduce_sum3A_1744 [1] : vector<4x128xf32> to vector<4xf32>
    %broadcast_in_dim3A_1746 = vector.shape_cast %reduce_sum3A_1745 : vector<4xf32> to vector<4x1xf32>
    %div3A_1747 = vector.broadcast %broadcast_in_dim3A_1746 : vector<4x1xf32> to vector<4x128xf32>
    %div3A_1748 = arith.divf %exp3A_1743, %div3A_1747 : vector<4x128xf32>
    %convert_element_type3A_1749 = arith.truncf %div3A_1748 : vector<4x128xf32> to vector<4x128xbf16>
    %reduce_max3A_1750 = arith.constant dense<0xFF800000> : vector<4xf32>
    %reduce_max3A_1751 = vector.multi_reduction <maximumf>, %dot_general3A_964, %reduce_max3A_1750 [1] : vector<4x128xf32> to vector<4xf32>
    %broadcast_in_dim3A_1752 = vector.shape_cast %reduce_max3A_1751 : vector<4xf32> to vector<4x1xf32>
    %sub3A_1753 = vector.broadcast %broadcast_in_dim3A_1752 : vector<4x1xf32> to vector<4x128xf32>
    %sub3A_1754 = arith.subf %dot_general3A_964, %sub3A_1753 : vector<4x128xf32>
    %exp3A_1755 = math.exp %sub3A_1754 : vector<4x128xf32>
    %reduce_sum3A_1756 = arith.constant dense<0.000000e+00> : vector<4xf32>
    %reduce_sum3A_1757 = vector.multi_reduction <add>, %exp3A_1755, %reduce_sum3A_1756 [1] : vector<4x128xf32> to vector<4xf32>
    %broadcast_in_dim3A_1758 = vector.shape_cast %reduce_sum3A_1757 : vector<4xf32> to vector<4x1xf32>
    %div3A_1759 = vector.broadcast %broadcast_in_dim3A_1758 : vector<4x1xf32> to vector<4x128xf32>
    %div3A_1760 = arith.divf %exp3A_1755, %div3A_1759 : vector<4x128xf32>
    %convert_element_type3A_1761 = arith.truncf %div3A_1760 : vector<4x128xf32> to vector<4x128xbf16>
    %reduce_max3A_1762 = arith.constant dense<0xFF800000> : vector<4xf32>
    %reduce_max3A_1763 = vector.multi_reduction <maximumf>, %dot_general3A_981, %reduce_max3A_1762 [1] : vector<4x128xf32> to vector<4xf32>
    %broadcast_in_dim3A_1764 = vector.shape_cast %reduce_max3A_1763 : vector<4xf32> to vector<4x1xf32>
    %sub3A_1765 = vector.broadcast %broadcast_in_dim3A_1764 : vector<4x1xf32> to vector<4x128xf32>
    %sub3A_1766 = arith.subf %dot_general3A_981, %sub3A_1765 : vector<4x128xf32>
    %exp3A_1767 = math.exp %sub3A_1766 : vector<4x128xf32>
    %reduce_sum3A_1768 = arith.constant dense<0.000000e+00> : vector<4xf32>
    %reduce_sum3A_1769 = vector.multi_reduction <add>, %exp3A_1767, %reduce_sum3A_1768 [1] : vector<4x128xf32> to vector<4xf32>
    %broadcast_in_dim3A_1770 = vector.shape_cast %reduce_sum3A_1769 : vector<4xf32> to vector<4x1xf32>
    %div3A_1771 = vector.broadcast %broadcast_in_dim3A_1770 : vector<4x1xf32> to vector<4x128xf32>
    %div3A_1772 = arith.divf %exp3A_1767, %div3A_1771 : vector<4x128xf32>
    %convert_element_type3A_1773 = arith.truncf %div3A_1772 : vector<4x128xf32> to vector<4x128xbf16>
    %reduce_max3A_1774 = arith.constant dense<0xFF800000> : vector<4xf32>
    %reduce_max3A_1775 = vector.multi_reduction <maximumf>, %dot_general3A_998, %reduce_max3A_1774 [1] : vector<4x128xf32> to vector<4xf32>
    %broadcast_in_dim3A_1776 = vector.shape_cast %reduce_max3A_1775 : vector<4xf32> to vector<4x1xf32>
    %sub3A_1777 = vector.broadcast %broadcast_in_dim3A_1776 : vector<4x1xf32> to vector<4x128xf32>
    %sub3A_1778 = arith.subf %dot_general3A_998, %sub3A_1777 : vector<4x128xf32>
    %exp3A_1779 = math.exp %sub3A_1778 : vector<4x128xf32>
    %reduce_sum3A_1780 = arith.constant dense<0.000000e+00> : vector<4xf32>
    %reduce_sum3A_1781 = vector.multi_reduction <add>, %exp3A_1779, %reduce_sum3A_1780 [1] : vector<4x128xf32> to vector<4xf32>
    %broadcast_in_dim3A_1782 = vector.shape_cast %reduce_sum3A_1781 : vector<4xf32> to vector<4x1xf32>
    %div3A_1783 = vector.broadcast %broadcast_in_dim3A_1782 : vector<4x1xf32> to vector<4x128xf32>
    %div3A_1784 = arith.divf %exp3A_1779, %div3A_1783 : vector<4x128xf32>
    %convert_element_type3A_1785 = arith.truncf %div3A_1784 : vector<4x128xf32> to vector<4x128xbf16>
    %reduce_max3A_1786 = arith.constant dense<0xFF800000> : vector<4xf32>
    %reduce_max3A_1787 = vector.multi_reduction <maximumf>, %dot_general3A_1015, %reduce_max3A_1786 [1] : vector<4x128xf32> to vector<4xf32>
    %broadcast_in_dim3A_1788 = vector.shape_cast %reduce_max3A_1787 : vector<4xf32> to vector<4x1xf32>
    %sub3A_1789 = vector.broadcast %broadcast_in_dim3A_1788 : vector<4x1xf32> to vector<4x128xf32>
    %sub3A_1790 = arith.subf %dot_general3A_1015, %sub3A_1789 : vector<4x128xf32>
    %exp3A_1791 = math.exp %sub3A_1790 : vector<4x128xf32>
    %reduce_sum3A_1792 = arith.constant dense<0.000000e+00> : vector<4xf32>
    %reduce_sum3A_1793 = vector.multi_reduction <add>, %exp3A_1791, %reduce_sum3A_1792 [1] : vector<4x128xf32> to vector<4xf32>
    %broadcast_in_dim3A_1794 = vector.shape_cast %reduce_sum3A_1793 : vector<4xf32> to vector<4x1xf32>
    %div3A_1795 = vector.broadcast %broadcast_in_dim3A_1794 : vector<4x1xf32> to vector<4x128xf32>
    %div3A_1796 = arith.divf %exp3A_1791, %div3A_1795 : vector<4x128xf32>
    %convert_element_type3A_1797 = arith.truncf %div3A_1796 : vector<4x128xf32> to vector<4x128xbf16>
    %reduce_max3A_1798 = arith.constant dense<0xFF800000> : vector<4xf32>
    %reduce_max3A_1799 = vector.multi_reduction <maximumf>, %dot_general3A_1032, %reduce_max3A_1798 [1] : vector<4x128xf32> to vector<4xf32>
    %broadcast_in_dim3A_1800 = vector.shape_cast %reduce_max3A_1799 : vector<4xf32> to vector<4x1xf32>
    %sub3A_1801 = vector.broadcast %broadcast_in_dim3A_1800 : vector<4x1xf32> to vector<4x128xf32>
    %sub3A_1802 = arith.subf %dot_general3A_1032, %sub3A_1801 : vector<4x128xf32>
    %exp3A_1803 = math.exp %sub3A_1802 : vector<4x128xf32>
    %reduce_sum3A_1804 = arith.constant dense<0.000000e+00> : vector<4xf32>
    %reduce_sum3A_1805 = vector.multi_reduction <add>, %exp3A_1803, %reduce_sum3A_1804 [1] : vector<4x128xf32> to vector<4xf32>
    %broadcast_in_dim3A_1806 = vector.shape_cast %reduce_sum3A_1805 : vector<4xf32> to vector<4x1xf32>
    %div3A_1807 = vector.broadcast %broadcast_in_dim3A_1806 : vector<4x1xf32> to vector<4x128xf32>
    %div3A_1808 = arith.divf %exp3A_1803, %div3A_1807 : vector<4x128xf32>
    %convert_element_type3A_1809 = arith.truncf %div3A_1808 : vector<4x128xf32> to vector<4x128xbf16>
    %reduce_max3A_1810 = arith.constant dense<0xFF800000> : vector<4xf32>
    %reduce_max3A_1811 = vector.multi_reduction <maximumf>, %dot_general3A_1049, %reduce_max3A_1810 [1] : vector<4x128xf32> to vector<4xf32>
    %broadcast_in_dim3A_1812 = vector.shape_cast %reduce_max3A_1811 : vector<4xf32> to vector<4x1xf32>
    %sub3A_1813 = vector.broadcast %broadcast_in_dim3A_1812 : vector<4x1xf32> to vector<4x128xf32>
    %sub3A_1814 = arith.subf %dot_general3A_1049, %sub3A_1813 : vector<4x128xf32>
    %exp3A_1815 = math.exp %sub3A_1814 : vector<4x128xf32>
    %reduce_sum3A_1816 = arith.constant dense<0.000000e+00> : vector<4xf32>
    %reduce_sum3A_1817 = vector.multi_reduction <add>, %exp3A_1815, %reduce_sum3A_1816 [1] : vector<4x128xf32> to vector<4xf32>
    %broadcast_in_dim3A_1818 = vector.shape_cast %reduce_sum3A_1817 : vector<4xf32> to vector<4x1xf32>
    %div3A_1819 = vector.broadcast %broadcast_in_dim3A_1818 : vector<4x1xf32> to vector<4x128xf32>
    %div3A_1820 = arith.divf %exp3A_1815, %div3A_1819 : vector<4x128xf32>
    %convert_element_type3A_1821 = arith.truncf %div3A_1820 : vector<4x128xf32> to vector<4x128xbf16>
    %reduce_max3A_1822 = arith.constant dense<0xFF800000> : vector<4xf32>
    %reduce_max3A_1823 = vector.multi_reduction <maximumf>, %dot_general3A_1066, %reduce_max3A_1822 [1] : vector<4x128xf32> to vector<4xf32>
    %broadcast_in_dim3A_1824 = vector.shape_cast %reduce_max3A_1823 : vector<4xf32> to vector<4x1xf32>
    %sub3A_1825 = vector.broadcast %broadcast_in_dim3A_1824 : vector<4x1xf32> to vector<4x128xf32>
    %sub3A_1826 = arith.subf %dot_general3A_1066, %sub3A_1825 : vector<4x128xf32>
    %exp3A_1827 = math.exp %sub3A_1826 : vector<4x128xf32>
    %reduce_sum3A_1828 = arith.constant dense<0.000000e+00> : vector<4xf32>
    %reduce_sum3A_1829 = vector.multi_reduction <add>, %exp3A_1827, %reduce_sum3A_1828 [1] : vector<4x128xf32> to vector<4xf32>
    %broadcast_in_dim3A_1830 = vector.shape_cast %reduce_sum3A_1829 : vector<4xf32> to vector<4x1xf32>
    %div3A_1831 = vector.broadcast %broadcast_in_dim3A_1830 : vector<4x1xf32> to vector<4x128xf32>
    %div3A_1832 = arith.divf %exp3A_1827, %div3A_1831 : vector<4x128xf32>
    %convert_element_type3A_1833 = arith.truncf %div3A_1832 : vector<4x128xf32> to vector<4x128xbf16>
    %reduce_max3A_1834 = arith.constant dense<0xFF800000> : vector<4xf32>
    %reduce_max3A_1835 = vector.multi_reduction <maximumf>, %dot_general3A_1083, %reduce_max3A_1834 [1] : vector<4x128xf32> to vector<4xf32>
    %broadcast_in_dim3A_1836 = vector.shape_cast %reduce_max3A_1835 : vector<4xf32> to vector<4x1xf32>
    %sub3A_1837 = vector.broadcast %broadcast_in_dim3A_1836 : vector<4x1xf32> to vector<4x128xf32>
    %sub3A_1838 = arith.subf %dot_general3A_1083, %sub3A_1837 : vector<4x128xf32>
    %exp3A_1839 = math.exp %sub3A_1838 : vector<4x128xf32>
    %reduce_sum3A_1840 = arith.constant dense<0.000000e+00> : vector<4xf32>
    %reduce_sum3A_1841 = vector.multi_reduction <add>, %exp3A_1839, %reduce_sum3A_1840 [1] : vector<4x128xf32> to vector<4xf32>
    %broadcast_in_dim3A_1842 = vector.shape_cast %reduce_sum3A_1841 : vector<4xf32> to vector<4x1xf32>
    %div3A_1843 = vector.broadcast %broadcast_in_dim3A_1842 : vector<4x1xf32> to vector<4x128xf32>
    %div3A_1844 = arith.divf %exp3A_1839, %div3A_1843 : vector<4x128xf32>
    %convert_element_type3A_1845 = arith.truncf %div3A_1844 : vector<4x128xf32> to vector<4x128xbf16>
    %get3A_1846 = arith.constant 0 : index
    %get3A_1847 = arith.constant 0 : index
    %get3A_1848 = arith.constant 0 : index
    %get3A_1849 = vector.load %arg3[%get3A_1846, %get3A_1847, %get3A_1848] : memref<64x128x128xf32, #tpu.memory_space<vmem>>, vector<1x128x128xf32>
    %get3A_1850 = vector.shape_cast %get3A_1849 : vector<1x128x128xf32> to vector<128x128xf32>
    %convert_element_type3A_1851 = arith.truncf %get3A_1850 : vector<128x128xf32> to vector<128x128xbf16>
    %dot_general3A_1852 = arith.constant dense<0.000000e+00> : vector<4x128xf32>
    %dot_general3A_1853 = tpu.matmul %convert_element_type3A_1089, %convert_element_type3A_1851, %dot_general3A_1852 {dimension_numbers = #tpu.dot_dimension_numbers<[1], [0], [0], [1], [0, 0, 1, 1], [], []>, transpose_lhs_hint = false} : vector<4x128xbf16>, vector<128x128xbf16>, vector<4x128xf32> -> vector<4x128xf32>
    %swap3A = arith.constant 0 : index
    %swap3A_1854 = arith.constant 0 : index
    %swap3A_1855 = arith.constant 0 : index
    %swap3A_1856 = vector.load %arg4[%swap3A, %swap3A_1854, %swap3A_1855] : memref<64x4x128xf32, #tpu.memory_space<vmem>>, vector<1x4x128xf32>
    %swap3A_1857 = vector.shape_cast %swap3A_1856 : vector<1x4x128xf32> to vector<4x128xf32>
    %swap3A_1858 = vector.shape_cast %dot_general3A_1853 : vector<4x128xf32> to vector<1x4x128xf32>
    tpu.vector_store %arg4[%swap3A, %swap3A_1854, %swap3A_1855], %swap3A_1858 {strides = array<i32>} : memref<64x4x128xf32, #tpu.memory_space<vmem>>, vector<1x4x128xf32>,
    %get3A_1859 = arith.constant 1 : index
    %get3A_1860 = arith.constant 0 : index
    %get3A_1861 = arith.constant 0 : index
    %get3A_1862 = vector.load %arg3[%get3A_1859, %get3A_1860, %get3A_1861] : memref<64x128x128xf32, #tpu.memory_space<vmem>>, vector<1x128x128xf32>
    %get3A_1863 = vector.shape_cast %get3A_1862 : vector<1x128x128xf32> to vector<128x128xf32>
    %convert_element_type3A_1864 = arith.truncf %get3A_1863 : vector<128x128xf32> to vector<128x128xbf16>
    %dot_general3A_1865 = arith.constant dense<0.000000e+00> : vector<4x128xf32>
    %dot_general3A_1866 = tpu.matmul %convert_element_type3A_1101, %convert_element_type3A_1864, %dot_general3A_1865 {dimension_numbers = #tpu.dot_dimension_numbers<[1], [0], [0], [1], [0, 0, 1, 1], [], []>, transpose_lhs_hint = false} : vector<4x128xbf16>, vector<128x128xbf16>, vector<4x128xf32> -> vector<4x128xf32>
    %swap3A_1867 = arith.constant 1 : index
    %swap3A_1868 = arith.constant 0 : index
    %swap3A_1869 = arith.constant 0 : index
    %swap3A_1870 = vector.load %arg4[%swap3A_1867, %swap3A_1868, %swap3A_1869] : memref<64x4x128xf32, #tpu.memory_space<vmem>>, vector<1x4x128xf32>
    %swap3A_1871 = vector.shape_cast %swap3A_1870 : vector<1x4x128xf32> to vector<4x128xf32>
    %swap3A_1872 = vector.shape_cast %dot_general3A_1866 : vector<4x128xf32> to vector<1x4x128xf32>
    tpu.vector_store %arg4[%swap3A_1867, %swap3A_1868, %swap3A_1869], %swap3A_1872 {strides = array<i32>} : memref<64x4x128xf32, #tpu.memory_space<vmem>>, vector<1x4x128xf32>,
    %get3A_1873 = arith.constant 2 : index
    %get3A_1874 = arith.constant 0 : index
    %get3A_1875 = arith.constant 0 : index
    %get3A_1876 = vector.load %arg3[%get3A_1873, %get3A_1874, %get3A_1875] : memref<64x128x128xf32, #tpu.memory_space<vmem>>, vector<1x128x128xf32>
    %get3A_1877 = vector.shape_cast %get3A_1876 : vector<1x128x128xf32> to vector<128x128xf32>
    %convert_element_type3A_1878 = arith.truncf %get3A_1877 : vector<128x128xf32> to vector<128x128xbf16>
    %dot_general3A_1879 = arith.constant dense<0.000000e+00> : vector<4x128xf32>
    %dot_general3A_1880 = tpu.matmul %convert_element_type3A_1113, %convert_element_type3A_1878, %dot_general3A_1879 {dimension_numbers = #tpu.dot_dimension_numbers<[1], [0], [0], [1], [0, 0, 1, 1], [], []>, transpose_lhs_hint = false} : vector<4x128xbf16>, vector<128x128xbf16>, vector<4x128xf32> -> vector<4x128xf32>
    %swap3A_1881 = arith.constant 2 : index
    %swap3A_1882 = arith.constant 0 : index
    %swap3A_1883 = arith.constant 0 : index
    %swap3A_1884 = vector.load %arg4[%swap3A_1881, %swap3A_1882, %swap3A_1883] : memref<64x4x128xf32, #tpu.memory_space<vmem>>, vector<1x4x128xf32>
    %swap3A_1885 = vector.shape_cast %swap3A_1884 : vector<1x4x128xf32> to vector<4x128xf32>
    %swap3A_1886 = vector.shape_cast %dot_general3A_1880 : vector<4x128xf32> to vector<1x4x128xf32>
    tpu.vector_store %arg4[%swap3A_1881, %swap3A_1882, %swap3A_1883], %swap3A_1886 {strides = array<i32>} : memref<64x4x128xf32, #tpu.memory_space<vmem>>, vector<1x4x128xf32>,
    %get3A_1887 = arith.constant 3 : index
    %get3A_1888 = arith.constant 0 : index
    %get3A_1889 = arith.constant 0 : index
    %get3A_1890 = vector.load %arg3[%get3A_1887, %get3A_1888, %get3A_1889] : memref<64x128x128xf32, #tpu.memory_space<vmem>>, vector<1x128x128xf32>
    %get3A_1891 = vector.shape_cast %get3A_1890 : vector<1x128x128xf32> to vector<128x128xf32>
    %convert_element_type3A_1892 = arith.truncf %get3A_1891 : vector<128x128xf32> to vector<128x128xbf16>
    %dot_general3A_1893 = arith.constant dense<0.000000e+00> : vector<4x128xf32>
    %dot_general3A_1894 = tpu.matmul %convert_element_type3A_1125, %convert_element_type3A_1892, %dot_general3A_1893 {dimension_numbers = #tpu.dot_dimension_numbers<[1], [0], [0], [1], [0, 0, 1, 1], [], []>, transpose_lhs_hint = false} : vector<4x128xbf16>, vector<128x128xbf16>, vector<4x128xf32> -> vector<4x128xf32>
    %swap3A_1895 = arith.constant 3 : index
    %swap3A_1896 = arith.constant 0 : index
    %swap3A_1897 = arith.constant 0 : index
    %swap3A_1898 = vector.load %arg4[%swap3A_1895, %swap3A_1896, %swap3A_1897] : memref<64x4x128xf32, #tpu.memory_space<vmem>>, vector<1x4x128xf32>
    %swap3A_1899 = vector.shape_cast %swap3A_1898 : vector<1x4x128xf32> to vector<4x128xf32>
    %swap3A_1900 = vector.shape_cast %dot_general3A_1894 : vector<4x128xf32> to vector<1x4x128xf32>
    tpu.vector_store %arg4[%swap3A_1895, %swap3A_1896, %swap3A_1897], %swap3A_1900 {strides = array<i32>} : memref<64x4x128xf32, #tpu.memory_space<vmem>>, vector<1x4x128xf32>,
    %get3A_1901 = arith.constant 4 : index
    %get3A_1902 = arith.constant 0 : index
    %get3A_1903 = arith.constant 0 : index
    %get3A_1904 = vector.load %arg3[%get3A_1901, %get3A_1902, %get3A_1903] : memref<64x128x128xf32, #tpu.memory_space<vmem>>, vector<1x128x128xf32>
    %get3A_1905 = vector.shape_cast %get3A_1904 : vector<1x128x128xf32> to vector<128x128xf32>
    %convert_element_type3A_1906 = arith.truncf %get3A_1905 : vector<128x128xf32> to vector<128x128xbf16>
    %dot_general3A_1907 = arith.constant dense<0.000000e+00> : vector<4x128xf32>
    %dot_general3A_1908 = tpu.matmul %convert_element_type3A_1137, %convert_element_type3A_1906, %dot_general3A_1907 {dimension_numbers = #tpu.dot_dimension_numbers<[1], [0], [0], [1], [0, 0, 1, 1], [], []>, transpose_lhs_hint = false} : vector<4x128xbf16>, vector<128x128xbf16>, vector<4x128xf32> -> vector<4x128xf32>
    %swap3A_1909 = arith.constant 4 : index
    %swap3A_1910 = arith.constant 0 : index
    %swap3A_1911 = arith.constant 0 : index
    %swap3A_1912 = vector.load %arg4[%swap3A_1909, %swap3A_1910, %swap3A_1911] : memref<64x4x128xf32, #tpu.memory_space<vmem>>, vector<1x4x128xf32>
    %swap3A_1913 = vector.shape_cast %swap3A_1912 : vector<1x4x128xf32> to vector<4x128xf32>
    %swap3A_1914 = vector.shape_cast %dot_general3A_1908 : vector<4x128xf32> to vector<1x4x128xf32>
    tpu.vector_store %arg4[%swap3A_1909, %swap3A_1910, %swap3A_1911], %swap3A_1914 {strides = array<i32>} : memref<64x4x128xf32, #tpu.memory_space<vmem>>, vector<1x4x128xf32>,
    %get3A_1915 = arith.constant 5 : index
    %get3A_1916 = arith.constant 0 : index
    %get3A_1917 = arith.constant 0 : index
    %get3A_1918 = vector.load %arg3[%get3A_1915, %get3A_1916, %get3A_1917] : memref<64x128x128xf32, #tpu.memory_space<vmem>>, vector<1x128x128xf32>
    %get3A_1919 = vector.shape_cast %get3A_1918 : vector<1x128x128xf32> to vector<128x128xf32>
    %convert_element_type3A_1920 = arith.truncf %get3A_1919 : vector<128x128xf32> to vector<128x128xbf16>
    %dot_general3A_1921 = arith.constant dense<0.000000e+00> : vector<4x128xf32>
    %dot_general3A_1922 = tpu.matmul %convert_element_type3A_1149, %convert_element_type3A_1920, %dot_general3A_1921 {dimension_numbers = #tpu.dot_dimension_numbers<[1], [0], [0], [1], [0, 0, 1, 1], [], []>, transpose_lhs_hint = false} : vector<4x128xbf16>, vector<128x128xbf16>, vector<4x128xf32> -> vector<4x128xf32>
    %swap3A_1923 = arith.constant 5 : index
    %swap3A_1924 = arith.constant 0 : index
    %swap3A_1925 = arith.constant 0 : index
    %swap3A_1926 = vector.load %arg4[%swap3A_1923, %swap3A_1924, %swap3A_1925] : memref<64x4x128xf32, #tpu.memory_space<vmem>>, vector<1x4x128xf32>
    %swap3A_1927 = vector.shape_cast %swap3A_1926 : vector<1x4x128xf32> to vector<4x128xf32>
    %swap3A_1928 = vector.shape_cast %dot_general3A_1922 : vector<4x128xf32> to vector<1x4x128xf32>
    tpu.vector_store %arg4[%swap3A_1923, %swap3A_1924, %swap3A_1925], %swap3A_1928 {strides = array<i32>} : memref<64x4x128xf32, #tpu.memory_space<vmem>>, vector<1x4x128xf32>,
    %get3A_1929 = arith.constant 6 : index
    %get3A_1930 = arith.constant 0 : index
    %get3A_1931 = arith.constant 0 : index
    %get3A_1932 = vector.load %arg3[%get3A_1929, %get3A_1930, %get3A_1931] : memref<64x128x128xf32, #tpu.memory_space<vmem>>, vector<1x128x128xf32>
    %get3A_1933 = vector.shape_cast %get3A_1932 : vector<1x128x128xf32> to vector<128x128xf32>
    %convert_element_type3A_1934 = arith.truncf %get3A_1933 : vector<128x128xf32> to vector<128x128xbf16>
    %dot_general3A_1935 = arith.constant dense<0.000000e+00> : vector<4x128xf32>
    %dot_general3A_1936 = tpu.matmul %convert_element_type3A_1161, %convert_element_type3A_1934, %dot_general3A_1935 {dimension_numbers = #tpu.dot_dimension_numbers<[1], [0], [0], [1], [0, 0, 1, 1], [], []>, transpose_lhs_hint = false} : vector<4x128xbf16>, vector<128x128xbf16>, vector<4x128xf32> -> vector<4x128xf32>
    %swap3A_1937 = arith.constant 6 : index
    %swap3A_1938 = arith.constant 0 : index
    %swap3A_1939 = arith.constant 0 : index
    %swap3A_1940 = vector.load %arg4[%swap3A_1937, %swap3A_1938, %swap3A_1939] : memref<64x4x128xf32, #tpu.memory_space<vmem>>, vector<1x4x128xf32>
    %swap3A_1941 = vector.shape_cast %swap3A_1940 : vector<1x4x128xf32> to vector<4x128xf32>
    %swap3A_1942 = vector.shape_cast %dot_general3A_1936 : vector<4x128xf32> to vector<1x4x128xf32>
    tpu.vector_store %arg4[%swap3A_1937, %swap3A_1938, %swap3A_1939], %swap3A_1942 {strides = array<i32>} : memref<64x4x128xf32, #tpu.memory_space<vmem>>, vector<1x4x128xf32>,
    %get3A_1943 = arith.constant 7 : index
    %get3A_1944 = arith.constant 0 : index
    %get3A_1945 = arith.constant 0 : index
    %get3A_1946 = vector.load %arg3[%get3A_1943, %get3A_1944, %get3A_1945] : memref<64x128x128xf32, #tpu.memory_space<vmem>>, vector<1x128x128xf32>
    %get3A_1947 = vector.shape_cast %get3A_1946 : vector<1x128x128xf32> to vector<128x128xf32>
    %convert_element_type3A_1948 = arith.truncf %get3A_1947 : vector<128x128xf32> to vector<128x128xbf16>
    %dot_general3A_1949 = arith.constant dense<0.000000e+00> : vector<4x128xf32>
    %dot_general3A_1950 = tpu.matmul %convert_element_type3A_1173, %convert_element_type3A_1948, %dot_general3A_1949 {dimension_numbers = #tpu.dot_dimension_numbers<[1], [0], [0], [1], [0, 0, 1, 1], [], []>, transpose_lhs_hint = false} : vector<4x128xbf16>, vector<128x128xbf16>, vector<4x128xf32> -> vector<4x128xf32>
    %swap3A_1951 = arith.constant 7 : index
    %swap3A_1952 = arith.constant 0 : index
    %swap3A_1953 = arith.constant 0 : index
    %swap3A_1954 = vector.load %arg4[%swap3A_1951, %swap3A_1952, %swap3A_1953] : memref<64x4x128xf32, #tpu.memory_space<vmem>>, vector<1x4x128xf32>
    %swap3A_1955 = vector.shape_cast %swap3A_1954 : vector<1x4x128xf32> to vector<4x128xf32>
    %swap3A_1956 = vector.shape_cast %dot_general3A_1950 : vector<4x128xf32> to vector<1x4x128xf32>
    tpu.vector_store %arg4[%swap3A_1951, %swap3A_1952, %swap3A_1953], %swap3A_1956 {strides = array<i32>} : memref<64x4x128xf32, #tpu.memory_space<vmem>>, vector<1x4x128xf32>,
    %get3A_1957 = arith.constant 8 : index
    %get3A_1958 = arith.constant 0 : index
    %get3A_1959 = arith.constant 0 : index
    %get3A_1960 = vector.load %arg3[%get3A_1957, %get3A_1958, %get3A_1959] : memref<64x128x128xf32, #tpu.memory_space<vmem>>, vector<1x128x128xf32>
    %get3A_1961 = vector.shape_cast %get3A_1960 : vector<1x128x128xf32> to vector<128x128xf32>
    %convert_element_type3A_1962 = arith.truncf %get3A_1961 : vector<128x128xf32> to vector<128x128xbf16>
    %dot_general3A_1963 = arith.constant dense<0.000000e+00> : vector<4x128xf32>
    %dot_general3A_1964 = tpu.matmul %convert_element_type3A_1185, %convert_element_type3A_1962, %dot_general3A_1963 {dimension_numbers = #tpu.dot_dimension_numbers<[1], [0], [0], [1], [0, 0, 1, 1], [], []>, transpose_lhs_hint = false} : vector<4x128xbf16>, vector<128x128xbf16>, vector<4x128xf32> -> vector<4x128xf32>
    %swap3A_1965 = arith.constant 8 : index
    %swap3A_1966 = arith.constant 0 : index
    %swap3A_1967 = arith.constant 0 : index
    %swap3A_1968 = vector.load %arg4[%swap3A_1965, %swap3A_1966, %swap3A_1967] : memref<64x4x128xf32, #tpu.memory_space<vmem>>, vector<1x4x128xf32>
    %swap3A_1969 = vector.shape_cast %swap3A_1968 : vector<1x4x128xf32> to vector<4x128xf32>
    %swap3A_1970 = vector.shape_cast %dot_general3A_1964 : vector<4x128xf32> to vector<1x4x128xf32>
    tpu.vector_store %arg4[%swap3A_1965, %swap3A_1966, %swap3A_1967], %swap3A_1970 {strides = array<i32>} : memref<64x4x128xf32, #tpu.memory_space<vmem>>, vector<1x4x128xf32>,
    %get3A_1971 = arith.constant 9 : index
    %get3A_1972 = arith.constant 0 : index
    %get3A_1973 = arith.constant 0 : index
    %get3A_1974 = vector.load %arg3[%get3A_1971, %get3A_1972, %get3A_1973] : memref<64x128x128xf32, #tpu.memory_space<vmem>>, vector<1x128x128xf32>
    %get3A_1975 = vector.shape_cast %get3A_1974 : vector<1x128x128xf32> to vector<128x128xf32>
    %convert_element_type3A_1976 = arith.truncf %get3A_1975 : vector<128x128xf32> to vector<128x128xbf16>
    %dot_general3A_1977 = arith.constant dense<0.000000e+00> : vector<4x128xf32>
    %dot_general3A_1978 = tpu.matmul %convert_element_type3A_1197, %convert_element_type3A_1976, %dot_general3A_1977 {dimension_numbers = #tpu.dot_dimension_numbers<[1], [0], [0], [1], [0, 0, 1, 1], [], []>, transpose_lhs_hint = false} : vector<4x128xbf16>, vector<128x128xbf16>, vector<4x128xf32> -> vector<4x128xf32>
    %swap3A_1979 = arith.constant 9 : index
    %swap3A_1980 = arith.constant 0 : index
    %swap3A_1981 = arith.constant 0 : index
    %swap3A_1982 = vector.load %arg4[%swap3A_1979, %swap3A_1980, %swap3A_1981] : memref<64x4x128xf32, #tpu.memory_space<vmem>>, vector<1x4x128xf32>
    %swap3A_1983 = vector.shape_cast %swap3A_1982 : vector<1x4x128xf32> to vector<4x128xf32>
    %swap3A_1984 = vector.shape_cast %dot_general3A_1978 : vector<4x128xf32> to vector<1x4x128xf32>
    tpu.vector_store %arg4[%swap3A_1979, %swap3A_1980, %swap3A_1981], %swap3A_1984 {strides = array<i32>} : memref<64x4x128xf32, #tpu.memory_space<vmem>>, vector<1x4x128xf32>,
    %get3A_1985 = arith.constant 10 : index
    %get3A_1986 = arith.constant 0 : index
    %get3A_1987 = arith.constant 0 : index
    %get3A_1988 = vector.load %arg3[%get3A_1985, %get3A_1986, %get3A_1987] : memref<64x128x128xf32, #tpu.memory_space<vmem>>, vector<1x128x128xf32>
    %get3A_1989 = vector.shape_cast %get3A_1988 : vector<1x128x128xf32> to vector<128x128xf32>
    %convert_element_type3A_1990 = arith.truncf %get3A_1989 : vector<128x128xf32> to vector<128x128xbf16>
    %dot_general3A_1991 = arith.constant dense<0.000000e+00> : vector<4x128xf32>
    %dot_general3A_1992 = tpu.matmul %convert_element_type3A_1209, %convert_element_type3A_1990, %dot_general3A_1991 {dimension_numbers = #tpu.dot_dimension_numbers<[1], [0], [0], [1], [0, 0, 1, 1], [], []>, transpose_lhs_hint = false} : vector<4x128xbf16>, vector<128x128xbf16>, vector<4x128xf32> -> vector<4x128xf32>
    %swap3A_1993 = arith.constant 10 : index
    %swap3A_1994 = arith.constant 0 : index
    %swap3A_1995 = arith.constant 0 : index
    %swap3A_1996 = vector.load %arg4[%swap3A_1993, %swap3A_1994, %swap3A_1995] : memref<64x4x128xf32, #tpu.memory_space<vmem>>, vector<1x4x128xf32>
    %swap3A_1997 = vector.shape_cast %swap3A_1996 : vector<1x4x128xf32> to vector<4x128xf32>
    %swap3A_1998 = vector.shape_cast %dot_general3A_1992 : vector<4x128xf32> to vector<1x4x128xf32>
    tpu.vector_store %arg4[%swap3A_1993, %swap3A_1994, %swap3A_1995], %swap3A_1998 {strides = array<i32>} : memref<64x4x128xf32, #tpu.memory_space<vmem>>, vector<1x4x128xf32>,
    %get3A_1999 = arith.constant 11 : index
    %get3A_2000 = arith.constant 0 : index
    %get3A_2001 = arith.constant 0 : index
    %get3A_2002 = vector.load %arg3[%get3A_1999, %get3A_2000, %get3A_2001] : memref<64x128x128xf32, #tpu.memory_space<vmem>>, vector<1x128x128xf32>
    %get3A_2003 = vector.shape_cast %get3A_2002 : vector<1x128x128xf32> to vector<128x128xf32>
    %convert_element_type3A_2004 = arith.truncf %get3A_2003 : vector<128x128xf32> to vector<128x128xbf16>
    %dot_general3A_2005 = arith.constant dense<0.000000e+00> : vector<4x128xf32>
    %dot_general3A_2006 = tpu.matmul %convert_element_type3A_1221, %convert_element_type3A_2004, %dot_general3A_2005 {dimension_numbers = #tpu.dot_dimension_numbers<[1], [0], [0], [1], [0, 0, 1, 1], [], []>, transpose_lhs_hint = false} : vector<4x128xbf16>, vector<128x128xbf16>, vector<4x128xf32> -> vector<4x128xf32>
    %swap3A_2007 = arith.constant 11 : index
    %swap3A_2008 = arith.constant 0 : index
    %swap3A_2009 = arith.constant 0 : index
    %swap3A_2010 = vector.load %arg4[%swap3A_2007, %swap3A_2008, %swap3A_2009] : memref<64x4x128xf32, #tpu.memory_space<vmem>>, vector<1x4x128xf32>
    %swap3A_2011 = vector.shape_cast %swap3A_2010 : vector<1x4x128xf32> to vector<4x128xf32>
    %swap3A_2012 = vector.shape_cast %dot_general3A_2006 : vector<4x128xf32> to vector<1x4x128xf32>
    tpu.vector_store %arg4[%swap3A_2007, %swap3A_2008, %swap3A_2009], %swap3A_2012 {strides = array<i32>} : memref<64x4x128xf32, #tpu.memory_space<vmem>>, vector<1x4x128xf32>,
    %get3A_2013 = arith.constant 12 : index
    %get3A_2014 = arith.constant 0 : index
    %get3A_2015 = arith.constant 0 : index
    %get3A_2016 = vector.load %arg3[%get3A_2013, %get3A_2014, %get3A_2015] : memref<64x128x128xf32, #tpu.memory_space<vmem>>, vector<1x128x128xf32>
    %get3A_2017 = vector.shape_cast %get3A_2016 : vector<1x128x128xf32> to vector<128x128xf32>
    %convert_element_type3A_2018 = arith.truncf %get3A_2017 : vector<128x128xf32> to vector<128x128xbf16>
    %dot_general3A_2019 = arith.constant dense<0.000000e+00> : vector<4x128xf32>
    %dot_general3A_2020 = tpu.matmul %convert_element_type3A_1233, %convert_element_type3A_2018, %dot_general3A_2019 {dimension_numbers = #tpu.dot_dimension_numbers<[1], [0], [0], [1], [0, 0, 1, 1], [], []>, transpose_lhs_hint = false} : vector<4x128xbf16>, vector<128x128xbf16>, vector<4x128xf32> -> vector<4x128xf32>
    %swap3A_2021 = arith.constant 12 : index
    %swap3A_2022 = arith.constant 0 : index
    %swap3A_2023 = arith.constant 0 : index
    %swap3A_2024 = vector.load %arg4[%swap3A_2021, %swap3A_2022, %swap3A_2023] : memref<64x4x128xf32, #tpu.memory_space<vmem>>, vector<1x4x128xf32>
    %swap3A_2025 = vector.shape_cast %swap3A_2024 : vector<1x4x128xf32> to vector<4x128xf32>
    %swap3A_2026 = vector.shape_cast %dot_general3A_2020 : vector<4x128xf32> to vector<1x4x128xf32>
    tpu.vector_store %arg4[%swap3A_2021, %swap3A_2022, %swap3A_2023], %swap3A_2026 {strides = array<i32>} : memref<64x4x128xf32, #tpu.memory_space<vmem>>, vector<1x4x128xf32>,
    %get3A_2027 = arith.constant 13 : index
    %get3A_2028 = arith.constant 0 : index
    %get3A_2029 = arith.constant 0 : index
    %get3A_2030 = vector.load %arg3[%get3A_2027, %get3A_2028, %get3A_2029] : memref<64x128x128xf32, #tpu.memory_space<vmem>>, vector<1x128x128xf32>
    %get3A_2031 = vector.shape_cast %get3A_2030 : vector<1x128x128xf32> to vector<128x128xf32>
    %convert_element_type3A_2032 = arith.truncf %get3A_2031 : vector<128x128xf32> to vector<128x128xbf16>
    %dot_general3A_2033 = arith.constant dense<0.000000e+00> : vector<4x128xf32>
    %dot_general3A_2034 = tpu.matmul %convert_element_type3A_1245, %convert_element_type3A_2032, %dot_general3A_2033 {dimension_numbers = #tpu.dot_dimension_numbers<[1], [0], [0], [1], [0, 0, 1, 1], [], []>, transpose_lhs_hint = false} : vector<4x128xbf16>, vector<128x128xbf16>, vector<4x128xf32> -> vector<4x128xf32>
    %swap3A_2035 = arith.constant 13 : index
    %swap3A_2036 = arith.constant 0 : index
    %swap3A_2037 = arith.constant 0 : index
    %swap3A_2038 = vector.load %arg4[%swap3A_2035, %swap3A_2036, %swap3A_2037] : memref<64x4x128xf32, #tpu.memory_space<vmem>>, vector<1x4x128xf32>
    %swap3A_2039 = vector.shape_cast %swap3A_2038 : vector<1x4x128xf32> to vector<4x128xf32>
    %swap3A_2040 = vector.shape_cast %dot_general3A_2034 : vector<4x128xf32> to vector<1x4x128xf32>
    tpu.vector_store %arg4[%swap3A_2035, %swap3A_2036, %swap3A_2037], %swap3A_2040 {strides = array<i32>} : memref<64x4x128xf32, #tpu.memory_space<vmem>>, vector<1x4x128xf32>,
    %get3A_2041 = arith.constant 14 : index
    %get3A_2042 = arith.constant 0 : index
    %get3A_2043 = arith.constant 0 : index
    %get3A_2044 = vector.load %arg3[%get3A_2041, %get3A_2042, %get3A_2043] : memref<64x128x128xf32, #tpu.memory_space<vmem>>, vector<1x128x128xf32>
    %get3A_2045 = vector.shape_cast %get3A_2044 : vector<1x128x128xf32> to vector<128x128xf32>
    %convert_element_type3A_2046 = arith.truncf %get3A_2045 : vector<128x128xf32> to vector<128x128xbf16>
    %dot_general3A_2047 = arith.constant dense<0.000000e+00> : vector<4x128xf32>
    %dot_general3A_2048 = tpu.matmul %convert_element_type3A_1257, %convert_element_type3A_2046, %dot_general3A_2047 {dimension_numbers = #tpu.dot_dimension_numbers<[1], [0], [0], [1], [0, 0, 1, 1], [], []>, transpose_lhs_hint = false} : vector<4x128xbf16>, vector<128x128xbf16>, vector<4x128xf32> -> vector<4x128xf32>
    %swap3A_2049 = arith.constant 14 : index
    %swap3A_2050 = arith.constant 0 : index
    %swap3A_2051 = arith.constant 0 : index
    %swap3A_2052 = vector.load %arg4[%swap3A_2049, %swap3A_2050, %swap3A_2051] : memref<64x4x128xf32, #tpu.memory_space<vmem>>, vector<1x4x128xf32>
    %swap3A_2053 = vector.shape_cast %swap3A_2052 : vector<1x4x128xf32> to vector<4x128xf32>
    %swap3A_2054 = vector.shape_cast %dot_general3A_2048 : vector<4x128xf32> to vector<1x4x128xf32>
    tpu.vector_store %arg4[%swap3A_2049, %swap3A_2050, %swap3A_2051], %swap3A_2054 {strides = array<i32>} : memref<64x4x128xf32, #tpu.memory_space<vmem>>, vector<1x4x128xf32>,
    %get3A_2055 = arith.constant 15 : index
    %get3A_2056 = arith.constant 0 : index
    %get3A_2057 = arith.constant 0 : index
    %get3A_2058 = vector.load %arg3[%get3A_2055, %get3A_2056, %get3A_2057] : memref<64x128x128xf32, #tpu.memory_space<vmem>>, vector<1x128x128xf32>
    %get3A_2059 = vector.shape_cast %get3A_2058 : vector<1x128x128xf32> to vector<128x128xf32>
    %convert_element_type3A_2060 = arith.truncf %get3A_2059 : vector<128x128xf32> to vector<128x128xbf16>
    %dot_general3A_2061 = arith.constant dense<0.000000e+00> : vector<4x128xf32>
    %dot_general3A_2062 = tpu.matmul %convert_element_type3A_1269, %convert_element_type3A_2060, %dot_general3A_2061 {dimension_numbers = #tpu.dot_dimension_numbers<[1], [0], [0], [1], [0, 0, 1, 1], [], []>, transpose_lhs_hint = false} : vector<4x128xbf16>, vector<128x128xbf16>, vector<4x128xf32> -> vector<4x128xf32>
    %swap3A_2063 = arith.constant 15 : index
    %swap3A_2064 = arith.constant 0 : index
    %swap3A_2065 = arith.constant 0 : index
    %swap3A_2066 = vector.load %arg4[%swap3A_2063, %swap3A_2064, %swap3A_2065] : memref<64x4x128xf32, #tpu.memory_space<vmem>>, vector<1x4x128xf32>
    %swap3A_2067 = vector.shape_cast %swap3A_2066 : vector<1x4x128xf32> to vector<4x128xf32>
    %swap3A_2068 = vector.shape_cast %dot_general3A_2062 : vector<4x128xf32> to vector<1x4x128xf32>
    tpu.vector_store %arg4[%swap3A_2063, %swap3A_2064, %swap3A_2065], %swap3A_2068 {strides = array<i32>} : memref<64x4x128xf32, #tpu.memory_space<vmem>>, vector<1x4x128xf32>,
    %get3A_2069 = arith.constant 16 : index
    %get3A_2070 = arith.constant 0 : index
    %get3A_2071 = arith.constant 0 : index
    %get3A_2072 = vector.load %arg3[%get3A_2069, %get3A_2070, %get3A_2071] : memref<64x128x128xf32, #tpu.memory_space<vmem>>, vector<1x128x128xf32>
    %get3A_2073 = vector.shape_cast %get3A_2072 : vector<1x128x128xf32> to vector<128x128xf32>
    %convert_element_type3A_2074 = arith.truncf %get3A_2073 : vector<128x128xf32> to vector<128x128xbf16>
    %dot_general3A_2075 = arith.constant dense<0.000000e+00> : vector<4x128xf32>
    %dot_general3A_2076 = tpu.matmul %convert_element_type3A_1281, %convert_element_type3A_2074, %dot_general3A_2075 {dimension_numbers = #tpu.dot_dimension_numbers<[1], [0], [0], [1], [0, 0, 1, 1], [], []>, transpose_lhs_hint = false} : vector<4x128xbf16>, vector<128x128xbf16>, vector<4x128xf32> -> vector<4x128xf32>
    %swap3A_2077 = arith.constant 16 : index
    %swap3A_2078 = arith.constant 0 : index
    %swap3A_2079 = arith.constant 0 : index
    %swap3A_2080 = vector.load %arg4[%swap3A_2077, %swap3A_2078, %swap3A_2079] : memref<64x4x128xf32, #tpu.memory_space<vmem>>, vector<1x4x128xf32>
    %swap3A_2081 = vector.shape_cast %swap3A_2080 : vector<1x4x128xf32> to vector<4x128xf32>
    %swap3A_2082 = vector.shape_cast %dot_general3A_2076 : vector<4x128xf32> to vector<1x4x128xf32>
    tpu.vector_store %arg4[%swap3A_2077, %swap3A_2078, %swap3A_2079], %swap3A_2082 {strides = array<i32>} : memref<64x4x128xf32, #tpu.memory_space<vmem>>, vector<1x4x128xf32>,
    %get3A_2083 = arith.constant 17 : index
    %get3A_2084 = arith.constant 0 : index
    %get3A_2085 = arith.constant 0 : index
    %get3A_2086 = vector.load %arg3[%get3A_2083, %get3A_2084, %get3A_2085] : memref<64x128x128xf32, #tpu.memory_space<vmem>>, vector<1x128x128xf32>
    %get3A_2087 = vector.shape_cast %get3A_2086 : vector<1x128x128xf32> to vector<128x128xf32>
    %convert_element_type3A_2088 = arith.truncf %get3A_2087 : vector<128x128xf32> to vector<128x128xbf16>
    %dot_general3A_2089 = arith.constant dense<0.000000e+00> : vector<4x128xf32>
    %dot_general3A_2090 = tpu.matmul %convert_element_type3A_1293, %convert_element_type3A_2088, %dot_general3A_2089 {dimension_numbers = #tpu.dot_dimension_numbers<[1], [0], [0], [1], [0, 0, 1, 1], [], []>, transpose_lhs_hint = false} : vector<4x128xbf16>, vector<128x128xbf16>, vector<4x128xf32> -> vector<4x128xf32>
    %swap3A_2091 = arith.constant 17 : index
    %swap3A_2092 = arith.constant 0 : index
    %swap3A_2093 = arith.constant 0 : index
    %swap3A_2094 = vector.load %arg4[%swap3A_2091, %swap3A_2092, %swap3A_2093] : memref<64x4x128xf32, #tpu.memory_space<vmem>>, vector<1x4x128xf32>
    %swap3A_2095 = vector.shape_cast %swap3A_2094 : vector<1x4x128xf32> to vector<4x128xf32>
    %swap3A_2096 = vector.shape_cast %dot_general3A_2090 : vector<4x128xf32> to vector<1x4x128xf32>
    tpu.vector_store %arg4[%swap3A_2091, %swap3A_2092, %swap3A_2093], %swap3A_2096 {strides = array<i32>} : memref<64x4x128xf32, #tpu.memory_space<vmem>>, vector<1x4x128xf32>,
    %get3A_2097 = arith.constant 18 : index
    %get3A_2098 = arith.constant 0 : index
    %get3A_2099 = arith.constant 0 : index
    %get3A_2100 = vector.load %arg3[%get3A_2097, %get3A_2098, %get3A_2099] : memref<64x128x128xf32, #tpu.memory_space<vmem>>, vector<1x128x128xf32>
    %get3A_2101 = vector.shape_cast %get3A_2100 : vector<1x128x128xf32> to vector<128x128xf32>
    %convert_element_type3A_2102 = arith.truncf %get3A_2101 : vector<128x128xf32> to vector<128x128xbf16>
    %dot_general3A_2103 = arith.constant dense<0.000000e+00> : vector<4x128xf32>
    %dot_general3A_2104 = tpu.matmul %convert_element_type3A_1305, %convert_element_type3A_2102, %dot_general3A_2103 {dimension_numbers = #tpu.dot_dimension_numbers<[1], [0], [0], [1], [0, 0, 1, 1], [], []>, transpose_lhs_hint = false} : vector<4x128xbf16>, vector<128x128xbf16>, vector<4x128xf32> -> vector<4x128xf32>
    %swap3A_2105 = arith.constant 18 : index
    %swap3A_2106 = arith.constant 0 : index
    %swap3A_2107 = arith.constant 0 : index
    %swap3A_2108 = vector.load %arg4[%swap3A_2105, %swap3A_2106, %swap3A_2107] : memref<64x4x128xf32, #tpu.memory_space<vmem>>, vector<1x4x128xf32>
    %swap3A_2109 = vector.shape_cast %swap3A_2108 : vector<1x4x128xf32> to vector<4x128xf32>
    %swap3A_2110 = vector.shape_cast %dot_general3A_2104 : vector<4x128xf32> to vector<1x4x128xf32>
    tpu.vector_store %arg4[%swap3A_2105, %swap3A_2106, %swap3A_2107], %swap3A_2110 {strides = array<i32>} : memref<64x4x128xf32, #tpu.memory_space<vmem>>, vector<1x4x128xf32>,
    %get3A_2111 = arith.constant 19 : index
    %get3A_2112 = arith.constant 0 : index
    %get3A_2113 = arith.constant 0 : index
    %get3A_2114 = vector.load %arg3[%get3A_2111, %get3A_2112, %get3A_2113] : memref<64x128x128xf32, #tpu.memory_space<vmem>>, vector<1x128x128xf32>
    %get3A_2115 = vector.shape_cast %get3A_2114 : vector<1x128x128xf32> to vector<128x128xf32>
    %convert_element_type3A_2116 = arith.truncf %get3A_2115 : vector<128x128xf32> to vector<128x128xbf16>
    %dot_general3A_2117 = arith.constant dense<0.000000e+00> : vector<4x128xf32>
    %dot_general3A_2118 = tpu.matmul %convert_element_type3A_1317, %convert_element_type3A_2116, %dot_general3A_2117 {dimension_numbers = #tpu.dot_dimension_numbers<[1], [0], [0], [1], [0, 0, 1, 1], [], []>, transpose_lhs_hint = false} : vector<4x128xbf16>, vector<128x128xbf16>, vector<4x128xf32> -> vector<4x128xf32>
    %swap3A_2119 = arith.constant 19 : index
    %swap3A_2120 = arith.constant 0 : index
    %swap3A_2121 = arith.constant 0 : index
    %swap3A_2122 = vector.load %arg4[%swap3A_2119, %swap3A_2120, %swap3A_2121] : memref<64x4x128xf32, #tpu.memory_space<vmem>>, vector<1x4x128xf32>
    %swap3A_2123 = vector.shape_cast %swap3A_2122 : vector<1x4x128xf32> to vector<4x128xf32>
    %swap3A_2124 = vector.shape_cast %dot_general3A_2118 : vector<4x128xf32> to vector<1x4x128xf32>
    tpu.vector_store %arg4[%swap3A_2119, %swap3A_2120, %swap3A_2121], %swap3A_2124 {strides = array<i32>} : memref<64x4x128xf32, #tpu.memory_space<vmem>>, vector<1x4x128xf32>,
    %get3A_2125 = arith.constant 20 : index
    %get3A_2126 = arith.constant 0 : index
    %get3A_2127 = arith.constant 0 : index
    %get3A_2128 = vector.load %arg3[%get3A_2125, %get3A_2126, %get3A_2127] : memref<64x128x128xf32, #tpu.memory_space<vmem>>, vector<1x128x128xf32>
    %get3A_2129 = vector.shape_cast %get3A_2128 : vector<1x128x128xf32> to vector<128x128xf32>
    %convert_element_type3A_2130 = arith.truncf %get3A_2129 : vector<128x128xf32> to vector<128x128xbf16>
    %dot_general3A_2131 = arith.constant dense<0.000000e+00> : vector<4x128xf32>
    %dot_general3A_2132 = tpu.matmul %convert_element_type3A_1329, %convert_element_type3A_2130, %dot_general3A_2131 {dimension_numbers = #tpu.dot_dimension_numbers<[1], [0], [0], [1], [0, 0, 1, 1], [], []>, transpose_lhs_hint = false} : vector<4x128xbf16>, vector<128x128xbf16>, vector<4x128xf32> -> vector<4x128xf32>
    %swap3A_2133 = arith.constant 20 : index
    %swap3A_2134 = arith.constant 0 : index
    %swap3A_2135 = arith.constant 0 : index
    %swap3A_2136 = vector.load %arg4[%swap3A_2133, %swap3A_2134, %swap3A_2135] : memref<64x4x128xf32, #tpu.memory_space<vmem>>, vector<1x4x128xf32>
    %swap3A_2137 = vector.shape_cast %swap3A_2136 : vector<1x4x128xf32> to vector<4x128xf32>
    %swap3A_2138 = vector.shape_cast %dot_general3A_2132 : vector<4x128xf32> to vector<1x4x128xf32>
    tpu.vector_store %arg4[%swap3A_2133, %swap3A_2134, %swap3A_2135], %swap3A_2138 {strides = array<i32>} : memref<64x4x128xf32, #tpu.memory_space<vmem>>, vector<1x4x128xf32>,
    %get3A_2139 = arith.constant 21 : index
    %get3A_2140 = arith.constant 0 : index
    %get3A_2141 = arith.constant 0 : index
    %get3A_2142 = vector.load %arg3[%get3A_2139, %get3A_2140, %get3A_2141] : memref<64x128x128xf32, #tpu.memory_space<vmem>>, vector<1x128x128xf32>
    %get3A_2143 = vector.shape_cast %get3A_2142 : vector<1x128x128xf32> to vector<128x128xf32>
    %convert_element_type3A_2144 = arith.truncf %get3A_2143 : vector<128x128xf32> to vector<128x128xbf16>
    %dot_general3A_2145 = arith.constant dense<0.000000e+00> : vector<4x128xf32>
    %dot_general3A_2146 = tpu.matmul %convert_element_type3A_1341, %convert_element_type3A_2144, %dot_general3A_2145 {dimension_numbers = #tpu.dot_dimension_numbers<[1], [0], [0], [1], [0, 0, 1, 1], [], []>, transpose_lhs_hint = false} : vector<4x128xbf16>, vector<128x128xbf16>, vector<4x128xf32> -> vector<4x128xf32>
    %swap3A_2147 = arith.constant 21 : index
    %swap3A_2148 = arith.constant 0 : index
    %swap3A_2149 = arith.constant 0 : index
    %swap3A_2150 = vector.load %arg4[%swap3A_2147, %swap3A_2148, %swap3A_2149] : memref<64x4x128xf32, #tpu.memory_space<vmem>>, vector<1x4x128xf32>
    %swap3A_2151 = vector.shape_cast %swap3A_2150 : vector<1x4x128xf32> to vector<4x128xf32>
    %swap3A_2152 = vector.shape_cast %dot_general3A_2146 : vector<4x128xf32> to vector<1x4x128xf32>
    tpu.vector_store %arg4[%swap3A_2147, %swap3A_2148, %swap3A_2149], %swap3A_2152 {strides = array<i32>} : memref<64x4x128xf32, #tpu.memory_space<vmem>>, vector<1x4x128xf32>,
    %get3A_2153 = arith.constant 22 : index
    %get3A_2154 = arith.constant 0 : index
    %get3A_2155 = arith.constant 0 : index
    %get3A_2156 = vector.load %arg3[%get3A_2153, %get3A_2154, %get3A_2155] : memref<64x128x128xf32, #tpu.memory_space<vmem>>, vector<1x128x128xf32>
    %get3A_2157 = vector.shape_cast %get3A_2156 : vector<1x128x128xf32> to vector<128x128xf32>
    %convert_element_type3A_2158 = arith.truncf %get3A_2157 : vector<128x128xf32> to vector<128x128xbf16>
    %dot_general3A_2159 = arith.constant dense<0.000000e+00> : vector<4x128xf32>
    %dot_general3A_2160 = tpu.matmul %convert_element_type3A_1353, %convert_element_type3A_2158, %dot_general3A_2159 {dimension_numbers = #tpu.dot_dimension_numbers<[1], [0], [0], [1], [0, 0, 1, 1], [], []>, transpose_lhs_hint = false} : vector<4x128xbf16>, vector<128x128xbf16>, vector<4x128xf32> -> vector<4x128xf32>
    %swap3A_2161 = arith.constant 22 : index
    %swap3A_2162 = arith.constant 0 : index
    %swap3A_2163 = arith.constant 0 : index
    %swap3A_2164 = vector.load %arg4[%swap3A_2161, %swap3A_2162, %swap3A_2163] : memref<64x4x128xf32, #tpu.memory_space<vmem>>, vector<1x4x128xf32>
    %swap3A_2165 = vector.shape_cast %swap3A_2164 : vector<1x4x128xf32> to vector<4x128xf32>
    %swap3A_2166 = vector.shape_cast %dot_general3A_2160 : vector<4x128xf32> to vector<1x4x128xf32>
    tpu.vector_store %arg4[%swap3A_2161, %swap3A_2162, %swap3A_2163], %swap3A_2166 {strides = array<i32>} : memref<64x4x128xf32, #tpu.memory_space<vmem>>, vector<1x4x128xf32>,
    %get3A_2167 = arith.constant 23 : index
    %get3A_2168 = arith.constant 0 : index
    %get3A_2169 = arith.constant 0 : index
    %get3A_2170 = vector.load %arg3[%get3A_2167, %get3A_2168, %get3A_2169] : memref<64x128x128xf32, #tpu.memory_space<vmem>>, vector<1x128x128xf32>
    %get3A_2171 = vector.shape_cast %get3A_2170 : vector<1x128x128xf32> to vector<128x128xf32>
    %convert_element_type3A_2172 = arith.truncf %get3A_2171 : vector<128x128xf32> to vector<128x128xbf16>
    %dot_general3A_2173 = arith.constant dense<0.000000e+00> : vector<4x128xf32>
    %dot_general3A_2174 = tpu.matmul %convert_element_type3A_1365, %convert_element_type3A_2172, %dot_general3A_2173 {dimension_numbers = #tpu.dot_dimension_numbers<[1], [0], [0], [1], [0, 0, 1, 1], [], []>, transpose_lhs_hint = false} : vector<4x128xbf16>, vector<128x128xbf16>, vector<4x128xf32> -> vector<4x128xf32>
    %swap3A_2175 = arith.constant 23 : index
    %swap3A_2176 = arith.constant 0 : index
    %swap3A_2177 = arith.constant 0 : index
    %swap3A_2178 = vector.load %arg4[%swap3A_2175, %swap3A_2176, %swap3A_2177] : memref<64x4x128xf32, #tpu.memory_space<vmem>>, vector<1x4x128xf32>
    %swap3A_2179 = vector.shape_cast %swap3A_2178 : vector<1x4x128xf32> to vector<4x128xf32>
    %swap3A_2180 = vector.shape_cast %dot_general3A_2174 : vector<4x128xf32> to vector<1x4x128xf32>
    tpu.vector_store %arg4[%swap3A_2175, %swap3A_2176, %swap3A_2177], %swap3A_2180 {strides = array<i32>} : memref<64x4x128xf32, #tpu.memory_space<vmem>>, vector<1x4x128xf32>,
    %get3A_2181 = arith.constant 24 : index
    %get3A_2182 = arith.constant 0 : index
    %get3A_2183 = arith.constant 0 : index
    %get3A_2184 = vector.load %arg3[%get3A_2181, %get3A_2182, %get3A_2183] : memref<64x128x128xf32, #tpu.memory_space<vmem>>, vector<1x128x128xf32>
    %get3A_2185 = vector.shape_cast %get3A_2184 : vector<1x128x128xf32> to vector<128x128xf32>
    %convert_element_type3A_2186 = arith.truncf %get3A_2185 : vector<128x128xf32> to vector<128x128xbf16>
    %dot_general3A_2187 = arith.constant dense<0.000000e+00> : vector<4x128xf32>
    %dot_general3A_2188 = tpu.matmul %convert_element_type3A_1377, %convert_element_type3A_2186, %dot_general3A_2187 {dimension_numbers = #tpu.dot_dimension_numbers<[1], [0], [0], [1], [0, 0, 1, 1], [], []>, transpose_lhs_hint = false} : vector<4x128xbf16>, vector<128x128xbf16>, vector<4x128xf32> -> vector<4x128xf32>
    %swap3A_2189 = arith.constant 24 : index
    %swap3A_2190 = arith.constant 0 : index
    %swap3A_2191 = arith.constant 0 : index
    %swap3A_2192 = vector.load %arg4[%swap3A_2189, %swap3A_2190, %swap3A_2191] : memref<64x4x128xf32, #tpu.memory_space<vmem>>, vector<1x4x128xf32>
    %swap3A_2193 = vector.shape_cast %swap3A_2192 : vector<1x4x128xf32> to vector<4x128xf32>
    %swap3A_2194 = vector.shape_cast %dot_general3A_2188 : vector<4x128xf32> to vector<1x4x128xf32>
    tpu.vector_store %arg4[%swap3A_2189, %swap3A_2190, %swap3A_2191], %swap3A_2194 {strides = array<i32>} : memref<64x4x128xf32, #tpu.memory_space<vmem>>, vector<1x4x128xf32>,
    %get3A_2195 = arith.constant 25 : index
    %get3A_2196 = arith.constant 0 : index
    %get3A_2197 = arith.constant 0 : index
    %get3A_2198 = vector.load %arg3[%get3A_2195, %get3A_2196, %get3A_2197] : memref<64x128x128xf32, #tpu.memory_space<vmem>>, vector<1x128x128xf32>
    %get3A_2199 = vector.shape_cast %get3A_2198 : vector<1x128x128xf32> to vector<128x128xf32>
    %convert_element_type3A_2200 = arith.truncf %get3A_2199 : vector<128x128xf32> to vector<128x128xbf16>
    %dot_general3A_2201 = arith.constant dense<0.000000e+00> : vector<4x128xf32>
    %dot_general3A_2202 = tpu.matmul %convert_element_type3A_1389, %convert_element_type3A_2200, %dot_general3A_2201 {dimension_numbers = #tpu.dot_dimension_numbers<[1], [0], [0], [1], [0, 0, 1, 1], [], []>, transpose_lhs_hint = false} : vector<4x128xbf16>, vector<128x128xbf16>, vector<4x128xf32> -> vector<4x128xf32>
    %swap3A_2203 = arith.constant 25 : index
    %swap3A_2204 = arith.constant 0 : index
    %swap3A_2205 = arith.constant 0 : index
    %swap3A_2206 = vector.load %arg4[%swap3A_2203, %swap3A_2204, %swap3A_2205] : memref<64x4x128xf32, #tpu.memory_space<vmem>>, vector<1x4x128xf32>
    %swap3A_2207 = vector.shape_cast %swap3A_2206 : vector<1x4x128xf32> to vector<4x128xf32>
    %swap3A_2208 = vector.shape_cast %dot_general3A_2202 : vector<4x128xf32> to vector<1x4x128xf32>
    tpu.vector_store %arg4[%swap3A_2203, %swap3A_2204, %swap3A_2205], %swap3A_2208 {strides = array<i32>} : memref<64x4x128xf32, #tpu.memory_space<vmem>>, vector<1x4x128xf32>,
    %get3A_2209 = arith.constant 26 : index
    %get3A_2210 = arith.constant 0 : index
    %get3A_2211 = arith.constant 0 : index
    %get3A_2212 = vector.load %arg3[%get3A_2209, %get3A_2210, %get3A_2211] : memref<64x128x128xf32, #tpu.memory_space<vmem>>, vector<1x128x128xf32>
    %get3A_2213 = vector.shape_cast %get3A_2212 : vector<1x128x128xf32> to vector<128x128xf32>
    %convert_element_type3A_2214 = arith.truncf %get3A_2213 : vector<128x128xf32> to vector<128x128xbf16>
    %dot_general3A_2215 = arith.constant dense<0.000000e+00> : vector<4x128xf32>
    %dot_general3A_2216 = tpu.matmul %convert_element_type3A_1401, %convert_element_type3A_2214, %dot_general3A_2215 {dimension_numbers = #tpu.dot_dimension_numbers<[1], [0], [0], [1], [0, 0, 1, 1], [], []>, transpose_lhs_hint = false} : vector<4x128xbf16>, vector<128x128xbf16>, vector<4x128xf32> -> vector<4x128xf32>
    %swap3A_2217 = arith.constant 26 : index
    %swap3A_2218 = arith.constant 0 : index
    %swap3A_2219 = arith.constant 0 : index
    %swap3A_2220 = vector.load %arg4[%swap3A_2217, %swap3A_2218, %swap3A_2219] : memref<64x4x128xf32, #tpu.memory_space<vmem>>, vector<1x4x128xf32>
    %swap3A_2221 = vector.shape_cast %swap3A_2220 : vector<1x4x128xf32> to vector<4x128xf32>
    %swap3A_2222 = vector.shape_cast %dot_general3A_2216 : vector<4x128xf32> to vector<1x4x128xf32>
    tpu.vector_store %arg4[%swap3A_2217, %swap3A_2218, %swap3A_2219], %swap3A_2222 {strides = array<i32>} : memref<64x4x128xf32, #tpu.memory_space<vmem>>, vector<1x4x128xf32>,
    %get3A_2223 = arith.constant 27 : index
    %get3A_2224 = arith.constant 0 : index
    %get3A_2225 = arith.constant 0 : index
    %get3A_2226 = vector.load %arg3[%get3A_2223, %get3A_2224, %get3A_2225] : memref<64x128x128xf32, #tpu.memory_space<vmem>>, vector<1x128x128xf32>
    %get3A_2227 = vector.shape_cast %get3A_2226 : vector<1x128x128xf32> to vector<128x128xf32>
    %convert_element_type3A_2228 = arith.truncf %get3A_2227 : vector<128x128xf32> to vector<128x128xbf16>
    %dot_general3A_2229 = arith.constant dense<0.000000e+00> : vector<4x128xf32>
    %dot_general3A_2230 = tpu.matmul %convert_element_type3A_1413, %convert_element_type3A_2228, %dot_general3A_2229 {dimension_numbers = #tpu.dot_dimension_numbers<[1], [0], [0], [1], [0, 0, 1, 1], [], []>, transpose_lhs_hint = false} : vector<4x128xbf16>, vector<128x128xbf16>, vector<4x128xf32> -> vector<4x128xf32>
    %swap3A_2231 = arith.constant 27 : index
    %swap3A_2232 = arith.constant 0 : index
    %swap3A_2233 = arith.constant 0 : index
    %swap3A_2234 = vector.load %arg4[%swap3A_2231, %swap3A_2232, %swap3A_2233] : memref<64x4x128xf32, #tpu.memory_space<vmem>>, vector<1x4x128xf32>
    %swap3A_2235 = vector.shape_cast %swap3A_2234 : vector<1x4x128xf32> to vector<4x128xf32>
    %swap3A_2236 = vector.shape_cast %dot_general3A_2230 : vector<4x128xf32> to vector<1x4x128xf32>
    tpu.vector_store %arg4[%swap3A_2231, %swap3A_2232, %swap3A_2233], %swap3A_2236 {strides = array<i32>} : memref<64x4x128xf32, #tpu.memory_space<vmem>>, vector<1x4x128xf32>,
    %get3A_2237 = arith.constant 28 : index
    %get3A_2238 = arith.constant 0 : index
    %get3A_2239 = arith.constant 0 : index
    %get3A_2240 = vector.load %arg3[%get3A_2237, %get3A_2238, %get3A_2239] : memref<64x128x128xf32, #tpu.memory_space<vmem>>, vector<1x128x128xf32>
    %get3A_2241 = vector.shape_cast %get3A_2240 : vector<1x128x128xf32> to vector<128x128xf32>
    %convert_element_type3A_2242 = arith.truncf %get3A_2241 : vector<128x128xf32> to vector<128x128xbf16>
    %dot_general3A_2243 = arith.constant dense<0.000000e+00> : vector<4x128xf32>
    %dot_general3A_2244 = tpu.matmul %convert_element_type3A_1425, %convert_element_type3A_2242, %dot_general3A_2243 {dimension_numbers = #tpu.dot_dimension_numbers<[1], [0], [0], [1], [0, 0, 1, 1], [], []>, transpose_lhs_hint = false} : vector<4x128xbf16>, vector<128x128xbf16>, vector<4x128xf32> -> vector<4x128xf32>
    %swap3A_2245 = arith.constant 28 : index
    %swap3A_2246 = arith.constant 0 : index
    %swap3A_2247 = arith.constant 0 : index
    %swap3A_2248 = vector.load %arg4[%swap3A_2245, %swap3A_2246, %swap3A_2247] : memref<64x4x128xf32, #tpu.memory_space<vmem>>, vector<1x4x128xf32>
    %swap3A_2249 = vector.shape_cast %swap3A_2248 : vector<1x4x128xf32> to vector<4x128xf32>
    %swap3A_2250 = vector.shape_cast %dot_general3A_2244 : vector<4x128xf32> to vector<1x4x128xf32>
    tpu.vector_store %arg4[%swap3A_2245, %swap3A_2246, %swap3A_2247], %swap3A_2250 {strides = array<i32>} : memref<64x4x128xf32, #tpu.memory_space<vmem>>, vector<1x4x128xf32>,
    %get3A_2251 = arith.constant 29 : index
    %get3A_2252 = arith.constant 0 : index
    %get3A_2253 = arith.constant 0 : index
    %get3A_2254 = vector.load %arg3[%get3A_2251, %get3A_2252, %get3A_2253] : memref<64x128x128xf32, #tpu.memory_space<vmem>>, vector<1x128x128xf32>
    %get3A_2255 = vector.shape_cast %get3A_2254 : vector<1x128x128xf32> to vector<128x128xf32>
    %convert_element_type3A_2256 = arith.truncf %get3A_2255 : vector<128x128xf32> to vector<128x128xbf16>
    %dot_general3A_2257 = arith.constant dense<0.000000e+00> : vector<4x128xf32>
    %dot_general3A_2258 = tpu.matmul %convert_element_type3A_1437, %convert_element_type3A_2256, %dot_general3A_2257 {dimension_numbers = #tpu.dot_dimension_numbers<[1], [0], [0], [1], [0, 0, 1, 1], [], []>, transpose_lhs_hint = false} : vector<4x128xbf16>, vector<128x128xbf16>, vector<4x128xf32> -> vector<4x128xf32>
    %swap3A_2259 = arith.constant 29 : index
    %swap3A_2260 = arith.constant 0 : index
    %swap3A_2261 = arith.constant 0 : index
    %swap3A_2262 = vector.load %arg4[%swap3A_2259, %swap3A_2260, %swap3A_2261] : memref<64x4x128xf32, #tpu.memory_space<vmem>>, vector<1x4x128xf32>
    %swap3A_2263 = vector.shape_cast %swap3A_2262 : vector<1x4x128xf32> to vector<4x128xf32>
    %swap3A_2264 = vector.shape_cast %dot_general3A_2258 : vector<4x128xf32> to vector<1x4x128xf32>
    tpu.vector_store %arg4[%swap3A_2259, %swap3A_2260, %swap3A_2261], %swap3A_2264 {strides = array<i32>} : memref<64x4x128xf32, #tpu.memory_space<vmem>>, vector<1x4x128xf32>,
    %get3A_2265 = arith.constant 30 : index
    %get3A_2266 = arith.constant 0 : index
    %get3A_2267 = arith.constant 0 : index
    %get3A_2268 = vector.load %arg3[%get3A_2265, %get3A_2266, %get3A_2267] : memref<64x128x128xf32, #tpu.memory_space<vmem>>, vector<1x128x128xf32>
    %get3A_2269 = vector.shape_cast %get3A_2268 : vector<1x128x128xf32> to vector<128x128xf32>
    %convert_element_type3A_2270 = arith.truncf %get3A_2269 : vector<128x128xf32> to vector<128x128xbf16>
    %dot_general3A_2271 = arith.constant dense<0.000000e+00> : vector<4x128xf32>
    %dot_general3A_2272 = tpu.matmul %convert_element_type3A_1449, %convert_element_type3A_2270, %dot_general3A_2271 {dimension_numbers = #tpu.dot_dimension_numbers<[1], [0], [0], [1], [0, 0, 1, 1], [], []>, transpose_lhs_hint = false} : vector<4x128xbf16>, vector<128x128xbf16>, vector<4x128xf32> -> vector<4x128xf32>
    %swap3A_2273 = arith.constant 30 : index
    %swap3A_2274 = arith.constant 0 : index
    %swap3A_2275 = arith.constant 0 : index
    %swap3A_2276 = vector.load %arg4[%swap3A_2273, %swap3A_2274, %swap3A_2275] : memref<64x4x128xf32, #tpu.memory_space<vmem>>, vector<1x4x128xf32>
    %swap3A_2277 = vector.shape_cast %swap3A_2276 : vector<1x4x128xf32> to vector<4x128xf32>
    %swap3A_2278 = vector.shape_cast %dot_general3A_2272 : vector<4x128xf32> to vector<1x4x128xf32>
    tpu.vector_store %arg4[%swap3A_2273, %swap3A_2274, %swap3A_2275], %swap3A_2278 {strides = array<i32>} : memref<64x4x128xf32, #tpu.memory_space<vmem>>, vector<1x4x128xf32>,
    %get3A_2279 = arith.constant 31 : index
    %get3A_2280 = arith.constant 0 : index
    %get3A_2281 = arith.constant 0 : index
    %get3A_2282 = vector.load %arg3[%get3A_2279, %get3A_2280, %get3A_2281] : memref<64x128x128xf32, #tpu.memory_space<vmem>>, vector<1x128x128xf32>
    %get3A_2283 = vector.shape_cast %get3A_2282 : vector<1x128x128xf32> to vector<128x128xf32>
    %convert_element_type3A_2284 = arith.truncf %get3A_2283 : vector<128x128xf32> to vector<128x128xbf16>
    %dot_general3A_2285 = arith.constant dense<0.000000e+00> : vector<4x128xf32>
    %dot_general3A_2286 = tpu.matmul %convert_element_type3A_1461, %convert_element_type3A_2284, %dot_general3A_2285 {dimension_numbers = #tpu.dot_dimension_numbers<[1], [0], [0], [1], [0, 0, 1, 1], [], []>, transpose_lhs_hint = false} : vector<4x128xbf16>, vector<128x128xbf16>, vector<4x128xf32> -> vector<4x128xf32>
    %swap3A_2287 = arith.constant 31 : index
    %swap3A_2288 = arith.constant 0 : index
    %swap3A_2289 = arith.constant 0 : index
    %swap3A_2290 = vector.load %arg4[%swap3A_2287, %swap3A_2288, %swap3A_2289] : memref<64x4x128xf32, #tpu.memory_space<vmem>>, vector<1x4x128xf32>
    %swap3A_2291 = vector.shape_cast %swap3A_2290 : vector<1x4x128xf32> to vector<4x128xf32>
    %swap3A_2292 = vector.shape_cast %dot_general3A_2286 : vector<4x128xf32> to vector<1x4x128xf32>
    tpu.vector_store %arg4[%swap3A_2287, %swap3A_2288, %swap3A_2289], %swap3A_2292 {strides = array<i32>} : memref<64x4x128xf32, #tpu.memory_space<vmem>>, vector<1x4x128xf32>,
    %get3A_2293 = arith.constant 32 : index
    %get3A_2294 = arith.constant 0 : index
    %get3A_2295 = arith.constant 0 : index
    %get3A_2296 = vector.load %arg3[%get3A_2293, %get3A_2294, %get3A_2295] : memref<64x128x128xf32, #tpu.memory_space<vmem>>, vector<1x128x128xf32>
    %get3A_2297 = vector.shape_cast %get3A_2296 : vector<1x128x128xf32> to vector<128x128xf32>
    %convert_element_type3A_2298 = arith.truncf %get3A_2297 : vector<128x128xf32> to vector<128x128xbf16>
    %dot_general3A_2299 = arith.constant dense<0.000000e+00> : vector<4x128xf32>
    %dot_general3A_2300 = tpu.matmul %convert_element_type3A_1473, %convert_element_type3A_2298, %dot_general3A_2299 {dimension_numbers = #tpu.dot_dimension_numbers<[1], [0], [0], [1], [0, 0, 1, 1], [], []>, transpose_lhs_hint = false} : vector<4x128xbf16>, vector<128x128xbf16>, vector<4x128xf32> -> vector<4x128xf32>
    %swap3A_2301 = arith.constant 32 : index
    %swap3A_2302 = arith.constant 0 : index
    %swap3A_2303 = arith.constant 0 : index
    %swap3A_2304 = vector.load %arg4[%swap3A_2301, %swap3A_2302, %swap3A_2303] : memref<64x4x128xf32, #tpu.memory_space<vmem>>, vector<1x4x128xf32>
    %swap3A_2305 = vector.shape_cast %swap3A_2304 : vector<1x4x128xf32> to vector<4x128xf32>
    %swap3A_2306 = vector.shape_cast %dot_general3A_2300 : vector<4x128xf32> to vector<1x4x128xf32>
    tpu.vector_store %arg4[%swap3A_2301, %swap3A_2302, %swap3A_2303], %swap3A_2306 {strides = array<i32>} : memref<64x4x128xf32, #tpu.memory_space<vmem>>, vector<1x4x128xf32>,
    %get3A_2307 = arith.constant 33 : index
    %get3A_2308 = arith.constant 0 : index
    %get3A_2309 = arith.constant 0 : index
    %get3A_2310 = vector.load %arg3[%get3A_2307, %get3A_2308, %get3A_2309] : memref<64x128x128xf32, #tpu.memory_space<vmem>>, vector<1x128x128xf32>
    %get3A_2311 = vector.shape_cast %get3A_2310 : vector<1x128x128xf32> to vector<128x128xf32>
    %convert_element_type3A_2312 = arith.truncf %get3A_2311 : vector<128x128xf32> to vector<128x128xbf16>
    %dot_general3A_2313 = arith.constant dense<0.000000e+00> : vector<4x128xf32>
    %dot_general3A_2314 = tpu.matmul %convert_element_type3A_1485, %convert_element_type3A_2312, %dot_general3A_2313 {dimension_numbers = #tpu.dot_dimension_numbers<[1], [0], [0], [1], [0, 0, 1, 1], [], []>, transpose_lhs_hint = false} : vector<4x128xbf16>, vector<128x128xbf16>, vector<4x128xf32> -> vector<4x128xf32>
    %swap3A_2315 = arith.constant 33 : index
    %swap3A_2316 = arith.constant 0 : index
    %swap3A_2317 = arith.constant 0 : index
    %swap3A_2318 = vector.load %arg4[%swap3A_2315, %swap3A_2316, %swap3A_2317] : memref<64x4x128xf32, #tpu.memory_space<vmem>>, vector<1x4x128xf32>
    %swap3A_2319 = vector.shape_cast %swap3A_2318 : vector<1x4x128xf32> to vector<4x128xf32>
    %swap3A_2320 = vector.shape_cast %dot_general3A_2314 : vector<4x128xf32> to vector<1x4x128xf32>
    tpu.vector_store %arg4[%swap3A_2315, %swap3A_2316, %swap3A_2317], %swap3A_2320 {strides = array<i32>} : memref<64x4x128xf32, #tpu.memory_space<vmem>>, vector<1x4x128xf32>,
    %get3A_2321 = arith.constant 34 : index
    %get3A_2322 = arith.constant 0 : index
    %get3A_2323 = arith.constant 0 : index
    %get3A_2324 = vector.load %arg3[%get3A_2321, %get3A_2322, %get3A_2323] : memref<64x128x128xf32, #tpu.memory_space<vmem>>, vector<1x128x128xf32>
    %get3A_2325 = vector.shape_cast %get3A_2324 : vector<1x128x128xf32> to vector<128x128xf32>
    %convert_element_type3A_2326 = arith.truncf %get3A_2325 : vector<128x128xf32> to vector<128x128xbf16>
    %dot_general3A_2327 = arith.constant dense<0.000000e+00> : vector<4x128xf32>
    %dot_general3A_2328 = tpu.matmul %convert_element_type3A_1497, %convert_element_type3A_2326, %dot_general3A_2327 {dimension_numbers = #tpu.dot_dimension_numbers<[1], [0], [0], [1], [0, 0, 1, 1], [], []>, transpose_lhs_hint = false} : vector<4x128xbf16>, vector<128x128xbf16>, vector<4x128xf32> -> vector<4x128xf32>
    %swap3A_2329 = arith.constant 34 : index
    %swap3A_2330 = arith.constant 0 : index
    %swap3A_2331 = arith.constant 0 : index
    %swap3A_2332 = vector.load %arg4[%swap3A_2329, %swap3A_2330, %swap3A_2331] : memref<64x4x128xf32, #tpu.memory_space<vmem>>, vector<1x4x128xf32>
    %swap3A_2333 = vector.shape_cast %swap3A_2332 : vector<1x4x128xf32> to vector<4x128xf32>
    %swap3A_2334 = vector.shape_cast %dot_general3A_2328 : vector<4x128xf32> to vector<1x4x128xf32>
    tpu.vector_store %arg4[%swap3A_2329, %swap3A_2330, %swap3A_2331], %swap3A_2334 {strides = array<i32>} : memref<64x4x128xf32, #tpu.memory_space<vmem>>, vector<1x4x128xf32>,
    %get3A_2335 = arith.constant 35 : index
    %get3A_2336 = arith.constant 0 : index
    %get3A_2337 = arith.constant 0 : index
    %get3A_2338 = vector.load %arg3[%get3A_2335, %get3A_2336, %get3A_2337] : memref<64x128x128xf32, #tpu.memory_space<vmem>>, vector<1x128x128xf32>
    %get3A_2339 = vector.shape_cast %get3A_2338 : vector<1x128x128xf32> to vector<128x128xf32>
    %convert_element_type3A_2340 = arith.truncf %get3A_2339 : vector<128x128xf32> to vector<128x128xbf16>
    %dot_general3A_2341 = arith.constant dense<0.000000e+00> : vector<4x128xf32>
    %dot_general3A_2342 = tpu.matmul %convert_element_type3A_1509, %convert_element_type3A_2340, %dot_general3A_2341 {dimension_numbers = #tpu.dot_dimension_numbers<[1], [0], [0], [1], [0, 0, 1, 1], [], []>, transpose_lhs_hint = false} : vector<4x128xbf16>, vector<128x128xbf16>, vector<4x128xf32> -> vector<4x128xf32>
    %swap3A_2343 = arith.constant 35 : index
    %swap3A_2344 = arith.constant 0 : index
    %swap3A_2345 = arith.constant 0 : index
    %swap3A_2346 = vector.load %arg4[%swap3A_2343, %swap3A_2344, %swap3A_2345] : memref<64x4x128xf32, #tpu.memory_space<vmem>>, vector<1x4x128xf32>
    %swap3A_2347 = vector.shape_cast %swap3A_2346 : vector<1x4x128xf32> to vector<4x128xf32>
    %swap3A_2348 = vector.shape_cast %dot_general3A_2342 : vector<4x128xf32> to vector<1x4x128xf32>
    tpu.vector_store %arg4[%swap3A_2343, %swap3A_2344, %swap3A_2345], %swap3A_2348 {strides = array<i32>} : memref<64x4x128xf32, #tpu.memory_space<vmem>>, vector<1x4x128xf32>,
    %get3A_2349 = arith.constant 36 : index
    %get3A_2350 = arith.constant 0 : index
    %get3A_2351 = arith.constant 0 : index
    %get3A_2352 = vector.load %arg3[%get3A_2349, %get3A_2350, %get3A_2351] : memref<64x128x128xf32, #tpu.memory_space<vmem>>, vector<1x128x128xf32>
    %get3A_2353 = vector.shape_cast %get3A_2352 : vector<1x128x128xf32> to vector<128x128xf32>
    %convert_element_type3A_2354 = arith.truncf %get3A_2353 : vector<128x128xf32> to vector<128x128xbf16>
    %dot_general3A_2355 = arith.constant dense<0.000000e+00> : vector<4x128xf32>
    %dot_general3A_2356 = tpu.matmul %convert_element_type3A_1521, %convert_element_type3A_2354, %dot_general3A_2355 {dimension_numbers = #tpu.dot_dimension_numbers<[1], [0], [0], [1], [0, 0, 1, 1], [], []>, transpose_lhs_hint = false} : vector<4x128xbf16>, vector<128x128xbf16>, vector<4x128xf32> -> vector<4x128xf32>
    %swap3A_2357 = arith.constant 36 : index
    %swap3A_2358 = arith.constant 0 : index
    %swap3A_2359 = arith.constant 0 : index
    %swap3A_2360 = vector.load %arg4[%swap3A_2357, %swap3A_2358, %swap3A_2359] : memref<64x4x128xf32, #tpu.memory_space<vmem>>, vector<1x4x128xf32>
    %swap3A_2361 = vector.shape_cast %swap3A_2360 : vector<1x4x128xf32> to vector<4x128xf32>
    %swap3A_2362 = vector.shape_cast %dot_general3A_2356 : vector<4x128xf32> to vector<1x4x128xf32>
    tpu.vector_store %arg4[%swap3A_2357, %swap3A_2358, %swap3A_2359], %swap3A_2362 {strides = array<i32>} : memref<64x4x128xf32, #tpu.memory_space<vmem>>, vector<1x4x128xf32>,
    %get3A_2363 = arith.constant 37 : index
    %get3A_2364 = arith.constant 0 : index
    %get3A_2365 = arith.constant 0 : index
    %get3A_2366 = vector.load %arg3[%get3A_2363, %get3A_2364, %get3A_2365] : memref<64x128x128xf32, #tpu.memory_space<vmem>>, vector<1x128x128xf32>
    %get3A_2367 = vector.shape_cast %get3A_2366 : vector<1x128x128xf32> to vector<128x128xf32>
    %convert_element_type3A_2368 = arith.truncf %get3A_2367 : vector<128x128xf32> to vector<128x128xbf16>
    %dot_general3A_2369 = arith.constant dense<0.000000e+00> : vector<4x128xf32>
    %dot_general3A_2370 = tpu.matmul %convert_element_type3A_1533, %convert_element_type3A_2368, %dot_general3A_2369 {dimension_numbers = #tpu.dot_dimension_numbers<[1], [0], [0], [1], [0, 0, 1, 1], [], []>, transpose_lhs_hint = false} : vector<4x128xbf16>, vector<128x128xbf16>, vector<4x128xf32> -> vector<4x128xf32>
    %swap3A_2371 = arith.constant 37 : index
    %swap3A_2372 = arith.constant 0 : index
    %swap3A_2373 = arith.constant 0 : index
    %swap3A_2374 = vector.load %arg4[%swap3A_2371, %swap3A_2372, %swap3A_2373] : memref<64x4x128xf32, #tpu.memory_space<vmem>>, vector<1x4x128xf32>
    %swap3A_2375 = vector.shape_cast %swap3A_2374 : vector<1x4x128xf32> to vector<4x128xf32>
    %swap3A_2376 = vector.shape_cast %dot_general3A_2370 : vector<4x128xf32> to vector<1x4x128xf32>
    tpu.vector_store %arg4[%swap3A_2371, %swap3A_2372, %swap3A_2373], %swap3A_2376 {strides = array<i32>} : memref<64x4x128xf32, #tpu.memory_space<vmem>>, vector<1x4x128xf32>,
    %get3A_2377 = arith.constant 38 : index
    %get3A_2378 = arith.constant 0 : index
    %get3A_2379 = arith.constant 0 : index
    %get3A_2380 = vector.load %arg3[%get3A_2377, %get3A_2378, %get3A_2379] : memref<64x128x128xf32, #tpu.memory_space<vmem>>, vector<1x128x128xf32>
    %get3A_2381 = vector.shape_cast %get3A_2380 : vector<1x128x128xf32> to vector<128x128xf32>
    %convert_element_type3A_2382 = arith.truncf %get3A_2381 : vector<128x128xf32> to vector<128x128xbf16>
    %dot_general3A_2383 = arith.constant dense<0.000000e+00> : vector<4x128xf32>
    %dot_general3A_2384 = tpu.matmul %convert_element_type3A_1545, %convert_element_type3A_2382, %dot_general3A_2383 {dimension_numbers = #tpu.dot_dimension_numbers<[1], [0], [0], [1], [0, 0, 1, 1], [], []>, transpose_lhs_hint = false} : vector<4x128xbf16>, vector<128x128xbf16>, vector<4x128xf32> -> vector<4x128xf32>
    %swap3A_2385 = arith.constant 38 : index
    %swap3A_2386 = arith.constant 0 : index
    %swap3A_2387 = arith.constant 0 : index
    %swap3A_2388 = vector.load %arg4[%swap3A_2385, %swap3A_2386, %swap3A_2387] : memref<64x4x128xf32, #tpu.memory_space<vmem>>, vector<1x4x128xf32>
    %swap3A_2389 = vector.shape_cast %swap3A_2388 : vector<1x4x128xf32> to vector<4x128xf32>
    %swap3A_2390 = vector.shape_cast %dot_general3A_2384 : vector<4x128xf32> to vector<1x4x128xf32>
    tpu.vector_store %arg4[%swap3A_2385, %swap3A_2386, %swap3A_2387], %swap3A_2390 {strides = array<i32>} : memref<64x4x128xf32, #tpu.memory_space<vmem>>, vector<1x4x128xf32>,
    %get3A_2391 = arith.constant 39 : index
    %get3A_2392 = arith.constant 0 : index
    %get3A_2393 = arith.constant 0 : index
    %get3A_2394 = vector.load %arg3[%get3A_2391, %get3A_2392, %get3A_2393] : memref<64x128x128xf32, #tpu.memory_space<vmem>>, vector<1x128x128xf32>
    %get3A_2395 = vector.shape_cast %get3A_2394 : vector<1x128x128xf32> to vector<128x128xf32>
    %convert_element_type3A_2396 = arith.truncf %get3A_2395 : vector<128x128xf32> to vector<128x128xbf16>
    %dot_general3A_2397 = arith.constant dense<0.000000e+00> : vector<4x128xf32>
    %dot_general3A_2398 = tpu.matmul %convert_element_type3A_1557, %convert_element_type3A_2396, %dot_general3A_2397 {dimension_numbers = #tpu.dot_dimension_numbers<[1], [0], [0], [1], [0, 0, 1, 1], [], []>, transpose_lhs_hint = false} : vector<4x128xbf16>, vector<128x128xbf16>, vector<4x128xf32> -> vector<4x128xf32>
    %swap3A_2399 = arith.constant 39 : index
    %swap3A_2400 = arith.constant 0 : index
    %swap3A_2401 = arith.constant 0 : index
    %swap3A_2402 = vector.load %arg4[%swap3A_2399, %swap3A_2400, %swap3A_2401] : memref<64x4x128xf32, #tpu.memory_space<vmem>>, vector<1x4x128xf32>
    %swap3A_2403 = vector.shape_cast %swap3A_2402 : vector<1x4x128xf32> to vector<4x128xf32>
    %swap3A_2404 = vector.shape_cast %dot_general3A_2398 : vector<4x128xf32> to vector<1x4x128xf32>
    tpu.vector_store %arg4[%swap3A_2399, %swap3A_2400, %swap3A_2401], %swap3A_2404 {strides = array<i32>} : memref<64x4x128xf32, #tpu.memory_space<vmem>>, vector<1x4x128xf32>,
    %get3A_2405 = arith.constant 40 : index
    %get3A_2406 = arith.constant 0 : index
    %get3A_2407 = arith.constant 0 : index
    %get3A_2408 = vector.load %arg3[%get3A_2405, %get3A_2406, %get3A_2407] : memref<64x128x128xf32, #tpu.memory_space<vmem>>, vector<1x128x128xf32>
    %get3A_2409 = vector.shape_cast %get3A_2408 : vector<1x128x128xf32> to vector<128x128xf32>
    %convert_element_type3A_2410 = arith.truncf %get3A_2409 : vector<128x128xf32> to vector<128x128xbf16>
    %dot_general3A_2411 = arith.constant dense<0.000000e+00> : vector<4x128xf32>
    %dot_general3A_2412 = tpu.matmul %convert_element_type3A_1569, %convert_element_type3A_2410, %dot_general3A_2411 {dimension_numbers = #tpu.dot_dimension_numbers<[1], [0], [0], [1], [0, 0, 1, 1], [], []>, transpose_lhs_hint = false} : vector<4x128xbf16>, vector<128x128xbf16>, vector<4x128xf32> -> vector<4x128xf32>
    %swap3A_2413 = arith.constant 40 : index
    %swap3A_2414 = arith.constant 0 : index
    %swap3A_2415 = arith.constant 0 : index
    %swap3A_2416 = vector.load %arg4[%swap3A_2413, %swap3A_2414, %swap3A_2415] : memref<64x4x128xf32, #tpu.memory_space<vmem>>, vector<1x4x128xf32>
    %swap3A_2417 = vector.shape_cast %swap3A_2416 : vector<1x4x128xf32> to vector<4x128xf32>
    %swap3A_2418 = vector.shape_cast %dot_general3A_2412 : vector<4x128xf32> to vector<1x4x128xf32>
    tpu.vector_store %arg4[%swap3A_2413, %swap3A_2414, %swap3A_2415], %swap3A_2418 {strides = array<i32>} : memref<64x4x128xf32, #tpu.memory_space<vmem>>, vector<1x4x128xf32>,
    %get3A_2419 = arith.constant 41 : index
    %get3A_2420 = arith.constant 0 : index
    %get3A_2421 = arith.constant 0 : index
    %get3A_2422 = vector.load %arg3[%get3A_2419, %get3A_2420, %get3A_2421] : memref<64x128x128xf32, #tpu.memory_space<vmem>>, vector<1x128x128xf32>
    %get3A_2423 = vector.shape_cast %get3A_2422 : vector<1x128x128xf32> to vector<128x128xf32>
    %convert_element_type3A_2424 = arith.truncf %get3A_2423 : vector<128x128xf32> to vector<128x128xbf16>
    %dot_general3A_2425 = arith.constant dense<0.000000e+00> : vector<4x128xf32>
    %dot_general3A_2426 = tpu.matmul %convert_element_type3A_1581, %convert_element_type3A_2424, %dot_general3A_2425 {dimension_numbers = #tpu.dot_dimension_numbers<[1], [0], [0], [1], [0, 0, 1, 1], [], []>, transpose_lhs_hint = false} : vector<4x128xbf16>, vector<128x128xbf16>, vector<4x128xf32> -> vector<4x128xf32>
    %swap3A_2427 = arith.constant 41 : index
    %swap3A_2428 = arith.constant 0 : index
    %swap3A_2429 = arith.constant 0 : index
    %swap3A_2430 = vector.load %arg4[%swap3A_2427, %swap3A_2428, %swap3A_2429] : memref<64x4x128xf32, #tpu.memory_space<vmem>>, vector<1x4x128xf32>
    %swap3A_2431 = vector.shape_cast %swap3A_2430 : vector<1x4x128xf32> to vector<4x128xf32>
    %swap3A_2432 = vector.shape_cast %dot_general3A_2426 : vector<4x128xf32> to vector<1x4x128xf32>
    tpu.vector_store %arg4[%swap3A_2427, %swap3A_2428, %swap3A_2429], %swap3A_2432 {strides = array<i32>} : memref<64x4x128xf32, #tpu.memory_space<vmem>>, vector<1x4x128xf32>,
    %get3A_2433 = arith.constant 42 : index
    %get3A_2434 = arith.constant 0 : index
    %get3A_2435 = arith.constant 0 : index
    %get3A_2436 = vector.load %arg3[%get3A_2433, %get3A_2434, %get3A_2435] : memref<64x128x128xf32, #tpu.memory_space<vmem>>, vector<1x128x128xf32>
    %get3A_2437 = vector.shape_cast %get3A_2436 : vector<1x128x128xf32> to vector<128x128xf32>
    %convert_element_type3A_2438 = arith.truncf %get3A_2437 : vector<128x128xf32> to vector<128x128xbf16>
    %dot_general3A_2439 = arith.constant dense<0.000000e+00> : vector<4x128xf32>
    %dot_general3A_2440 = tpu.matmul %convert_element_type3A_1593, %convert_element_type3A_2438, %dot_general3A_2439 {dimension_numbers = #tpu.dot_dimension_numbers<[1], [0], [0], [1], [0, 0, 1, 1], [], []>, transpose_lhs_hint = false} : vector<4x128xbf16>, vector<128x128xbf16>, vector<4x128xf32> -> vector<4x128xf32>
    %swap3A_2441 = arith.constant 42 : index
    %swap3A_2442 = arith.constant 0 : index
    %swap3A_2443 = arith.constant 0 : index
    %swap3A_2444 = vector.load %arg4[%swap3A_2441, %swap3A_2442, %swap3A_2443] : memref<64x4x128xf32, #tpu.memory_space<vmem>>, vector<1x4x128xf32>
    %swap3A_2445 = vector.shape_cast %swap3A_2444 : vector<1x4x128xf32> to vector<4x128xf32>
    %swap3A_2446 = vector.shape_cast %dot_general3A_2440 : vector<4x128xf32> to vector<1x4x128xf32>
    tpu.vector_store %arg4[%swap3A_2441, %swap3A_2442, %swap3A_2443], %swap3A_2446 {strides = array<i32>} : memref<64x4x128xf32, #tpu.memory_space<vmem>>, vector<1x4x128xf32>,
    %get3A_2447 = arith.constant 43 : index
    %get3A_2448 = arith.constant 0 : index
    %get3A_2449 = arith.constant 0 : index
    %get3A_2450 = vector.load %arg3[%get3A_2447, %get3A_2448, %get3A_2449] : memref<64x128x128xf32, #tpu.memory_space<vmem>>, vector<1x128x128xf32>
    %get3A_2451 = vector.shape_cast %get3A_2450 : vector<1x128x128xf32> to vector<128x128xf32>
    %convert_element_type3A_2452 = arith.truncf %get3A_2451 : vector<128x128xf32> to vector<128x128xbf16>
    %dot_general3A_2453 = arith.constant dense<0.000000e+00> : vector<4x128xf32>
    %dot_general3A_2454 = tpu.matmul %convert_element_type3A_1605, %convert_element_type3A_2452, %dot_general3A_2453 {dimension_numbers = #tpu.dot_dimension_numbers<[1], [0], [0], [1], [0, 0, 1, 1], [], []>, transpose_lhs_hint = false} : vector<4x128xbf16>, vector<128x128xbf16>, vector<4x128xf32> -> vector<4x128xf32>
    %swap3A_2455 = arith.constant 43 : index
    %swap3A_2456 = arith.constant 0 : index
    %swap3A_2457 = arith.constant 0 : index
    %swap3A_2458 = vector.load %arg4[%swap3A_2455, %swap3A_2456, %swap3A_2457] : memref<64x4x128xf32, #tpu.memory_space<vmem>>, vector<1x4x128xf32>
    %swap3A_2459 = vector.shape_cast %swap3A_2458 : vector<1x4x128xf32> to vector<4x128xf32>
    %swap3A_2460 = vector.shape_cast %dot_general3A_2454 : vector<4x128xf32> to vector<1x4x128xf32>
    tpu.vector_store %arg4[%swap3A_2455, %swap3A_2456, %swap3A_2457], %swap3A_2460 {strides = array<i32>} : memref<64x4x128xf32, #tpu.memory_space<vmem>>, vector<1x4x128xf32>,
    %get3A_2461 = arith.constant 44 : index
    %get3A_2462 = arith.constant 0 : index
    %get3A_2463 = arith.constant 0 : index
    %get3A_2464 = vector.load %arg3[%get3A_2461, %get3A_2462, %get3A_2463] : memref<64x128x128xf32, #tpu.memory_space<vmem>>, vector<1x128x128xf32>
    %get3A_2465 = vector.shape_cast %get3A_2464 : vector<1x128x128xf32> to vector<128x128xf32>
    %convert_element_type3A_2466 = arith.truncf %get3A_2465 : vector<128x128xf32> to vector<128x128xbf16>
    %dot_general3A_2467 = arith.constant dense<0.000000e+00> : vector<4x128xf32>
    %dot_general3A_2468 = tpu.matmul %convert_element_type3A_1617, %convert_element_type3A_2466, %dot_general3A_2467 {dimension_numbers = #tpu.dot_dimension_numbers<[1], [0], [0], [1], [0, 0, 1, 1], [], []>, transpose_lhs_hint = false} : vector<4x128xbf16>, vector<128x128xbf16>, vector<4x128xf32> -> vector<4x128xf32>
    %swap3A_2469 = arith.constant 44 : index
    %swap3A_2470 = arith.constant 0 : index
    %swap3A_2471 = arith.constant 0 : index
    %swap3A_2472 = vector.load %arg4[%swap3A_2469, %swap3A_2470, %swap3A_2471] : memref<64x4x128xf32, #tpu.memory_space<vmem>>, vector<1x4x128xf32>
    %swap3A_2473 = vector.shape_cast %swap3A_2472 : vector<1x4x128xf32> to vector<4x128xf32>
    %swap3A_2474 = vector.shape_cast %dot_general3A_2468 : vector<4x128xf32> to vector<1x4x128xf32>
    tpu.vector_store %arg4[%swap3A_2469, %swap3A_2470, %swap3A_2471], %swap3A_2474 {strides = array<i32>} : memref<64x4x128xf32, #tpu.memory_space<vmem>>, vector<1x4x128xf32>,
    %get3A_2475 = arith.constant 45 : index
    %get3A_2476 = arith.constant 0 : index
    %get3A_2477 = arith.constant 0 : index
    %get3A_2478 = vector.load %arg3[%get3A_2475, %get3A_2476, %get3A_2477] : memref<64x128x128xf32, #tpu.memory_space<vmem>>, vector<1x128x128xf32>
    %get3A_2479 = vector.shape_cast %get3A_2478 : vector<1x128x128xf32> to vector<128x128xf32>
    %convert_element_type3A_2480 = arith.truncf %get3A_2479 : vector<128x128xf32> to vector<128x128xbf16>
    %dot_general3A_2481 = arith.constant dense<0.000000e+00> : vector<4x128xf32>
    %dot_general3A_2482 = tpu.matmul %convert_element_type3A_1629, %convert_element_type3A_2480, %dot_general3A_2481 {dimension_numbers = #tpu.dot_dimension_numbers<[1], [0], [0], [1], [0, 0, 1, 1], [], []>, transpose_lhs_hint = false} : vector<4x128xbf16>, vector<128x128xbf16>, vector<4x128xf32> -> vector<4x128xf32>
    %swap3A_2483 = arith.constant 45 : index
    %swap3A_2484 = arith.constant 0 : index
    %swap3A_2485 = arith.constant 0 : index
    %swap3A_2486 = vector.load %arg4[%swap3A_2483, %swap3A_2484, %swap3A_2485] : memref<64x4x128xf32, #tpu.memory_space<vmem>>, vector<1x4x128xf32>
    %swap3A_2487 = vector.shape_cast %swap3A_2486 : vector<1x4x128xf32> to vector<4x128xf32>
    %swap3A_2488 = vector.shape_cast %dot_general3A_2482 : vector<4x128xf32> to vector<1x4x128xf32>
    tpu.vector_store %arg4[%swap3A_2483, %swap3A_2484, %swap3A_2485], %swap3A_2488 {strides = array<i32>} : memref<64x4x128xf32, #tpu.memory_space<vmem>>, vector<1x4x128xf32>,
    %get3A_2489 = arith.constant 46 : index
    %get3A_2490 = arith.constant 0 : index
    %get3A_2491 = arith.constant 0 : index
    %get3A_2492 = vector.load %arg3[%get3A_2489, %get3A_2490, %get3A_2491] : memref<64x128x128xf32, #tpu.memory_space<vmem>>, vector<1x128x128xf32>
    %get3A_2493 = vector.shape_cast %get3A_2492 : vector<1x128x128xf32> to vector<128x128xf32>
    %convert_element_type3A_2494 = arith.truncf %get3A_2493 : vector<128x128xf32> to vector<128x128xbf16>
    %dot_general3A_2495 = arith.constant dense<0.000000e+00> : vector<4x128xf32>
    %dot_general3A_2496 = tpu.matmul %convert_element_type3A_1641, %convert_element_type3A_2494, %dot_general3A_2495 {dimension_numbers = #tpu.dot_dimension_numbers<[1], [0], [0], [1], [0, 0, 1, 1], [], []>, transpose_lhs_hint = false} : vector<4x128xbf16>, vector<128x128xbf16>, vector<4x128xf32> -> vector<4x128xf32>
    %swap3A_2497 = arith.constant 46 : index
    %swap3A_2498 = arith.constant 0 : index
    %swap3A_2499 = arith.constant 0 : index
    %swap3A_2500 = vector.load %arg4[%swap3A_2497, %swap3A_2498, %swap3A_2499] : memref<64x4x128xf32, #tpu.memory_space<vmem>>, vector<1x4x128xf32>
    %swap3A_2501 = vector.shape_cast %swap3A_2500 : vector<1x4x128xf32> to vector<4x128xf32>
    %swap3A_2502 = vector.shape_cast %dot_general3A_2496 : vector<4x128xf32> to vector<1x4x128xf32>
    tpu.vector_store %arg4[%swap3A_2497, %swap3A_2498, %swap3A_2499], %swap3A_2502 {strides = array<i32>} : memref<64x4x128xf32, #tpu.memory_space<vmem>>, vector<1x4x128xf32>,
    %get3A_2503 = arith.constant 47 : index
    %get3A_2504 = arith.constant 0 : index
    %get3A_2505 = arith.constant 0 : index
    %get3A_2506 = vector.load %arg3[%get3A_2503, %get3A_2504, %get3A_2505] : memref<64x128x128xf32, #tpu.memory_space<vmem>>, vector<1x128x128xf32>
    %get3A_2507 = vector.shape_cast %get3A_2506 : vector<1x128x128xf32> to vector<128x128xf32>
    %convert_element_type3A_2508 = arith.truncf %get3A_2507 : vector<128x128xf32> to vector<128x128xbf16>
    %dot_general3A_2509 = arith.constant dense<0.000000e+00> : vector<4x128xf32>
    %dot_general3A_2510 = tpu.matmul %convert_element_type3A_1653, %convert_element_type3A_2508, %dot_general3A_2509 {dimension_numbers = #tpu.dot_dimension_numbers<[1], [0], [0], [1], [0, 0, 1, 1], [], []>, transpose_lhs_hint = false} : vector<4x128xbf16>, vector<128x128xbf16>, vector<4x128xf32> -> vector<4x128xf32>
    %swap3A_2511 = arith.constant 47 : index
    %swap3A_2512 = arith.constant 0 : index
    %swap3A_2513 = arith.constant 0 : index
    %swap3A_2514 = vector.load %arg4[%swap3A_2511, %swap3A_2512, %swap3A_2513] : memref<64x4x128xf32, #tpu.memory_space<vmem>>, vector<1x4x128xf32>
    %swap3A_2515 = vector.shape_cast %swap3A_2514 : vector<1x4x128xf32> to vector<4x128xf32>
    %swap3A_2516 = vector.shape_cast %dot_general3A_2510 : vector<4x128xf32> to vector<1x4x128xf32>
    tpu.vector_store %arg4[%swap3A_2511, %swap3A_2512, %swap3A_2513], %swap3A_2516 {strides = array<i32>} : memref<64x4x128xf32, #tpu.memory_space<vmem>>, vector<1x4x128xf32>,
    %get3A_2517 = arith.constant 48 : index
    %get3A_2518 = arith.constant 0 : index
    %get3A_2519 = arith.constant 0 : index
    %get3A_2520 = vector.load %arg3[%get3A_2517, %get3A_2518, %get3A_2519] : memref<64x128x128xf32, #tpu.memory_space<vmem>>, vector<1x128x128xf32>
    %get3A_2521 = vector.shape_cast %get3A_2520 : vector<1x128x128xf32> to vector<128x128xf32>
    %convert_element_type3A_2522 = arith.truncf %get3A_2521 : vector<128x128xf32> to vector<128x128xbf16>
    %dot_general3A_2523 = arith.constant dense<0.000000e+00> : vector<4x128xf32>
    %dot_general3A_2524 = tpu.matmul %convert_element_type3A_1665, %convert_element_type3A_2522, %dot_general3A_2523 {dimension_numbers = #tpu.dot_dimension_numbers<[1], [0], [0], [1], [0, 0, 1, 1], [], []>, transpose_lhs_hint = false} : vector<4x128xbf16>, vector<128x128xbf16>, vector<4x128xf32> -> vector<4x128xf32>
    %swap3A_2525 = arith.constant 48 : index
    %swap3A_2526 = arith.constant 0 : index
    %swap3A_2527 = arith.constant 0 : index
    %swap3A_2528 = vector.load %arg4[%swap3A_2525, %swap3A_2526, %swap3A_2527] : memref<64x4x128xf32, #tpu.memory_space<vmem>>, vector<1x4x128xf32>
    %swap3A_2529 = vector.shape_cast %swap3A_2528 : vector<1x4x128xf32> to vector<4x128xf32>
    %swap3A_2530 = vector.shape_cast %dot_general3A_2524 : vector<4x128xf32> to vector<1x4x128xf32>
    tpu.vector_store %arg4[%swap3A_2525, %swap3A_2526, %swap3A_2527], %swap3A_2530 {strides = array<i32>} : memref<64x4x128xf32, #tpu.memory_space<vmem>>, vector<1x4x128xf32>,
    %get3A_2531 = arith.constant 49 : index
    %get3A_2532 = arith.constant 0 : index
    %get3A_2533 = arith.constant 0 : index
    %get3A_2534 = vector.load %arg3[%get3A_2531, %get3A_2532, %get3A_2533] : memref<64x128x128xf32, #tpu.memory_space<vmem>>, vector<1x128x128xf32>
    %get3A_2535 = vector.shape_cast %get3A_2534 : vector<1x128x128xf32> to vector<128x128xf32>
    %convert_element_type3A_2536 = arith.truncf %get3A_2535 : vector<128x128xf32> to vector<128x128xbf16>
    %dot_general3A_2537 = arith.constant dense<0.000000e+00> : vector<4x128xf32>
    %dot_general3A_2538 = tpu.matmul %convert_element_type3A_1677, %convert_element_type3A_2536, %dot_general3A_2537 {dimension_numbers = #tpu.dot_dimension_numbers<[1], [0], [0], [1], [0, 0, 1, 1], [], []>, transpose_lhs_hint = false} : vector<4x128xbf16>, vector<128x128xbf16>, vector<4x128xf32> -> vector<4x128xf32>
    %swap3A_2539 = arith.constant 49 : index
    %swap3A_2540 = arith.constant 0 : index
    %swap3A_2541 = arith.constant 0 : index
    %swap3A_2542 = vector.load %arg4[%swap3A_2539, %swap3A_2540, %swap3A_2541] : memref<64x4x128xf32, #tpu.memory_space<vmem>>, vector<1x4x128xf32>
    %swap3A_2543 = vector.shape_cast %swap3A_2542 : vector<1x4x128xf32> to vector<4x128xf32>
    %swap3A_2544 = vector.shape_cast %dot_general3A_2538 : vector<4x128xf32> to vector<1x4x128xf32>
    tpu.vector_store %arg4[%swap3A_2539, %swap3A_2540, %swap3A_2541], %swap3A_2544 {strides = array<i32>} : memref<64x4x128xf32, #tpu.memory_space<vmem>>, vector<1x4x128xf32>,
    %get3A_2545 = arith.constant 50 : index
    %get3A_2546 = arith.constant 0 : index
    %get3A_2547 = arith.constant 0 : index
    %get3A_2548 = vector.load %arg3[%get3A_2545, %get3A_2546, %get3A_2547] : memref<64x128x128xf32, #tpu.memory_space<vmem>>, vector<1x128x128xf32>
    %get3A_2549 = vector.shape_cast %get3A_2548 : vector<1x128x128xf32> to vector<128x128xf32>
    %convert_element_type3A_2550 = arith.truncf %get3A_2549 : vector<128x128xf32> to vector<128x128xbf16>
    %dot_general3A_2551 = arith.constant dense<0.000000e+00> : vector<4x128xf32>
    %dot_general3A_2552 = tpu.matmul %convert_element_type3A_1689, %convert_element_type3A_2550, %dot_general3A_2551 {dimension_numbers = #tpu.dot_dimension_numbers<[1], [0], [0], [1], [0, 0, 1, 1], [], []>, transpose_lhs_hint = false} : vector<4x128xbf16>, vector<128x128xbf16>, vector<4x128xf32> -> vector<4x128xf32>
    %swap3A_2553 = arith.constant 50 : index
    %swap3A_2554 = arith.constant 0 : index
    %swap3A_2555 = arith.constant 0 : index
    %swap3A_2556 = vector.load %arg4[%swap3A_2553, %swap3A_2554, %swap3A_2555] : memref<64x4x128xf32, #tpu.memory_space<vmem>>, vector<1x4x128xf32>
    %swap3A_2557 = vector.shape_cast %swap3A_2556 : vector<1x4x128xf32> to vector<4x128xf32>
    %swap3A_2558 = vector.shape_cast %dot_general3A_2552 : vector<4x128xf32> to vector<1x4x128xf32>
    tpu.vector_store %arg4[%swap3A_2553, %swap3A_2554, %swap3A_2555], %swap3A_2558 {strides = array<i32>} : memref<64x4x128xf32, #tpu.memory_space<vmem>>, vector<1x4x128xf32>,
    %get3A_2559 = arith.constant 51 : index
    %get3A_2560 = arith.constant 0 : index
    %get3A_2561 = arith.constant 0 : index
    %get3A_2562 = vector.load %arg3[%get3A_2559, %get3A_2560, %get3A_2561] : memref<64x128x128xf32, #tpu.memory_space<vmem>>, vector<1x128x128xf32>
    %get3A_2563 = vector.shape_cast %get3A_2562 : vector<1x128x128xf32> to vector<128x128xf32>
    %convert_element_type3A_2564 = arith.truncf %get3A_2563 : vector<128x128xf32> to vector<128x128xbf16>
    %dot_general3A_2565 = arith.constant dense<0.000000e+00> : vector<4x128xf32>
    %dot_general3A_2566 = tpu.matmul %convert_element_type3A_1701, %convert_element_type3A_2564, %dot_general3A_2565 {dimension_numbers = #tpu.dot_dimension_numbers<[1], [0], [0], [1], [0, 0, 1, 1], [], []>, transpose_lhs_hint = false} : vector<4x128xbf16>, vector<128x128xbf16>, vector<4x128xf32> -> vector<4x128xf32>
    %swap3A_2567 = arith.constant 51 : index
    %swap3A_2568 = arith.constant 0 : index
    %swap3A_2569 = arith.constant 0 : index
    %swap3A_2570 = vector.load %arg4[%swap3A_2567, %swap3A_2568, %swap3A_2569] : memref<64x4x128xf32, #tpu.memory_space<vmem>>, vector<1x4x128xf32>
    %swap3A_2571 = vector.shape_cast %swap3A_2570 : vector<1x4x128xf32> to vector<4x128xf32>
    %swap3A_2572 = vector.shape_cast %dot_general3A_2566 : vector<4x128xf32> to vector<1x4x128xf32>
    tpu.vector_store %arg4[%swap3A_2567, %swap3A_2568, %swap3A_2569], %swap3A_2572 {strides = array<i32>} : memref<64x4x128xf32, #tpu.memory_space<vmem>>, vector<1x4x128xf32>,
    %get3A_2573 = arith.constant 52 : index
    %get3A_2574 = arith.constant 0 : index
    %get3A_2575 = arith.constant 0 : index
    %get3A_2576 = vector.load %arg3[%get3A_2573, %get3A_2574, %get3A_2575] : memref<64x128x128xf32, #tpu.memory_space<vmem>>, vector<1x128x128xf32>
    %get3A_2577 = vector.shape_cast %get3A_2576 : vector<1x128x128xf32> to vector<128x128xf32>
    %convert_element_type3A_2578 = arith.truncf %get3A_2577 : vector<128x128xf32> to vector<128x128xbf16>
    %dot_general3A_2579 = arith.constant dense<0.000000e+00> : vector<4x128xf32>
    %dot_general3A_2580 = tpu.matmul %convert_element_type3A_1713, %convert_element_type3A_2578, %dot_general3A_2579 {dimension_numbers = #tpu.dot_dimension_numbers<[1], [0], [0], [1], [0, 0, 1, 1], [], []>, transpose_lhs_hint = false} : vector<4x128xbf16>, vector<128x128xbf16>, vector<4x128xf32> -> vector<4x128xf32>
    %swap3A_2581 = arith.constant 52 : index
    %swap3A_2582 = arith.constant 0 : index
    %swap3A_2583 = arith.constant 0 : index
    %swap3A_2584 = vector.load %arg4[%swap3A_2581, %swap3A_2582, %swap3A_2583] : memref<64x4x128xf32, #tpu.memory_space<vmem>>, vector<1x4x128xf32>
    %swap3A_2585 = vector.shape_cast %swap3A_2584 : vector<1x4x128xf32> to vector<4x128xf32>
    %swap3A_2586 = vector.shape_cast %dot_general3A_2580 : vector<4x128xf32> to vector<1x4x128xf32>
    tpu.vector_store %arg4[%swap3A_2581, %swap3A_2582, %swap3A_2583], %swap3A_2586 {strides = array<i32>} : memref<64x4x128xf32, #tpu.memory_space<vmem>>, vector<1x4x128xf32>,
    %get3A_2587 = arith.constant 53 : index
    %get3A_2588 = arith.constant 0 : index
    %get3A_2589 = arith.constant 0 : index
    %get3A_2590 = vector.load %arg3[%get3A_2587, %get3A_2588, %get3A_2589] : memref<64x128x128xf32, #tpu.memory_space<vmem>>, vector<1x128x128xf32>
    %get3A_2591 = vector.shape_cast %get3A_2590 : vector<1x128x128xf32> to vector<128x128xf32>
    %convert_element_type3A_2592 = arith.truncf %get3A_2591 : vector<128x128xf32> to vector<128x128xbf16>
    %dot_general3A_2593 = arith.constant dense<0.000000e+00> : vector<4x128xf32>
    %dot_general3A_2594 = tpu.matmul %convert_element_type3A_1725, %convert_element_type3A_2592, %dot_general3A_2593 {dimension_numbers = #tpu.dot_dimension_numbers<[1], [0], [0], [1], [0, 0, 1, 1], [], []>, transpose_lhs_hint = false} : vector<4x128xbf16>, vector<128x128xbf16>, vector<4x128xf32> -> vector<4x128xf32>
    %swap3A_2595 = arith.constant 53 : index
    %swap3A_2596 = arith.constant 0 : index
    %swap3A_2597 = arith.constant 0 : index
    %swap3A_2598 = vector.load %arg4[%swap3A_2595, %swap3A_2596, %swap3A_2597] : memref<64x4x128xf32, #tpu.memory_space<vmem>>, vector<1x4x128xf32>
    %swap3A_2599 = vector.shape_cast %swap3A_2598 : vector<1x4x128xf32> to vector<4x128xf32>
    %swap3A_2600 = vector.shape_cast %dot_general3A_2594 : vector<4x128xf32> to vector<1x4x128xf32>
    tpu.vector_store %arg4[%swap3A_2595, %swap3A_2596, %swap3A_2597], %swap3A_2600 {strides = array<i32>} : memref<64x4x128xf32, #tpu.memory_space<vmem>>, vector<1x4x128xf32>,
    %get3A_2601 = arith.constant 54 : index
    %get3A_2602 = arith.constant 0 : index
    %get3A_2603 = arith.constant 0 : index
    %get3A_2604 = vector.load %arg3[%get3A_2601, %get3A_2602, %get3A_2603] : memref<64x128x128xf32, #tpu.memory_space<vmem>>, vector<1x128x128xf32>
    %get3A_2605 = vector.shape_cast %get3A_2604 : vector<1x128x128xf32> to vector<128x128xf32>
    %convert_element_type3A_2606 = arith.truncf %get3A_2605 : vector<128x128xf32> to vector<128x128xbf16>
    %dot_general3A_2607 = arith.constant dense<0.000000e+00> : vector<4x128xf32>
    %dot_general3A_2608 = tpu.matmul %convert_element_type3A_1737, %convert_element_type3A_2606, %dot_general3A_2607 {dimension_numbers = #tpu.dot_dimension_numbers<[1], [0], [0], [1], [0, 0, 1, 1], [], []>, transpose_lhs_hint = false} : vector<4x128xbf16>, vector<128x128xbf16>, vector<4x128xf32> -> vector<4x128xf32>
    %swap3A_2609 = arith.constant 54 : index
    %swap3A_2610 = arith.constant 0 : index
    %swap3A_2611 = arith.constant 0 : index
    %swap3A_2612 = vector.load %arg4[%swap3A_2609, %swap3A_2610, %swap3A_2611] : memref<64x4x128xf32, #tpu.memory_space<vmem>>, vector<1x4x128xf32>
    %swap3A_2613 = vector.shape_cast %swap3A_2612 : vector<1x4x128xf32> to vector<4x128xf32>
    %swap3A_2614 = vector.shape_cast %dot_general3A_2608 : vector<4x128xf32> to vector<1x4x128xf32>
    tpu.vector_store %arg4[%swap3A_2609, %swap3A_2610, %swap3A_2611], %swap3A_2614 {strides = array<i32>} : memref<64x4x128xf32, #tpu.memory_space<vmem>>, vector<1x4x128xf32>,
    %get3A_2615 = arith.constant 55 : index
    %get3A_2616 = arith.constant 0 : index
    %get3A_2617 = arith.constant 0 : index
    %get3A_2618 = vector.load %arg3[%get3A_2615, %get3A_2616, %get3A_2617] : memref<64x128x128xf32, #tpu.memory_space<vmem>>, vector<1x128x128xf32>
    %get3A_2619 = vector.shape_cast %get3A_2618 : vector<1x128x128xf32> to vector<128x128xf32>
    %convert_element_type3A_2620 = arith.truncf %get3A_2619 : vector<128x128xf32> to vector<128x128xbf16>
    %dot_general3A_2621 = arith.constant dense<0.000000e+00> : vector<4x128xf32>
    %dot_general3A_2622 = tpu.matmul %convert_element_type3A_1749, %convert_element_type3A_2620, %dot_general3A_2621 {dimension_numbers = #tpu.dot_dimension_numbers<[1], [0], [0], [1], [0, 0, 1, 1], [], []>, transpose_lhs_hint = false} : vector<4x128xbf16>, vector<128x128xbf16>, vector<4x128xf32> -> vector<4x128xf32>
    %swap3A_2623 = arith.constant 55 : index
    %swap3A_2624 = arith.constant 0 : index
    %swap3A_2625 = arith.constant 0 : index
    %swap3A_2626 = vector.load %arg4[%swap3A_2623, %swap3A_2624, %swap3A_2625] : memref<64x4x128xf32, #tpu.memory_space<vmem>>, vector<1x4x128xf32>
    %swap3A_2627 = vector.shape_cast %swap3A_2626 : vector<1x4x128xf32> to vector<4x128xf32>
    %swap3A_2628 = vector.shape_cast %dot_general3A_2622 : vector<4x128xf32> to vector<1x4x128xf32>
    tpu.vector_store %arg4[%swap3A_2623, %swap3A_2624, %swap3A_2625], %swap3A_2628 {strides = array<i32>} : memref<64x4x128xf32, #tpu.memory_space<vmem>>, vector<1x4x128xf32>,
    %get3A_2629 = arith.constant 56 : index
    %get3A_2630 = arith.constant 0 : index
    %get3A_2631 = arith.constant 0 : index
    %get3A_2632 = vector.load %arg3[%get3A_2629, %get3A_2630, %get3A_2631] : memref<64x128x128xf32, #tpu.memory_space<vmem>>, vector<1x128x128xf32>
    %get3A_2633 = vector.shape_cast %get3A_2632 : vector<1x128x128xf32> to vector<128x128xf32>
    %convert_element_type3A_2634 = arith.truncf %get3A_2633 : vector<128x128xf32> to vector<128x128xbf16>
    %dot_general3A_2635 = arith.constant dense<0.000000e+00> : vector<4x128xf32>
    %dot_general3A_2636 = tpu.matmul %convert_element_type3A_1761, %convert_element_type3A_2634, %dot_general3A_2635 {dimension_numbers = #tpu.dot_dimension_numbers<[1], [0], [0], [1], [0, 0, 1, 1], [], []>, transpose_lhs_hint = false} : vector<4x128xbf16>, vector<128x128xbf16>, vector<4x128xf32> -> vector<4x128xf32>
    %swap3A_2637 = arith.constant 56 : index
    %swap3A_2638 = arith.constant 0 : index
    %swap3A_2639 = arith.constant 0 : index
    %swap3A_2640 = vector.load %arg4[%swap3A_2637, %swap3A_2638, %swap3A_2639] : memref<64x4x128xf32, #tpu.memory_space<vmem>>, vector<1x4x128xf32>
    %swap3A_2641 = vector.shape_cast %swap3A_2640 : vector<1x4x128xf32> to vector<4x128xf32>
    %swap3A_2642 = vector.shape_cast %dot_general3A_2636 : vector<4x128xf32> to vector<1x4x128xf32>
    tpu.vector_store %arg4[%swap3A_2637, %swap3A_2638, %swap3A_2639], %swap3A_2642 {strides = array<i32>} : memref<64x4x128xf32, #tpu.memory_space<vmem>>, vector<1x4x128xf32>,
    %get3A_2643 = arith.constant 57 : index
    %get3A_2644 = arith.constant 0 : index
    %get3A_2645 = arith.constant 0 : index
    %get3A_2646 = vector.load %arg3[%get3A_2643, %get3A_2644, %get3A_2645] : memref<64x128x128xf32, #tpu.memory_space<vmem>>, vector<1x128x128xf32>
    %get3A_2647 = vector.shape_cast %get3A_2646 : vector<1x128x128xf32> to vector<128x128xf32>
    %convert_element_type3A_2648 = arith.truncf %get3A_2647 : vector<128x128xf32> to vector<128x128xbf16>
    %dot_general3A_2649 = arith.constant dense<0.000000e+00> : vector<4x128xf32>
    %dot_general3A_2650 = tpu.matmul %convert_element_type3A_1773, %convert_element_type3A_2648, %dot_general3A_2649 {dimension_numbers = #tpu.dot_dimension_numbers<[1], [0], [0], [1], [0, 0, 1, 1], [], []>, transpose_lhs_hint = false} : vector<4x128xbf16>, vector<128x128xbf16>, vector<4x128xf32> -> vector<4x128xf32>
    %swap3A_2651 = arith.constant 57 : index
    %swap3A_2652 = arith.constant 0 : index
    %swap3A_2653 = arith.constant 0 : index
    %swap3A_2654 = vector.load %arg4[%swap3A_2651, %swap3A_2652, %swap3A_2653] : memref<64x4x128xf32, #tpu.memory_space<vmem>>, vector<1x4x128xf32>
    %swap3A_2655 = vector.shape_cast %swap3A_2654 : vector<1x4x128xf32> to vector<4x128xf32>
    %swap3A_2656 = vector.shape_cast %dot_general3A_2650 : vector<4x128xf32> to vector<1x4x128xf32>
    tpu.vector_store %arg4[%swap3A_2651, %swap3A_2652, %swap3A_2653], %swap3A_2656 {strides = array<i32>} : memref<64x4x128xf32, #tpu.memory_space<vmem>>, vector<1x4x128xf32>,
    %get3A_2657 = arith.constant 58 : index
    %get3A_2658 = arith.constant 0 : index
    %get3A_2659 = arith.constant 0 : index
    %get3A_2660 = vector.load %arg3[%get3A_2657, %get3A_2658, %get3A_2659] : memref<64x128x128xf32, #tpu.memory_space<vmem>>, vector<1x128x128xf32>
    %get3A_2661 = vector.shape_cast %get3A_2660 : vector<1x128x128xf32> to vector<128x128xf32>
    %convert_element_type3A_2662 = arith.truncf %get3A_2661 : vector<128x128xf32> to vector<128x128xbf16>
    %dot_general3A_2663 = arith.constant dense<0.000000e+00> : vector<4x128xf32>
    %dot_general3A_2664 = tpu.matmul %convert_element_type3A_1785, %convert_element_type3A_2662, %dot_general3A_2663 {dimension_numbers = #tpu.dot_dimension_numbers<[1], [0], [0], [1], [0, 0, 1, 1], [], []>, transpose_lhs_hint = false} : vector<4x128xbf16>, vector<128x128xbf16>, vector<4x128xf32> -> vector<4x128xf32>
    %swap3A_2665 = arith.constant 58 : index
    %swap3A_2666 = arith.constant 0 : index
    %swap3A_2667 = arith.constant 0 : index
    %swap3A_2668 = vector.load %arg4[%swap3A_2665, %swap3A_2666, %swap3A_2667] : memref<64x4x128xf32, #tpu.memory_space<vmem>>, vector<1x4x128xf32>
    %swap3A_2669 = vector.shape_cast %swap3A_2668 : vector<1x4x128xf32> to vector<4x128xf32>
    %swap3A_2670 = vector.shape_cast %dot_general3A_2664 : vector<4x128xf32> to vector<1x4x128xf32>
    tpu.vector_store %arg4[%swap3A_2665, %swap3A_2666, %swap3A_2667], %swap3A_2670 {strides = array<i32>} : memref<64x4x128xf32, #tpu.memory_space<vmem>>, vector<1x4x128xf32>,
    %get3A_2671 = arith.constant 59 : index
    %get3A_2672 = arith.constant 0 : index
    %get3A_2673 = arith.constant 0 : index
    %get3A_2674 = vector.load %arg3[%get3A_2671, %get3A_2672, %get3A_2673] : memref<64x128x128xf32, #tpu.memory_space<vmem>>, vector<1x128x128xf32>
    %get3A_2675 = vector.shape_cast %get3A_2674 : vector<1x128x128xf32> to vector<128x128xf32>
    %convert_element_type3A_2676 = arith.truncf %get3A_2675 : vector<128x128xf32> to vector<128x128xbf16>
    %dot_general3A_2677 = arith.constant dense<0.000000e+00> : vector<4x128xf32>
    %dot_general3A_2678 = tpu.matmul %convert_element_type3A_1797, %convert_element_type3A_2676, %dot_general3A_2677 {dimension_numbers = #tpu.dot_dimension_numbers<[1], [0], [0], [1], [0, 0, 1, 1], [], []>, transpose_lhs_hint = false} : vector<4x128xbf16>, vector<128x128xbf16>, vector<4x128xf32> -> vector<4x128xf32>
    %swap3A_2679 = arith.constant 59 : index
    %swap3A_2680 = arith.constant 0 : index
    %swap3A_2681 = arith.constant 0 : index
    %swap3A_2682 = vector.load %arg4[%swap3A_2679, %swap3A_2680, %swap3A_2681] : memref<64x4x128xf32, #tpu.memory_space<vmem>>, vector<1x4x128xf32>
    %swap3A_2683 = vector.shape_cast %swap3A_2682 : vector<1x4x128xf32> to vector<4x128xf32>
    %swap3A_2684 = vector.shape_cast %dot_general3A_2678 : vector<4x128xf32> to vector<1x4x128xf32>
    tpu.vector_store %arg4[%swap3A_2679, %swap3A_2680, %swap3A_2681], %swap3A_2684 {strides = array<i32>} : memref<64x4x128xf32, #tpu.memory_space<vmem>>, vector<1x4x128xf32>,
    %get3A_2685 = arith.constant 60 : index
    %get3A_2686 = arith.constant 0 : index
    %get3A_2687 = arith.constant 0 : index
    %get3A_2688 = vector.load %arg3[%get3A_2685, %get3A_2686, %get3A_2687] : memref<64x128x128xf32, #tpu.memory_space<vmem>>, vector<1x128x128xf32>
    %get3A_2689 = vector.shape_cast %get3A_2688 : vector<1x128x128xf32> to vector<128x128xf32>
    %convert_element_type3A_2690 = arith.truncf %get3A_2689 : vector<128x128xf32> to vector<128x128xbf16>
    %dot_general3A_2691 = arith.constant dense<0.000000e+00> : vector<4x128xf32>
    %dot_general3A_2692 = tpu.matmul %convert_element_type3A_1809, %convert_element_type3A_2690, %dot_general3A_2691 {dimension_numbers = #tpu.dot_dimension_numbers<[1], [0], [0], [1], [0, 0, 1, 1], [], []>, transpose_lhs_hint = false} : vector<4x128xbf16>, vector<128x128xbf16>, vector<4x128xf32> -> vector<4x128xf32>
    %swap3A_2693 = arith.constant 60 : index
    %swap3A_2694 = arith.constant 0 : index
    %swap3A_2695 = arith.constant 0 : index
    %swap3A_2696 = vector.load %arg4[%swap3A_2693, %swap3A_2694, %swap3A_2695] : memref<64x4x128xf32, #tpu.memory_space<vmem>>, vector<1x4x128xf32>
    %swap3A_2697 = vector.shape_cast %swap3A_2696 : vector<1x4x128xf32> to vector<4x128xf32>
    %swap3A_2698 = vector.shape_cast %dot_general3A_2692 : vector<4x128xf32> to vector<1x4x128xf32>
    tpu.vector_store %arg4[%swap3A_2693, %swap3A_2694, %swap3A_2695], %swap3A_2698 {strides = array<i32>} : memref<64x4x128xf32, #tpu.memory_space<vmem>>, vector<1x4x128xf32>,
    %get3A_2699 = arith.constant 61 : index
    %get3A_2700 = arith.constant 0 : index
    %get3A_2701 = arith.constant 0 : index
    %get3A_2702 = vector.load %arg3[%get3A_2699, %get3A_2700, %get3A_2701] : memref<64x128x128xf32, #tpu.memory_space<vmem>>, vector<1x128x128xf32>
    %get3A_2703 = vector.shape_cast %get3A_2702 : vector<1x128x128xf32> to vector<128x128xf32>
    %convert_element_type3A_2704 = arith.truncf %get3A_2703 : vector<128x128xf32> to vector<128x128xbf16>
    %dot_general3A_2705 = arith.constant dense<0.000000e+00> : vector<4x128xf32>
    %dot_general3A_2706 = tpu.matmul %convert_element_type3A_1821, %convert_element_type3A_2704, %dot_general3A_2705 {dimension_numbers = #tpu.dot_dimension_numbers<[1], [0], [0], [1], [0, 0, 1, 1], [], []>, transpose_lhs_hint = false} : vector<4x128xbf16>, vector<128x128xbf16>, vector<4x128xf32> -> vector<4x128xf32>
    %swap3A_2707 = arith.constant 61 : index
    %swap3A_2708 = arith.constant 0 : index
    %swap3A_2709 = arith.constant 0 : index
    %swap3A_2710 = vector.load %arg4[%swap3A_2707, %swap3A_2708, %swap3A_2709] : memref<64x4x128xf32, #tpu.memory_space<vmem>>, vector<1x4x128xf32>
    %swap3A_2711 = vector.shape_cast %swap3A_2710 : vector<1x4x128xf32> to vector<4x128xf32>
    %swap3A_2712 = vector.shape_cast %dot_general3A_2706 : vector<4x128xf32> to vector<1x4x128xf32>
    tpu.vector_store %arg4[%swap3A_2707, %swap3A_2708, %swap3A_2709], %swap3A_2712 {strides = array<i32>} : memref<64x4x128xf32, #tpu.memory_space<vmem>>, vector<1x4x128xf32>,
    %get3A_2713 = arith.constant 62 : index
    %get3A_2714 = arith.constant 0 : index
    %get3A_2715 = arith.constant 0 : index
    %get3A_2716 = vector.load %arg3[%get3A_2713, %get3A_2714, %get3A_2715] : memref<64x128x128xf32, #tpu.memory_space<vmem>>, vector<1x128x128xf32>
    %get3A_2717 = vector.shape_cast %get3A_2716 : vector<1x128x128xf32> to vector<128x128xf32>
    %convert_element_type3A_2718 = arith.truncf %get3A_2717 : vector<128x128xf32> to vector<128x128xbf16>
    %dot_general3A_2719 = arith.constant dense<0.000000e+00> : vector<4x128xf32>
    %dot_general3A_2720 = tpu.matmul %convert_element_type3A_1833, %convert_element_type3A_2718, %dot_general3A_2719 {dimension_numbers = #tpu.dot_dimension_numbers<[1], [0], [0], [1], [0, 0, 1, 1], [], []>, transpose_lhs_hint = false} : vector<4x128xbf16>, vector<128x128xbf16>, vector<4x128xf32> -> vector<4x128xf32>
    %swap3A_2721 = arith.constant 62 : index
    %swap3A_2722 = arith.constant 0 : index
    %swap3A_2723 = arith.constant 0 : index
    %swap3A_2724 = vector.load %arg4[%swap3A_2721, %swap3A_2722, %swap3A_2723] : memref<64x4x128xf32, #tpu.memory_space<vmem>>, vector<1x4x128xf32>
    %swap3A_2725 = vector.shape_cast %swap3A_2724 : vector<1x4x128xf32> to vector<4x128xf32>
    %swap3A_2726 = vector.shape_cast %dot_general3A_2720 : vector<4x128xf32> to vector<1x4x128xf32>
    tpu.vector_store %arg4[%swap3A_2721, %swap3A_2722, %swap3A_2723], %swap3A_2726 {strides = array<i32>} : memref<64x4x128xf32, #tpu.memory_space<vmem>>, vector<1x4x128xf32>,
    %get3A_2727 = arith.constant 63 : index
    %get3A_2728 = arith.constant 0 : index
    %get3A_2729 = arith.constant 0 : index
    %get3A_2730 = vector.load %arg3[%get3A_2727, %get3A_2728, %get3A_2729] : memref<64x128x128xf32, #tpu.memory_space<vmem>>, vector<1x128x128xf32>
    %get3A_2731 = vector.shape_cast %get3A_2730 : vector<1x128x128xf32> to vector<128x128xf32>
    %convert_element_type3A_2732 = arith.truncf %get3A_2731 : vector<128x128xf32> to vector<128x128xbf16>
    %dot_general3A_2733 = arith.constant dense<0.000000e+00> : vector<4x128xf32>
    %dot_general3A_2734 = tpu.matmul %convert_element_type3A_1845, %convert_element_type3A_2732, %dot_general3A_2733 {dimension_numbers = #tpu.dot_dimension_numbers<[1], [0], [0], [1], [0, 0, 1, 1], [], []>, transpose_lhs_hint = false} : vector<4x128xbf16>, vector<128x128xbf16>, vector<4x128xf32> -> vector<4x128xf32>
    %swap3A_2735 = arith.constant 63 : index
    %swap3A_2736 = arith.constant 0 : index
    %swap3A_2737 = arith.constant 0 : index
    %swap3A_2738 = vector.load %arg4[%swap3A_2735, %swap3A_2736, %swap3A_2737] : memref<64x4x128xf32, #tpu.memory_space<vmem>>, vector<1x4x128xf32>
    %swap3A_2739 = vector.shape_cast %swap3A_2738 : vector<1x4x128xf32> to vector<4x128xf32>
    %swap3A_2740 = vector.shape_cast %dot_general3A_2734 : vector<4x128xf32> to vector<1x4x128xf32>
    tpu.vector_store %arg4[%swap3A_2735, %swap3A_2736, %swap3A_2737], %swap3A_2740 {strides = array<i32>} : memref<64x4x128xf32, #tpu.memory_space<vmem>>, vector<1x4x128xf32>,
    return
  }
  func.func @transform_0(%arg0: i32) -> (i32, i32, i32) {
    %c0_i32 = arith.constant 0 : i32
    %c0_i32_0 = arith.constant 0 : i32
    %c0_i32_1 = arith.constant 0 : i32
    return %arg0, %c0_i32, %c0_i32_0 : i32, i32, i32
  }
  func.func @transform_1(%arg0: i32) -> (i32, i32, i32) {
    %c0_i32 = arith.constant 0 : i32
    %c0_i32_0 = arith.constant 0 : i32
    %c0_i32_1 = arith.constant 0 : i32
    return %arg0, %c0_i32, %c0_i32_0 : i32, i32, i32
  }
  func.func @transform_2(%arg0: i32) -> (i32, i32, i32) {
    %c0_i32 = arith.constant 0 : i32
    %c0_i32_0 = arith.constant 0 : i32
    %c0_i32_1 = arith.constant 0 : i32
    return %arg0, %c0_i32, %c0_i32_0 : i32, i32, i32
  }
  func.func @transform_3(%arg0: i32) -> (i32, i32, i32) {
    %c0_i32 = arith.constant 0 : i32
    %c0_i32_0 = arith.constant 0 : i32
    %c0_i32_1 = arith.constant 0 : i32
    return %arg0, %c0_i32, %c0_i32_0 : i32, i32, i32
  }
}

</mosaic_0001>

<sc_bundles>
// kernel: kernel.4.cloned.1.call-start
scs
__scs_entry_jumppad:
0x0: {  	(pc) =	sbr.rel $0x88, $3  }
0x1: {  	(tag) =	ssettag $0x0;
	lr =	simm.s32 $0x1  }
0x2: {  	[smem:$0x3F9D] =	sst lr;
	_ =	strace $0xD0000000  }
0x3: {  	_ = 	snop  }
0x4: {  	_ = 	snop  }
0x5: {  	_ = 	snop  }
0x6: {  	_ = 	snop  }
0x7: {  	_ = 	snop  }
__scs_overlays_trampoline_lowered:
0x8: {  	[smem:$0x3FAC] =	sst s0  }
0x9: {  	[smem:$0x3FAD] =	sst s1  }
0xa: {  	[smem:$0x3FAE] =	sst s2  }
0xb: {  	[smem:$0x3FAF] =	sst s3  }
0xc: {  	[smem:$0x3FB0] =	sst s4  }
0xd: {  	[smem:$0x3FB1] =	sst s5  }
0xe: {  	[smem:$0x3FB2] =	sst s6  }
0xf: {  	[smem:$0x3FB3] =	sst s7  }
0x10: {  	[smem:$0x3FB4] =	sst s8  }
0x11: {  	[smem:$0x3FB5] =	sst s9;
	s0 =	simm.s32 @!p0 $0x0  }
0x12: {  	s1 =	sld [smem:$0x3F9B];
	s0 =	simm.s32 @p0 $0x1  }
0x13: {  	[smem:$0x3FB6] =	sst s0;
	s0 =	simm.s32 @!p1 $0x0  }
0x14: {  	s2 =	sld [smem:$0x3F9A];
	s0 =	simm.s32 @p1 $0x1  }
0x15: {  	[smem:$0x3FB7] =	sst s0;
	s0 =	simm.s32 @!p2 $0x0  }
0x16: {  	s3 =	sld [smem:$0x3FDB];
	s0 =	simm.s32 @p2 $0x1  }
0x17: {  	s4 =	simm.s32 $0x1BF5;
	[smem:$0x3FB9] =	sst s0  }
0x18: {  	s0 =	sld [smem:$0x3F9C];
	_ =	swait.ge [sflag:s4], $0x0  }
0x19: {  	s7 =	sld [smem:$0x3F9D]  }
0x1a: {  	s8 =	sadd.s32 $0xFFFFE003, lr  }
0x1b: {  	s9 =	sadd.s32 $0xFFFFFEF7, lr;
	s5 =	simm.s32 $0xFFFFFFFF;
	p2 =	slt.u32 s8, $0xFFFFF086  }
0x1c: {  	p1 =	slt.u32 s9, $0xF7A;
	s5 =	simm.s32 @!p2 $0x0  }
0x1d: {  	s5 =	simm.s32 @p1 $0x1;
	p0 =	seq.s32 s7, s2  }
0x1e: {  	s7 =	smul.u32 @!p0 $0xF7A, s2;
	p2 =	seq.s32 @!p0 s5, $0x0  }
0x1f: {  	s9 =	smul.u32 $0xF7A, s1;
	s8 =	simm.s32 @!p0 $0x1BF5;
	p2 =	por !p2, p0  }
0x20: {  	[sflag:s8] =	ssyncset.s32 @!p0 $0xFFFFF086;
	s6 =	sadd.s32 @!p0 s3, s7;
	s7 =	simm.s32 @!p0 $0x108  }
0x21: {  	s3 =	sadd.s32 s3, s9;
	s6 =	sadd.s32 @!p0 $0x88, s6;
	s7 =	simm.s32 @p2 $0x1082  }
0x22: {  	[simem:s7], [sflag:s8] =	dma.local @!p0 [hbm:s6], $0xF7A  }
0x23: {  	s9 =	sor.u32 $0xD0000000, s2;
	s6 =	simm.s32 $0x108;
	_ =	swait.ge @!p0 [sflag:s8], $0x0  }
0x24: {  	s3 =	sadd.s32 $0x88, s3;
	s6 =	simm.s32 @!p1 $0x1082;
	[sflag:s4] =	ssyncset.s32 $0xFFFFF086  }
0x25: {  	[simem:s6], [sflag:s4] =	dma.local [hbm:s3], $0xF7A  }
0x26: {  	[smem:$0x3F9D] =	sst s1;
	(tag) =	ssettag s2;
	_ =	strace s9  }
0x27: {  	s1 =	sld [smem:$0x3FAD]  }
0x28: {  	s2 =	sld [smem:$0x3FAE]  }
0x29: {  	s4 =	sld [smem:$0x3FB0]  }
0x2a: {  	p0 =	seq.s32 s5, $0x0;
	s5 =	sld [smem:$0x3FB1]  }
0x2b: {  	s6 =	sld [smem:$0x3FB2]  }
0x2c: {  	s7 =	sld [smem:$0x3FB3]  }
0x2d: {  	s3 =	simm.s32 $0x108;
	s8 =	sld [smem:$0x3FB4]  }
0x2e: {  	s3 =	simm.s32 @!p0 $0x1082;
	s9 =	sld [smem:$0x3FB5]  }
0x2f: {  	lr =	sadd.s32 s0, s3;
	s0 =	sld [smem:$0x3FAC]  }
0x30: {  	s3 =	sld [smem:$0x3FAF]  }
0x31: {  	[smem:$0x3FB8] =	sst s10  }
0x32: {  	s10 =	sld [smem:$0x3FB6];
	_ =	sdelay $0x3  }
0x33: {  	p0 =	seq.s32 s10, $0x1;
	s10 =	sld [smem:$0x3FB8];
	_ =	sdelay $0x3  }
0x34: {  	[smem:$0x3FB8] =	sst s10  }
0x35: {  	s10 =	sld [smem:$0x3FB7];
	_ =	sdelay $0x3  }
0x36: {  	p1 =	seq.s32 s10, $0x1;
	s10 =	sld [smem:$0x3FB8];
	_ =	sdelay $0x3  }
0x37: {  	[smem:$0x3FB8] =	sst s10  }
0x38: {  	s10 =	sld [smem:$0x3FB9]  }
0x39: {  	_ = 	snop;
	(pc) =	sbr.ind lr, $3  }
0x3a: {  	_ = 	snop  }
0x3b: {  	_ = 	snop  }
0x3c: {  	p2 =	seq.s32 s10, $0x1;
	s10 =	sld [smem:$0x3FB8]  }
0x3d: {  	_ =	shalt  }
0x3e: {  	_ =	shalt  }
0x3f: {  	_ =	shalt  }
0x40: {  	_ =	shalt  }
0x41: {  	_ =	shalt  }
0x42: {  	_ =	shalt  }
0x43: {  	_ =	shalt  }
0x44: {  	_ =	shalt  }
0x45: {  	_ =	shalt  }
0x46: {  	_ =	shalt  }
0x47: {  	_ =	shalt  }
0x48: {  	_ =	shalt  }
0x49: {  	_ =	shalt  }
0x4a: {  	_ =	shalt  }
0x4b: {  	_ =	shalt  }
0x4c: {  	_ =	shalt  }
0x4d: {  	_ =	shalt  }
0x4e: {  	_ =	shalt  }
0x4f: {  	_ =	shalt  }
0x50: {  	_ =	shalt  }
0x51: {  	_ =	shalt  }
0x52: {  	_ =	shalt  }
0x53: {  	_ =	shalt  }
0x54: {  	_ =	shalt  }
0x55: {  	_ =	shalt  }
0x56: {  	_ =	shalt  }
0x57: {  	_ =	shalt  }
0x58: {  	_ =	shalt  }
0x59: {  	_ =	shalt  }
0x5a: {  	_ =	shalt  }
0x5b: {  	_ =	shalt  }
0x5c: {  	_ =	shalt  }
0x5d: {  	_ =	shalt  }
0x5e: {  	_ =	shalt  }
0x5f: {  	_ =	shalt  }
0x60: {  	_ =	shalt  }
0x61: {  	_ =	shalt  }
0x62: {  	_ =	shalt  }
0x63: {  	_ =	shalt  }
0x64: {  	_ =	shalt  }
0x65: {  	_ =	shalt  }
0x66: {  	_ =	shalt  }
0x67: {  	_ =	shalt  }
0x68: {  	_ =	shalt  }
0x69: {  	_ =	shalt  }
0x6a: {  	_ =	shalt  }
0x6b: {  	_ =	shalt  }
0x6c: {  	_ =	shalt  }
0x6d: {  	_ =	shalt  }
0x6e: {  	_ =	shalt  }
0x6f: {  	_ =	shalt  }
0x70: {  	_ =	shalt  }
0x71: {  	_ =	shalt  }
0x72: {  	_ =	shalt  }
0x73: {  	_ =	shalt  }
0x74: {  	_ =	shalt  }
0x75: {  	_ =	shalt  }
0x76: {  	_ =	shalt  }
0x77: {  	_ =	shalt  }
0x78: {  	_ =	shalt  }
0x79: {  	_ =	shalt  }
0x7a: {  	_ =	shalt  }
0x7b: {  	_ =	shalt  }
0x7c: {  	_ =	shalt  }
0x7d: {  	_ =	shalt  }
0x7e: {  	_ =	shalt  }
0x7f: {  	_ =	shalt  }
0x80: {  	_ =	shalt  }
0x81: {  	_ =	shalt  }
0x82: {  	_ =	shalt  }
0x83: {  	_ =	shalt  }
0x84: {  	_ =	shalt  }
0x85: {  	_ =	shalt  }
0x86: {  	_ =	shalt  }
0x87: {  	_ =	shalt  }
.Lfunc_end0:
.L_simem_size_0:
called_computation_lowered:
.L_overlay_start_0:
0x88: {  	s2 =	sld [smem:$0x3FD9]  }
0x89: {  	s3 =	sld [smem:$0x3FFE];
	_ =	sdelay $0x1  }
0x8a: {  	s1 =	srdreg.scid  }
0x8b: {  	s0 =	sand.u32 $0x1, s1  }
0x8c: {  	s17 =	sshll.u32 s0, $0xA;
	s2 =	sadd.s32 s3, s2  }
0x8d: {  	s2 =	sadd.s32 s2, s17  }
0x8e: {  	[smem:$0x3FC4] =	sst s2  }
0x8f: {  	_ = 	snop  }
0x90: {  	s2 =	sld [smem:$0x3FC8]  }
0x91: {  	s18 =	sld [smem:$0x3FC7]  }
0x92: {  	s4 =	sld [smem:$0x3FD0];
	(tm) =	ssettm $0x1  }
0x93: {  	s5 =	sld [smem:$0x3FFB];
	_ =	sdelay $0x3  }
0x94: {  	_ =	strace s5  }
0x95: {  	s5 =	sld [smem:$0x3FFC];
	_ =	sdelay $0x3  }
0x96: {  	_ =	strace s5  }
0x97: {  	s5 =	sld [smem:$0x3FFD];
	_ =	sdelay $0x3  }
0x98: {  	_ =	strace s5  }
0x99: {  	_ =	strace $0x8FFFFFFF  }
0x9a: {  	s19 =	sld [smem:$0x3FDB];
	_ =	sdelay $0x1  }
0x9b: {  	s6 =	simm.s32 $_scs_section_size  }
0x9c: {  	s7 =	simm.s32 $_size__tile_overlayer_lowered;
	s8 =	simm.s32 $_tile_overlayer_lowered  }
0x9d: {  	s22 =	simm.s32 $0x1BFF;
	s21 =	sshll.u32 s8, $0x1;
	s5 =	sadd.s32 s6, s19  }
0x9e: {  	s9 =	simm.s32 $0x0;
	s20 =	sshll.u32 s7, $0x1;
	s7 =	sadd.s32 s21, s5  }
0x9f: {  	[timem:s9], [sflag:s22] =	dma.local [hbm:s7], s20  }
0xa0: {  	_ =	swait.ge [sflag:s22], s20  }
0xa1: {  	s6 =	ssub.s32 $0x0, s20;
	[sflag:s22] =	ssyncset.done $0x0  }
0xa2: {  	[sflag:s22] =	ssyncadd.s32 s6;
	_ =	sdelay $0x1  }
0xa3: {  	s23 =	simm.s32 $0x1B8B  }
0xa4: {  	_ =	swait.ge [sflag:s23], $0x1  }
0xa5: {  	[sflag:s23] =	ssyncset.done $0x0  }
0xa6: {  	s25 =	simm.s32 $0x1B8E;
	s24 =	sld [smem:$0x3FFE];
	[sflag:s23] =	ssyncadd.s32 $0xFFFFFFFF  }
0xa7: {  	s26 =	simm.s32 $execute0_lowered;
	[smem:$0x3FD2] =	sst s25  }
0xa8: {  	s7 =	sshll.u32 s26, $0x1;
	_ =	strace $0x80000046;
	[dreg:$0x1] =	wrdreg $0xFFFFFFFF  }
0xa9: {  	s28 =	simm.s32 $_size_execute0_lowered;
	s5 =	sadd.s32 s5, s7;
	[dreg:$0x0] =	wrdreg $0x0  }
0xaa: {  	s7 =	sshll.u32 s28, $0x1;
	[dreg:$0x2] =	wrdreg s5  }
0xab: {  	[dreg:$0x3] =	wrdreg s7  }
0xac: {  	[dreg:$0x4] =	wrdreg $0xC0  }
0xad: {  	_ =	task [dreg:s9], $0x5FFFF  }
0xae: {  	[dreg:$0x1] =	wrdreg $0xFFFFFFFF  }
0xaf: {  	[dreg:$0x0] =	wrdreg $0x60  }
0xb0: {  	[dreg:$0x2] =	wrdreg s2  }
0xb1: {  	[dreg:$0x3] =	wrdreg s18  }
0xb2: {  	[dreg:$0x4] =	wrdreg s4  }
0xb3: {  	[dreg:$0x5] =	wrdreg s24  }
0xb4: {  	[dreg:$0x6] =	wrdreg $0x9  }
0xb5: {  	_ =	task.clear_ibuf [dreg:s9], $0x7FFFF;
	_ =	strace $0x90000046  }
0xb6: {  	s29 =	simm.s32 $0x9;
	_ =	strace $0x80000048  }
0xb7: {  	_ =	swait.ge [sflag:s29], $0x1  }
0xb8: {  	[sflag:s29] =	ssyncadd.s32 $0xFFFFFFFF  }
0xb9: {  	_ =	strace $0x90000048  }
0xba: {  	_ =	sfence  }
0xbb: {  	s30 =	sld [smem:$0x0];
	_ =	sdelay $0x2  }
0xbc: {  	s31 =	sshll.u32 s1, $0xD;
	s1 =	sshrl.u32 s1, $0x2  }
0xbd: {  	s3 =	sand.u32 $0x4000, s31;
	s1 =	sadd.s32 s1, s30  }
0xbe: {  	s0 =	sor.u32 s3, s0;
	s1 =	sshll.u32 s1, $0x11  }
0xbf: {  	s0 =	sor.u32 s1, s0  }
0xc0: {  	s0 =	sadd.s32 $0x8F2B, s0  }
0xc1: {  	[sflag:s0] =	ssyncadd.remote.s32 $0x1  }
0xc2: {  	_ =	sfence.sel $0xFFFF  }
0xc3: {  	[dreg:$0x0] =	wrdreg $0xFFFFFFFF;
	(pc) =	sbr.abs _section_cstart, $3  }
0xc4: {  	[dreg:$0x1] =	wrdreg $0xFFFFFFFF  }
0xc5: {  	_ =	task.clear_ibuf [dreg:s9], $0x2FFFF;
	_ =	strace $0x9FFFFFFF  }
0xc6: {  	(tm) =	ssettm $0x7FFFFFFF  }
0xc7: {  	_ =	shalt  }
tec
execute0_lowered:
.L_overlay_start_1:
0x0: {  	(tag) =	ssettag $0x1  }
0x1: {  	s3 =	rddreg [dreg:$0x0];
	s0 =	srdreg.scid  }
0x2: {  	s4 =	rddreg [dreg:$0x1];
	s6 =	stileid.u32;
	s7 =	sand.u32 $0x1, s0  }
0x3: {  	s1 =	rddreg [dreg:$0x2];
	s12 =	sshll.u32 s6, $0xC;
	s13 =	sshll.u32 s7, $0xB  }
0x4: {  	s5 =	rddreg [dreg:$0x3];
	s2 =	simm.s32 $0x0;
	s6 =	sor.u32 s13, s12  }
0x5: {  	[smem:$0x7FF] =	sst s2;
	s0 =	sadd.s32 $0xA00, s5;
	s8 =	sshrl.u32 s6, $0x3  }
0x6: {  	s5 =	sadd.s32 $0x100A00, s5;
	s6 =	sshll.u32 s6, $0x4;
	s1 =	sadd.s32 s1, s8  }
0x7: {  	_ =	strace $0x80000047;
	s14 =	sadd.s32 s0, s6;
	[dreg:$0x5] =	wrdreg s1  }
0x8: {  	s15 =	sadd.s32 s5, s6;
	s16 =	sor.u32 $0x800, s6;
	[dreg:$0x6] =	wrdreg s14  }
0x9: {  	[dreg:$0x7] =	wrdreg s15;
	s17 =	sadd.s32 s0, s16  }
0xa: {  	s19 =	sor.u32 $0x1000, s6;
	s18 =	sadd.s32 s5, s16;
	[dreg:$0x8] =	wrdreg s17  }
0xb: {  	s20 =	sadd.s32 s0, s19;
	[dreg:$0x9] =	wrdreg s18  }
0xc: {  	s22 =	sor.u32 $0x1800, s6;
	s21 =	sadd.s32 s5, s19;
	[dreg:$0xa] =	wrdreg s20  }
0xd: {  	s23 =	sadd.s32 s0, s22;
	[dreg:$0xb] =	wrdreg s21  }
0xe: {  	s25 =	sor.u32 $0x2000, s6;
	s24 =	sadd.s32 s5, s22;
	[dreg:$0xc] =	wrdreg s23  }
0xf: {  	s26 =	sadd.s32 s0, s25;
	[dreg:$0xd] =	wrdreg s24  }
0x10: {  	s10 =	sor.u32 $0x2800, s6;
	s9 =	sadd.s32 s5, s25;
	[dreg:$0xe] =	wrdreg s26  }
0x11: {  	s11 =	sadd.s32 s0, s10;
	[dreg:$0xf] =	wrdreg s9  }
0x12: {  	s13 =	sor.u32 $0x3000, s6;
	s12 =	sadd.s32 s5, s10;
	[dreg:$0x10] =	wrdreg s11  }
0x13: {  	s31 =	simm.s32 $0x100;
	s14 =	sadd.s32 s0, s13;
	[dreg:$0x11] =	wrdreg s12  }
0x14: {  	s30 =	simm.s32 $0x180;
	s15 =	sadd.s32 s5, s13;
	[dreg:$0x12] =	wrdreg s14  }
0x15: {  	s29 =	simm.s32 $0x200;
	s16 =	sor.u32 $0x3800, s6;
	[dreg:$0x13] =	wrdreg s15  }
0x16: {  	s28 =	simm.s32 $0x280;
	s17 =	sadd.s32 s0, s16;
	s1 =	rddreg [dreg:$0x5]  }
0x17: {  	s19 =	sor.u32 $0x4000, s6;
	s18 =	sadd.s32 s5, s16;
	[dreg:$0x14] =	wrdreg s17  }
0x18: {  	p0 =	por $0x0, $0x0;
	s20 =	sadd.s32 s0, s19;
	[dreg:$0x15] =	wrdreg s18  }
0x19: {  	s22 =	sor.u32 $0x4800, s6;
	s21 =	sadd.s32 s5, s19;
	[dreg:$0x16] =	wrdreg s20  }
0x1a: {  	s7 =	ssub.s32 $0x2, s7;
	s23 =	sadd.s32 s0, s22;
	[dreg:$0x17] =	wrdreg s21  }
0x1b: {  	s25 =	sor.u32 $0x5000, s6;
	s24 =	sadd.s32 s5, s22;
	[dreg:$0x18] =	wrdreg s23  }
0x1c: {  	s26 =	sadd.s32 s0, s25;
	s8 =	sadd.s32 s5, s25;
	[dreg:$0x19] =	wrdreg s24  }
0x1d: {  	s9 =	sor.u32 $0x5800, s6;
	s12 =	sor.u32 $0x6000, s6;
	[dreg:$0x1a] =	wrdreg s26  }
0x1e: {  	s15 =	sor.u32 $0x6800, s6;
	s25 =	simm.s32 $0x380;
	[dreg:$0x1b] =	wrdreg s8  }
0x1f: {  	s10 =	sadd.s32 s0, s9;
	s11 =	sadd.s32 s5, s9;
	s13 =	sadd.s32 s0, s12  }
0x20: {  	s14 =	sadd.s32 s5, s12;
	s16 =	sadd.s32 s0, s15;
	[dreg:$0x1c] =	wrdreg s10  }
0x21: {  	s17 =	sadd.s32 s5, s15;
	s18 =	sor.u32 $0x7000, s6;
	[dreg:$0x1d] =	wrdreg s11  }
0x22: {  	s9 =	sshrl.u32 s7, $0x1;
	s6 =	sor.u32 $0x7800, s6;
	[dreg:$0x1e] =	wrdreg s13  }
0x23: {  	s15 =	simm.s32 $0x80;
	s8 =	simm.s32 $0xC800;
	[dreg:$0x1f] =	wrdreg s14  }
0x24: {  	s12 =	simm.s32 $0x2;
	s26 =	simm.s32 $0x300;
	[smem:$0x7FA] =	sst s16  }
0x25: {  	s24 =	simm.s32 $0x400;
	s23 =	simm.s32 $0x480;
	[smem:$0x7FB] =	sst s17  }
0x26: {  	s19 =	sadd.s32 s0, s18;
	s20 =	sadd.s32 s5, s18;
	s21 =	ssub.s32 s7, s9  }
0x27: {  	s7 =	sadd.s32 s0, s6;
	s6 =	sadd.s32 s5, s6;
	s22 =	smax.u32 s21, $0x1  }
0x28: {  	s5 =	simm.s32 $0x5;
	s13 =	simm.s32 $0x800;
	p1 =	sne.s32 s22, $0x1  }
.Ltmp0:
0x29: {  	s11 =	simm.s32 $0x8800;
	s9 =	simm.s32 $0x4800;
	(pc) =	sbr.rel @!p1 .LBB2_3-.Ltmp0, $4  }
0x2a: {  	s16 =	simm.s32 $0x1;
	s14 =	simm.s32 $0x3;
	s10 =	simm.s32 $0x4  }
0x2b: {  	s18 =	simm.s32 $0x700;
	s17 =	simm.s32 $0x780;
	[smem:$0x7FC] =	sst s19  }
0x2c: {  	[smem:$0x7FD] =	sst s20;
	s21 =	simm.s32 $0x580;
	s20 =	simm.s32 $0x600  }
0x2d: {  	s19 =	simm.s32 $0x680;
	s0 =	sadd.s32 $0xFFFFFFFF, s22;
	s22 =	simm.s32 $0x500  }
0x2e: {  	[tilespmem:s2], [sflag:$0x5] =	stream.linear.gather [hbm4b:s1+s2], $0x800, $0x38;
	[tilespmem:$0x10800] =	vst v63  }
0x2f: {  	_ =	swait.ge [sflag:s5], $0x800  }
0x30: {  	[sflag:s5] =	ssyncset.done $0x0  }
0x31: {  	[sflag:s5] =	ssyncadd.s32 $0xFFFFF800  }
0x32: {  	[tilespmem:s13], [sflag:$0x1] =	stream.indirect.gather [hbm4b:s3+s15], $0x80, s2, s15, $0xb8;
	[tilespmem:$0x10800] =	vst v63  }
0x33: {  	_ = 	snop  }
0x34: {  	[tilespmem:s11], [sflag:$0x3] =	stream.indirect.gather [hbm4b:s4+s15], $0x80, s2, s15, $0xb8;
	[tilespmem:$0x10800] =	vst v63  }
0x35: {  	_ = 	snop  }
0x36: {  	[tilespmem:s9], [sflag:$0x2] =	stream.indirect.gather [hbm4b:s3+s15], $0x80, s15, s15, $0xb8;
	[tilespmem:$0x10800] =	vst v63  }
0x37: {  	_ = 	snop  }
0x38: {  	[tilespmem:s8], [sflag:$0x4] =	stream.indirect.gather [hbm4b:s4+s15], $0x80, s15, s15, $0xb8;
	[tilespmem:$0x10800] =	vst v63  }
0x39: {  	_ =	swait.ge [sflag:s16], $0x4000  }
0x3a: {  	[sflag:s16] =	ssyncset.done $0x0  }
0x3b: {  	[sflag:s16] =	ssyncadd.s32 $0xFFFFC000  }
0x3c: {  	_ =	swait.ge [sflag:s14], $0x4000  }
0x3d: {  	[sflag:s14] =	ssyncset.done $0x0  }
0x3e: {  	s1 =	rddreg [dreg:$0x6];
	[sflag:s14] =	ssyncadd.s32 $0xFFFFC000  }
0x3f: {  	[hbm4b:s1+s2] =	stream.linear.scatter [tilespmem:s13], [sflag:$0x5], $0x4000, $0x38;
	[tilespmem:$0x10800] =	vst v63  }
0x40: {  	_ =	swait.ge [sflag:s5], $0x4000  }
0x41: {  	[sflag:s5] =	ssyncset.done $0x0  }
0x42: {  	s1 =	rddreg [dreg:$0x7];
	[sflag:s5] =	ssyncadd.s32 $0xFFFFC000  }
0x43: {  	[hbm4b:s1+s2] =	stream.linear.scatter [tilespmem:s11], [sflag:$0x5], $0x4000, $0x38;
	[tilespmem:$0x10800] =	vst v63  }
0x44: {  	_ =	swait.ge [sflag:s5], $0x4000  }
0x45: {  	[sflag:s5] =	ssyncset.done $0x0  }
0x46: {  	[sflag:s5] =	ssyncadd.s32 $0xFFFFC000  }
0x47: {  	[tilespmem:s13], [sflag:$0x1] =	stream.indirect.gather [hbm4b:s3+s15], $0x80, s31, s15, $0xb8;
	[tilespmem:$0x10800] =	vst v63  }
0x48: {  	_ = 	snop  }
0x49: {  	[tilespmem:s11], [sflag:$0x3] =	stream.indirect.gather [hbm4b:s4+s15], $0x80, s31, s15, $0xb8;
	[tilespmem:$0x10800] =	vst v63  }
0x4a: {  	_ =	swait.ge [sflag:s12], $0x4000  }
0x4b: {  	[sflag:s12] =	ssyncset.done $0x0  }
0x4c: {  	[sflag:s12] =	ssyncadd.s32 $0xFFFFC000  }
0x4d: {  	_ =	swait.ge [sflag:s10], $0x4000  }
0x4e: {  	[sflag:s10] =	ssyncset.done $0x0  }
0x4f: {  	s1 =	rddreg [dreg:$0x8];
	[sflag:s10] =	ssyncadd.s32 $0xFFFFC000  }
0x50: {  	[hbm4b:s1+s2] =	stream.linear.scatter [tilespmem:s9], [sflag:$0x5], $0x4000, $0x38;
	[tilespmem:$0x10800] =	vst v63  }
0x51: {  	_ =	swait.ge [sflag:s5], $0x4000  }
0x52: {  	[sflag:s5] =	ssyncset.done $0x0  }
0x53: {  	s1 =	rddreg [dreg:$0x9];
	[sflag:s5] =	ssyncadd.s32 $0xFFFFC000  }
0x54: {  	[hbm4b:s1+s2] =	stream.linear.scatter [tilespmem:s8], [sflag:$0x5], $0x4000, $0x38;
	[tilespmem:$0x10800] =	vst v63  }
0x55: {  	_ =	swait.ge [sflag:s5], $0x4000  }
0x56: {  	[sflag:s5] =	ssyncset.done $0x0  }
0x57: {  	[sflag:s5] =	ssyncadd.s32 $0xFFFFC000  }
0x58: {  	[tilespmem:s9], [sflag:$0x2] =	stream.indirect.gather [hbm4b:s3+s15], $0x80, s30, s15, $0xb8;
	[tilespmem:$0x10800] =	vst v63  }
0x59: {  	_ = 	snop  }
0x5a: {  	[tilespmem:s8], [sflag:$0x4] =	stream.indirect.gather [hbm4b:s4+s15], $0x80, s30, s15, $0xb8;
	[tilespmem:$0x10800] =	vst v63  }
0x5b: {  	_ =	swait.ge [sflag:s16], $0x4000  }
0x5c: {  	[sflag:s16] =	ssyncset.done $0x0  }
0x5d: {  	[sflag:s16] =	ssyncadd.s32 $0xFFFFC000  }
0x5e: {  	_ =	swait.ge [sflag:s14], $0x4000  }
0x5f: {  	[sflag:s14] =	ssyncset.done $0x0  }
0x60: {  	s1 =	rddreg [dreg:$0xa];
	[sflag:s14] =	ssyncadd.s32 $0xFFFFC000  }
0x61: {  	[hbm4b:s1+s2] =	stream.linear.scatter [tilespmem:s13], [sflag:$0x5], $0x4000, $0x38;
	[tilespmem:$0x10800] =	vst v63  }
0x62: {  	_ =	swait.ge [sflag:s5], $0x4000  }
0x63: {  	[sflag:s5] =	ssyncset.done $0x0  }
0x64: {  	s1 =	rddreg [dreg:$0xb];
	[sflag:s5] =	ssyncadd.s32 $0xFFFFC000  }
0x65: {  	[hbm4b:s1+s2] =	stream.linear.scatter [tilespmem:s11], [sflag:$0x5], $0x4000, $0x38;
	[tilespmem:$0x10800] =	vst v63  }
0x66: {  	_ =	swait.ge [sflag:s5], $0x4000  }
0x67: {  	[sflag:s5] =	ssyncset.done $0x0  }
0x68: {  	[sflag:s5] =	ssyncadd.s32 $0xFFFFC000  }
0x69: {  	[tilespmem:s13], [sflag:$0x1] =	stream.indirect.gather [hbm4b:s3+s15], $0x80, s29, s15, $0xb8;
	[tilespmem:$0x10800] =	vst v63  }
0x6a: {  	_ = 	snop  }
0x6b: {  	[tilespmem:s11], [sflag:$0x3] =	stream.indirect.gather [hbm4b:s4+s15], $0x80, s29, s15, $0xb8;
	[tilespmem:$0x10800] =	vst v63  }
0x6c: {  	_ =	swait.ge [sflag:s12], $0x4000  }
0x6d: {  	[sflag:s12] =	ssyncset.done $0x0  }
0x6e: {  	[sflag:s12] =	ssyncadd.s32 $0xFFFFC000  }
0x6f: {  	_ =	swait.ge [sflag:s10], $0x4000  }
0x70: {  	[sflag:s10] =	ssyncset.done $0x0  }
0x71: {  	s1 =	rddreg [dreg:$0xc];
	[sflag:s10] =	ssyncadd.s32 $0xFFFFC000  }
0x72: {  	[hbm4b:s1+s2] =	stream.linear.scatter [tilespmem:s9], [sflag:$0x5], $0x4000, $0x38;
	[tilespmem:$0x10800] =	vst v63  }
0x73: {  	_ =	swait.ge [sflag:s5], $0x4000  }
0x74: {  	[sflag:s5] =	ssyncset.done $0x0  }
0x75: {  	s1 =	rddreg [dreg:$0xd];
	[sflag:s5] =	ssyncadd.s32 $0xFFFFC000  }
0x76: {  	[hbm4b:s1+s2] =	stream.linear.scatter [tilespmem:s8], [sflag:$0x5], $0x4000, $0x38;
	[tilespmem:$0x10800] =	vst v63  }
0x77: {  	_ =	swait.ge [sflag:s5], $0x4000  }
0x78: {  	[sflag:s5] =	ssyncset.done $0x0  }
0x79: {  	[sflag:s5] =	ssyncadd.s32 $0xFFFFC000  }
0x7a: {  	[tilespmem:s9], [sflag:$0x2] =	stream.indirect.gather [hbm4b:s3+s15], $0x80, s28, s15, $0xb8;
	[tilespmem:$0x10800] =	vst v63  }
0x7b: {  	_ = 	snop  }
0x7c: {  	[tilespmem:s8], [sflag:$0x4] =	stream.indirect.gather [hbm4b:s4+s15], $0x80, s28, s15, $0xb8;
	[tilespmem:$0x10800] =	vst v63  }
0x7d: {  	_ =	swait.ge [sflag:s16], $0x4000  }
0x7e: {  	[sflag:s16] =	ssyncset.done $0x0  }
0x7f: {  	[sflag:s16] =	ssyncadd.s32 $0xFFFFC000  }
0x80: {  	_ =	swait.ge [sflag:s14], $0x4000  }
0x81: {  	[sflag:s14] =	ssyncset.done $0x0  }
0x82: {  	s1 =	rddreg [dreg:$0xe];
	[sflag:s14] =	ssyncadd.s32 $0xFFFFC000  }
0x83: {  	[hbm4b:s1+s2] =	stream.linear.scatter [tilespmem:s13], [sflag:$0x5], $0x4000, $0x38;
	[tilespmem:$0x10800] =	vst v63  }
0x84: {  	_ =	swait.ge [sflag:s5], $0x4000  }
0x85: {  	[sflag:s5] =	ssyncset.done $0x0  }
0x86: {  	s1 =	rddreg [dreg:$0xf];
	[sflag:s5] =	ssyncadd.s32 $0xFFFFC000  }
0x87: {  	[hbm4b:s1+s2] =	stream.linear.scatter [tilespmem:s11], [sflag:$0x5], $0x4000, $0x38;
	[tilespmem:$0x10800] =	vst v63  }
0x88: {  	_ =	swait.ge [sflag:s5], $0x4000  }
0x89: {  	[sflag:s5] =	ssyncset.done $0x0  }
0x8a: {  	[sflag:s5] =	ssyncadd.s32 $0xFFFFC000  }
0x8b: {  	[tilespmem:s13], [sflag:$0x1] =	stream.indirect.gather [hbm4b:s3+s15], $0x80, s26, s15, $0xb8;
	[tilespmem:$0x10800] =	vst v63  }
0x8c: {  	_ = 	snop  }
0x8d: {  	[tilespmem:s11], [sflag:$0x3] =	stream.indirect.gather [hbm4b:s4+s15], $0x80, s26, s15, $0xb8;
	[tilespmem:$0x10800] =	vst v63  }
0x8e: {  	_ =	swait.ge [sflag:s12], $0x4000  }
0x8f: {  	[sflag:s12] =	ssyncset.done $0x0  }
0x90: {  	[sflag:s12] =	ssyncadd.s32 $0xFFFFC000  }
0x91: {  	_ =	swait.ge [sflag:s10], $0x4000  }
0x92: {  	[sflag:s10] =	ssyncset.done $0x0  }
0x93: {  	s1 =	rddreg [dreg:$0x10];
	[sflag:s10] =	ssyncadd.s32 $0xFFFFC000  }
0x94: {  	[hbm4b:s1+s2] =	stream.linear.scatter [tilespmem:s9], [sflag:$0x5], $0x4000, $0x38;
	[tilespmem:$0x10800] =	vst v63  }
0x95: {  	_ =	swait.ge [sflag:s5], $0x4000  }
0x96: {  	[sflag:s5] =	ssyncset.done $0x0  }
0x97: {  	s1 =	rddreg [dreg:$0x11];
	[sflag:s5] =	ssyncadd.s32 $0xFFFFC000  }
0x98: {  	[hbm4b:s1+s2] =	stream.linear.scatter [tilespmem:s8], [sflag:$0x5], $0x4000, $0x38;
	[tilespmem:$0x10800] =	vst v63  }
0x99: {  	_ =	swait.ge [sflag:s5], $0x4000  }
0x9a: {  	[sflag:s5] =	ssyncset.done $0x0  }
0x9b: {  	[sflag:s5] =	ssyncadd.s32 $0xFFFFC000  }
0x9c: {  	[tilespmem:s9], [sflag:$0x2] =	stream.indirect.gather [hbm4b:s3+s15], $0x80, s25, s15, $0xb8;
	[tilespmem:$0x10800] =	vst v63  }
0x9d: {  	_ = 	snop  }
0x9e: {  	[tilespmem:s8], [sflag:$0x4] =	stream.indirect.gather [hbm4b:s4+s15], $0x80, s25, s15, $0xb8;
	[tilespmem:$0x10800] =	vst v63  }
0x9f: {  	_ =	swait.ge [sflag:s16], $0x4000  }
0xa0: {  	[sflag:s16] =	ssyncset.done $0x0  }
0xa1: {  	[sflag:s16] =	ssyncadd.s32 $0xFFFFC000  }
0xa2: {  	_ =	swait.ge [sflag:s14], $0x4000  }
0xa3: {  	[sflag:s14] =	ssyncset.done $0x0  }
0xa4: {  	s1 =	rddreg [dreg:$0x12];
	[sflag:s14] =	ssyncadd.s32 $0xFFFFC000  }
0xa5: {  	[hbm4b:s1+s2] =	stream.linear.scatter [tilespmem:s13], [sflag:$0x5], $0x4000, $0x38;
	[tilespmem:$0x10800] =	vst v63  }
0xa6: {  	_ =	swait.ge [sflag:s5], $0x4000  }
0xa7: {  	[sflag:s5] =	ssyncset.done $0x0  }
0xa8: {  	s1 =	rddreg [dreg:$0x13];
	[sflag:s5] =	ssyncadd.s32 $0xFFFFC000  }
0xa9: {  	[hbm4b:s1+s2] =	stream.linear.scatter [tilespmem:s11], [sflag:$0x5], $0x4000, $0x38;
	[tilespmem:$0x10800] =	vst v63  }
0xaa: {  	_ =	swait.ge [sflag:s5], $0x4000  }
0xab: {  	[sflag:s5] =	ssyncset.done $0x0  }
0xac: {  	[sflag:s5] =	ssyncadd.s32 $0xFFFFC000  }
0xad: {  	[tilespmem:s13], [sflag:$0x1] =	stream.indirect.gather [hbm4b:s3+s15], $0x80, s24, s15, $0xb8;
	[tilespmem:$0x10800] =	vst v63  }
0xae: {  	_ = 	snop  }
0xaf: {  	[tilespmem:s11], [sflag:$0x3] =	stream.indirect.gather [hbm4b:s4+s15], $0x80, s24, s15, $0xb8;
	[tilespmem:$0x10800] =	vst v63  }
0xb0: {  	_ =	swait.ge [sflag:s12], $0x4000  }
0xb1: {  	[sflag:s12] =	ssyncset.done $0x0  }
0xb2: {  	[sflag:s12] =	ssyncadd.s32 $0xFFFFC000  }
0xb3: {  	_ =	swait.ge [sflag:s10], $0x4000  }
0xb4: {  	[sflag:s10] =	ssyncset.done $0x0  }
0xb5: {  	s1 =	rddreg [dreg:$0x14];
	[sflag:s10] =	ssyncadd.s32 $0xFFFFC000  }
0xb6: {  	[hbm4b:s1+s2] =	stream.linear.scatter [tilespmem:s9], [sflag:$0x5], $0x4000, $0x38;
	[tilespmem:$0x10800] =	vst v63  }
0xb7: {  	_ =	swait.ge [sflag:s5], $0x4000  }
0xb8: {  	[sflag:s5] =	ssyncset.done $0x0  }
0xb9: {  	s1 =	rddreg [dreg:$0x15];
	[sflag:s5] =	ssyncadd.s32 $0xFFFFC000  }
0xba: {  	[hbm4b:s1+s2] =	stream.linear.scatter [tilespmem:s8], [sflag:$0x5], $0x4000, $0x38;
	[tilespmem:$0x10800] =	vst v63  }
0xbb: {  	_ =	swait.ge [sflag:s5], $0x4000  }
0xbc: {  	[sflag:s5] =	ssyncset.done $0x0  }
0xbd: {  	[sflag:s5] =	ssyncadd.s32 $0xFFFFC000  }
0xbe: {  	[tilespmem:s9], [sflag:$0x2] =	stream.indirect.gather [hbm4b:s3+s15], $0x80, s23, s15, $0xb8;
	[tilespmem:$0x10800] =	vst v63  }
0xbf: {  	_ = 	snop  }
0xc0: {  	[tilespmem:s8], [sflag:$0x4] =	stream.indirect.gather [hbm4b:s4+s15], $0x80, s23, s15, $0xb8;
	[tilespmem:$0x10800] =	vst v63  }
0xc1: {  	_ =	swait.ge [sflag:s16], $0x4000  }
0xc2: {  	[sflag:s16] =	ssyncset.done $0x0  }
0xc3: {  	[sflag:s16] =	ssyncadd.s32 $0xFFFFC000  }
0xc4: {  	_ =	swait.ge [sflag:s14], $0x4000  }
0xc5: {  	[sflag:s14] =	ssyncset.done $0x0  }
0xc6: {  	s1 =	rddreg [dreg:$0x16];
	[sflag:s14] =	ssyncadd.s32 $0xFFFFC000  }
0xc7: {  	[hbm4b:s1+s2] =	stream.linear.scatter [tilespmem:s13], [sflag:$0x5], $0x4000, $0x38;
	[tilespmem:$0x10800] =	vst v63  }
0xc8: {  	_ =	swait.ge [sflag:s5], $0x4000  }
0xc9: {  	[sflag:s5] =	ssyncset.done $0x0  }
0xca: {  	s1 =	rddreg [dreg:$0x17];
	[sflag:s5] =	ssyncadd.s32 $0xFFFFC000  }
0xcb: {  	[hbm4b:s1+s2] =	stream.linear.scatter [tilespmem:s11], [sflag:$0x5], $0x4000, $0x38;
	[tilespmem:$0x10800] =	vst v63  }
0xcc: {  	_ =	swait.ge [sflag:s5], $0x4000  }
0xcd: {  	[sflag:s5] =	ssyncset.done $0x0  }
0xce: {  	[sflag:s5] =	ssyncadd.s32 $0xFFFFC000  }
0xcf: {  	[tilespmem:s13], [sflag:$0x1] =	stream.indirect.gather [hbm4b:s3+s15], $0x80, s22, s15, $0xb8;
	[tilespmem:$0x10800] =	vst v63  }
0xd0: {  	_ = 	snop  }
0xd1: {  	[tilespmem:s11], [sflag:$0x3] =	stream.indirect.gather [hbm4b:s4+s15], $0x80, s22, s15, $0xb8;
	[tilespmem:$0x10800] =	vst v63  }
0xd2: {  	_ =	swait.ge [sflag:s12], $0x4000  }
0xd3: {  	[sflag:s12] =	ssyncset.done $0x0  }
0xd4: {  	[sflag:s12] =	ssyncadd.s32 $0xFFFFC000  }
0xd5: {  	_ =	swait.ge [sflag:s10], $0x4000  }
0xd6: {  	[sflag:s10] =	ssyncset.done $0x0  }
0xd7: {  	s1 =	rddreg [dreg:$0x18];
	[sflag:s10] =	ssyncadd.s32 $0xFFFFC000  }
0xd8: {  	[hbm4b:s1+s2] =	stream.linear.scatter [tilespmem:s9], [sflag:$0x5], $0x4000, $0x38;
	[tilespmem:$0x10800] =	vst v63  }
0xd9: {  	_ =	swait.ge [sflag:s5], $0x4000  }
0xda: {  	[sflag:s5] =	ssyncset.done $0x0  }
0xdb: {  	s1 =	rddreg [dreg:$0x19];
	[sflag:s5] =	ssyncadd.s32 $0xFFFFC000  }
0xdc: {  	[hbm4b:s1+s2] =	stream.linear.scatter [tilespmem:s8], [sflag:$0x5], $0x4000, $0x38;
	[tilespmem:$0x10800] =	vst v63  }
0xdd: {  	_ =	swait.ge [sflag:s5], $0x4000  }
0xde: {  	[sflag:s5] =	ssyncset.done $0x0  }
0xdf: {  	[sflag:s5] =	ssyncadd.s32 $0xFFFFC000  }
0xe0: {  	[tilespmem:s9], [sflag:$0x2] =	stream.indirect.gather [hbm4b:s3+s15], $0x80, s21, s15, $0xb8;
	[tilespmem:$0x10800] =	vst v63  }
0xe1: {  	_ = 	snop  }
0xe2: {  	[tilespmem:s8], [sflag:$0x4] =	stream.indirect.gather [hbm4b:s4+s15], $0x80, s21, s15, $0xb8;
	[tilespmem:$0x10800] =	vst v63  }
0xe3: {  	_ =	swait.ge [sflag:s16], $0x4000  }
0xe4: {  	[sflag:s16] =	ssyncset.done $0x0  }
0xe5: {  	[sflag:s16] =	ssyncadd.s32 $0xFFFFC000  }
0xe6: {  	_ =	swait.ge [sflag:s14], $0x4000  }
0xe7: {  	[sflag:s14] =	ssyncset.done $0x0  }
0xe8: {  	s1 =	rddreg [dreg:$0x1a];
	[sflag:s14] =	ssyncadd.s32 $0xFFFFC000  }
0xe9: {  	[hbm4b:s1+s2] =	stream.linear.scatter [tilespmem:s13], [sflag:$0x5], $0x4000, $0x38;
	[tilespmem:$0x10800] =	vst v63  }
0xea: {  	_ =	swait.ge [sflag:s5], $0x4000  }
0xeb: {  	[sflag:s5] =	ssyncset.done $0x0  }
0xec: {  	s1 =	rddreg [dreg:$0x1b];
	[sflag:s5] =	ssyncadd.s32 $0xFFFFC000  }
0xed: {  	[hbm4b:s1+s2] =	stream.linear.scatter [tilespmem:s11], [sflag:$0x5], $0x4000, $0x38;
	[tilespmem:$0x10800] =	vst v63  }
0xee: {  	_ =	swait.ge [sflag:s5], $0x4000  }
0xef: {  	[sflag:s5] =	ssyncset.done $0x0  }
0xf0: {  	[sflag:s5] =	ssyncadd.s32 $0xFFFFC000  }
0xf1: {  	[tilespmem:s13], [sflag:$0x1] =	stream.indirect.gather [hbm4b:s3+s15], $0x80, s20, s15, $0xb8;
	[tilespmem:$0x10800] =	vst v63  }
0xf2: {  	_ = 	snop  }
0xf3: {  	[tilespmem:s11], [sflag:$0x3] =	stream.indirect.gather [hbm4b:s4+s15], $0x80, s20, s15, $0xb8;
	[tilespmem:$0x10800] =	vst v63  }
0xf4: {  	_ =	swait.ge [sflag:s12], $0x4000  }
0xf5: {  	[sflag:s12] =	ssyncset.done $0x0  }
0xf6: {  	[sflag:s12] =	ssyncadd.s32 $0xFFFFC000  }
0xf7: {  	_ =	swait.ge [sflag:s10], $0x4000  }
0xf8: {  	[sflag:s10] =	ssyncset.done $0x0  }
0xf9: {  	s1 =	rddreg [dreg:$0x1c];
	[sflag:s10] =	ssyncadd.s32 $0xFFFFC000  }
0xfa: {  	[hbm4b:s1+s2] =	stream.linear.scatter [tilespmem:s9], [sflag:$0x5], $0x4000, $0x38;
	[tilespmem:$0x10800] =	vst v63  }
0xfb: {  	_ =	swait.ge [sflag:s5], $0x4000  }
0xfc: {  	[sflag:s5] =	ssyncset.done $0x0  }
0xfd: {  	s1 =	rddreg [dreg:$0x1d];
	[sflag:s5] =	ssyncadd.s32 $0xFFFFC000  }
0xfe: {  	[hbm4b:s1+s2] =	stream.linear.scatter [tilespmem:s8], [sflag:$0x5], $0x4000, $0x38;
	[tilespmem:$0x10800] =	vst v63  }
0xff: {  	_ =	swait.ge [sflag:s5], $0x4000  }
0x100: {  	[sflag:s5] =	ssyncset.done $0x0  }
0x101: {  	[sflag:s5] =	ssyncadd.s32 $0xFFFFC000  }
0x102: {  	[tilespmem:s9], [sflag:$0x2] =	stream.indirect.gather [hbm4b:s3+s15], $0x80, s19, s15, $0xb8;
	[tilespmem:$0x10800] =	vst v63  }
0x103: {  	_ = 	snop  }
0x104: {  	[tilespmem:s8], [sflag:$0x4] =	stream.indirect.gather [hbm4b:s4+s15], $0x80, s19, s15, $0xb8;
	[tilespmem:$0x10800] =	vst v63  }
0x105: {  	_ =	swait.ge [sflag:s16], $0x4000  }
0x106: {  	[sflag:s16] =	ssyncset.done $0x0  }
0x107: {  	[sflag:s16] =	ssyncadd.s32 $0xFFFFC000  }
0x108: {  	_ =	swait.ge [sflag:s14], $0x4000  }
0x109: {  	[sflag:s14] =	ssyncset.done $0x0  }
0x10a: {  	s1 =	rddreg [dreg:$0x1e];
	[sflag:s14] =	ssyncadd.s32 $0xFFFFC000  }
0x10b: {  	[hbm4b:s1+s2] =	stream.linear.scatter [tilespmem:s13], [sflag:$0x5], $0x4000, $0x38;
	[tilespmem:$0x10800] =	vst v63  }
0x10c: {  	_ =	swait.ge [sflag:s5], $0x4000  }
0x10d: {  	[sflag:s5] =	ssyncset.done $0x0  }
0x10e: {  	s1 =	rddreg [dreg:$0x1f];
	[sflag:s5] =	ssyncadd.s32 $0xFFFFC000  }
0x10f: {  	[hbm4b:s1+s2] =	stream.linear.scatter [tilespmem:s11], [sflag:$0x5], $0x4000, $0x38;
	[tilespmem:$0x10800] =	vst v63  }
0x110: {  	_ =	swait.ge [sflag:s5], $0x4000  }
0x111: {  	[sflag:s5] =	ssyncset.done $0x0  }
0x112: {  	[sflag:s5] =	ssyncadd.s32 $0xFFFFC000  }
0x113: {  	[tilespmem:s13], [sflag:$0x1] =	stream.indirect.gather [hbm4b:s3+s15], $0x80, s18, s15, $0xb8;
	[tilespmem:$0x10800] =	vst v63  }
0x114: {  	_ = 	snop  }
0x115: {  	[tilespmem:s11], [sflag:$0x3] =	stream.indirect.gather [hbm4b:s4+s15], $0x80, s18, s15, $0xb8;
	[tilespmem:$0x10800] =	vst v63  }
0x116: {  	_ =	swait.ge [sflag:s12], $0x4000  }
0x117: {  	[sflag:s12] =	ssyncset.done $0x0  }
0x118: {  	[sflag:s12] =	ssyncadd.s32 $0xFFFFC000  }
0x119: {  	_ =	swait.ge [sflag:s10], $0x4000  }
0x11a: {  	s1 =	sld [smem:$0x7FA]  }
0x11b: {  	[sflag:s10] =	ssyncset.done $0x0  }
0x11c: {  	[sflag:s10] =	ssyncadd.s32 $0xFFFFC000  }
0x11d: {  	[hbm4b:s1+s2] =	stream.linear.scatter [tilespmem:s9], [sflag:$0x5], $0x4000, $0x38;
	[tilespmem:$0x10800] =	vst v63  }
0x11e: {  	_ =	swait.ge [sflag:s5], $0x4000  }
0x11f: {  	s1 =	sld [smem:$0x7FB]  }
0x120: {  	[sflag:s5] =	ssyncset.done $0x0  }
0x121: {  	[sflag:s5] =	ssyncadd.s32 $0xFFFFC000  }
0x122: {  	[hbm4b:s1+s2] =	stream.linear.scatter [tilespmem:s8], [sflag:$0x5], $0x4000, $0x38;
	[tilespmem:$0x10800] =	vst v63  }
0x123: {  	_ =	swait.ge [sflag:s5], $0x4000  }
0x124: {  	[sflag:s5] =	ssyncset.done $0x0  }
0x125: {  	[sflag:s5] =	ssyncadd.s32 $0xFFFFC000  }
0x126: {  	[tilespmem:s9], [sflag:$0x2] =	stream.indirect.gather [hbm4b:s3+s15], $0x80, s17, s15, $0xb8;
	[tilespmem:$0x10800] =	vst v63  }
0x127: {  	_ = 	snop  }
0x128: {  	[tilespmem:s8], [sflag:$0x4] =	stream.indirect.gather [hbm4b:s4+s15], $0x80, s17, s15, $0xb8;
	[tilespmem:$0x10800] =	vst v63  }
0x129: {  	_ =	swait.ge [sflag:s16], $0x4000  }
0x12a: {  	[sflag:s16] =	ssyncset.done $0x0  }
0x12b: {  	[sflag:s16] =	ssyncadd.s32 $0xFFFFC000  }
0x12c: {  	_ =	swait.ge [sflag:s14], $0x4000  }
0x12d: {  	s1 =	sld [smem:$0x7FC]  }
0x12e: {  	[sflag:s14] =	ssyncset.done $0x0  }
0x12f: {  	[sflag:s14] =	ssyncadd.s32 $0xFFFFC000  }
0x130: {  	[hbm4b:s1+s2] =	stream.linear.scatter [tilespmem:s13], [sflag:$0x5], $0x4000, $0x38;
	[tilespmem:$0x10800] =	vst v63  }
0x131: {  	_ =	swait.ge [sflag:s5], $0x4000  }
0x132: {  	s1 =	sld [smem:$0x7FD]  }
0x133: {  	[sflag:s5] =	ssyncset.done $0x0  }
0x134: {  	[sflag:s5] =	ssyncadd.s32 $0xFFFFC000  }
0x135: {  	[hbm4b:s1+s2] =	stream.linear.scatter [tilespmem:s11], [sflag:$0x5], $0x4000, $0x38;
	[tilespmem:$0x10800] =	vst v63  }
0x136: {  	_ =	swait.ge [sflag:s5], $0x4000  }
0x137: {  	[sflag:s5] =	ssyncset.done $0x0  }
0x138: {  	[sflag:s5] =	ssyncadd.s32 $0xFFFFC000  }
0x139: {  	_ =	swait.ge [sflag:s12], $0x4000  }
0x13a: {  	[sflag:s12] =	ssyncset.done $0x0  }
0x13b: {  	[sflag:s12] =	ssyncadd.s32 $0xFFFFC000  }
0x13c: {  	_ =	swait.ge [sflag:s10], $0x4000  }
0x13d: {  	[sflag:s10] =	ssyncset.done $0x0  }
0x13e: {  	[sflag:s10] =	ssyncadd.s32 $0xFFFFC000  }
0x13f: {  	[hbm4b:s7+s2] =	stream.linear.scatter [tilespmem:s9], [sflag:$0x5], $0x4000, $0x38;
	[tilespmem:$0x10800] =	vst v63  }
0x140: {  	p1 =	sne.s32 s0, $0x1;
	_ =	swait.ge [sflag:s5], $0x4000  }
.Ltmp1:
0x141: {  	[sflag:s5] =	ssyncset.done $0x0;
	(pc) =	sbr.rel @!p1 .LBB2_3-.Ltmp1, $4  }
0x142: {  	[sflag:s5] =	ssyncadd.s32 $0xFFFFC000  }
0x143: {  	[hbm4b:s6+s2] =	stream.linear.scatter [tilespmem:s8], [sflag:$0x5], $0x4000, $0x38;
	[tilespmem:$0x10800] =	vst v63  }
0x144: {  	s0 =	sadd.s32 $0xFFFFFFFF, s0;
	_ =	swait.ge [sflag:s5], $0x4000  }
0x145: {  	p0 =	por $0x1, $0x1;
	s1 =	rddreg [dreg:$0x5];
	[sflag:s5] =	ssyncset.done $0x0  }
.LBB2_2:
0x146: {  	[sflag:s5] =	ssyncadd.s32 $0xFFFFC000  }
0x147: {  	[tilespmem:s2], [sflag:$0x5] =	stream.linear.gather [hbm4b:s1+s2], $0x800, $0x38;
	[tilespmem:$0x10800] =	vst v63  }
0x148: {  	_ =	swait.ge [sflag:s5], $0x800  }
0x149: {  	[sflag:s5] =	ssyncset.done $0x0  }
0x14a: {  	[sflag:s5] =	ssyncadd.s32 $0xFFFFF800  }
0x14b: {  	[tilespmem:s13], [sflag:$0x1] =	stream.indirect.gather [hbm4b:s3+s15], $0x80, s2, s15, $0xb8;
	[tilespmem:$0x10800] =	vst v63  }
0x14c: {  	_ = 	snop  }
0x14d: {  	[tilespmem:s11], [sflag:$0x3] =	stream.indirect.gather [hbm4b:s4+s15], $0x80, s2, s15, $0xb8;
	[tilespmem:$0x10800] =	vst v63  }
0x14e: {  	_ = 	snop  }
0x14f: {  	[tilespmem:s9], [sflag:$0x2] =	stream.indirect.gather [hbm4b:s3+s15], $0x80, s15, s15, $0xb8;
	[tilespmem:$0x10800] =	vst v63  }
0x150: {  	_ = 	snop  }
0x151: {  	[tilespmem:s8], [sflag:$0x4] =	stream.indirect.gather [hbm4b:s4+s15], $0x80, s15, s15, $0xb8;
	[tilespmem:$0x10800] =	vst v63  }
0x152: {  	_ =	swait.ge [sflag:s16], $0x4000  }
0x153: {  	[sflag:s16] =	ssyncset.done $0x0  }
0x154: {  	[sflag:s16] =	ssyncadd.s32 $0xFFFFC000  }
0x155: {  	_ =	swait.ge [sflag:s14], $0x4000  }
0x156: {  	[sflag:s14] =	ssyncset.done $0x0  }
0x157: {  	s1 =	rddreg [dreg:$0x6];
	[sflag:s14] =	ssyncadd.s32 $0xFFFFC000  }
0x158: {  	[hbm4b:s1+s2] =	stream.linear.scatter [tilespmem:s13], [sflag:$0x5], $0x4000, $0x38;
	[tilespmem:$0x10800] =	vst v63  }
0x159: {  	_ =	swait.ge [sflag:s5], $0x4000  }
0x15a: {  	[sflag:s5] =	ssyncset.done $0x0  }
0x15b: {  	s1 =	rddreg [dreg:$0x7];
	[sflag:s5] =	ssyncadd.s32 $0xFFFFC000  }
0x15c: {  	[hbm4b:s1+s2] =	stream.linear.scatter [tilespmem:s11], [sflag:$0x5], $0x4000, $0x38;
	[tilespmem:$0x10800] =	vst v63  }
0x15d: {  	_ =	swait.ge [sflag:s5], $0x4000  }
0x15e: {  	[sflag:s5] =	ssyncset.done $0x0  }
0x15f: {  	[sflag:s5] =	ssyncadd.s32 $0xFFFFC000  }
0x160: {  	[tilespmem:s13], [sflag:$0x1] =	stream.indirect.gather [hbm4b:s3+s15], $0x80, s31, s15, $0xb8;
	[tilespmem:$0x10800] =	vst v63  }
0x161: {  	_ = 	snop  }
0x162: {  	[tilespmem:s11], [sflag:$0x3] =	stream.indirect.gather [hbm4b:s4+s15], $0x80, s31, s15, $0xb8;
	[tilespmem:$0x10800] =	vst v63  }
0x163: {  	_ =	swait.ge [sflag:s12], $0x4000  }
0x164: {  	[sflag:s12] =	ssyncset.done $0x0  }
0x165: {  	[sflag:s12] =	ssyncadd.s32 $0xFFFFC000  }
0x166: {  	_ =	swait.ge [sflag:s10], $0x4000  }
0x167: {  	[sflag:s10] =	ssyncset.done $0x0  }
0x168: {  	s1 =	rddreg [dreg:$0x8];
	[sflag:s10] =	ssyncadd.s32 $0xFFFFC000  }
0x169: {  	[hbm4b:s1+s2] =	stream.linear.scatter [tilespmem:s9], [sflag:$0x5], $0x4000, $0x38;
	[tilespmem:$0x10800] =	vst v63  }
0x16a: {  	_ =	swait.ge [sflag:s5], $0x4000  }
0x16b: {  	[sflag:s5] =	ssyncset.done $0x0  }
0x16c: {  	s1 =	rddreg [dreg:$0x9];
	[sflag:s5] =	ssyncadd.s32 $0xFFFFC000  }
0x16d: {  	[hbm4b:s1+s2] =	stream.linear.scatter [tilespmem:s8], [sflag:$0x5], $0x4000, $0x38;
	[tilespmem:$0x10800] =	vst v63  }
0x16e: {  	_ =	swait.ge [sflag:s5], $0x4000  }
0x16f: {  	[sflag:s5] =	ssyncset.done $0x0  }
0x170: {  	[sflag:s5] =	ssyncadd.s32 $0xFFFFC000  }
0x171: {  	[tilespmem:s9], [sflag:$0x2] =	stream.indirect.gather [hbm4b:s3+s15], $0x80, s30, s15, $0xb8;
	[tilespmem:$0x10800] =	vst v63  }
0x172: {  	_ = 	snop  }
0x173: {  	[tilespmem:s8], [sflag:$0x4] =	stream.indirect.gather [hbm4b:s4+s15], $0x80, s30, s15, $0xb8;
	[tilespmem:$0x10800] =	vst v63  }
0x174: {  	_ =	swait.ge [sflag:s16], $0x4000  }
0x175: {  	[sflag:s16] =	ssyncset.done $0x0  }
0x176: {  	[sflag:s16] =	ssyncadd.s32 $0xFFFFC000  }
0x177: {  	_ =	swait.ge [sflag:s14], $0x4000  }
0x178: {  	[sflag:s14] =	ssyncset.done $0x0  }
0x179: {  	s1 =	rddreg [dreg:$0xa];
	[sflag:s14] =	ssyncadd.s32 $0xFFFFC000  }
0x17a: {  	[hbm4b:s1+s2] =	stream.linear.scatter [tilespmem:s13], [sflag:$0x5], $0x4000, $0x38;
	[tilespmem:$0x10800] =	vst v63  }
0x17b: {  	_ =	swait.ge [sflag:s5], $0x4000  }
0x17c: {  	[sflag:s5] =	ssyncset.done $0x0  }
0x17d: {  	s1 =	rddreg [dreg:$0xb];
	[sflag:s5] =	ssyncadd.s32 $0xFFFFC000  }
0x17e: {  	[hbm4b:s1+s2] =	stream.linear.scatter [tilespmem:s11], [sflag:$0x5], $0x4000, $0x38;
	[tilespmem:$0x10800] =	vst v63  }
0x17f: {  	_ =	swait.ge [sflag:s5], $0x4000  }
0x180: {  	[sflag:s5] =	ssyncset.done $0x0  }
0x181: {  	[sflag:s5] =	ssyncadd.s32 $0xFFFFC000  }
0x182: {  	[tilespmem:s13], [sflag:$0x1] =	stream.indirect.gather [hbm4b:s3+s15], $0x80, s29, s15, $0xb8;
	[tilespmem:$0x10800] =	vst v63  }
0x183: {  	_ = 	snop  }
0x184: {  	[tilespmem:s11], [sflag:$0x3] =	stream.indirect.gather [hbm4b:s4+s15], $0x80, s29, s15, $0xb8;
	[tilespmem:$0x10800] =	vst v63  }
0x185: {  	_ =	swait.ge [sflag:s12], $0x4000  }
0x186: {  	[sflag:s12] =	ssyncset.done $0x0  }
0x187: {  	[sflag:s12] =	ssyncadd.s32 $0xFFFFC000  }
0x188: {  	_ =	swait.ge [sflag:s10], $0x4000  }
0x189: {  	[sflag:s10] =	ssyncset.done $0x0  }
0x18a: {  	s1 =	rddreg [dreg:$0xc];
	[sflag:s10] =	ssyncadd.s32 $0xFFFFC000  }
0x18b: {  	[hbm4b:s1+s2] =	stream.linear.scatter [tilespmem:s9], [sflag:$0x5], $0x4000, $0x38;
	[tilespmem:$0x10800] =	vst v63  }
0x18c: {  	_ =	swait.ge [sflag:s5], $0x4000  }
0x18d: {  	[sflag:s5] =	ssyncset.done $0x0  }
0x18e: {  	s1 =	rddreg [dreg:$0xd];
	[sflag:s5] =	ssyncadd.s32 $0xFFFFC000  }
0x18f: {  	[hbm4b:s1+s2] =	stream.linear.scatter [tilespmem:s8], [sflag:$0x5], $0x4000, $0x38;
	[tilespmem:$0x10800] =	vst v63  }
0x190: {  	_ =	swait.ge [sflag:s5], $0x4000  }
0x191: {  	[sflag:s5] =	ssyncset.done $0x0  }
0x192: {  	[sflag:s5] =	ssyncadd.s32 $0xFFFFC000  }
0x193: {  	[tilespmem:s9], [sflag:$0x2] =	stream.indirect.gather [hbm4b:s3+s15], $0x80, s28, s15, $0xb8;
	[tilespmem:$0x10800] =	vst v63  }
0x194: {  	_ = 	snop  }
0x195: {  	[tilespmem:s8], [sflag:$0x4] =	stream.indirect.gather [hbm4b:s4+s15], $0x80, s28, s15, $0xb8;
	[tilespmem:$0x10800] =	vst v63  }
0x196: {  	_ =	swait.ge [sflag:s16], $0x4000  }
0x197: {  	[sflag:s16] =	ssyncset.done $0x0  }
0x198: {  	[sflag:s16] =	ssyncadd.s32 $0xFFFFC000  }
0x199: {  	_ =	swait.ge [sflag:s14], $0x4000  }
0x19a: {  	[sflag:s14] =	ssyncset.done $0x0  }
0x19b: {  	s1 =	rddreg [dreg:$0xe];
	[sflag:s14] =	ssyncadd.s32 $0xFFFFC000  }
0x19c: {  	[hbm4b:s1+s2] =	stream.linear.scatter [tilespmem:s13], [sflag:$0x5], $0x4000, $0x38;
	[tilespmem:$0x10800] =	vst v63  }
0x19d: {  	_ =	swait.ge [sflag:s5], $0x4000  }
0x19e: {  	[sflag:s5] =	ssyncset.done $0x0  }
0x19f: {  	s1 =	rddreg [dreg:$0xf];
	[sflag:s5] =	ssyncadd.s32 $0xFFFFC000  }
0x1a0: {  	[hbm4b:s1+s2] =	stream.linear.scatter [tilespmem:s11], [sflag:$0x5], $0x4000, $0x38;
	[tilespmem:$0x10800] =	vst v63  }
0x1a1: {  	_ =	swait.ge [sflag:s5], $0x4000  }
0x1a2: {  	[sflag:s5] =	ssyncset.done $0x0  }
0x1a3: {  	[sflag:s5] =	ssyncadd.s32 $0xFFFFC000  }
0x1a4: {  	[tilespmem:s13], [sflag:$0x1] =	stream.indirect.gather [hbm4b:s3+s15], $0x80, s26, s15, $0xb8;
	[tilespmem:$0x10800] =	vst v63  }
0x1a5: {  	_ = 	snop  }
0x1a6: {  	[tilespmem:s11], [sflag:$0x3] =	stream.indirect.gather [hbm4b:s4+s15], $0x80, s26, s15, $0xb8;
	[tilespmem:$0x10800] =	vst v63  }
0x1a7: {  	_ =	swait.ge [sflag:s12], $0x4000  }
0x1a8: {  	[sflag:s12] =	ssyncset.done $0x0  }
0x1a9: {  	[sflag:s12] =	ssyncadd.s32 $0xFFFFC000  }
0x1aa: {  	_ =	swait.ge [sflag:s10], $0x4000  }
0x1ab: {  	[sflag:s10] =	ssyncset.done $0x0  }
0x1ac: {  	s1 =	rddreg [dreg:$0x10];
	[sflag:s10] =	ssyncadd.s32 $0xFFFFC000  }
0x1ad: {  	[hbm4b:s1+s2] =	stream.linear.scatter [tilespmem:s9], [sflag:$0x5], $0x4000, $0x38;
	[tilespmem:$0x10800] =	vst v63  }
0x1ae: {  	_ =	swait.ge [sflag:s5], $0x4000  }
0x1af: {  	[sflag:s5] =	ssyncset.done $0x0  }
0x1b0: {  	s1 =	rddreg [dreg:$0x11];
	[sflag:s5] =	ssyncadd.s32 $0xFFFFC000  }
0x1b1: {  	[hbm4b:s1+s2] =	stream.linear.scatter [tilespmem:s8], [sflag:$0x5], $0x4000, $0x38;
	[tilespmem:$0x10800] =	vst v63  }
0x1b2: {  	_ =	swait.ge [sflag:s5], $0x4000  }
0x1b3: {  	[sflag:s5] =	ssyncset.done $0x0  }
0x1b4: {  	[sflag:s5] =	ssyncadd.s32 $0xFFFFC000  }
0x1b5: {  	[tilespmem:s9], [sflag:$0x2] =	stream.indirect.gather [hbm4b:s3+s15], $0x80, s25, s15, $0xb8;
	[tilespmem:$0x10800] =	vst v63  }
0x1b6: {  	_ = 	snop  }
0x1b7: {  	[tilespmem:s8], [sflag:$0x4] =	stream.indirect.gather [hbm4b:s4+s15], $0x80, s25, s15, $0xb8;
	[tilespmem:$0x10800] =	vst v63  }
0x1b8: {  	_ =	swait.ge [sflag:s16], $0x4000  }
0x1b9: {  	[sflag:s16] =	ssyncset.done $0x0  }
0x1ba: {  	[sflag:s16] =	ssyncadd.s32 $0xFFFFC000  }
0x1bb: {  	_ =	swait.ge [sflag:s14], $0x4000  }
0x1bc: {  	[sflag:s14] =	ssyncset.done $0x0  }
0x1bd: {  	s1 =	rddreg [dreg:$0x12];
	[sflag:s14] =	ssyncadd.s32 $0xFFFFC000  }
0x1be: {  	[hbm4b:s1+s2] =	stream.linear.scatter [tilespmem:s13], [sflag:$0x5], $0x4000, $0x38;
	[tilespmem:$0x10800] =	vst v63  }
0x1bf: {  	_ =	swait.ge [sflag:s5], $0x4000  }
0x1c0: {  	[sflag:s5] =	ssyncset.done $0x0  }
0x1c1: {  	s1 =	rddreg [dreg:$0x13];
	[sflag:s5] =	ssyncadd.s32 $0xFFFFC000  }
0x1c2: {  	[hbm4b:s1+s2] =	stream.linear.scatter [tilespmem:s11], [sflag:$0x5], $0x4000, $0x38;
	[tilespmem:$0x10800] =	vst v63  }
0x1c3: {  	_ =	swait.ge [sflag:s5], $0x4000  }
0x1c4: {  	[sflag:s5] =	ssyncset.done $0x0  }
0x1c5: {  	[sflag:s5] =	ssyncadd.s32 $0xFFFFC000  }
0x1c6: {  	[tilespmem:s13], [sflag:$0x1] =	stream.indirect.gather [hbm4b:s3+s15], $0x80, s24, s15, $0xb8;
	[tilespmem:$0x10800] =	vst v63  }
0x1c7: {  	_ = 	snop  }
0x1c8: {  	[tilespmem:s11], [sflag:$0x3] =	stream.indirect.gather [hbm4b:s4+s15], $0x80, s24, s15, $0xb8;
	[tilespmem:$0x10800] =	vst v63  }
0x1c9: {  	_ =	swait.ge [sflag:s12], $0x4000  }
0x1ca: {  	[sflag:s12] =	ssyncset.done $0x0  }
0x1cb: {  	[sflag:s12] =	ssyncadd.s32 $0xFFFFC000  }
0x1cc: {  	_ =	swait.ge [sflag:s10], $0x4000  }
0x1cd: {  	[sflag:s10] =	ssyncset.done $0x0  }
0x1ce: {  	s1 =	rddreg [dreg:$0x14];
	[sflag:s10] =	ssyncadd.s32 $0xFFFFC000  }
0x1cf: {  	[hbm4b:s1+s2] =	stream.linear.scatter [tilespmem:s9], [sflag:$0x5], $0x4000, $0x38;
	[tilespmem:$0x10800] =	vst v63  }
0x1d0: {  	_ =	swait.ge [sflag:s5], $0x4000  }
0x1d1: {  	[sflag:s5] =	ssyncset.done $0x0  }
0x1d2: {  	s1 =	rddreg [dreg:$0x15];
	[sflag:s5] =	ssyncadd.s32 $0xFFFFC000  }
0x1d3: {  	[hbm4b:s1+s2] =	stream.linear.scatter [tilespmem:s8], [sflag:$0x5], $0x4000, $0x38;
	[tilespmem:$0x10800] =	vst v63  }
0x1d4: {  	_ =	swait.ge [sflag:s5], $0x4000  }
0x1d5: {  	[sflag:s5] =	ssyncset.done $0x0  }
0x1d6: {  	[sflag:s5] =	ssyncadd.s32 $0xFFFFC000  }
0x1d7: {  	[tilespmem:s9], [sflag:$0x2] =	stream.indirect.gather [hbm4b:s3+s15], $0x80, s23, s15, $0xb8;
	[tilespmem:$0x10800] =	vst v63  }
0x1d8: {  	_ = 	snop  }
0x1d9: {  	[tilespmem:s8], [sflag:$0x4] =	stream.indirect.gather [hbm4b:s4+s15], $0x80, s23, s15, $0xb8;
	[tilespmem:$0x10800] =	vst v63  }
0x1da: {  	_ =	swait.ge [sflag:s16], $0x4000  }
0x1db: {  	[sflag:s16] =	ssyncset.done $0x0  }
0x1dc: {  	[sflag:s16] =	ssyncadd.s32 $0xFFFFC000  }
0x1dd: {  	_ =	swait.ge [sflag:s14], $0x4000  }
0x1de: {  	[sflag:s14] =	ssyncset.done $0x0  }
0x1df: {  	s1 =	rddreg [dreg:$0x16];
	[sflag:s14] =	ssyncadd.s32 $0xFFFFC000  }
0x1e0: {  	[hbm4b:s1+s2] =	stream.linear.scatter [tilespmem:s13], [sflag:$0x5], $0x4000, $0x38;
	[tilespmem:$0x10800] =	vst v63  }
0x1e1: {  	_ =	swait.ge [sflag:s5], $0x4000  }
0x1e2: {  	[sflag:s5] =	ssyncset.done $0x0  }
0x1e3: {  	s1 =	rddreg [dreg:$0x17];
	[sflag:s5] =	ssyncadd.s32 $0xFFFFC000  }
0x1e4: {  	[hbm4b:s1+s2] =	stream.linear.scatter [tilespmem:s11], [sflag:$0x5], $0x4000, $0x38;
	[tilespmem:$0x10800] =	vst v63  }
0x1e5: {  	_ =	swait.ge [sflag:s5], $0x4000  }
0x1e6: {  	[sflag:s5] =	ssyncset.done $0x0  }
0x1e7: {  	[sflag:s5] =	ssyncadd.s32 $0xFFFFC000  }
0x1e8: {  	[tilespmem:s13], [sflag:$0x1] =	stream.indirect.gather [hbm4b:s3+s15], $0x80, s22, s15, $0xb8;
	[tilespmem:$0x10800] =	vst v63  }
0x1e9: {  	_ = 	snop  }
0x1ea: {  	[tilespmem:s11], [sflag:$0x3] =	stream.indirect.gather [hbm4b:s4+s15], $0x80, s22, s15, $0xb8;
	[tilespmem:$0x10800] =	vst v63  }
0x1eb: {  	_ =	swait.ge [sflag:s12], $0x4000  }
0x1ec: {  	[sflag:s12] =	ssyncset.done $0x0  }
0x1ed: {  	[sflag:s12] =	ssyncadd.s32 $0xFFFFC000  }
0x1ee: {  	_ =	swait.ge [sflag:s10], $0x4000  }
0x1ef: {  	[sflag:s10] =	ssyncset.done $0x0  }
0x1f0: {  	s1 =	rddreg [dreg:$0x18];
	[sflag:s10] =	ssyncadd.s32 $0xFFFFC000  }
0x1f1: {  	[hbm4b:s1+s2] =	stream.linear.scatter [tilespmem:s9], [sflag:$0x5], $0x4000, $0x38;
	[tilespmem:$0x10800] =	vst v63  }
0x1f2: {  	_ =	swait.ge [sflag:s5], $0x4000  }
0x1f3: {  	[sflag:s5] =	ssyncset.done $0x0  }
0x1f4: {  	s1 =	rddreg [dreg:$0x19];
	[sflag:s5] =	ssyncadd.s32 $0xFFFFC000  }
0x1f5: {  	[hbm4b:s1+s2] =	stream.linear.scatter [tilespmem:s8], [sflag:$0x5], $0x4000, $0x38;
	[tilespmem:$0x10800] =	vst v63  }
0x1f6: {  	_ =	swait.ge [sflag:s5], $0x4000  }
0x1f7: {  	[sflag:s5] =	ssyncset.done $0x0  }
0x1f8: {  	[sflag:s5] =	ssyncadd.s32 $0xFFFFC000  }
0x1f9: {  	[tilespmem:s9], [sflag:$0x2] =	stream.indirect.gather [hbm4b:s3+s15], $0x80, s21, s15, $0xb8;
	[tilespmem:$0x10800] =	vst v63  }
0x1fa: {  	_ = 	snop  }
0x1fb: {  	[tilespmem:s8], [sflag:$0x4] =	stream.indirect.gather [hbm4b:s4+s15], $0x80, s21, s15, $0xb8;
	[tilespmem:$0x10800] =	vst v63  }
0x1fc: {  	_ =	swait.ge [sflag:s16], $0x4000  }
0x1fd: {  	[sflag:s16] =	ssyncset.done $0x0  }
0x1fe: {  	[sflag:s16] =	ssyncadd.s32 $0xFFFFC000  }
0x1ff: {  	_ =	swait.ge [sflag:s14], $0x4000  }
0x200: {  	[sflag:s14] =	ssyncset.done $0x0  }
0x201: {  	s1 =	rddreg [dreg:$0x1a];
	[sflag:s14] =	ssyncadd.s32 $0xFFFFC000  }
0x202: {  	[hbm4b:s1+s2] =	stream.linear.scatter [tilespmem:s13], [sflag:$0x5], $0x4000, $0x38;
	[tilespmem:$0x10800] =	vst v63  }
0x203: {  	_ =	swait.ge [sflag:s5], $0x4000  }
0x204: {  	[sflag:s5] =	ssyncset.done $0x0  }
0x205: {  	s1 =	rddreg [dreg:$0x1b];
	[sflag:s5] =	ssyncadd.s32 $0xFFFFC000  }
0x206: {  	[hbm4b:s1+s2] =	stream.linear.scatter [tilespmem:s11], [sflag:$0x5], $0x4000, $0x38;
	[tilespmem:$0x10800] =	vst v63  }
0x207: {  	_ =	swait.ge [sflag:s5], $0x4000  }
0x208: {  	[sflag:s5] =	ssyncset.done $0x0  }
0x209: {  	[sflag:s5] =	ssyncadd.s32 $0xFFFFC000  }
0x20a: {  	[tilespmem:s13], [sflag:$0x1] =	stream.indirect.gather [hbm4b:s3+s15], $0x80, s20, s15, $0xb8;
	[tilespmem:$0x10800] =	vst v63  }
0x20b: {  	_ = 	snop  }
0x20c: {  	[tilespmem:s11], [sflag:$0x3] =	stream.indirect.gather [hbm4b:s4+s15], $0x80, s20, s15, $0xb8;
	[tilespmem:$0x10800] =	vst v63  }
0x20d: {  	_ =	swait.ge [sflag:s12], $0x4000  }
0x20e: {  	[sflag:s12] =	ssyncset.done $0x0  }
0x20f: {  	[sflag:s12] =	ssyncadd.s32 $0xFFFFC000  }
0x210: {  	_ =	swait.ge [sflag:s10], $0x4000  }
0x211: {  	[sflag:s10] =	ssyncset.done $0x0  }
0x212: {  	s1 =	rddreg [dreg:$0x1c];
	[sflag:s10] =	ssyncadd.s32 $0xFFFFC000  }
0x213: {  	[hbm4b:s1+s2] =	stream.linear.scatter [tilespmem:s9], [sflag:$0x5], $0x4000, $0x38;
	[tilespmem:$0x10800] =	vst v63  }
0x214: {  	_ =	swait.ge [sflag:s5], $0x4000  }
0x215: {  	[sflag:s5] =	ssyncset.done $0x0  }
0x216: {  	s1 =	rddreg [dreg:$0x1d];
	[sflag:s5] =	ssyncadd.s32 $0xFFFFC000  }
0x217: {  	[hbm4b:s1+s2] =	stream.linear.scatter [tilespmem:s8], [sflag:$0x5], $0x4000, $0x38;
	[tilespmem:$0x10800] =	vst v63  }
0x218: {  	_ =	swait.ge [sflag:s5], $0x4000  }
0x219: {  	[sflag:s5] =	ssyncset.done $0x0  }
0x21a: {  	[sflag:s5] =	ssyncadd.s32 $0xFFFFC000  }
0x21b: {  	[tilespmem:s9], [sflag:$0x2] =	stream.indirect.gather [hbm4b:s3+s15], $0x80, s19, s15, $0xb8;
	[tilespmem:$0x10800] =	vst v63  }
0x21c: {  	_ = 	snop  }
0x21d: {  	[tilespmem:s8], [sflag:$0x4] =	stream.indirect.gather [hbm4b:s4+s15], $0x80, s19, s15, $0xb8;
	[tilespmem:$0x10800] =	vst v63  }
0x21e: {  	_ =	swait.ge [sflag:s16], $0x4000  }
0x21f: {  	[sflag:s16] =	ssyncset.done $0x0  }
0x220: {  	[sflag:s16] =	ssyncadd.s32 $0xFFFFC000  }
0x221: {  	_ =	swait.ge [sflag:s14], $0x4000  }
0x222: {  	[sflag:s14] =	ssyncset.done $0x0  }
0x223: {  	s1 =	rddreg [dreg:$0x1e];
	[sflag:s14] =	ssyncadd.s32 $0xFFFFC000  }
0x224: {  	[hbm4b:s1+s2] =	stream.linear.scatter [tilespmem:s13], [sflag:$0x5], $0x4000, $0x38;
	[tilespmem:$0x10800] =	vst v63  }
0x225: {  	_ =	swait.ge [sflag:s5], $0x4000  }
0x226: {  	[sflag:s5] =	ssyncset.done $0x0  }
0x227: {  	s1 =	rddreg [dreg:$0x1f];
	[sflag:s5] =	ssyncadd.s32 $0xFFFFC000  }
0x228: {  	[hbm4b:s1+s2] =	stream.linear.scatter [tilespmem:s11], [sflag:$0x5], $0x4000, $0x38;
	[tilespmem:$0x10800] =	vst v63  }
0x229: {  	_ =	swait.ge [sflag:s5], $0x4000  }
0x22a: {  	[sflag:s5] =	ssyncset.done $0x0  }
0x22b: {  	[sflag:s5] =	ssyncadd.s32 $0xFFFFC000  }
0x22c: {  	[tilespmem:s13], [sflag:$0x1] =	stream.indirect.gather [hbm4b:s3+s15], $0x80, s18, s15, $0xb8;
	[tilespmem:$0x10800] =	vst v63  }
0x22d: {  	_ = 	snop  }
0x22e: {  	[tilespmem:s11], [sflag:$0x3] =	stream.indirect.gather [hbm4b:s4+s15], $0x80, s18, s15, $0xb8;
	[tilespmem:$0x10800] =	vst v63  }
0x22f: {  	_ =	swait.ge [sflag:s12], $0x4000  }
0x230: {  	[sflag:s12] =	ssyncset.done $0x0  }
0x231: {  	[sflag:s12] =	ssyncadd.s32 $0xFFFFC000  }
0x232: {  	_ =	swait.ge [sflag:s10], $0x4000  }
0x233: {  	s1 =	sld [smem:$0x7FA]  }
0x234: {  	[sflag:s10] =	ssyncset.done $0x0  }
0x235: {  	[sflag:s10] =	ssyncadd.s32 $0xFFFFC000  }
0x236: {  	[hbm4b:s1+s2] =	stream.linear.scatter [tilespmem:s9], [sflag:$0x5], $0x4000, $0x38;
	[tilespmem:$0x10800] =	vst v63  }
0x237: {  	_ =	swait.ge [sflag:s5], $0x4000  }
0x238: {  	s1 =	sld [smem:$0x7FB]  }
0x239: {  	[sflag:s5] =	ssyncset.done $0x0  }
0x23a: {  	[sflag:s5] =	ssyncadd.s32 $0xFFFFC000  }
0x23b: {  	[hbm4b:s1+s2] =	stream.linear.scatter [tilespmem:s8], [sflag:$0x5], $0x4000, $0x38;
	[tilespmem:$0x10800] =	vst v63  }
0x23c: {  	_ =	swait.ge [sflag:s5], $0x4000  }
0x23d: {  	[sflag:s5] =	ssyncset.done $0x0  }
0x23e: {  	[sflag:s5] =	ssyncadd.s32 $0xFFFFC000  }
0x23f: {  	[tilespmem:s9], [sflag:$0x2] =	stream.indirect.gather [hbm4b:s3+s15], $0x80, s17, s15, $0xb8;
	[tilespmem:$0x10800] =	vst v63  }
0x240: {  	_ = 	snop  }
0x241: {  	[tilespmem:s8], [sflag:$0x4] =	stream.indirect.gather [hbm4b:s4+s15], $0x80, s17, s15, $0xb8;
	[tilespmem:$0x10800] =	vst v63  }
0x242: {  	_ =	swait.ge [sflag:s16], $0x4000  }
0x243: {  	[sflag:s16] =	ssyncset.done $0x0  }
0x244: {  	[sflag:s16] =	ssyncadd.s32 $0xFFFFC000  }
0x245: {  	_ =	swait.ge [sflag:s14], $0x4000  }
0x246: {  	s1 =	sld [smem:$0x7FC]  }
0x247: {  	[sflag:s14] =	ssyncset.done $0x0  }
0x248: {  	[sflag:s14] =	ssyncadd.s32 $0xFFFFC000  }
0x249: {  	[hbm4b:s1+s2] =	stream.linear.scatter [tilespmem:s13], [sflag:$0x5], $0x4000, $0x38;
	[tilespmem:$0x10800] =	vst v63  }
0x24a: {  	_ =	swait.ge [sflag:s5], $0x4000  }
0x24b: {  	s1 =	sld [smem:$0x7FD]  }
0x24c: {  	[sflag:s5] =	ssyncset.done $0x0  }
0x24d: {  	[sflag:s5] =	ssyncadd.s32 $0xFFFFC000  }
0x24e: {  	[hbm4b:s1+s2] =	stream.linear.scatter [tilespmem:s11], [sflag:$0x5], $0x4000, $0x38;
	[tilespmem:$0x10800] =	vst v63  }
0x24f: {  	_ =	swait.ge [sflag:s5], $0x4000  }
0x250: {  	[sflag:s5] =	ssyncset.done $0x0  }
0x251: {  	[sflag:s5] =	ssyncadd.s32 $0xFFFFC000  }
0x252: {  	_ =	swait.ge [sflag:s12], $0x4000  }
0x253: {  	[sflag:s12] =	ssyncset.done $0x0  }
0x254: {  	[sflag:s12] =	ssyncadd.s32 $0xFFFFC000  }
0x255: {  	_ =	swait.ge [sflag:s10], $0x4000  }
0x256: {  	[sflag:s10] =	ssyncset.done $0x0  }
0x257: {  	[sflag:s10] =	ssyncadd.s32 $0xFFFFC000  }
0x258: {  	[hbm4b:s7+s2] =	stream.linear.scatter [tilespmem:s9], [sflag:$0x5], $0x4000, $0x38;
	[tilespmem:$0x10800] =	vst v63  }
0x259: {  	p1 =	sne.s32 s0, $0x1;
	_ =	swait.ge [sflag:s5], $0x4000  }
.Ltmp2:
0x25a: {  	[sflag:s5] =	ssyncset.done $0x0;
	(pc) =	sbr.rel @p1 .LBB2_2-.Ltmp2, $4  }
0x25b: {  	[sflag:s5] =	ssyncadd.s32 $0xFFFFC000  }
0x25c: {  	[hbm4b:s6+s2] =	stream.linear.scatter [tilespmem:s8], [sflag:$0x5], $0x4000, $0x38;
	[tilespmem:$0x10800] =	vst v63  }
0x25d: {  	_ =	swait.ge [sflag:s5], $0x4000  }
0x25e: {  	s0 =	sadd.s32 $0xFFFFFFFF, s0;
	s1 =	rddreg [dreg:$0x5];
	[sflag:s5] =	ssyncset.done $0x0  }
.LBB2_3:
0x25f: {  	[sflag:s5] =	ssyncadd.s32 @p0 $0xFFFFC000  }
0x260: {  	[tilespmem:s2], [sflag:$0x5] =	stream.linear.gather [hbm4b:s1+s2], $0x800, $0x38;
	[tilespmem:$0x10800] =	vst v63  }
0x261: {  	_ =	swait.ge [sflag:s5], $0x800  }
0x262: {  	[sflag:s5] =	ssyncset.done $0x0  }
0x263: {  	[sflag:s5] =	ssyncadd.s32 $0xFFFFF800  }
0x264: {  	[tilespmem:s13], [sflag:$0x1] =	stream.indirect.gather [hbm4b:s3+s15], $0x80, s2, s15, $0xb8;
	[tilespmem:$0x10800] =	vst v63  }
0x265: {  	_ = 	snop  }
0x266: {  	[tilespmem:s11], [sflag:$0x3] =	stream.indirect.gather [hbm4b:s4+s15], $0x80, s2, s15, $0xb8;
	[tilespmem:$0x10800] =	vst v63  }
0x267: {  	_ = 	snop  }
0x268: {  	[tilespmem:s9], [sflag:$0x2] =	stream.indirect.gather [hbm4b:s3+s15], $0x80, s15, s15, $0xb8;
	[tilespmem:$0x10800] =	vst v63  }
0x269: {  	_ = 	snop  }
0x26a: {  	[tilespmem:s8], [sflag:$0x4] =	stream.indirect.gather [hbm4b:s4+s15], $0x80, s15, s15, $0xb8;
	[tilespmem:$0x10800] =	vst v63  }
0x26b: {  	_ =	swait.ge [sflag:s16], $0x4000  }
0x26c: {  	[sflag:s16] =	ssyncset.done $0x0  }
0x26d: {  	[sflag:s16] =	ssyncadd.s32 $0xFFFFC000  }
0x26e: {  	_ =	swait.ge [sflag:s14], $0x4000  }
0x26f: {  	[sflag:s14] =	ssyncset.done $0x0  }
0x270: {  	s0 =	rddreg [dreg:$0x6];
	[sflag:s14] =	ssyncadd.s32 $0xFFFFC000  }
0x271: {  	[hbm4b:s0+s2] =	stream.linear.scatter [tilespmem:s13], [sflag:$0x5], $0x4000, $0x38;
	[tilespmem:$0x10800] =	vst v63  }
0x272: {  	_ =	swait.ge [sflag:s5], $0x4000  }
0x273: {  	[sflag:s5] =	ssyncset.done $0x0  }
0x274: {  	s1 =	rddreg [dreg:$0x7];
	[sflag:s5] =	ssyncadd.s32 $0xFFFFC000  }
0x275: {  	[hbm4b:s1+s2] =	stream.linear.scatter [tilespmem:s11], [sflag:$0x5], $0x4000, $0x38;
	[tilespmem:$0x10800] =	vst v63  }
0x276: {  	_ =	swait.ge [sflag:s5], $0x4000  }
0x277: {  	[sflag:s5] =	ssyncset.done $0x0  }
0x278: {  	[sflag:s5] =	ssyncadd.s32 $0xFFFFC000  }
0x279: {  	[tilespmem:s13], [sflag:$0x1] =	stream.indirect.gather [hbm4b:s3+s15], $0x80, s31, s15, $0xb8;
	[tilespmem:$0x10800] =	vst v63  }
0x27a: {  	_ = 	snop  }
0x27b: {  	[tilespmem:s11], [sflag:$0x3] =	stream.indirect.gather [hbm4b:s4+s15], $0x80, s31, s15, $0xb8;
	[tilespmem:$0x10800] =	vst v63  }
0x27c: {  	_ =	swait.ge [sflag:s12], $0x4000  }
0x27d: {  	[sflag:s12] =	ssyncset.done $0x0  }
0x27e: {  	[sflag:s12] =	ssyncadd.s32 $0xFFFFC000  }
0x27f: {  	_ =	swait.ge [sflag:s10], $0x4000  }
0x280: {  	[sflag:s10] =	ssyncset.done $0x0  }
0x281: {  	s31 =	rddreg [dreg:$0x8];
	[sflag:s10] =	ssyncadd.s32 $0xFFFFC000  }
0x282: {  	[hbm4b:s31+s2] =	stream.linear.scatter [tilespmem:s9], [sflag:$0x5], $0x4000, $0x38;
	[tilespmem:$0x10800] =	vst v63  }
0x283: {  	_ =	swait.ge [sflag:s5], $0x4000  }
0x284: {  	[sflag:s5] =	ssyncset.done $0x0  }
0x285: {  	s1 =	rddreg [dreg:$0x9];
	[sflag:s5] =	ssyncadd.s32 $0xFFFFC000  }
0x286: {  	[hbm4b:s1+s2] =	stream.linear.scatter [tilespmem:s8], [sflag:$0x5], $0x4000, $0x38;
	[tilespmem:$0x10800] =	vst v63  }
0x287: {  	_ =	swait.ge [sflag:s5], $0x4000  }
0x288: {  	[sflag:s5] =	ssyncset.done $0x0  }
0x289: {  	[sflag:s5] =	ssyncadd.s32 $0xFFFFC000  }
0x28a: {  	[tilespmem:s9], [sflag:$0x2] =	stream.indirect.gather [hbm4b:s3+s15], $0x80, s30, s15, $0xb8;
	[tilespmem:$0x10800] =	vst v63  }
0x28b: {  	_ = 	snop  }
0x28c: {  	[tilespmem:s8], [sflag:$0x4] =	stream.indirect.gather [hbm4b:s4+s15], $0x80, s30, s15, $0xb8;
	[tilespmem:$0x10800] =	vst v63  }
0x28d: {  	_ =	swait.ge [sflag:s16], $0x4000  }
0x28e: {  	[sflag:s16] =	ssyncset.done $0x0  }
0x28f: {  	[sflag:s16] =	ssyncadd.s32 $0xFFFFC000  }
0x290: {  	_ =	swait.ge [sflag:s14], $0x4000  }
0x291: {  	[sflag:s14] =	ssyncset.done $0x0  }
0x292: {  	s31 =	rddreg [dreg:$0xa];
	[sflag:s14] =	ssyncadd.s32 $0xFFFFC000  }
0x293: {  	[hbm4b:s31+s2] =	stream.linear.scatter [tilespmem:s13], [sflag:$0x5], $0x4000, $0x38;
	[tilespmem:$0x10800] =	vst v63  }
0x294: {  	_ =	swait.ge [sflag:s5], $0x4000  }
0x295: {  	[sflag:s5] =	ssyncset.done $0x0  }
0x296: {  	s1 =	rddreg [dreg:$0xb];
	[sflag:s5] =	ssyncadd.s32 $0xFFFFC000  }
0x297: {  	[hbm4b:s1+s2] =	stream.linear.scatter [tilespmem:s11], [sflag:$0x5], $0x4000, $0x38;
	[tilespmem:$0x10800] =	vst v63  }
0x298: {  	_ =	swait.ge [sflag:s5], $0x4000  }
0x299: {  	[sflag:s5] =	ssyncset.done $0x0  }
0x29a: {  	[sflag:s5] =	ssyncadd.s32 $0xFFFFC000  }
0x29b: {  	[tilespmem:s13], [sflag:$0x1] =	stream.indirect.gather [hbm4b:s3+s15], $0x80, s29, s15, $0xb8;
	[tilespmem:$0x10800] =	vst v63  }
0x29c: {  	_ = 	snop  }
0x29d: {  	[tilespmem:s11], [sflag:$0x3] =	stream.indirect.gather [hbm4b:s4+s15], $0x80, s29, s15, $0xb8;
	[tilespmem:$0x10800] =	vst v63  }
0x29e: {  	_ =	swait.ge [sflag:s12], $0x4000  }
0x29f: {  	[sflag:s12] =	ssyncset.done $0x0  }
0x2a0: {  	[sflag:s12] =	ssyncadd.s32 $0xFFFFC000  }
0x2a1: {  	_ =	swait.ge [sflag:s10], $0x4000  }
0x2a2: {  	[sflag:s10] =	ssyncset.done $0x0  }
0x2a3: {  	s30 =	rddreg [dreg:$0xc];
	[sflag:s10] =	ssyncadd.s32 $0xFFFFC000  }
0x2a4: {  	[hbm4b:s30+s2] =	stream.linear.scatter [tilespmem:s9], [sflag:$0x5], $0x4000, $0x38;
	[tilespmem:$0x10800] =	vst v63  }
0x2a5: {  	_ =	swait.ge [sflag:s5], $0x4000  }
0x2a6: {  	[sflag:s5] =	ssyncset.done $0x0  }
0x2a7: {  	s31 =	rddreg [dreg:$0xd];
	[sflag:s5] =	ssyncadd.s32 $0xFFFFC000  }
0x2a8: {  	[hbm4b:s31+s2] =	stream.linear.scatter [tilespmem:s8], [sflag:$0x5], $0x4000, $0x38;
	[tilespmem:$0x10800] =	vst v63  }
0x2a9: {  	_ =	swait.ge [sflag:s5], $0x4000  }
0x2aa: {  	[sflag:s5] =	ssyncset.done $0x0  }
0x2ab: {  	[sflag:s5] =	ssyncadd.s32 $0xFFFFC000  }
0x2ac: {  	[tilespmem:s9], [sflag:$0x2] =	stream.indirect.gather [hbm4b:s3+s15], $0x80, s28, s15, $0xb8;
	[tilespmem:$0x10800] =	vst v63  }
0x2ad: {  	_ = 	snop  }
0x2ae: {  	[tilespmem:s8], [sflag:$0x4] =	stream.indirect.gather [hbm4b:s4+s15], $0x80, s28, s15, $0xb8;
	[tilespmem:$0x10800] =	vst v63  }
0x2af: {  	_ =	swait.ge [sflag:s16], $0x4000  }
0x2b0: {  	[sflag:s16] =	ssyncset.done $0x0  }
0x2b1: {  	[sflag:s16] =	ssyncadd.s32 $0xFFFFC000  }
0x2b2: {  	_ =	swait.ge [sflag:s14], $0x4000  }
0x2b3: {  	[sflag:s14] =	ssyncset.done $0x0  }
0x2b4: {  	s1 =	rddreg [dreg:$0xe];
	[sflag:s14] =	ssyncadd.s32 $0xFFFFC000  }
0x2b5: {  	[hbm4b:s1+s2] =	stream.linear.scatter [tilespmem:s13], [sflag:$0x5], $0x4000, $0x38;
	[tilespmem:$0x10800] =	vst v63  }
0x2b6: {  	_ =	swait.ge [sflag:s5], $0x4000  }
0x2b7: {  	[sflag:s5] =	ssyncset.done $0x0  }
0x2b8: {  	s28 =	rddreg [dreg:$0xf];
	[sflag:s5] =	ssyncadd.s32 $0xFFFFC000  }
0x2b9: {  	[hbm4b:s28+s2] =	stream.linear.scatter [tilespmem:s11], [sflag:$0x5], $0x4000, $0x38;
	[tilespmem:$0x10800] =	vst v63  }
0x2ba: {  	_ =	swait.ge [sflag:s5], $0x4000  }
0x2bb: {  	[sflag:s5] =	ssyncset.done $0x0  }
0x2bc: {  	[sflag:s5] =	ssyncadd.s32 $0xFFFFC000  }
0x2bd: {  	[tilespmem:s13], [sflag:$0x1] =	stream.indirect.gather [hbm4b:s3+s15], $0x80, s26, s15, $0xb8;
	[tilespmem:$0x10800] =	vst v63  }
0x2be: {  	_ = 	snop  }
0x2bf: {  	[tilespmem:s11], [sflag:$0x3] =	stream.indirect.gather [hbm4b:s4+s15], $0x80, s26, s15, $0xb8;
	[tilespmem:$0x10800] =	vst v63  }
0x2c0: {  	_ =	swait.ge [sflag:s12], $0x4000  }
0x2c1: {  	[sflag:s12] =	ssyncset.done $0x0  }
0x2c2: {  	[sflag:s12] =	ssyncadd.s32 $0xFFFFC000  }
0x2c3: {  	_ =	swait.ge [sflag:s10], $0x4000  }
0x2c4: {  	[sflag:s10] =	ssyncset.done $0x0  }
0x2c5: {  	s29 =	rddreg [dreg:$0x10];
	[sflag:s10] =	ssyncadd.s32 $0xFFFFC000  }
0x2c6: {  	[hbm4b:s29+s2] =	stream.linear.scatter [tilespmem:s9], [sflag:$0x5], $0x4000, $0x38;
	[tilespmem:$0x10800] =	vst v63  }
0x2c7: {  	_ =	swait.ge [sflag:s5], $0x4000  }
0x2c8: {  	[sflag:s5] =	ssyncset.done $0x0  }
0x2c9: {  	s30 =	rddreg [dreg:$0x11];
	[sflag:s5] =	ssyncadd.s32 $0xFFFFC000  }
0x2ca: {  	[hbm4b:s30+s2] =	stream.linear.scatter [tilespmem:s8], [sflag:$0x5], $0x4000, $0x38;
	[tilespmem:$0x10800] =	vst v63  }
0x2cb: {  	_ =	swait.ge [sflag:s5], $0x4000  }
0x2cc: {  	[sflag:s5] =	ssyncset.done $0x0  }
0x2cd: {  	[sflag:s5] =	ssyncadd.s32 $0xFFFFC000  }
0x2ce: {  	[tilespmem:s9], [sflag:$0x2] =	stream.indirect.gather [hbm4b:s3+s15], $0x80, s25, s15, $0xb8;
	[tilespmem:$0x10800] =	vst v63  }
0x2cf: {  	_ = 	snop  }
0x2d0: {  	[tilespmem:s8], [sflag:$0x4] =	stream.indirect.gather [hbm4b:s4+s15], $0x80, s25, s15, $0xb8;
	[tilespmem:$0x10800] =	vst v63  }
0x2d1: {  	_ =	swait.ge [sflag:s16], $0x4000  }
0x2d2: {  	[sflag:s16] =	ssyncset.done $0x0  }
0x2d3: {  	[sflag:s16] =	ssyncadd.s32 $0xFFFFC000  }
0x2d4: {  	_ =	swait.ge [sflag:s14], $0x4000  }
0x2d5: {  	[sflag:s14] =	ssyncset.done $0x0  }
0x2d6: {  	s31 =	rddreg [dreg:$0x12];
	[sflag:s14] =	ssyncadd.s32 $0xFFFFC000  }
0x2d7: {  	[hbm4b:s31+s2] =	stream.linear.scatter [tilespmem:s13], [sflag:$0x5], $0x4000, $0x38;
	[tilespmem:$0x10800] =	vst v63  }
0x2d8: {  	_ =	swait.ge [sflag:s5], $0x4000  }
0x2d9: {  	[sflag:s5] =	ssyncset.done $0x0  }
0x2da: {  	s1 =	rddreg [dreg:$0x13];
	[sflag:s5] =	ssyncadd.s32 $0xFFFFC000  }
0x2db: {  	[hbm4b:s1+s2] =	stream.linear.scatter [tilespmem:s11], [sflag:$0x5], $0x4000, $0x38;
	[tilespmem:$0x10800] =	vst v63  }
0x2dc: {  	_ =	swait.ge [sflag:s5], $0x4000  }
0x2dd: {  	[sflag:s5] =	ssyncset.done $0x0  }
0x2de: {  	[sflag:s5] =	ssyncadd.s32 $0xFFFFC000  }
0x2df: {  	[tilespmem:s13], [sflag:$0x1] =	stream.indirect.gather [hbm4b:s3+s15], $0x80, s24, s15, $0xb8;
	[tilespmem:$0x10800] =	vst v63  }
0x2e0: {  	_ = 	snop  }
0x2e1: {  	[tilespmem:s11], [sflag:$0x3] =	stream.indirect.gather [hbm4b:s4+s15], $0x80, s24, s15, $0xb8;
	[tilespmem:$0x10800] =	vst v63  }
0x2e2: {  	_ =	swait.ge [sflag:s12], $0x4000  }
0x2e3: {  	[sflag:s12] =	ssyncset.done $0x0  }
0x2e4: {  	[sflag:s12] =	ssyncadd.s32 $0xFFFFC000  }
0x2e5: {  	_ =	swait.ge [sflag:s10], $0x4000  }
0x2e6: {  	[sflag:s10] =	ssyncset.done $0x0  }
0x2e7: {  	s25 =	rddreg [dreg:$0x14];
	[sflag:s10] =	ssyncadd.s32 $0xFFFFC000  }
0x2e8: {  	[hbm4b:s25+s2] =	stream.linear.scatter [tilespmem:s9], [sflag:$0x5], $0x4000, $0x38;
	[tilespmem:$0x10800] =	vst v63  }
0x2e9: {  	_ =	swait.ge [sflag:s5], $0x4000  }
0x2ea: {  	[sflag:s5] =	ssyncset.done $0x0  }
0x2eb: {  	s26 =	rddreg [dreg:$0x15];
	[sflag:s5] =	ssyncadd.s32 $0xFFFFC000  }
0x2ec: {  	[hbm4b:s26+s2] =	stream.linear.scatter [tilespmem:s8], [sflag:$0x5], $0x4000, $0x38;
	[tilespmem:$0x10800] =	vst v63  }
0x2ed: {  	_ =	swait.ge [sflag:s5], $0x4000  }
0x2ee: {  	[sflag:s5] =	ssyncset.done $0x0  }
0x2ef: {  	[sflag:s5] =	ssyncadd.s32 $0xFFFFC000  }
0x2f0: {  	[tilespmem:s9], [sflag:$0x2] =	stream.indirect.gather [hbm4b:s3+s15], $0x80, s23, s15, $0xb8;
	[tilespmem:$0x10800] =	vst v63  }
0x2f1: {  	_ = 	snop  }
0x2f2: {  	[tilespmem:s8], [sflag:$0x4] =	stream.indirect.gather [hbm4b:s4+s15], $0x80, s23, s15, $0xb8;
	[tilespmem:$0x10800] =	vst v63  }
0x2f3: {  	_ =	swait.ge [sflag:s16], $0x4000  }
0x2f4: {  	[sflag:s16] =	ssyncset.done $0x0  }
0x2f5: {  	[sflag:s16] =	ssyncadd.s32 $0xFFFFC000  }
0x2f6: {  	_ =	swait.ge [sflag:s14], $0x4000  }
0x2f7: {  	[sflag:s14] =	ssyncset.done $0x0  }
0x2f8: {  	s28 =	rddreg [dreg:$0x16];
	[sflag:s14] =	ssyncadd.s32 $0xFFFFC000  }
0x2f9: {  	[hbm4b:s28+s2] =	stream.linear.scatter [tilespmem:s13], [sflag:$0x5], $0x4000, $0x38;
	[tilespmem:$0x10800] =	vst v63  }
0x2fa: {  	_ =	swait.ge [sflag:s5], $0x4000  }
0x2fb: {  	[sflag:s5] =	ssyncset.done $0x0  }
0x2fc: {  	s29 =	rddreg [dreg:$0x17];
	[sflag:s5] =	ssyncadd.s32 $0xFFFFC000  }
0x2fd: {  	[hbm4b:s29+s2] =	stream.linear.scatter [tilespmem:s11], [sflag:$0x5], $0x4000, $0x38;
	[tilespmem:$0x10800] =	vst v63  }
0x2fe: {  	_ =	swait.ge [sflag:s5], $0x4000  }
0x2ff: {  	[sflag:s5] =	ssyncset.done $0x0  }
0x300: {  	[sflag:s5] =	ssyncadd.s32 $0xFFFFC000  }
0x301: {  	[tilespmem:s13], [sflag:$0x1] =	stream.indirect.gather [hbm4b:s3+s15], $0x80, s22, s15, $0xb8;
	[tilespmem:$0x10800] =	vst v63  }
0x302: {  	_ = 	snop  }
0x303: {  	[tilespmem:s11], [sflag:$0x3] =	stream.indirect.gather [hbm4b:s4+s15], $0x80, s22, s15, $0xb8;
	[tilespmem:$0x10800] =	vst v63  }
0x304: {  	_ =	swait.ge [sflag:s12], $0x4000  }
0x305: {  	[sflag:s12] =	ssyncset.done $0x0  }
0x306: {  	[sflag:s12] =	ssyncadd.s32 $0xFFFFC000  }
0x307: {  	_ =	swait.ge [sflag:s10], $0x4000  }
0x308: {  	[sflag:s10] =	ssyncset.done $0x0  }
0x309: {  	s30 =	rddreg [dreg:$0x18];
	[sflag:s10] =	ssyncadd.s32 $0xFFFFC000  }
0x30a: {  	[hbm4b:s30+s2] =	stream.linear.scatter [tilespmem:s9], [sflag:$0x5], $0x4000, $0x38;
	[tilespmem:$0x10800] =	vst v63  }
0x30b: {  	_ =	swait.ge [sflag:s5], $0x4000  }
0x30c: {  	[sflag:s5] =	ssyncset.done $0x0  }
0x30d: {  	s31 =	rddreg [dreg:$0x19];
	[sflag:s5] =	ssyncadd.s32 $0xFFFFC000  }
0x30e: {  	[hbm4b:s31+s2] =	stream.linear.scatter [tilespmem:s8], [sflag:$0x5], $0x4000, $0x38;
	[tilespmem:$0x10800] =	vst v63  }
0x30f: {  	_ =	swait.ge [sflag:s5], $0x4000  }
0x310: {  	[sflag:s5] =	ssyncset.done $0x0  }
0x311: {  	[sflag:s5] =	ssyncadd.s32 $0xFFFFC000  }
0x312: {  	[tilespmem:s9], [sflag:$0x2] =	stream.indirect.gather [hbm4b:s3+s15], $0x80, s21, s15, $0xb8;
	[tilespmem:$0x10800] =	vst v63  }
0x313: {  	_ = 	snop  }
0x314: {  	[tilespmem:s8], [sflag:$0x4] =	stream.indirect.gather [hbm4b:s4+s15], $0x80, s21, s15, $0xb8;
	[tilespmem:$0x10800] =	vst v63  }
0x315: {  	_ =	swait.ge [sflag:s16], $0x4000  }
0x316: {  	[sflag:s16] =	ssyncset.done $0x0  }
0x317: {  	[sflag:s16] =	ssyncadd.s32 $0xFFFFC000  }
0x318: {  	_ =	swait.ge [sflag:s14], $0x4000  }
0x319: {  	[sflag:s14] =	ssyncset.done $0x0  }
0x31a: {  	s1 =	rddreg [dreg:$0x1a];
	[sflag:s14] =	ssyncadd.s32 $0xFFFFC000  }
0x31b: {  	[hbm4b:s1+s2] =	stream.linear.scatter [tilespmem:s13], [sflag:$0x5], $0x4000, $0x38;
	[tilespmem:$0x10800] =	vst v63  }
0x31c: {  	_ =	swait.ge [sflag:s5], $0x4000  }
0x31d: {  	[sflag:s5] =	ssyncset.done $0x0  }
0x31e: {  	s21 =	rddreg [dreg:$0x1b];
	[sflag:s5] =	ssyncadd.s32 $0xFFFFC000  }
0x31f: {  	[hbm4b:s21+s2] =	stream.linear.scatter [tilespmem:s11], [sflag:$0x5], $0x4000, $0x38;
	[tilespmem:$0x10800] =	vst v63  }
0x320: {  	_ =	swait.ge [sflag:s5], $0x4000  }
0x321: {  	[sflag:s5] =	ssyncset.done $0x0  }
0x322: {  	[sflag:s5] =	ssyncadd.s32 $0xFFFFC000  }
0x323: {  	[tilespmem:s13], [sflag:$0x1] =	stream.indirect.gather [hbm4b:s3+s15], $0x80, s20, s15, $0xb8;
	[tilespmem:$0x10800] =	vst v63  }
0x324: {  	_ = 	snop  }
0x325: {  	[tilespmem:s11], [sflag:$0x3] =	stream.indirect.gather [hbm4b:s4+s15], $0x80, s20, s15, $0xb8;
	[tilespmem:$0x10800] =	vst v63  }
0x326: {  	_ =	swait.ge [sflag:s12], $0x4000  }
0x327: {  	[sflag:s12] =	ssyncset.done $0x0  }
0x328: {  	[sflag:s12] =	ssyncadd.s32 $0xFFFFC000  }
0x329: {  	_ =	swait.ge [sflag:s10], $0x4000  }
0x32a: {  	[sflag:s10] =	ssyncset.done $0x0  }
0x32b: {  	s22 =	rddreg [dreg:$0x1c];
	[sflag:s10] =	ssyncadd.s32 $0xFFFFC000  }
0x32c: {  	[hbm4b:s22+s2] =	stream.linear.scatter [tilespmem:s9], [sflag:$0x5], $0x4000, $0x38;
	[tilespmem:$0x10800] =	vst v63  }
0x32d: {  	_ =	swait.ge [sflag:s5], $0x4000  }
0x32e: {  	[sflag:s5] =	ssyncset.done $0x0  }
0x32f: {  	s23 =	rddreg [dreg:$0x1d];
	[sflag:s5] =	ssyncadd.s32 $0xFFFFC000  }
0x330: {  	[hbm4b:s23+s2] =	stream.linear.scatter [tilespmem:s8], [sflag:$0x5], $0x4000, $0x38;
	[tilespmem:$0x10800] =	vst v63  }
0x331: {  	_ =	swait.ge [sflag:s5], $0x4000  }
0x332: {  	[sflag:s5] =	ssyncset.done $0x0  }
0x333: {  	[sflag:s5] =	ssyncadd.s32 $0xFFFFC000  }
0x334: {  	[tilespmem:s9], [sflag:$0x2] =	stream.indirect.gather [hbm4b:s3+s15], $0x80, s19, s15, $0xb8;
	[tilespmem:$0x10800] =	vst v63  }
0x335: {  	_ = 	snop  }
0x336: {  	[tilespmem:s8], [sflag:$0x4] =	stream.indirect.gather [hbm4b:s4+s15], $0x80, s19, s15, $0xb8;
	[tilespmem:$0x10800] =	vst v63  }
0x337: {  	_ =	swait.ge [sflag:s16], $0x4000  }
0x338: {  	[sflag:s16] =	ssyncset.done $0x0  }
0x339: {  	[sflag:s16] =	ssyncadd.s32 $0xFFFFC000  }
0x33a: {  	_ =	swait.ge [sflag:s14], $0x4000  }
0x33b: {  	[sflag:s14] =	ssyncset.done $0x0  }
0x33c: {  	s24 =	rddreg [dreg:$0x1e];
	[sflag:s14] =	ssyncadd.s32 $0xFFFFC000  }
0x33d: {  	[hbm4b:s24+s2] =	stream.linear.scatter [tilespmem:s13], [sflag:$0x5], $0x4000, $0x38;
	[tilespmem:$0x10800] =	vst v63  }
0x33e: {  	_ =	swait.ge [sflag:s5], $0x4000  }
0x33f: {  	[sflag:s5] =	ssyncset.done $0x0  }
0x340: {  	s25 =	rddreg [dreg:$0x1f];
	[sflag:s5] =	ssyncadd.s32 $0xFFFFC000  }
0x341: {  	[hbm4b:s25+s2] =	stream.linear.scatter [tilespmem:s11], [sflag:$0x5], $0x4000, $0x38;
	[tilespmem:$0x10800] =	vst v63  }
0x342: {  	_ =	swait.ge [sflag:s5], $0x4000  }
0x343: {  	[sflag:s5] =	ssyncset.done $0x0  }
0x344: {  	[sflag:s5] =	ssyncadd.s32 $0xFFFFC000  }
0x345: {  	[tilespmem:s13], [sflag:$0x1] =	stream.indirect.gather [hbm4b:s3+s15], $0x80, s18, s15, $0xb8;
	[tilespmem:$0x10800] =	vst v63  }
0x346: {  	_ = 	snop  }
0x347: {  	[tilespmem:s11], [sflag:$0x3] =	stream.indirect.gather [hbm4b:s4+s15], $0x80, s18, s15, $0xb8;
	[tilespmem:$0x10800] =	vst v63  }
0x348: {  	_ =	swait.ge [sflag:s12], $0x4000  }
0x349: {  	[sflag:s12] =	ssyncset.done $0x0  }
0x34a: {  	[sflag:s12] =	ssyncadd.s32 $0xFFFFC000  }
0x34b: {  	_ =	swait.ge [sflag:s10], $0x4000  }
0x34c: {  	s26 =	sld [smem:$0x7FA]  }
0x34d: {  	[sflag:s10] =	ssyncset.done $0x0  }
0x34e: {  	[sflag:s10] =	ssyncadd.s32 $0xFFFFC000  }
0x34f: {  	[hbm4b:s26+s2] =	stream.linear.scatter [tilespmem:s9], [sflag:$0x5], $0x4000, $0x38;
	[tilespmem:$0x10800] =	vst v63  }
0x350: {  	_ =	swait.ge [sflag:s5], $0x4000  }
0x351: {  	s28 =	sld [smem:$0x7FB]  }
0x352: {  	[sflag:s5] =	ssyncset.done $0x0  }
0x353: {  	[sflag:s5] =	ssyncadd.s32 $0xFFFFC000  }
0x354: {  	[hbm4b:s28+s2] =	stream.linear.scatter [tilespmem:s8], [sflag:$0x5], $0x4000, $0x38;
	[tilespmem:$0x10800] =	vst v63  }
0x355: {  	_ =	swait.ge [sflag:s5], $0x4000  }
0x356: {  	[sflag:s5] =	ssyncset.done $0x0  }
0x357: {  	[sflag:s5] =	ssyncadd.s32 $0xFFFFC000  }
0x358: {  	[tilespmem:s9], [sflag:$0x2] =	stream.indirect.gather [hbm4b:s3+s15], $0x80, s17, s15, $0xb8;
	[tilespmem:$0x10800] =	vst v63  }
0x359: {  	_ = 	snop  }
0x35a: {  	[tilespmem:s8], [sflag:$0x4] =	stream.indirect.gather [hbm4b:s4+s15], $0x80, s17, s15, $0xb8;
	[tilespmem:$0x10800] =	vst v63  }
0x35b: {  	_ =	swait.ge [sflag:s16], $0x4000  }
0x35c: {  	[sflag:s16] =	ssyncset.done $0x0  }
0x35d: {  	[sflag:s16] =	ssyncadd.s32 $0xFFFFC000  }
0x35e: {  	_ =	swait.ge [sflag:s14], $0x4000  }
0x35f: {  	s29 =	sld [smem:$0x7FC]  }
0x360: {  	[sflag:s14] =	ssyncset.done $0x0  }
0x361: {  	[sflag:s14] =	ssyncadd.s32 $0xFFFFC000  }
0x362: {  	[hbm4b:s29+s2] =	stream.linear.scatter [tilespmem:s13], [sflag:$0x5], $0x4000, $0x38;
	[tilespmem:$0x10800] =	vst v63  }
0x363: {  	_ =	swait.ge [sflag:s5], $0x4000  }
0x364: {  	s30 =	sld [smem:$0x7FD]  }
0x365: {  	[sflag:s5] =	ssyncset.done $0x0  }
0x366: {  	[sflag:s5] =	ssyncadd.s32 $0xFFFFC000  }
0x367: {  	[hbm4b:s30+s2] =	stream.linear.scatter [tilespmem:s11], [sflag:$0x5], $0x4000, $0x38;
	[tilespmem:$0x10800] =	vst v63  }
0x368: {  	_ =	swait.ge [sflag:s5], $0x4000  }
0x369: {  	[sflag:s5] =	ssyncset.done $0x0  }
0x36a: {  	[sflag:s5] =	ssyncadd.s32 $0xFFFFC000  }
0x36b: {  	_ =	swait.ge [sflag:s12], $0x4000  }
0x36c: {  	[sflag:s12] =	ssyncset.done $0x0  }
0x36d: {  	[sflag:s12] =	ssyncadd.s32 $0xFFFFC000  }
0x36e: {  	_ =	swait.ge [sflag:s10], $0x4000  }
0x36f: {  	[sflag:s10] =	ssyncset.done $0x0  }
0x370: {  	[sflag:s10] =	ssyncadd.s32 $0xFFFFC000  }
0x371: {  	[hbm4b:s7+s2] =	stream.linear.scatter [tilespmem:s9], [sflag:$0x5], $0x4000, $0x38;
	[tilespmem:$0x10800] =	vst v63  }
0x372: {  	_ =	swait.ge [sflag:s5], $0x4000  }
0x373: {  	[sflag:s5] =	ssyncset.done $0x0  }
0x374: {  	[sflag:s5] =	ssyncadd.s32 $0xFFFFC000  }
0x375: {  	[hbm4b:s6+s2] =	stream.linear.scatter [tilespmem:s8], [sflag:$0x5], $0x4000, $0x38;
	[tilespmem:$0x10800] =	vst v63  }
0x376: {  	_ =	swait.ge [sflag:s5], $0x4000  }
0x377: {  	[sflag:s5] =	ssyncset.done $0x0  }
0x378: {  	[sflag:s5] =	ssyncadd.s32 $0xFFFFC000  }
0x379: {  	_ =	sfence.sel $0x180000  }
0x37a: {  	[bflag:$0x0] =	sbarrier.arrive $0xFFFF  }
0x37b: {  	_ =	strace $0x90000047  }
0x37c: {  	s31 =	stileid.u32;
	[bflag:$0x2] =	sbarrier.arrive $0xFFFF  }
0x37d: {  	p0 =	sne.s32 s31, $0x0;
	s0 =	rddreg [dreg:$0x4]  }
0x37e: {  	s0 =	sadd.s32 @!p0 $0x100000, s0  }
0x37f: {  	[sflag:s0] =	ssyncadd.tile.s32 @!p0 $0x1;
	_ =	shalt  }
.Lfunc_end2:
_tile_overlayer_lowered:
.L_overlay_start_2:
0x380: {  	(tag) =	ssettag $0x2  }
0x381: {  	s0 =	rddreg [dreg:$0x0];
	s2 =	stileid.u32  }
0x382: {  	s1 =	rddreg [dreg:$0x1];
	p0 =	sne.s32 s2, $0x0  }
0x383: {  	s3 =	rddreg [dreg:$0x2];
	[bflag:$0x3] =	sbarrier.arrive $0xFFFF;
	s2 =	simm.s32 @!p0 $0x1C05  }
0x384: {  	[timem:s3], [sflag:s2] =	dma.local @!p0 [hbm:s0], s1  }
0x385: {  	s0 =	simm.s32 @!p0 $0x5  }
0x386: {  	_ =	swait.ge @!p0 [sflag:s0], s1  }
0x387: {  	s1 =	ssub.s32 @!p0 $0x0, s1;
	[sflag:s0] =	ssyncset.done @!p0 $0x0  }
0x388: {  	[sflag:s0] =	ssyncadd.s32 @!p0 s1  }
0x389: {  	[bflag:$0x3] =	sbarrier.arrive $0xFFFF  }
0x38a: {  	_ =	shalt  }

</sc_bundles>
